<compile_context>
chip_gen: v7x
topology: tpu7x:2x2x1
jax: 0.10.2.dev20260603
libtpu: 0.0.44.dev20260713+nightly
codegen_flags: <defaults>
</compile_context>

<pallas_src>
import jax
import jax.numpy as jnp
from jax import lax
from jax.experimental import pallas as pl
from jax.experimental.pallas import tpu as pltpu
from jax.experimental.pallas import tpu_sc as plsc

H = 512
W = 512
N = H * W
MAXP = 2 * N
NB = 4
MAX_ITERS = 15
RPT = 32
BAND = RPT * W
HALO = BAND + 2 * W
NROW = BAND // 128
MAXROUNDS = 100


def _reorder(v):
    return jnp.minimum(jnp.where(v >= N, v - N, v), N - 1)


def _stencil(ah, vert, store_fn):
    lane = lax.iota(jnp.int32, 16)

    def vpass(i, _):
        for u in range(2):
            o = i * 32 + u * 16
            a = ah[pl.ds(o, 16)]
            b = ah[pl.ds(o + W, 16)]
            c = ah[pl.ds(o + 2 * W, 16)]
            vert[pl.ds(o, 16)] = jnp.minimum(jnp.minimum(a, b), c)
        return 0

    lax.fori_loop(0, BAND // 32, vpass, 0)

    def hpass(i, _):
        for u in range(2):
            o = i * 32 + u * 16
            col = o % W
            cv = vert[pl.ds(o, 16)]
            lv = vert[pl.ds(o - 1, 16)]
            rv = vert[pl.ds(o + 1, 16)]
            lv = jnp.where((col == 0) & (lane == 0), MAXP, lv)
            rv = jnp.where((col == W - 16) & (lane == 15), MAXP, rv)
            m3 = jnp.minimum(jnp.minimum(lv, cv), rv)
            center = ah[pl.ds(o + W, 16)]
            x2 = jnp.where(center < MAXP, m3, MAXP)
            store_fn(o, x2)
        return 0

    lax.fori_loop(0, BAND // 32, hpass, 0)


def _body(x_hbm, out_hbm, bscr, A, FL, ah, xb, t0, t1, t2, t3,
          st16, flb, rf, sem):
    cid = lax.axis_index("c")
    tid = lax.axis_index("s")
    rows0 = tid * RPT
    band0 = rows0 * W
    lane = lax.iota(jnp.int32, 16)
    dump0 = N + tid * 128 + lane

    def exchange(val, reduce_min):
        st16[...] = jnp.full((16,), val, jnp.int32)
        pltpu.sync_copy(st16, FL.at[pl.ds(tid * 16, 16)])
        plsc.subcore_barrier()
        pltpu.sync_copy(FL, flb)

        acc = flb[pl.ds(0, 16)]
        for _i in range(1, 16):
            v = flb[pl.ds(_i * 16, 16)]
            acc = jnp.minimum(acc, v) if reduce_min else jnp.maximum(acc, v)
        plsc.subcore_barrier()
        return jnp.min(acc) if reduce_min else jnp.max(acc)

    def fill16(i, _):
        o = i * 16
        xb[pl.ds(o, 16)] = jnp.zeros((16,), jnp.float32)
        xb[pl.ds((BAND + W) + o, 16)] = jnp.zeros((16,), jnp.float32)
        ah[pl.ds(o, 16)] = jnp.full((16,), MAXP, jnp.int32)
        ah[pl.ds((BAND + W) + o, 16)] = jnp.full((16,), MAXP, jnp.int32)
        return 0

    lax.fori_loop(0, W // 16, fill16, 0)

    Bu = bscr
    boff = cid * (N + 2048)

    for b in range(2):
        bb = cid * 2 + b
        dump = boff + dump0

        def stage_x(r, _):
            ir = rows0 - 1 + r

            @pl.when((ir >= 0) & (ir < H))
            def _():
                pltpu.sync_copy(x_hbm.at[bb, 0, ir], xb.at[pl.ds(r * W, W)])

            return 0

        lax.fori_loop(0, 34, stage_x, 0)

        def vvchunk(i, _):
            for u in range(2):
                o = i * 32 + u * 16
                xv = xb[pl.ds(o, 16)]
                pix = (rows0 - 1) * W + o + lane
                vv = jnp.where(xv == 0.0, MAXP,
                               jnp.where(xv > 1.0, N + pix, pix))
                ah[pl.ds(o, 16)] = vv
            return 0

        lax.fori_loop(0, HALO // 32, vvchunk, 0)

        def store_plain(o, vec):
            t1[pl.ds(o, 16)] = vec

        _stencil(ah, t2, store_plain)
        pltpu.sync_copy(t1, A.at[pl.ds(band0, BAND)])

        def iter_body(carry):
            it, done = carry
            plsc.subcore_barrier()

            @pl.when(tid == 0)
            def _():
                pltpu.sync_copy(A.at[pl.ds(0, 33 * W)], ah.at[pl.ds(W, 33 * W)])

            @pl.when(tid == 15)
            def _():
                pltpu.sync_copy(A.at[pl.ds(band0 - W, 33 * W)],
                                ah.at[pl.ds(0, 33 * W)])

            @pl.when((tid > 0) & (tid < 15))
            def _():
                pltpu.sync_copy(A.at[pl.ds(band0 - W, 34 * W)],
                                ah.at[pl.ds(0, 34 * W)])

            def store_idx(o, vec):
                t0[pl.ds(o, 16)] = _reorder(vec)

            _stencil(ah, t1, store_idx)

            def g1(j, _):
                pltpu.async_copy(A.at[t0.at[pl.ds(j * 128, 128)]],
                                 t1.at[pl.ds(j * 128, 128)], sem)
                return 0

            lax.fori_loop(0, NROW, g1, 0)
            pltpu.make_async_copy(A.at[pl.ds(0, BAND)], t1, sem).wait()

            def comb(i, _):
                for u in range(2):
                    o = i * 32 + u * 16
                    g = t1[pl.ds(o, 16)]
                    c = ah[pl.ds(o + W, 16)]
                    m = c < MAXP
                    x1 = jnp.where(m, g, c)
                    t1[pl.ds(o, 16)] = x1
                    t2[pl.ds(o, 16)] = jnp.where(m, x1, MAXP)
                    t0[pl.ds(o, 16)] = _reorder(c) + boff
                return 0

            lax.fori_loop(0, BAND // 32, comb, 0)
            pltpu.sync_copy(t1, Bu.at[pl.ds(boff + band0, BAND)])

            def initrf(j, _):
                rf[j] = 1
                return 0

            lax.fori_loop(0, NROW, initrf, 0)
            plsc.subcore_barrier()

            def hook_cond(c):
                pend, rnd = c
                return (pend > 0) & (rnd < MAXROUNDS)

            def hook_round(c):
                _, rnd = c

                def hfire(j, _):
                    @pl.when(rf[j] > 0)
                    def _():
                        pltpu.async_copy(Bu.at[t0.at[pl.ds(j * 128, 128)]],
                                         t3.at[pl.ds(j * 128, 128)], sem)

                    return 0

                lax.fori_loop(0, NROW, hfire, 0)

                def hrow(j, a):
                    rfj = rf[j]
                    rf[j] = 0

                    @pl.when(rfj > 0)
                    def _():
                        pltpu.make_async_copy(
                            Bu.at[pl.ds(0, 128)],
                            t3.at[pl.ds(j * 128, 128)], sem).wait()

                        def hvec(k, w):
                            o = j * 128 + k * 16
                            idxv = t0[pl.ds(o, 16)]
                            valv = t2[pl.ds(o, 16)]
                            curv = t3[pl.ds(o, 16)]
                            m = valv < curv
                            anym = jnp.any(m)

                            @pl.when(anym)
                            def _():
                                idxw = jnp.where(m, idxv, dump)
                                pltpu.sync_copy(t2.at[pl.ds(o, 16)],
                                                Bu.at[idxw])

                            return w | anym.astype(jnp.int32)

                        w = lax.fori_loop(0, 8, hvec, 0)
                        rf[j] = w

                    return a + rf[j]

                anyl = lax.fori_loop(0, NROW, hrow, 0)
                pend = exchange(anyl, reduce_min=False)
                return (pend, rnd + 1)

            lax.while_loop(hook_cond, hook_round, (1, 0))

            pltpu.sync_copy(Bu.at[pl.ds(boff + band0, BAND)], t1)

            def mkidx(i, _):
                for u in range(2):
                    o = i * 32 + u * 16
                    v = t1[pl.ds(o, 16)]
                    t0[pl.ds(o, 16)] = _reorder(v) + boff
                return 0

            lax.fori_loop(0, BAND // 32, mkidx, 0)

            def g2(j, _):
                pltpu.async_copy(Bu.at[t0.at[pl.ds(j * 128, 128)]],
                                 t2.at[pl.ds(j * 128, 128)], sem)
                return 0

            lax.fori_loop(0, NROW, g2, 0)
            pltpu.make_async_copy(Bu.at[pl.ds(0, BAND)], t2, sem).wait()

            def comb2(i, cv):
                for u in range(2):
                    o = i * 32 + u * 16
                    v = t1[pl.ds(o, 16)]
                    g = t2[pl.ds(o, 16)]
                    m = v < MAXP
                    xn = jnp.where(m, g, v)
                    t1[pl.ds(o, 16)] = xn
                    c_old = ah[pl.ds(o + W, 16)]
                    eq = jnp.all(xn == c_old)
                    cv = cv & eq.astype(jnp.int32)
                return cv

            convl = lax.fori_loop(0, BAND // 32, comb2, 1)
            pltpu.sync_copy(t1, A.at[pl.ds(band0, BAND)])
            convg = exchange(convl, reduce_min=True)
            return (it + 1, convg)

        lax.while_loop(lambda c: (c[0] < MAX_ITERS) & (c[1] == 0), iter_body,
                       (jnp.int32(0), jnp.int32(0)))

        plsc.subcore_barrier()

        def orow(r, _):
            pltpu.sync_copy(A.at[pl.ds((rows0 + r) * W, W)],
                            out_hbm.at[bb, 0, rows0 + r])
            return 0

        lax.fori_loop(0, RPT, orow, 0)
        plsc.subcore_barrier()


@jax.jit
def _run(x):
    mesh = plsc.VectorSubcoreMesh(core_axis_name="c", subcore_axis_name="s")
    f = pl.kernel(
        _body,
        out_type=[jax.ShapeDtypeStruct((NB, 1, H, W), jnp.int32),
                  jax.ShapeDtypeStruct((2 * (N + 2048),), jnp.int32)],
        mesh=mesh,
        compiler_params=pltpu.CompilerParams(needs_layout_passes=False),
        scratch_types=[
            pltpu.VMEM_SHARED((N,), jnp.int32),
            pltpu.VMEM_SHARED((256,), jnp.int32),
            pltpu.VMEM((HALO,), jnp.int32),
            pltpu.VMEM((HALO,), jnp.float32),
            pltpu.VMEM((BAND,), jnp.int32),
            pltpu.VMEM((BAND,), jnp.int32),
            pltpu.VMEM((BAND,), jnp.int32),
            pltpu.VMEM((BAND,), jnp.int32),
            pltpu.VMEM((16,), jnp.int32),
            pltpu.VMEM((256,), jnp.int32),
            pltpu.SMEM((NROW,), jnp.int32),
            pltpu.SemaphoreType.DMA,
        ],
    )
    out, _ = f(x)
    return out


def kernel(x):
    return _run(x)

# --- scband reference (transcript-rebuilt; emitter-appended) ---
"""Pipeline reference for scband-hysteresis-89223650607170 (READ-ONLY COPY).

The authoritative reference and input builder live on the scoring server;
editing this copy changes nothing except your own understanding.
"""

import jax, jax.numpy as jnp
import numpy as np

MAX_ITERATIONS = 15


def setup_inputs(seed: int = 0) -> dict:
    key = jax.random.key(seed)
    x = jax.random.randint(key, (4, 1, 512, 512), 0, 3).astype(jnp.float32)
    return {"x": x}


def _find_min_neighbour(vertex_values, shape, max_plus, mask):
    B, C, H, W = shape
    padded = jnp.pad(vertex_values, ((0, 0), (0, 0), (1, 1), (1, 1)), mode="constant", constant_values=max_plus)
    neigh = []
    for dh in (-1, 0, 1):
        for dw in (-1, 0, 1):
            neigh.append(padded[:, :, 1 + dh:H + 1 + dh, 1 + dw:W + 1 + dw])
    stacked = jnp.stack(neigh, axis=0)
    min_vals = jnp.min(stacked, axis=0)
    result = jnp.where(mask, min_vals, jnp.full(shape, max_plus, dtype=jnp.int32))
    return result


def reference(x):
    shape = x.shape
    B, C, H, W = shape
    n = H * W
    max_plus = 2 * n
    val = jnp.arange(n, dtype=jnp.int32).reshape(1, H, W)

    M = (x > 0)

    vertex_values = jnp.zeros(shape, dtype=jnp.int32)
    vertex_values = vertex_values + n * (x > 1).astype(jnp.int32)
    vertex_values = vertex_values + max_plus * (x == 0).astype(jnp.int32)
    # add_masked: einsum('bchw,chw->bchw', mask, val)
    vertex_values = vertex_values + jnp.einsum("bchw,chw->bchw", M.astype(jnp.int32), val)

    M_flat = M.reshape(-1, n)
    M_b = M.reshape(B, n)
    M_int = M.astype(jnp.int32)

    def _pointer_jump(dst_flat, src_flat):
        # dst[b, s] = dst[b, reorder(src[b, s])] at masked positions only
        reorder = jnp.where(src_flat >= n, src_flat - n, src_flat)
        reorder = jnp.clip(reorder, 0, n - 1)
        gathered = jnp.take_along_axis(dst_flat, reorder, axis=1)
        return jnp.where(M_flat, gathered, dst_flat)

    xcur0 = _find_min_neighbour(vertex_values, shape, max_plus, M)

    def cond_fun(state):
        it, _, done = state
        return jnp.logical_and(it < MAX_ITERATIONS, jnp.logical_not(done))

    def body_fun(state):
        it, xcur, _ = state
        x_old = xcur
        x_1 = xcur
        x_2 = _find_min_neighbour(x_1, shape, max_plus, M)
        # pointer_jumping_op: x1[b, s] = x1[b, reorder(x2[b, s])]
        x1f = _pointer_jump(x_1.reshape(-1, n), x_2.reshape(-1, n))
        x_1 = x1f.reshape(shape)
        # tree_hooking: scatter-amin p2 values into p2 at (p1 mod n) over masked pixels
        p1f = xcur.reshape(B, n)
        p2f = x_1.reshape(B, n)
        indices = jnp.where(p1f >= n, p1f - n, p1f)
        indices = jnp.clip(indices, 0, n - 1)
        vals = jnp.where(M_b, p2f, max_plus)
        for b in range(B):
            p2f = p2f.at[b, indices[b]].min(vals[b])
        xcur = p2f.reshape(shape)
        # pointer_jumping_regular
        xf = xcur.reshape(-1, n)
        xf = _pointer_jump(xf, xf)
        xcur = xf.reshape(shape)
        # convergence check on nonzero pixels
        diff = jnp.sum(jnp.abs(x_old - xcur) * M_int)
        return (it + 1, xcur, diff == 0)

    _, xcur, _ = jax.lax.while_loop(cond_fun, body_fun, (jnp.int32(0), xcur0, jnp.bool_(False)))
    return xcur

if __name__ == "__main__":
    import jax
    _d = setup_inputs()
    print(jax.jit(kernel)(*tuple(_d.values())))

</pallas_src>

<mosaic_0001>
#map = affine_map<(d0, d1) -> (0, 0, 0, 0)>
#map1 = affine_map<(d0, d1) -> (0)>
module attributes {stable_mosaic.version = 14 : i64} {
  func.func @_body(%arg0: i32, %arg1: i32, %arg2: memref<4x1x512x512xf32, #tpu.memory_space<hbm>>, %arg3: memref<4x1x512x512xi32, #tpu.memory_space<hbm>>, %arg4: memref<528384xi32, #tpu.memory_space<hbm>>, %arg5: memref<262144xi32, #tpu.memory_space<vmem_shared>>, %arg6: memref<256xi32, #tpu.memory_space<vmem_shared>>, %arg7: memref<17408xi32, #tpu.memory_space<vmem>>, %arg8: memref<17408xf32, #tpu.memory_space<vmem>>, %arg9: memref<16384xi32, #tpu.memory_space<vmem>>, %arg10: memref<16384xi32, #tpu.memory_space<vmem>>, %arg11: memref<16384xi32, #tpu.memory_space<vmem>>, %arg12: memref<16384xi32, #tpu.memory_space<vmem>>, %arg13: memref<16xi32, #tpu.memory_space<vmem>>, %arg14: memref<256xi32, #tpu.memory_space<vmem>>, %arg15: memref<128xi32, #tpu.memory_space<smem>>, %arg16: memref<!tpu.dma_semaphore, #tpu.memory_space<semaphore_mem>>) attributes {dimension_semantics = [#tpu.dimension_semantics<core_parallel>, #tpu.dimension_semantics<subcore_parallel>], iteration_bounds = array<i64: 2, 16>, scalar_prefetch = 0 : i64, scratch_operands = 12 : i64, tpu.core_type = #tpu.core_type<sc_vector_subcore>, window_params = [{transform_indices = #map}, {transform_indices = #map}, {transform_indices = #map1}]} {
    %mul3A = arith.constant 32 : i32
    %mul3A_0 = arith.muli %arg1, %mul3A : i32
    %mul3A_1 = arith.constant 512 : i32
    %mul3A_2 = arith.muli %mul3A_0, %mul3A_1 : i32
    %iota3A = tpu.iota {dimensions = array<i32: 0>} : vector<16xi32>
    %mul3A_3 = arith.constant 128 : i32
    %mul3A_4 = arith.muli %arg1, %mul3A_3 : i32
    %add3A = arith.constant 262144 : i32
    %add3A_5 = arith.addi %add3A, %mul3A_4 : i32
    %add3A_6 = vector.broadcast %add3A_5 : i32 to vector<16xi32>
    %add3A_7 = arith.addi %add3A_6, %iota3A : vector<16xi32>
    %scan3A = arith.constant 0 : i32
    %scan3A_8 = arith.constant 0 : i32
    %scan3A_9 = arith.constant 32 : i32
    %scan3A_10 = arith.addi %scan3A_8, %scan3A_9 : i32
    %scan3A_11 = arith.constant 1 : i32
    %scan3A_12 = scf.for %scan3A_108 = %scan3A_8 to %scan3A_10 step %scan3A_11 iter_args(%scan3A_109 = %scan3A) -> (i32)  : i32 {
      %mul3A_110 = arith.constant 16 : i32
      %mul3A_111 = arith.muli %scan3A_108, %mul3A_110 : i32
      %broadcast_in_dim3A = arith.constant 0.000000e+00 : f32
      %broadcast_in_dim3A_112 = vector.broadcast %broadcast_in_dim3A : f32 to vector<16xf32>
      %swap3A = arith.index_cast %mul3A_111 : i32 to index
      %swap3A_113 = tpu.vector_load %arg8[%swap3A] {strides = array<i32>} : memref<17408xf32, #tpu.memory_space<vmem>>, vector<16xf32>,
      tpu.vector_store %arg8[%swap3A], %broadcast_in_dim3A_112 {strides = array<i32>} : memref<17408xf32, #tpu.memory_space<vmem>>, vector<16xf32>,
      %broadcast_in_dim3A_114 = arith.constant 0.000000e+00 : f32
      %broadcast_in_dim3A_115 = vector.broadcast %broadcast_in_dim3A_114 : f32 to vector<16xf32>
      %add3A_116 = arith.constant 16896 : i32
      %add3A_117 = arith.addi %add3A_116, %mul3A_111 : i32
      %swap3A_118 = arith.index_cast %add3A_117 : i32 to index
      %swap3A_119 = tpu.vector_load %arg8[%swap3A_118] {strides = array<i32>} : memref<17408xf32, #tpu.memory_space<vmem>>, vector<16xf32>,
      tpu.vector_store %arg8[%swap3A_118], %broadcast_in_dim3A_115 {strides = array<i32>} : memref<17408xf32, #tpu.memory_space<vmem>>, vector<16xf32>,
      %broadcast_in_dim3A_120 = arith.constant 524288 : i32
      %broadcast_in_dim3A_121 = vector.broadcast %broadcast_in_dim3A_120 : i32 to vector<16xi32>
      %swap3A_122 = arith.index_cast %mul3A_111 : i32 to index
      %swap3A_123 = tpu.vector_load %arg7[%swap3A_122] {strides = array<i32>} : memref<17408xi32, #tpu.memory_space<vmem>>, vector<16xi32>,
      tpu.vector_store %arg7[%swap3A_122], %broadcast_in_dim3A_121 {strides = array<i32>} : memref<17408xi32, #tpu.memory_space<vmem>>, vector<16xi32>,
      %broadcast_in_dim3A_124 = arith.constant 524288 : i32
      %broadcast_in_dim3A_125 = vector.broadcast %broadcast_in_dim3A_124 : i32 to vector<16xi32>
      %add3A_126 = arith.constant 16896 : i32
      %add3A_127 = arith.addi %add3A_126, %mul3A_111 : i32
      %swap3A_128 = arith.index_cast %add3A_127 : i32 to index
      %swap3A_129 = tpu.vector_load %arg7[%swap3A_128] {strides = array<i32>} : memref<17408xi32, #tpu.memory_space<vmem>>, vector<16xi32>,
      tpu.vector_store %arg7[%swap3A_128], %broadcast_in_dim3A_125 {strides = array<i32>} : memref<17408xi32, #tpu.memory_space<vmem>>, vector<16xi32>,
      %scan3A_130 = arith.constant 0 : i32
      scf.yield %scan3A_130 : i32
    }
    %scan3A_13 = arith.constant 32 : i32
    %mul3A_14 = arith.constant 264192 : i32
    %mul3A_15 = arith.muli %arg0, %mul3A_14 : i32
    %mul3A_16 = arith.constant 2 : i32
    %mul3A_17 = arith.muli %arg0, %mul3A_16 : i32
    %add3A_18 = arith.constant 0 : i32
    %add3A_19 = arith.addi %mul3A_17, %add3A_18 : i32
    %add3A_20 = vector.broadcast %mul3A_15 : i32 to vector<16xi32>
    %add3A_21 = arith.addi %add3A_20, %add3A_7 : vector<16xi32>
    %scan3A_22 = arith.constant 0 : i32
    %scan3A_23 = arith.constant 0 : i32
    %scan3A_24 = arith.constant 34 : i32
    %scan3A_25 = arith.addi %scan3A_23, %scan3A_24 : i32
    %scan3A_26 = arith.constant 1 : i32
    %scan3A_27 = scf.for %scan3A_108 = %scan3A_23 to %scan3A_25 step %scan3A_26 iter_args(%scan3A_109 = %scan3A_22) -> (i32)  : i32 {
      %sub3A = arith.constant 1 : i32
      %sub3A_110 = arith.subi %mul3A_0, %sub3A : i32
      %add3A_111 = arith.addi %sub3A_110, %scan3A_108 : i32
      %ge3A = arith.constant 0 : i32
      %ge3A_112 = arith.cmpi sge, %add3A_111, %ge3A : i32
      %lt3A = arith.constant 512 : i32
      %lt3A_113 = arith.cmpi slt, %add3A_111, %lt3A : i32
      %and3A = arith.andi %ge3A_112, %lt3A_113 : i1
      %convert_element_type3A = arith.extui %and3A : i1 to i32
      %cond3A = arith.constant 0 : i32
      %cond3A_114 = arith.cmpi ne, %convert_element_type3A, %cond3A : i32
      scf.if %cond3A_114 {
        %mul3A_116 = arith.constant 512 : i32
        %mul3A_117 = arith.muli %scan3A_108, %mul3A_116 : i32
        %run_scoped3A = arith.constant 0 : i32
        "tpu.region"() ({
          %run_scoped3A_118 = tpu.sem_alloc : memref<!tpu.dma_semaphore, #tpu.memory_space<semaphore_mem>>
          %dma_start3A = tpu.memref_slice %arg8[%mul3A_117] : memref<17408xf32, #tpu.memory_space<vmem>> -> memref<512xf32, #tpu.memory_space<vmem>>
          %dma_start3A_119 = arith.constant 0 : i32
          %dma_start3A_120 = tpu.memref_slice %arg2[%add3A_19, %run_scoped3A, %add3A_111, %dma_start3A_119] : memref<4x1x512x512xf32, #tpu.memory_space<hbm>> -> memref<1x1x1x512xf32, #tpu.memory_space<hbm>>
          %dma_start3A_121 = tpu.memref_squeeze %dma_start3A_120 : memref<1x1x1x512xf32, #tpu.memory_space<hbm>> -> memref<512xf32, #tpu.memory_space<hbm>>
          %dma_start3A_122 = tpu.memref_slice %arg8[%mul3A_117] : memref<17408xf32, #tpu.memory_space<vmem>> -> memref<512xf32, #tpu.memory_space<vmem>>
          %dma_start3A_123 = arith.constant 0 : i32
          %dma_start3A_124 = tpu.memref_slice %arg2[%add3A_19, %run_scoped3A, %add3A_111, %dma_start3A_123] : memref<4x1x512x512xf32, #tpu.memory_space<hbm>> -> memref<1x1x1x512xf32, #tpu.memory_space<hbm>>
          %dma_start3A_125 = tpu.memref_squeeze %dma_start3A_124 : memref<1x1x1x512xf32, #tpu.memory_space<hbm>> -> memref<512xf32, #tpu.memory_space<hbm>>
          tpu.enqueue_dma source(%dma_start3A_125 : memref<512xf32, #tpu.memory_space<hbm>>) target(%dma_start3A_122 : memref<512xf32, #tpu.memory_space<vmem>>) target_semaphore(%run_scoped3A_118 : memref<!tpu.dma_semaphore, #tpu.memory_space<semaphore_mem>>)
          %dma_wait3A = tpu.memref_slice %arg8[%mul3A_117] : memref<17408xf32, #tpu.memory_space<vmem>> -> memref<512xf32, #tpu.memory_space<vmem>>
          %dma_wait3A_126 = arith.constant 0 : i32
          %dma_wait3A_127 = tpu.memref_slice %arg2[%add3A_19, %run_scoped3A, %add3A_111, %dma_wait3A_126] : memref<4x1x512x512xf32, #tpu.memory_space<hbm>> -> memref<1x1x1x512xf32, #tpu.memory_space<hbm>>
          %dma_wait3A_128 = tpu.memref_squeeze %dma_wait3A_127 : memref<1x1x1x512xf32, #tpu.memory_space<hbm>> -> memref<512xf32, #tpu.memory_space<hbm>>
          %dma_wait3A_129 = tpu.memref_slice %arg8[%mul3A_117] : memref<17408xf32, #tpu.memory_space<vmem>> -> memref<512xf32, #tpu.memory_space<vmem>>
          %dma_wait3A_130 = arith.constant 0 : i32
          %dma_wait3A_131 = tpu.memref_slice %arg2[%add3A_19, %run_scoped3A, %add3A_111, %dma_wait3A_130] : memref<4x1x512x512xf32, #tpu.memory_space<hbm>> -> memref<1x1x1x512xf32, #tpu.memory_space<hbm>>
          %dma_wait3A_132 = tpu.memref_squeeze %dma_wait3A_131 : memref<1x1x1x512xf32, #tpu.memory_space<hbm>> -> memref<512xf32, #tpu.memory_space<hbm>>
          tpu.wait_dma2 semaphore(%run_scoped3A_118 : memref<!tpu.dma_semaphore, #tpu.memory_space<semaphore_mem>>) src(%dma_wait3A_132 : memref<512xf32, #tpu.memory_space<hbm>>) dst(%dma_wait3A_129 : memref<512xf32, #tpu.memory_space<vmem>>)
          tpu.yield
        }) : () -> ()
      } else {
      }
      %scan3A_115 = arith.constant 0 : i32
      scf.yield %scan3A_115 : i32
    }
    %scan3A_28 = arith.constant 34 : i32
    %scan3A_29 = arith.constant 0 : i32
    %scan3A_30 = arith.constant 0 : i32
    %scan3A_31 = arith.constant 544 : i32
    %scan3A_32 = arith.addi %scan3A_30, %scan3A_31 : i32
    %scan3A_33 = arith.constant 1 : i32
    %scan3A_34 = scf.for %scan3A_108 = %scan3A_30 to %scan3A_32 step %scan3A_33 iter_args(%scan3A_109 = %scan3A_29) -> (i32)  : i32 {
      %mul3A_110 = arith.constant 32 : i32
      %mul3A_111 = arith.muli %scan3A_108, %mul3A_110 : i32
      %add3A_112 = arith.constant 0 : i32
      %add3A_113 = arith.addi %mul3A_111, %add3A_112 : i32
      %get3A = arith.index_cast %add3A_113 : i32 to index
      %get3A_114 = tpu.vector_load %arg8[%get3A] {strides = array<i32>} : memref<17408xf32, #tpu.memory_space<vmem>>, vector<16xf32>,
      %sub3A = arith.constant 1 : i32
      %sub3A_115 = arith.subi %mul3A_0, %sub3A : i32
      %mul3A_116 = arith.constant 512 : i32
      %mul3A_117 = arith.muli %sub3A_115, %mul3A_116 : i32
      %add3A_118 = arith.addi %mul3A_117, %add3A_113 : i32
      %add3A_119 = vector.broadcast %add3A_118 : i32 to vector<16xi32>
      %add3A_120 = arith.addi %add3A_119, %iota3A : vector<16xi32>
      %eq3A = arith.constant 0.000000e+00 : f32
      %eq3A_121 = vector.broadcast %eq3A : f32 to vector<16xf32>
      %eq3A_122 = arith.cmpf oeq, %get3A_114, %eq3A_121 : vector<16xf32>
      %gt3A = arith.constant 1.000000e+00 : f32
      %gt3A_123 = vector.broadcast %gt3A : f32 to vector<16xf32>
      %gt3A_124 = arith.cmpf ogt, %get3A_114, %gt3A_123 : vector<16xf32>
      %add3A_125 = arith.constant 262144 : i32
      %add3A_126 = vector.broadcast %add3A_125 : i32 to vector<16xi32>
      %add3A_127 = arith.addi %add3A_126, %add3A_120 : vector<16xi32>
      %select_n3A = arith.select %gt3A_124, %add3A_127, %add3A_120 : vector<16xi1>, vector<16xi32>
      %jit3A = arith.constant 524288 : i32
      %broadcast_in_dim3A = vector.broadcast %jit3A : i32 to vector<16xi32>
      %select_n3A_128 = arith.select %eq3A_122, %broadcast_in_dim3A, %select_n3A : vector<16xi1>, vector<16xi32>
      %swap3A = arith.index_cast %add3A_113 : i32 to index
      %swap3A_129 = tpu.vector_load %arg7[%swap3A] {strides = array<i32>} : memref<17408xi32, #tpu.memory_space<vmem>>, vector<16xi32>,
      tpu.vector_store %arg7[%swap3A], %select_n3A_128 {strides = array<i32>} : memref<17408xi32, #tpu.memory_space<vmem>>, vector<16xi32>,
      %mul3A_130 = arith.constant 32 : i32
      %mul3A_131 = arith.muli %scan3A_108, %mul3A_130 : i32
      %add3A_132 = arith.constant 16 : i32
      %add3A_133 = arith.addi %mul3A_131, %add3A_132 : i32
      %get3A_134 = arith.index_cast %add3A_133 : i32 to index
      %get3A_135 = tpu.vector_load %arg8[%get3A_134] {strides = array<i32>} : memref<17408xf32, #tpu.memory_space<vmem>>, vector<16xf32>,
      %sub3A_136 = arith.constant 1 : i32
      %sub3A_137 = arith.subi %mul3A_0, %sub3A_136 : i32
      %mul3A_138 = arith.constant 512 : i32
      %mul3A_139 = arith.muli %sub3A_137, %mul3A_138 : i32
      %add3A_140 = arith.addi %mul3A_139, %add3A_133 : i32
      %add3A_141 = vector.broadcast %add3A_140 : i32 to vector<16xi32>
      %add3A_142 = arith.addi %add3A_141, %iota3A : vector<16xi32>
      %eq3A_143 = arith.constant 0.000000e+00 : f32
      %eq3A_144 = vector.broadcast %eq3A_143 : f32 to vector<16xf32>
      %eq3A_145 = arith.cmpf oeq, %get3A_135, %eq3A_144 : vector<16xf32>
      %gt3A_146 = arith.constant 1.000000e+00 : f32
      %gt3A_147 = vector.broadcast %gt3A_146 : f32 to vector<16xf32>
      %gt3A_148 = arith.cmpf ogt, %get3A_135, %gt3A_147 : vector<16xf32>
      %add3A_149 = arith.constant 262144 : i32
      %add3A_150 = vector.broadcast %add3A_149 : i32 to vector<16xi32>
      %add3A_151 = arith.addi %add3A_150, %add3A_142 : vector<16xi32>
      %select_n3A_152 = arith.select %gt3A_148, %add3A_151, %add3A_142 : vector<16xi1>, vector<16xi32>
      %jit3A_153 = arith.constant 524288 : i32
      %broadcast_in_dim3A_154 = vector.broadcast %jit3A_153 : i32 to vector<16xi32>
      %select_n3A_155 = arith.select %eq3A_145, %broadcast_in_dim3A_154, %select_n3A_152 : vector<16xi1>, vector<16xi32>
      %swap3A_156 = arith.index_cast %add3A_133 : i32 to index
      %swap3A_157 = tpu.vector_load %arg7[%swap3A_156] {strides = array<i32>} : memref<17408xi32, #tpu.memory_space<vmem>>, vector<16xi32>,
      tpu.vector_store %arg7[%swap3A_156], %select_n3A_155 {strides = array<i32>} : memref<17408xi32, #tpu.memory_space<vmem>>, vector<16xi32>,
      %scan3A_158 = arith.constant 0 : i32
      scf.yield %scan3A_158 : i32
    }
    %scan3A_35 = arith.constant 544 : i32
    %iota3A_36 = tpu.iota {dimensions = array<i32: 0>} : vector<16xi32>
    %scan3A_37 = arith.constant 0 : i32
    %scan3A_38 = arith.constant 0 : i32
    %scan3A_39 = arith.constant 512 : i32
    %scan3A_40 = arith.addi %scan3A_38, %scan3A_39 : i32
    %scan3A_41 = arith.constant 1 : i32
    %scan3A_42 = scf.for %scan3A_108 = %scan3A_38 to %scan3A_40 step %scan3A_41 iter_args(%scan3A_109 = %scan3A_37) -> (i32)  : i32 {
      %mul3A_110 = arith.constant 32 : i32
      %mul3A_111 = arith.muli %scan3A_108, %mul3A_110 : i32
      %add3A_112 = arith.constant 0 : i32
      %add3A_113 = arith.addi %mul3A_111, %add3A_112 : i32
      %get3A = arith.index_cast %add3A_113 : i32 to index
      %get3A_114 = tpu.vector_load %arg7[%get3A] {strides = array<i32>} : memref<17408xi32, #tpu.memory_space<vmem>>, vector<16xi32>,
      %add3A_115 = arith.constant 512 : i32
      %add3A_116 = arith.addi %add3A_113, %add3A_115 : i32
      %get3A_117 = arith.index_cast %add3A_116 : i32 to index
      %get3A_118 = tpu.vector_load %arg7[%get3A_117] {strides = array<i32>} : memref<17408xi32, #tpu.memory_space<vmem>>, vector<16xi32>,
      %add3A_119 = arith.constant 1024 : i32
      %add3A_120 = arith.addi %add3A_113, %add3A_119 : i32
      %get3A_121 = arith.index_cast %add3A_120 : i32 to index
      %get3A_122 = tpu.vector_load %arg7[%get3A_121] {strides = array<i32>} : memref<17408xi32, #tpu.memory_space<vmem>>, vector<16xi32>,
      %min3A = arith.minsi %get3A_114, %get3A_118 : vector<16xi32>
      %min3A_123 = arith.minsi %min3A, %get3A_122 : vector<16xi32>
      %swap3A = arith.index_cast %add3A_113 : i32 to index
      %swap3A_124 = tpu.vector_load %arg11[%swap3A] {strides = array<i32>} : memref<16384xi32, #tpu.memory_space<vmem>>, vector<16xi32>,
      tpu.vector_store %arg11[%swap3A], %min3A_123 {strides = array<i32>} : memref<16384xi32, #tpu.memory_space<vmem>>, vector<16xi32>,
      %mul3A_125 = arith.constant 32 : i32
      %mul3A_126 = arith.muli %scan3A_108, %mul3A_125 : i32
      %add3A_127 = arith.constant 16 : i32
      %add3A_128 = arith.addi %mul3A_126, %add3A_127 : i32
      %get3A_129 = arith.index_cast %add3A_128 : i32 to index
      %get3A_130 = tpu.vector_load %arg7[%get3A_129] {strides = array<i32>} : memref<17408xi32, #tpu.memory_space<vmem>>, vector<16xi32>,
      %add3A_131 = arith.constant 512 : i32
      %add3A_132 = arith.addi %add3A_128, %add3A_131 : i32
      %get3A_133 = arith.index_cast %add3A_132 : i32 to index
      %get3A_134 = tpu.vector_load %arg7[%get3A_133] {strides = array<i32>} : memref<17408xi32, #tpu.memory_space<vmem>>, vector<16xi32>,
      %add3A_135 = arith.constant 1024 : i32
      %add3A_136 = arith.addi %add3A_128, %add3A_135 : i32
      %get3A_137 = arith.index_cast %add3A_136 : i32 to index
      %get3A_138 = tpu.vector_load %arg7[%get3A_137] {strides = array<i32>} : memref<17408xi32, #tpu.memory_space<vmem>>, vector<16xi32>,
      %min3A_139 = arith.minsi %get3A_130, %get3A_134 : vector<16xi32>
      %min3A_140 = arith.minsi %min3A_139, %get3A_138 : vector<16xi32>
      %swap3A_141 = arith.index_cast %add3A_128 : i32 to index
      %swap3A_142 = tpu.vector_load %arg11[%swap3A_141] {strides = array<i32>} : memref<16384xi32, #tpu.memory_space<vmem>>, vector<16xi32>,
      tpu.vector_store %arg11[%swap3A_141], %min3A_140 {strides = array<i32>} : memref<16384xi32, #tpu.memory_space<vmem>>, vector<16xi32>,
      %scan3A_143 = arith.constant 0 : i32
      scf.yield %scan3A_143 : i32
    }
    %scan3A_43 = arith.constant 512 : i32
    %scan3A_44 = arith.constant 0 : i32
    %scan3A_45 = arith.constant 0 : i32
    %scan3A_46 = arith.constant 512 : i32
    %scan3A_47 = arith.addi %scan3A_45, %scan3A_46 : i32
    %scan3A_48 = arith.constant 1 : i32
    %scan3A_49 = scf.for %scan3A_108 = %scan3A_45 to %scan3A_47 step %scan3A_48 iter_args(%scan3A_109 = %scan3A_44) -> (i32)  : i32 {
      %mul3A_110 = arith.constant 32 : i32
      %mul3A_111 = arith.muli %scan3A_108, %mul3A_110 : i32
      %add3A_112 = arith.constant 0 : i32
      %add3A_113 = arith.addi %mul3A_111, %add3A_112 : i32
      %jit3A = arith.constant 512 : i32
      %eq3A = arith.constant 0 : i32
      %eq3A_114 = arith.cmpi eq, %jit3A, %eq3A : i32
      %jit3A_115 = arith.constant 1 : i32
      %select_n3A = arith.select %eq3A_114, %jit3A_115, %jit3A : i32
      %rem3A = arith.remsi %add3A_113, %select_n3A : i32
      %ne3A = arith.constant 0 : i32
      %ne3A_116 = arith.cmpi ne, %rem3A, %ne3A : i32
      %lt3A = arith.constant 0 : i32
      %lt3A_117 = arith.cmpi slt, %rem3A, %lt3A : i32
      %lt3A_118 = arith.constant 0 : i32
      %lt3A_119 = arith.cmpi slt, %select_n3A, %lt3A_118 : i32
      %ne3A_120 = arith.xori %lt3A_117, %lt3A_119 : i1
      %and3A = arith.andi %ne3A_120, %ne3A_116 : i1
      %add3A_121 = arith.addi %rem3A, %select_n3A : i32
      %select_n3A_122 = arith.select %and3A, %add3A_121, %rem3A : i32
      %get3A = arith.index_cast %add3A_113 : i32 to index
      %get3A_123 = tpu.vector_load %arg11[%get3A] {strides = array<i32>} : memref<16384xi32, #tpu.memory_space<vmem>>, vector<16xi32>,
      %sub3A = arith.constant 1 : i32
      %sub3A_124 = arith.subi %add3A_113, %sub3A : i32
      %get3A_125 = arith.index_cast %sub3A_124 : i32 to index
      %get3A_126 = tpu.vector_load %arg11[%get3A_125] {strides = array<i32>} : memref<16384xi32, #tpu.memory_space<vmem>>, vector<16xi32>,
      %add3A_127 = arith.constant 1 : i32
      %add3A_128 = arith.addi %add3A_113, %add3A_127 : i32
      %get3A_129 = arith.index_cast %add3A_128 : i32 to index
      %get3A_130 = tpu.vector_load %arg11[%get3A_129] {strides = array<i32>} : memref<16384xi32, #tpu.memory_space<vmem>>, vector<16xi32>,
      %eq3A_131 = arith.constant 0 : i32
      %eq3A_132 = arith.cmpi eq, %select_n3A_122, %eq3A_131 : i32
      %eq3A_133 = arith.constant 0 : i32
      %eq3A_134 = vector.broadcast %eq3A_133 : i32 to vector<16xi32>
      %eq3A_135 = arith.cmpi eq, %iota3A_36, %eq3A_134 : vector<16xi32>
      %and3A_136 = vector.broadcast %eq3A_132 : i1 to vector<16xi1>
      %and3A_137 = arith.andi %and3A_136, %eq3A_135 : vector<16xi1>
      %jit3A_138 = arith.constant 524288 : i32
      %broadcast_in_dim3A = vector.broadcast %jit3A_138 : i32 to vector<16xi32>
      %select_n3A_139 = arith.select %and3A_137, %broadcast_in_dim3A, %get3A_126 : vector<16xi1>, vector<16xi32>
      %eq3A_140 = arith.constant 496 : i32
      %eq3A_141 = arith.cmpi eq, %select_n3A_122, %eq3A_140 : i32
      %eq3A_142 = arith.constant 15 : i32
      %eq3A_143 = vector.broadcast %eq3A_142 : i32 to vector<16xi32>
      %eq3A_144 = arith.cmpi eq, %iota3A_36, %eq3A_143 : vector<16xi32>
      %and3A_145 = vector.broadcast %eq3A_141 : i1 to vector<16xi1>
      %and3A_146 = arith.andi %and3A_145, %eq3A_144 : vector<16xi1>
      %jit3A_147 = arith.constant 524288 : i32
      %broadcast_in_dim3A_148 = vector.broadcast %jit3A_147 : i32 to vector<16xi32>
      %select_n3A_149 = arith.select %and3A_146, %broadcast_in_dim3A_148, %get3A_130 : vector<16xi1>, vector<16xi32>
      %min3A = arith.minsi %select_n3A_139, %get3A_123 : vector<16xi32>
      %min3A_150 = arith.minsi %min3A, %select_n3A_149 : vector<16xi32>
      %add3A_151 = arith.constant 512 : i32
      %add3A_152 = arith.addi %add3A_113, %add3A_151 : i32
      %get3A_153 = arith.index_cast %add3A_152 : i32 to index
      %get3A_154 = tpu.vector_load %arg7[%get3A_153] {strides = array<i32>} : memref<17408xi32, #tpu.memory_space<vmem>>, vector<16xi32>,
      %lt3A_155 = arith.constant 524288 : i32
      %lt3A_156 = vector.broadcast %lt3A_155 : i32 to vector<16xi32>
      %lt3A_157 = arith.cmpi slt, %get3A_154, %lt3A_156 : vector<16xi32>
      %jit3A_158 = arith.constant 524288 : i32
      %broadcast_in_dim3A_159 = vector.broadcast %jit3A_158 : i32 to vector<16xi32>
      %select_n3A_160 = arith.select %lt3A_157, %min3A_150, %broadcast_in_dim3A_159 : vector<16xi1>, vector<16xi32>
      %swap3A = arith.index_cast %add3A_113 : i32 to index
      %swap3A_161 = tpu.vector_load %arg10[%swap3A] {strides = array<i32>} : memref<16384xi32, #tpu.memory_space<vmem>>, vector<16xi32>,
      tpu.vector_store %arg10[%swap3A], %select_n3A_160 {strides = array<i32>} : memref<16384xi32, #tpu.memory_space<vmem>>, vector<16xi32>,
      %mul3A_162 = arith.constant 32 : i32
      %mul3A_163 = arith.muli %scan3A_108, %mul3A_162 : i32
      %add3A_164 = arith.constant 16 : i32
      %add3A_165 = arith.addi %mul3A_163, %add3A_164 : i32
      %jit3A_166 = arith.constant 512 : i32
      %eq3A_167 = arith.constant 0 : i32
      %eq3A_168 = arith.cmpi eq, %jit3A_166, %eq3A_167 : i32
      %jit3A_169 = arith.constant 1 : i32
      %select_n3A_170 = arith.select %eq3A_168, %jit3A_169, %jit3A_166 : i32
      %rem3A_171 = arith.remsi %add3A_165, %select_n3A_170 : i32
      %ne3A_172 = arith.constant 0 : i32
      %ne3A_173 = arith.cmpi ne, %rem3A_171, %ne3A_172 : i32
      %lt3A_174 = arith.constant 0 : i32
      %lt3A_175 = arith.cmpi slt, %rem3A_171, %lt3A_174 : i32
      %lt3A_176 = arith.constant 0 : i32
      %lt3A_177 = arith.cmpi slt, %select_n3A_170, %lt3A_176 : i32
      %ne3A_178 = arith.xori %lt3A_175, %lt3A_177 : i1
      %and3A_179 = arith.andi %ne3A_178, %ne3A_173 : i1
      %add3A_180 = arith.addi %rem3A_171, %select_n3A_170 : i32
      %select_n3A_181 = arith.select %and3A_179, %add3A_180, %rem3A_171 : i32
      %get3A_182 = arith.index_cast %add3A_165 : i32 to index
      %get3A_183 = tpu.vector_load %arg11[%get3A_182] {strides = array<i32>} : memref<16384xi32, #tpu.memory_space<vmem>>, vector<16xi32>,
      %sub3A_184 = arith.constant 1 : i32
      %sub3A_185 = arith.subi %add3A_165, %sub3A_184 : i32
      %get3A_186 = arith.index_cast %sub3A_185 : i32 to index
      %get3A_187 = tpu.vector_load %arg11[%get3A_186] {strides = array<i32>} : memref<16384xi32, #tpu.memory_space<vmem>>, vector<16xi32>,
      %add3A_188 = arith.constant 1 : i32
      %add3A_189 = arith.addi %add3A_165, %add3A_188 : i32
      %get3A_190 = arith.index_cast %add3A_189 : i32 to index
      %get3A_191 = tpu.vector_load %arg11[%get3A_190] {strides = array<i32>} : memref<16384xi32, #tpu.memory_space<vmem>>, vector<16xi32>,
      %eq3A_192 = arith.constant 0 : i32
      %eq3A_193 = arith.cmpi eq, %select_n3A_181, %eq3A_192 : i32
      %eq3A_194 = arith.constant 0 : i32
      %eq3A_195 = vector.broadcast %eq3A_194 : i32 to vector<16xi32>
      %eq3A_196 = arith.cmpi eq, %iota3A_36, %eq3A_195 : vector<16xi32>
      %and3A_197 = vector.broadcast %eq3A_193 : i1 to vector<16xi1>
      %and3A_198 = arith.andi %and3A_197, %eq3A_196 : vector<16xi1>
      %jit3A_199 = arith.constant 524288 : i32
      %broadcast_in_dim3A_200 = vector.broadcast %jit3A_199 : i32 to vector<16xi32>
      %select_n3A_201 = arith.select %and3A_198, %broadcast_in_dim3A_200, %get3A_187 : vector<16xi1>, vector<16xi32>
      %eq3A_202 = arith.constant 496 : i32
      %eq3A_203 = arith.cmpi eq, %select_n3A_181, %eq3A_202 : i32
      %eq3A_204 = arith.constant 15 : i32
      %eq3A_205 = vector.broadcast %eq3A_204 : i32 to vector<16xi32>
      %eq3A_206 = arith.cmpi eq, %iota3A_36, %eq3A_205 : vector<16xi32>
      %and3A_207 = vector.broadcast %eq3A_203 : i1 to vector<16xi1>
      %and3A_208 = arith.andi %and3A_207, %eq3A_206 : vector<16xi1>
      %jit3A_209 = arith.constant 524288 : i32
      %broadcast_in_dim3A_210 = vector.broadcast %jit3A_209 : i32 to vector<16xi32>
      %select_n3A_211 = arith.select %and3A_208, %broadcast_in_dim3A_210, %get3A_191 : vector<16xi1>, vector<16xi32>
      %min3A_212 = arith.minsi %select_n3A_201, %get3A_183 : vector<16xi32>
      %min3A_213 = arith.minsi %min3A_212, %select_n3A_211 : vector<16xi32>
      %add3A_214 = arith.constant 512 : i32
      %add3A_215 = arith.addi %add3A_165, %add3A_214 : i32
      %get3A_216 = arith.index_cast %add3A_215 : i32 to index
      %get3A_217 = tpu.vector_load %arg7[%get3A_216] {strides = array<i32>} : memref<17408xi32, #tpu.memory_space<vmem>>, vector<16xi32>,
      %lt3A_218 = arith.constant 524288 : i32
      %lt3A_219 = vector.broadcast %lt3A_218 : i32 to vector<16xi32>
      %lt3A_220 = arith.cmpi slt, %get3A_217, %lt3A_219 : vector<16xi32>
      %jit3A_221 = arith.constant 524288 : i32
      %broadcast_in_dim3A_222 = vector.broadcast %jit3A_221 : i32 to vector<16xi32>
      %select_n3A_223 = arith.select %lt3A_220, %min3A_213, %broadcast_in_dim3A_222 : vector<16xi1>, vector<16xi32>
      %swap3A_224 = arith.index_cast %add3A_165 : i32 to index
      %swap3A_225 = tpu.vector_load %arg10[%swap3A_224] {strides = array<i32>} : memref<16384xi32, #tpu.memory_space<vmem>>, vector<16xi32>,
      tpu.vector_store %arg10[%swap3A_224], %select_n3A_223 {strides = array<i32>} : memref<16384xi32, #tpu.memory_space<vmem>>, vector<16xi32>,
      %scan3A_226 = arith.constant 0 : i32
      scf.yield %scan3A_226 : i32
    }
    %scan3A_50 = arith.constant 512 : i32
    "tpu.region"() ({
      %run_scoped3A = tpu.sem_alloc : memref<!tpu.dma_semaphore, #tpu.memory_space<semaphore_mem>>
      %dma_start3A = tpu.memref_slice %arg5[%mul3A_2] : memref<262144xi32, #tpu.memory_space<vmem_shared>> -> memref<16384xi32, #tpu.memory_space<vmem_shared>>
      %dma_start3A_108 = tpu.memref_slice %arg5[%mul3A_2] : memref<262144xi32, #tpu.memory_space<vmem_shared>> -> memref<16384xi32, #tpu.memory_space<vmem_shared>>
      tpu.enqueue_dma source(%arg10 : memref<16384xi32, #tpu.memory_space<vmem>>) target(%dma_start3A_108 : memref<16384xi32, #tpu.memory_space<vmem_shared>>) target_semaphore(%run_scoped3A : memref<!tpu.dma_semaphore, #tpu.memory_space<semaphore_mem>>)
      %dma_wait3A = tpu.memref_slice %arg5[%mul3A_2] : memref<262144xi32, #tpu.memory_space<vmem_shared>> -> memref<16384xi32, #tpu.memory_space<vmem_shared>>
      %dma_wait3A_109 = tpu.memref_slice %arg5[%mul3A_2] : memref<262144xi32, #tpu.memory_space<vmem_shared>> -> memref<16384xi32, #tpu.memory_space<vmem_shared>>
      tpu.wait_dma2 semaphore(%run_scoped3A : memref<!tpu.dma_semaphore, #tpu.memory_space<semaphore_mem>>) src(%arg10 : memref<16384xi32, #tpu.memory_space<vmem>>) dst(%dma_wait3A_109 : memref<16384xi32, #tpu.memory_space<vmem_shared>>)
      tpu.yield
    }) : () -> ()
    %while3A = arith.constant 0 : i32
    %while3A_51 = arith.constant 0 : i32
    %while3A_52:2 = scf.while (%while3A_108 = %while3A, %while3A_109 = %while3A_51) : (i32, i32) -> (i32, i32) {
      %lt3A = arith.constant 15 : i32
      %lt3A_110 = arith.cmpi slt, %while3A_108, %lt3A : i32
      %eq3A = arith.constant 0 : i32
      %eq3A_111 = arith.cmpi eq, %while3A_109, %eq3A : i32
      %and3A = arith.andi %lt3A_110, %eq3A_111 : i1
      scf.condition(%and3A) %while3A_108, %while3A_109 : i32, i32
    } do {
    ^bb0(%while3A_108: i32, %while3A_109: i32):
      %barrier3A_110 = arith.constant 0 : index
      tpu.barrier barrier_id(%barrier3A_110)
      %eq3A = arith.constant 0 : i32
      %eq3A_111 = arith.cmpi eq, %arg1, %eq3A : i32
      %convert_element_type3A = arith.extui %eq3A_111 : i1 to i32
      %cond3A = arith.constant 0 : i32
      %cond3A_112 = arith.cmpi ne, %convert_element_type3A, %cond3A : i32
      scf.if %cond3A_112 {
        "tpu.region"() ({
          %run_scoped3A = tpu.sem_alloc : memref<!tpu.dma_semaphore, #tpu.memory_space<semaphore_mem>>
          %dma_start3A = arith.constant 512 : i32
          %dma_start3A_252 = tpu.memref_slice %arg7[%dma_start3A] : memref<17408xi32, #tpu.memory_space<vmem>> -> memref<16896xi32, #tpu.memory_space<vmem>>
          %dma_start3A_253 = arith.constant 0 : i32
          %dma_start3A_254 = tpu.memref_slice %arg5[%dma_start3A_253] : memref<262144xi32, #tpu.memory_space<vmem_shared>> -> memref<16896xi32, #tpu.memory_space<vmem_shared>>
          %dma_start3A_255 = arith.constant 512 : i32
          %dma_start3A_256 = tpu.memref_slice %arg7[%dma_start3A_255] : memref<17408xi32, #tpu.memory_space<vmem>> -> memref<16896xi32, #tpu.memory_space<vmem>>
          %dma_start3A_257 = arith.constant 0 : i32
          %dma_start3A_258 = tpu.memref_slice %arg5[%dma_start3A_257] : memref<262144xi32, #tpu.memory_space<vmem_shared>> -> memref<16896xi32, #tpu.memory_space<vmem_shared>>
          tpu.enqueue_dma source(%dma_start3A_258 : memref<16896xi32, #tpu.memory_space<vmem_shared>>) target(%dma_start3A_256 : memref<16896xi32, #tpu.memory_space<vmem>>) target_semaphore(%run_scoped3A : memref<!tpu.dma_semaphore, #tpu.memory_space<semaphore_mem>>)
          %dma_wait3A_259 = arith.constant 512 : i32
          %dma_wait3A_260 = tpu.memref_slice %arg7[%dma_wait3A_259] : memref<17408xi32, #tpu.memory_space<vmem>> -> memref<16896xi32, #tpu.memory_space<vmem>>
          %dma_wait3A_261 = arith.constant 0 : i32
          %dma_wait3A_262 = tpu.memref_slice %arg5[%dma_wait3A_261] : memref<262144xi32, #tpu.memory_space<vmem_shared>> -> memref<16896xi32, #tpu.memory_space<vmem_shared>>
          %dma_wait3A_263 = arith.constant 512 : i32
          %dma_wait3A_264 = tpu.memref_slice %arg7[%dma_wait3A_263] : memref<17408xi32, #tpu.memory_space<vmem>> -> memref<16896xi32, #tpu.memory_space<vmem>>
          %dma_wait3A_265 = arith.constant 0 : i32
          %dma_wait3A_266 = tpu.memref_slice %arg5[%dma_wait3A_265] : memref<262144xi32, #tpu.memory_space<vmem_shared>> -> memref<16896xi32, #tpu.memory_space<vmem_shared>>
          tpu.wait_dma2 semaphore(%run_scoped3A : memref<!tpu.dma_semaphore, #tpu.memory_space<semaphore_mem>>) src(%dma_wait3A_266 : memref<16896xi32, #tpu.memory_space<vmem_shared>>) dst(%dma_wait3A_264 : memref<16896xi32, #tpu.memory_space<vmem>>)
          tpu.yield
        }) : () -> ()
      } else {
      }
      %eq3A_113 = arith.constant 15 : i32
      %eq3A_114 = arith.cmpi eq, %arg1, %eq3A_113 : i32
      %convert_element_type3A_115 = arith.extui %eq3A_114 : i1 to i32
      %cond3A_116 = arith.constant 0 : i32
      %cond3A_117 = arith.cmpi ne, %convert_element_type3A_115, %cond3A_116 : i32
      scf.if %cond3A_117 {
        %sub3A = arith.constant 512 : i32
        %sub3A_252 = arith.subi %mul3A_2, %sub3A : i32
        "tpu.region"() ({
          %run_scoped3A = tpu.sem_alloc : memref<!tpu.dma_semaphore, #tpu.memory_space<semaphore_mem>>
          %dma_start3A = arith.constant 0 : i32
          %dma_start3A_253 = tpu.memref_slice %arg7[%dma_start3A] : memref<17408xi32, #tpu.memory_space<vmem>> -> memref<16896xi32, #tpu.memory_space<vmem>>
          %dma_start3A_254 = tpu.memref_slice %arg5[%sub3A_252] : memref<262144xi32, #tpu.memory_space<vmem_shared>> -> memref<16896xi32, #tpu.memory_space<vmem_shared>>
          %dma_start3A_255 = arith.constant 0 : i32
          %dma_start3A_256 = tpu.memref_slice %arg7[%dma_start3A_255] : memref<17408xi32, #tpu.memory_space<vmem>> -> memref<16896xi32, #tpu.memory_space<vmem>>
          %dma_start3A_257 = tpu.memref_slice %arg5[%sub3A_252] : memref<262144xi32, #tpu.memory_space<vmem_shared>> -> memref<16896xi32, #tpu.memory_space<vmem_shared>>
          tpu.enqueue_dma source(%dma_start3A_257 : memref<16896xi32, #tpu.memory_space<vmem_shared>>) target(%dma_start3A_256 : memref<16896xi32, #tpu.memory_space<vmem>>) target_semaphore(%run_scoped3A : memref<!tpu.dma_semaphore, #tpu.memory_space<semaphore_mem>>)
          %dma_wait3A_258 = arith.constant 0 : i32
          %dma_wait3A_259 = tpu.memref_slice %arg7[%dma_wait3A_258] : memref<17408xi32, #tpu.memory_space<vmem>> -> memref<16896xi32, #tpu.memory_space<vmem>>
          %dma_wait3A_260 = tpu.memref_slice %arg5[%sub3A_252] : memref<262144xi32, #tpu.memory_space<vmem_shared>> -> memref<16896xi32, #tpu.memory_space<vmem_shared>>
          %dma_wait3A_261 = arith.constant 0 : i32
          %dma_wait3A_262 = tpu.memref_slice %arg7[%dma_wait3A_261] : memref<17408xi32, #tpu.memory_space<vmem>> -> memref<16896xi32, #tpu.memory_space<vmem>>
          %dma_wait3A_263 = tpu.memref_slice %arg5[%sub3A_252] : memref<262144xi32, #tpu.memory_space<vmem_shared>> -> memref<16896xi32, #tpu.memory_space<vmem_shared>>
          tpu.wait_dma2 semaphore(%run_scoped3A : memref<!tpu.dma_semaphore, #tpu.memory_space<semaphore_mem>>) src(%dma_wait3A_263 : memref<16896xi32, #tpu.memory_space<vmem_shared>>) dst(%dma_wait3A_262 : memref<16896xi32, #tpu.memory_space<vmem>>)
          tpu.yield
        }) : () -> ()
      } else {
      }
      %gt3A = arith.constant 0 : i32
      %gt3A_118 = arith.cmpi sgt, %arg1, %gt3A : i32
      %lt3A = arith.constant 15 : i32
      %lt3A_119 = arith.cmpi slt, %arg1, %lt3A : i32
      %and3A = arith.andi %gt3A_118, %lt3A_119 : i1
      %convert_element_type3A_120 = arith.extui %and3A : i1 to i32
      %cond3A_121 = arith.constant 0 : i32
      %cond3A_122 = arith.cmpi ne, %convert_element_type3A_120, %cond3A_121 : i32
      scf.if %cond3A_122 {
        %sub3A = arith.constant 512 : i32
        %sub3A_252 = arith.subi %mul3A_2, %sub3A : i32
        "tpu.region"() ({
          %run_scoped3A = tpu.sem_alloc : memref<!tpu.dma_semaphore, #tpu.memory_space<semaphore_mem>>
          %dma_start3A = arith.constant 0 : i32
          %dma_start3A_253 = tpu.memref_slice %arg7[%dma_start3A] : memref<17408xi32, #tpu.memory_space<vmem>> -> memref<17408xi32, #tpu.memory_space<vmem>>
          %dma_start3A_254 = tpu.memref_slice %arg5[%sub3A_252] : memref<262144xi32, #tpu.memory_space<vmem_shared>> -> memref<17408xi32, #tpu.memory_space<vmem_shared>>
          %dma_start3A_255 = arith.constant 0 : i32
          %dma_start3A_256 = tpu.memref_slice %arg7[%dma_start3A_255] : memref<17408xi32, #tpu.memory_space<vmem>> -> memref<17408xi32, #tpu.memory_space<vmem>>
          %dma_start3A_257 = tpu.memref_slice %arg5[%sub3A_252] : memref<262144xi32, #tpu.memory_space<vmem_shared>> -> memref<17408xi32, #tpu.memory_space<vmem_shared>>
          tpu.enqueue_dma source(%dma_start3A_257 : memref<17408xi32, #tpu.memory_space<vmem_shared>>) target(%dma_start3A_256 : memref<17408xi32, #tpu.memory_space<vmem>>) target_semaphore(%run_scoped3A : memref<!tpu.dma_semaphore, #tpu.memory_space<semaphore_mem>>)
          %dma_wait3A_258 = arith.constant 0 : i32
          %dma_wait3A_259 = tpu.memref_slice %arg7[%dma_wait3A_258] : memref<17408xi32, #tpu.memory_space<vmem>> -> memref<17408xi32, #tpu.memory_space<vmem>>
          %dma_wait3A_260 = tpu.memref_slice %arg5[%sub3A_252] : memref<262144xi32, #tpu.memory_space<vmem_shared>> -> memref<17408xi32, #tpu.memory_space<vmem_shared>>
          %dma_wait3A_261 = arith.constant 0 : i32
          %dma_wait3A_262 = tpu.memref_slice %arg7[%dma_wait3A_261] : memref<17408xi32, #tpu.memory_space<vmem>> -> memref<17408xi32, #tpu.memory_space<vmem>>
          %dma_wait3A_263 = tpu.memref_slice %arg5[%sub3A_252] : memref<262144xi32, #tpu.memory_space<vmem_shared>> -> memref<17408xi32, #tpu.memory_space<vmem_shared>>
          tpu.wait_dma2 semaphore(%run_scoped3A : memref<!tpu.dma_semaphore, #tpu.memory_space<semaphore_mem>>) src(%dma_wait3A_263 : memref<17408xi32, #tpu.memory_space<vmem_shared>>) dst(%dma_wait3A_262 : memref<17408xi32, #tpu.memory_space<vmem>>)
          tpu.yield
        }) : () -> ()
      } else {
      }
      %iota3A_123 = tpu.iota {dimensions = array<i32: 0>} : vector<16xi32>
      %scan3A_124 = arith.constant 0 : i32
      %scan3A_125 = arith.constant 0 : i32
      %scan3A_126 = arith.constant 512 : i32
      %scan3A_127 = arith.addi %scan3A_125, %scan3A_126 : i32
      %scan3A_128 = arith.constant 1 : i32
      %scan3A_129 = scf.for %scan3A_252 = %scan3A_125 to %scan3A_127 step %scan3A_128 iter_args(%scan3A_253 = %scan3A_124) -> (i32)  : i32 {
        %mul3A_254 = arith.constant 32 : i32
        %mul3A_255 = arith.muli %scan3A_252, %mul3A_254 : i32
        %add3A_256 = arith.constant 0 : i32
        %add3A_257 = arith.addi %mul3A_255, %add3A_256 : i32
        %get3A_258 = arith.index_cast %add3A_257 : i32 to index
        %get3A_259 = tpu.vector_load %arg7[%get3A_258] {strides = array<i32>} : memref<17408xi32, #tpu.memory_space<vmem>>, vector<16xi32>,
        %add3A_260 = arith.constant 512 : i32
        %add3A_261 = arith.addi %add3A_257, %add3A_260 : i32
        %get3A_262 = arith.index_cast %add3A_261 : i32 to index
        %get3A_263 = tpu.vector_load %arg7[%get3A_262] {strides = array<i32>} : memref<17408xi32, #tpu.memory_space<vmem>>, vector<16xi32>,
        %add3A_264 = arith.constant 1024 : i32
        %add3A_265 = arith.addi %add3A_257, %add3A_264 : i32
        %get3A_266 = arith.index_cast %add3A_265 : i32 to index
        %get3A_267 = tpu.vector_load %arg7[%get3A_266] {strides = array<i32>} : memref<17408xi32, #tpu.memory_space<vmem>>, vector<16xi32>,
        %min3A_268 = arith.minsi %get3A_259, %get3A_263 : vector<16xi32>
        %min3A_269 = arith.minsi %min3A_268, %get3A_267 : vector<16xi32>
        %swap3A_270 = arith.index_cast %add3A_257 : i32 to index
        %swap3A_271 = tpu.vector_load %arg10[%swap3A_270] {strides = array<i32>} : memref<16384xi32, #tpu.memory_space<vmem>>, vector<16xi32>,
        tpu.vector_store %arg10[%swap3A_270], %min3A_269 {strides = array<i32>} : memref<16384xi32, #tpu.memory_space<vmem>>, vector<16xi32>,
        %mul3A_272 = arith.constant 32 : i32
        %mul3A_273 = arith.muli %scan3A_252, %mul3A_272 : i32
        %add3A_274 = arith.constant 16 : i32
        %add3A_275 = arith.addi %mul3A_273, %add3A_274 : i32
        %get3A_276 = arith.index_cast %add3A_275 : i32 to index
        %get3A_277 = tpu.vector_load %arg7[%get3A_276] {strides = array<i32>} : memref<17408xi32, #tpu.memory_space<vmem>>, vector<16xi32>,
        %add3A_278 = arith.constant 512 : i32
        %add3A_279 = arith.addi %add3A_275, %add3A_278 : i32
        %get3A_280 = arith.index_cast %add3A_279 : i32 to index
        %get3A_281 = tpu.vector_load %arg7[%get3A_280] {strides = array<i32>} : memref<17408xi32, #tpu.memory_space<vmem>>, vector<16xi32>,
        %add3A_282 = arith.constant 1024 : i32
        %add3A_283 = arith.addi %add3A_275, %add3A_282 : i32
        %get3A_284 = arith.index_cast %add3A_283 : i32 to index
        %get3A_285 = tpu.vector_load %arg7[%get3A_284] {strides = array<i32>} : memref<17408xi32, #tpu.memory_space<vmem>>, vector<16xi32>,
        %min3A_286 = arith.minsi %get3A_277, %get3A_281 : vector<16xi32>
        %min3A_287 = arith.minsi %min3A_286, %get3A_285 : vector<16xi32>
        %swap3A_288 = arith.index_cast %add3A_275 : i32 to index
        %swap3A_289 = tpu.vector_load %arg10[%swap3A_288] {strides = array<i32>} : memref<16384xi32, #tpu.memory_space<vmem>>, vector<16xi32>,
        tpu.vector_store %arg10[%swap3A_288], %min3A_287 {strides = array<i32>} : memref<16384xi32, #tpu.memory_space<vmem>>, vector<16xi32>,
        %scan3A_290 = arith.constant 0 : i32
        scf.yield %scan3A_290 : i32
      }
      %scan3A_130 = arith.constant 512 : i32
      %scan3A_131 = arith.constant 0 : i32
      %scan3A_132 = arith.constant 0 : i32
      %scan3A_133 = arith.constant 512 : i32
      %scan3A_134 = arith.addi %scan3A_132, %scan3A_133 : i32
      %scan3A_135 = arith.constant 1 : i32
      %scan3A_136 = scf.for %scan3A_252 = %scan3A_132 to %scan3A_134 step %scan3A_135 iter_args(%scan3A_253 = %scan3A_131) -> (i32)  : i32 {
        %mul3A_254 = arith.constant 32 : i32
        %mul3A_255 = arith.muli %scan3A_252, %mul3A_254 : i32
        %add3A_256 = arith.constant 0 : i32
        %add3A_257 = arith.addi %mul3A_255, %add3A_256 : i32
        %jit3A = arith.constant 512 : i32
        %eq3A_258 = arith.constant 0 : i32
        %eq3A_259 = arith.cmpi eq, %jit3A, %eq3A_258 : i32
        %jit3A_260 = arith.constant 1 : i32
        %select_n3A = arith.select %eq3A_259, %jit3A_260, %jit3A : i32
        %rem3A = arith.remsi %add3A_257, %select_n3A : i32
        %ne3A = arith.constant 0 : i32
        %ne3A_261 = arith.cmpi ne, %rem3A, %ne3A : i32
        %lt3A_262 = arith.constant 0 : i32
        %lt3A_263 = arith.cmpi slt, %rem3A, %lt3A_262 : i32
        %lt3A_264 = arith.constant 0 : i32
        %lt3A_265 = arith.cmpi slt, %select_n3A, %lt3A_264 : i32
        %ne3A_266 = arith.xori %lt3A_263, %lt3A_265 : i1
        %and3A_267 = arith.andi %ne3A_266, %ne3A_261 : i1
        %add3A_268 = arith.addi %rem3A, %select_n3A : i32
        %select_n3A_269 = arith.select %and3A_267, %add3A_268, %rem3A : i32
        %get3A_270 = arith.index_cast %add3A_257 : i32 to index
        %get3A_271 = tpu.vector_load %arg10[%get3A_270] {strides = array<i32>} : memref<16384xi32, #tpu.memory_space<vmem>>, vector<16xi32>,
        %sub3A = arith.constant 1 : i32
        %sub3A_272 = arith.subi %add3A_257, %sub3A : i32
        %get3A_273 = arith.index_cast %sub3A_272 : i32 to index
        %get3A_274 = tpu.vector_load %arg10[%get3A_273] {strides = array<i32>} : memref<16384xi32, #tpu.memory_space<vmem>>, vector<16xi32>,
        %add3A_275 = arith.constant 1 : i32
        %add3A_276 = arith.addi %add3A_257, %add3A_275 : i32
        %get3A_277 = arith.index_cast %add3A_276 : i32 to index
        %get3A_278 = tpu.vector_load %arg10[%get3A_277] {strides = array<i32>} : memref<16384xi32, #tpu.memory_space<vmem>>, vector<16xi32>,
        %eq3A_279 = arith.constant 0 : i32
        %eq3A_280 = arith.cmpi eq, %select_n3A_269, %eq3A_279 : i32
        %eq3A_281 = arith.constant 0 : i32
        %eq3A_282 = vector.broadcast %eq3A_281 : i32 to vector<16xi32>
        %eq3A_283 = arith.cmpi eq, %iota3A_123, %eq3A_282 : vector<16xi32>
        %and3A_284 = vector.broadcast %eq3A_280 : i1 to vector<16xi1>
        %and3A_285 = arith.andi %and3A_284, %eq3A_283 : vector<16xi1>
        %jit3A_286 = arith.constant 524288 : i32
        %broadcast_in_dim3A_287 = vector.broadcast %jit3A_286 : i32 to vector<16xi32>
        %select_n3A_288 = arith.select %and3A_285, %broadcast_in_dim3A_287, %get3A_274 : vector<16xi1>, vector<16xi32>
        %eq3A_289 = arith.constant 496 : i32
        %eq3A_290 = arith.cmpi eq, %select_n3A_269, %eq3A_289 : i32
        %eq3A_291 = arith.constant 15 : i32
        %eq3A_292 = vector.broadcast %eq3A_291 : i32 to vector<16xi32>
        %eq3A_293 = arith.cmpi eq, %iota3A_123, %eq3A_292 : vector<16xi32>
        %and3A_294 = vector.broadcast %eq3A_290 : i1 to vector<16xi1>
        %and3A_295 = arith.andi %and3A_294, %eq3A_293 : vector<16xi1>
        %jit3A_296 = arith.constant 524288 : i32
        %broadcast_in_dim3A_297 = vector.broadcast %jit3A_296 : i32 to vector<16xi32>
        %select_n3A_298 = arith.select %and3A_295, %broadcast_in_dim3A_297, %get3A_278 : vector<16xi1>, vector<16xi32>
        %min3A_299 = arith.minsi %select_n3A_288, %get3A_271 : vector<16xi32>
        %min3A_300 = arith.minsi %min3A_299, %select_n3A_298 : vector<16xi32>
        %add3A_301 = arith.constant 512 : i32
        %add3A_302 = arith.addi %add3A_257, %add3A_301 : i32
        %get3A_303 = arith.index_cast %add3A_302 : i32 to index
        %get3A_304 = tpu.vector_load %arg7[%get3A_303] {strides = array<i32>} : memref<17408xi32, #tpu.memory_space<vmem>>, vector<16xi32>,
        %lt3A_305 = arith.constant 524288 : i32
        %lt3A_306 = vector.broadcast %lt3A_305 : i32 to vector<16xi32>
        %lt3A_307 = arith.cmpi slt, %get3A_304, %lt3A_306 : vector<16xi32>
        %jit3A_308 = arith.constant 524288 : i32
        %broadcast_in_dim3A_309 = vector.broadcast %jit3A_308 : i32 to vector<16xi32>
        %select_n3A_310 = arith.select %lt3A_307, %min3A_300, %broadcast_in_dim3A_309 : vector<16xi1>, vector<16xi32>
        %ge3A = arith.constant 262144 : i32
        %ge3A_311 = vector.broadcast %ge3A : i32 to vector<16xi32>
        %ge3A_312 = arith.cmpi sge, %select_n3A_310, %ge3A_311 : vector<16xi32>
        %sub3A_313 = arith.constant 262144 : i32
        %sub3A_314 = vector.broadcast %sub3A_313 : i32 to vector<16xi32>
        %sub3A_315 = arith.subi %select_n3A_310, %sub3A_314 : vector<16xi32>
        %select_n3A_316 = arith.select %ge3A_312, %sub3A_315, %select_n3A_310 : vector<16xi1>, vector<16xi32>
        %min3A_317 = arith.constant 262143 : i32
        %min3A_318 = vector.broadcast %min3A_317 : i32 to vector<16xi32>
        %min3A_319 = arith.minsi %select_n3A_316, %min3A_318 : vector<16xi32>
        %swap3A_320 = arith.index_cast %add3A_257 : i32 to index
        %swap3A_321 = tpu.vector_load %arg9[%swap3A_320] {strides = array<i32>} : memref<16384xi32, #tpu.memory_space<vmem>>, vector<16xi32>,
        tpu.vector_store %arg9[%swap3A_320], %min3A_319 {strides = array<i32>} : memref<16384xi32, #tpu.memory_space<vmem>>, vector<16xi32>,
        %mul3A_322 = arith.constant 32 : i32
        %mul3A_323 = arith.muli %scan3A_252, %mul3A_322 : i32
        %add3A_324 = arith.constant 16 : i32
        %add3A_325 = arith.addi %mul3A_323, %add3A_324 : i32
        %jit3A_326 = arith.constant 512 : i32
        %eq3A_327 = arith.constant 0 : i32
        %eq3A_328 = arith.cmpi eq, %jit3A_326, %eq3A_327 : i32
        %jit3A_329 = arith.constant 1 : i32
        %select_n3A_330 = arith.select %eq3A_328, %jit3A_329, %jit3A_326 : i32
        %rem3A_331 = arith.remsi %add3A_325, %select_n3A_330 : i32
        %ne3A_332 = arith.constant 0 : i32
        %ne3A_333 = arith.cmpi ne, %rem3A_331, %ne3A_332 : i32
        %lt3A_334 = arith.constant 0 : i32
        %lt3A_335 = arith.cmpi slt, %rem3A_331, %lt3A_334 : i32
        %lt3A_336 = arith.constant 0 : i32
        %lt3A_337 = arith.cmpi slt, %select_n3A_330, %lt3A_336 : i32
        %ne3A_338 = arith.xori %lt3A_335, %lt3A_337 : i1
        %and3A_339 = arith.andi %ne3A_338, %ne3A_333 : i1
        %add3A_340 = arith.addi %rem3A_331, %select_n3A_330 : i32
        %select_n3A_341 = arith.select %and3A_339, %add3A_340, %rem3A_331 : i32
        %get3A_342 = arith.index_cast %add3A_325 : i32 to index
        %get3A_343 = tpu.vector_load %arg10[%get3A_342] {strides = array<i32>} : memref<16384xi32, #tpu.memory_space<vmem>>, vector<16xi32>,
        %sub3A_344 = arith.constant 1 : i32
        %sub3A_345 = arith.subi %add3A_325, %sub3A_344 : i32
        %get3A_346 = arith.index_cast %sub3A_345 : i32 to index
        %get3A_347 = tpu.vector_load %arg10[%get3A_346] {strides = array<i32>} : memref<16384xi32, #tpu.memory_space<vmem>>, vector<16xi32>,
        %add3A_348 = arith.constant 1 : i32
        %add3A_349 = arith.addi %add3A_325, %add3A_348 : i32
        %get3A_350 = arith.index_cast %add3A_349 : i32 to index
        %get3A_351 = tpu.vector_load %arg10[%get3A_350] {strides = array<i32>} : memref<16384xi32, #tpu.memory_space<vmem>>, vector<16xi32>,
        %eq3A_352 = arith.constant 0 : i32
        %eq3A_353 = arith.cmpi eq, %select_n3A_341, %eq3A_352 : i32
        %eq3A_354 = arith.constant 0 : i32
        %eq3A_355 = vector.broadcast %eq3A_354 : i32 to vector<16xi32>
        %eq3A_356 = arith.cmpi eq, %iota3A_123, %eq3A_355 : vector<16xi32>
        %and3A_357 = vector.broadcast %eq3A_353 : i1 to vector<16xi1>
        %and3A_358 = arith.andi %and3A_357, %eq3A_356 : vector<16xi1>
        %jit3A_359 = arith.constant 524288 : i32
        %broadcast_in_dim3A_360 = vector.broadcast %jit3A_359 : i32 to vector<16xi32>
        %select_n3A_361 = arith.select %and3A_358, %broadcast_in_dim3A_360, %get3A_347 : vector<16xi1>, vector<16xi32>
        %eq3A_362 = arith.constant 496 : i32
        %eq3A_363 = arith.cmpi eq, %select_n3A_341, %eq3A_362 : i32
        %eq3A_364 = arith.constant 15 : i32
        %eq3A_365 = vector.broadcast %eq3A_364 : i32 to vector<16xi32>
        %eq3A_366 = arith.cmpi eq, %iota3A_123, %eq3A_365 : vector<16xi32>
        %and3A_367 = vector.broadcast %eq3A_363 : i1 to vector<16xi1>
        %and3A_368 = arith.andi %and3A_367, %eq3A_366 : vector<16xi1>
        %jit3A_369 = arith.constant 524288 : i32
        %broadcast_in_dim3A_370 = vector.broadcast %jit3A_369 : i32 to vector<16xi32>
        %select_n3A_371 = arith.select %and3A_368, %broadcast_in_dim3A_370, %get3A_351 : vector<16xi1>, vector<16xi32>
        %min3A_372 = arith.minsi %select_n3A_361, %get3A_343 : vector<16xi32>
        %min3A_373 = arith.minsi %min3A_372, %select_n3A_371 : vector<16xi32>
        %add3A_374 = arith.constant 512 : i32
        %add3A_375 = arith.addi %add3A_325, %add3A_374 : i32
        %get3A_376 = arith.index_cast %add3A_375 : i32 to index
        %get3A_377 = tpu.vector_load %arg7[%get3A_376] {strides = array<i32>} : memref<17408xi32, #tpu.memory_space<vmem>>, vector<16xi32>,
        %lt3A_378 = arith.constant 524288 : i32
        %lt3A_379 = vector.broadcast %lt3A_378 : i32 to vector<16xi32>
        %lt3A_380 = arith.cmpi slt, %get3A_377, %lt3A_379 : vector<16xi32>
        %jit3A_381 = arith.constant 524288 : i32
        %broadcast_in_dim3A_382 = vector.broadcast %jit3A_381 : i32 to vector<16xi32>
        %select_n3A_383 = arith.select %lt3A_380, %min3A_373, %broadcast_in_dim3A_382 : vector<16xi1>, vector<16xi32>
        %ge3A_384 = arith.constant 262144 : i32
        %ge3A_385 = vector.broadcast %ge3A_384 : i32 to vector<16xi32>
        %ge3A_386 = arith.cmpi sge, %select_n3A_383, %ge3A_385 : vector<16xi32>
        %sub3A_387 = arith.constant 262144 : i32
        %sub3A_388 = vector.broadcast %sub3A_387 : i32 to vector<16xi32>
        %sub3A_389 = arith.subi %select_n3A_383, %sub3A_388 : vector<16xi32>
        %select_n3A_390 = arith.select %ge3A_386, %sub3A_389, %select_n3A_383 : vector<16xi1>, vector<16xi32>
        %min3A_391 = arith.constant 262143 : i32
        %min3A_392 = vector.broadcast %min3A_391 : i32 to vector<16xi32>
        %min3A_393 = arith.minsi %select_n3A_390, %min3A_392 : vector<16xi32>
        %swap3A_394 = arith.index_cast %add3A_325 : i32 to index
        %swap3A_395 = tpu.vector_load %arg9[%swap3A_394] {strides = array<i32>} : memref<16384xi32, #tpu.memory_space<vmem>>, vector<16xi32>,
        tpu.vector_store %arg9[%swap3A_394], %min3A_393 {strides = array<i32>} : memref<16384xi32, #tpu.memory_space<vmem>>, vector<16xi32>,
        %scan3A_396 = arith.constant 0 : i32
        scf.yield %scan3A_396 : i32
      }
      %scan3A_137 = arith.constant 512 : i32
      %scan3A_138 = arith.constant 0 : i32
      %scan3A_139 = arith.constant 0 : i32
      %scan3A_140 = arith.constant 128 : i32
      %scan3A_141 = arith.addi %scan3A_139, %scan3A_140 : i32
      %scan3A_142 = arith.constant 1 : i32
      %scan3A_143 = scf.for %scan3A_252 = %scan3A_139 to %scan3A_141 step %scan3A_142 iter_args(%scan3A_253 = %scan3A_138) -> (i32)  : i32 {
        %mul3A_254 = arith.constant 128 : i32
        %mul3A_255 = arith.muli %scan3A_252, %mul3A_254 : i32
        %mul3A_256 = arith.constant 128 : i32
        %mul3A_257 = arith.muli %scan3A_252, %mul3A_256 : i32
        %dma_start3A = tpu.memref_slice %arg10[%mul3A_257] : memref<16384xi32, #tpu.memory_space<vmem>> -> memref<128xi32, #tpu.memory_space<vmem>>
        %dma_start3A_258 = tpu.memref_slice %arg9[%mul3A_255] : memref<16384xi32, #tpu.memory_space<vmem>> -> memref<128xi32, #tpu.memory_space<vmem>>
        %dma_start3A_259 = arith.constant 0 : i32
        %dma_start3A_260 = tpu.memref_slice %arg5[%dma_start3A_259] : memref<262144xi32, #tpu.memory_space<vmem_shared>> -> memref<262144xi32, #tpu.memory_space<vmem_shared>>
        tpu.enqueue_indirect_dma source(%dma_start3A_260 : memref<262144xi32, #tpu.memory_space<vmem_shared>>) target(%dma_start3A : memref<128xi32, #tpu.memory_space<vmem>>) offsets(%dma_start3A_258 : memref<128xi32, #tpu.memory_space<vmem>>) semaphore(%arg16 : memref<!tpu.dma_semaphore, #tpu.memory_space<semaphore_mem>>)
        %scan3A_261 = arith.constant 0 : i32
        scf.yield %scan3A_261 : i32
      }
      %scan3A_144 = arith.constant 128 : i32
      %dma_wait3A = arith.constant 0 : i32
      %dma_wait3A_145 = tpu.memref_slice %arg5[%dma_wait3A] : memref<262144xi32, #tpu.memory_space<vmem_shared>> -> memref<16384xi32, #tpu.memory_space<vmem_shared>>
      %dma_wait3A_146 = arith.constant 0 : i32
      %dma_wait3A_147 = tpu.memref_slice %arg5[%dma_wait3A_146] : memref<262144xi32, #tpu.memory_space<vmem_shared>> -> memref<16384xi32, #tpu.memory_space<vmem_shared>>
      tpu.wait_dma2 semaphore(%arg16 : memref<!tpu.dma_semaphore, #tpu.memory_space<semaphore_mem>>) src(%dma_wait3A_147 : memref<16384xi32, #tpu.memory_space<vmem_shared>>) dst(%arg10 : memref<16384xi32, #tpu.memory_space<vmem>>)
      %scan3A_148 = arith.constant 0 : i32
      %scan3A_149 = arith.constant 0 : i32
      %scan3A_150 = arith.constant 512 : i32
      %scan3A_151 = arith.addi %scan3A_149, %scan3A_150 : i32
      %scan3A_152 = arith.constant 1 : i32
      %scan3A_153 = scf.for %scan3A_252 = %scan3A_149 to %scan3A_151 step %scan3A_152 iter_args(%scan3A_253 = %scan3A_148) -> (i32)  : i32 {
        %mul3A_254 = arith.constant 32 : i32
        %mul3A_255 = arith.muli %scan3A_252, %mul3A_254 : i32
        %add3A_256 = arith.constant 0 : i32
        %add3A_257 = arith.addi %mul3A_255, %add3A_256 : i32
        %get3A_258 = arith.index_cast %add3A_257 : i32 to index
        %get3A_259 = tpu.vector_load %arg10[%get3A_258] {strides = array<i32>} : memref<16384xi32, #tpu.memory_space<vmem>>, vector<16xi32>,
        %add3A_260 = arith.constant 512 : i32
        %add3A_261 = arith.addi %add3A_257, %add3A_260 : i32
        %get3A_262 = arith.index_cast %add3A_261 : i32 to index
        %get3A_263 = tpu.vector_load %arg7[%get3A_262] {strides = array<i32>} : memref<17408xi32, #tpu.memory_space<vmem>>, vector<16xi32>,
        %lt3A_264 = arith.constant 524288 : i32
        %lt3A_265 = vector.broadcast %lt3A_264 : i32 to vector<16xi32>
        %lt3A_266 = arith.cmpi slt, %get3A_263, %lt3A_265 : vector<16xi32>
        %select_n3A = arith.select %lt3A_266, %get3A_259, %get3A_263 : vector<16xi1>, vector<16xi32>
        %swap3A_267 = arith.index_cast %add3A_257 : i32 to index
        %swap3A_268 = tpu.vector_load %arg10[%swap3A_267] {strides = array<i32>} : memref<16384xi32, #tpu.memory_space<vmem>>, vector<16xi32>,
        tpu.vector_store %arg10[%swap3A_267], %select_n3A {strides = array<i32>} : memref<16384xi32, #tpu.memory_space<vmem>>, vector<16xi32>,
        %jit3A = arith.constant 524288 : i32
        %broadcast_in_dim3A_269 = vector.broadcast %jit3A : i32 to vector<16xi32>
        %select_n3A_270 = arith.select %lt3A_266, %select_n3A, %broadcast_in_dim3A_269 : vector<16xi1>, vector<16xi32>
        %swap3A_271 = arith.index_cast %add3A_257 : i32 to index
        %swap3A_272 = tpu.vector_load %arg11[%swap3A_271] {strides = array<i32>} : memref<16384xi32, #tpu.memory_space<vmem>>, vector<16xi32>,
        tpu.vector_store %arg11[%swap3A_271], %select_n3A_270 {strides = array<i32>} : memref<16384xi32, #tpu.memory_space<vmem>>, vector<16xi32>,
        %ge3A = arith.constant 262144 : i32
        %ge3A_273 = vector.broadcast %ge3A : i32 to vector<16xi32>
        %ge3A_274 = arith.cmpi sge, %get3A_263, %ge3A_273 : vector<16xi32>
        %sub3A = arith.constant 262144 : i32
        %sub3A_275 = vector.broadcast %sub3A : i32 to vector<16xi32>
        %sub3A_276 = arith.subi %get3A_263, %sub3A_275 : vector<16xi32>
        %select_n3A_277 = arith.select %ge3A_274, %sub3A_276, %get3A_263 : vector<16xi1>, vector<16xi32>
        %min3A_278 = arith.constant 262143 : i32
        %min3A_279 = vector.broadcast %min3A_278 : i32 to vector<16xi32>
        %min3A_280 = arith.minsi %select_n3A_277, %min3A_279 : vector<16xi32>
        %add3A_281 = vector.broadcast %mul3A_15 : i32 to vector<16xi32>
        %add3A_282 = arith.addi %min3A_280, %add3A_281 : vector<16xi32>
        %swap3A_283 = arith.index_cast %add3A_257 : i32 to index
        %swap3A_284 = tpu.vector_load %arg9[%swap3A_283] {strides = array<i32>} : memref<16384xi32, #tpu.memory_space<vmem>>, vector<16xi32>,
        tpu.vector_store %arg9[%swap3A_283], %add3A_282 {strides = array<i32>} : memref<16384xi32, #tpu.memory_space<vmem>>, vector<16xi32>,
        %mul3A_285 = arith.constant 32 : i32
        %mul3A_286 = arith.muli %scan3A_252, %mul3A_285 : i32
        %add3A_287 = arith.constant 16 : i32
        %add3A_288 = arith.addi %mul3A_286, %add3A_287 : i32
        %get3A_289 = arith.index_cast %add3A_288 : i32 to index
        %get3A_290 = tpu.vector_load %arg10[%get3A_289] {strides = array<i32>} : memref<16384xi32, #tpu.memory_space<vmem>>, vector<16xi32>,
        %add3A_291 = arith.constant 512 : i32
        %add3A_292 = arith.addi %add3A_288, %add3A_291 : i32
        %get3A_293 = arith.index_cast %add3A_292 : i32 to index
        %get3A_294 = tpu.vector_load %arg7[%get3A_293] {strides = array<i32>} : memref<17408xi32, #tpu.memory_space<vmem>>, vector<16xi32>,
        %lt3A_295 = arith.constant 524288 : i32
        %lt3A_296 = vector.broadcast %lt3A_295 : i32 to vector<16xi32>
        %lt3A_297 = arith.cmpi slt, %get3A_294, %lt3A_296 : vector<16xi32>
        %select_n3A_298 = arith.select %lt3A_297, %get3A_290, %get3A_294 : vector<16xi1>, vector<16xi32>
        %swap3A_299 = arith.index_cast %add3A_288 : i32 to index
        %swap3A_300 = tpu.vector_load %arg10[%swap3A_299] {strides = array<i32>} : memref<16384xi32, #tpu.memory_space<vmem>>, vector<16xi32>,
        tpu.vector_store %arg10[%swap3A_299], %select_n3A_298 {strides = array<i32>} : memref<16384xi32, #tpu.memory_space<vmem>>, vector<16xi32>,
        %jit3A_301 = arith.constant 524288 : i32
        %broadcast_in_dim3A_302 = vector.broadcast %jit3A_301 : i32 to vector<16xi32>
        %select_n3A_303 = arith.select %lt3A_297, %select_n3A_298, %broadcast_in_dim3A_302 : vector<16xi1>, vector<16xi32>
        %swap3A_304 = arith.index_cast %add3A_288 : i32 to index
        %swap3A_305 = tpu.vector_load %arg11[%swap3A_304] {strides = array<i32>} : memref<16384xi32, #tpu.memory_space<vmem>>, vector<16xi32>,
        tpu.vector_store %arg11[%swap3A_304], %select_n3A_303 {strides = array<i32>} : memref<16384xi32, #tpu.memory_space<vmem>>, vector<16xi32>,
        %ge3A_306 = arith.constant 262144 : i32
        %ge3A_307 = vector.broadcast %ge3A_306 : i32 to vector<16xi32>
        %ge3A_308 = arith.cmpi sge, %get3A_294, %ge3A_307 : vector<16xi32>
        %sub3A_309 = arith.constant 262144 : i32
        %sub3A_310 = vector.broadcast %sub3A_309 : i32 to vector<16xi32>
        %sub3A_311 = arith.subi %get3A_294, %sub3A_310 : vector<16xi32>
        %select_n3A_312 = arith.select %ge3A_308, %sub3A_311, %get3A_294 : vector<16xi1>, vector<16xi32>
        %min3A_313 = arith.constant 262143 : i32
        %min3A_314 = vector.broadcast %min3A_313 : i32 to vector<16xi32>
        %min3A_315 = arith.minsi %select_n3A_312, %min3A_314 : vector<16xi32>
        %add3A_316 = vector.broadcast %mul3A_15 : i32 to vector<16xi32>
        %add3A_317 = arith.addi %min3A_315, %add3A_316 : vector<16xi32>
        %swap3A_318 = arith.index_cast %add3A_288 : i32 to index
        %swap3A_319 = tpu.vector_load %arg9[%swap3A_318] {strides = array<i32>} : memref<16384xi32, #tpu.memory_space<vmem>>, vector<16xi32>,
        tpu.vector_store %arg9[%swap3A_318], %add3A_317 {strides = array<i32>} : memref<16384xi32, #tpu.memory_space<vmem>>, vector<16xi32>,
        %scan3A_320 = arith.constant 0 : i32
        scf.yield %scan3A_320 : i32
      }
      %scan3A_154 = arith.constant 512 : i32
      %add3A_155 = arith.addi %mul3A_15, %mul3A_2 : i32
      "tpu.region"() ({
        %run_scoped3A = tpu.sem_alloc : memref<!tpu.dma_semaphore, #tpu.memory_space<semaphore_mem>>
        %dma_start3A = tpu.memref_slice %arg4[%add3A_155] : memref<528384xi32, #tpu.memory_space<hbm>> -> memref<16384xi32, #tpu.memory_space<hbm>>
        %dma_start3A_252 = tpu.memref_slice %arg4[%add3A_155] : memref<528384xi32, #tpu.memory_space<hbm>> -> memref<16384xi32, #tpu.memory_space<hbm>>
        tpu.enqueue_dma source(%arg10 : memref<16384xi32, #tpu.memory_space<vmem>>) target(%dma_start3A_252 : memref<16384xi32, #tpu.memory_space<hbm>>) target_semaphore(%run_scoped3A : memref<!tpu.dma_semaphore, #tpu.memory_space<semaphore_mem>>)
        %dma_wait3A_253 = tpu.memref_slice %arg4[%add3A_155] : memref<528384xi32, #tpu.memory_space<hbm>> -> memref<16384xi32, #tpu.memory_space<hbm>>
        %dma_wait3A_254 = tpu.memref_slice %arg4[%add3A_155] : memref<528384xi32, #tpu.memory_space<hbm>> -> memref<16384xi32, #tpu.memory_space<hbm>>
        tpu.wait_dma2 semaphore(%run_scoped3A : memref<!tpu.dma_semaphore, #tpu.memory_space<semaphore_mem>>) src(%arg10 : memref<16384xi32, #tpu.memory_space<vmem>>) dst(%dma_wait3A_254 : memref<16384xi32, #tpu.memory_space<hbm>>)
        tpu.yield
      }) : () -> ()
      %scan3A_156 = arith.constant 0 : i32
      %scan3A_157 = arith.constant 0 : i32
      %scan3A_158 = arith.constant 128 : i32
      %scan3A_159 = arith.addi %scan3A_157, %scan3A_158 : i32
      %scan3A_160 = arith.constant 1 : i32
      %scan3A_161 = scf.for %scan3A_252 = %scan3A_157 to %scan3A_159 step %scan3A_160 iter_args(%scan3A_253 = %scan3A_156) -> (i32)  : i32 {
        %swap3A_254 = arith.constant 1 : i32
        %swap3A_255 = arith.index_cast %scan3A_252 : i32 to index
        %swap3A_256 = memref.load %arg15[%swap3A_255] : memref<128xi32, #tpu.memory_space<smem>>
        memref.store %swap3A_254, %arg15[%swap3A_255] : memref<128xi32, #tpu.memory_space<smem>>
        %scan3A_257 = arith.constant 0 : i32
        scf.yield %scan3A_257 : i32
      }
      %scan3A_162 = arith.constant 128 : i32
      %barrier3A_163 = arith.constant 0 : index
      tpu.barrier barrier_id(%barrier3A_163)
      %while3A_164 = arith.constant 1 : i32
      %while3A_165 = arith.constant 0 : i32
      %while3A_166:2 = scf.while (%while3A_252 = %while3A_164, %while3A_253 = %while3A_165) : (i32, i32) -> (i32, i32) {
        %gt3A_254 = arith.constant 0 : i32
        %gt3A_255 = arith.cmpi sgt, %while3A_252, %gt3A_254 : i32
        %lt3A_256 = arith.constant 100 : i32
        %lt3A_257 = arith.cmpi slt, %while3A_253, %lt3A_256 : i32
        %and3A_258 = arith.andi %gt3A_255, %lt3A_257 : i1
        scf.condition(%and3A_258) %while3A_252, %while3A_253 : i32, i32
      } do {
      ^bb0(%while3A_252: i32, %while3A_253: i32):
        %scan3A_254 = arith.constant 0 : i32
        %scan3A_255 = arith.constant 0 : i32
        %scan3A_256 = arith.constant 128 : i32
        %scan3A_257 = arith.addi %scan3A_255, %scan3A_256 : i32
        %scan3A_258 = arith.constant 1 : i32
        %scan3A_259 = scf.for %scan3A_330 = %scan3A_255 to %scan3A_257 step %scan3A_258 iter_args(%scan3A_331 = %scan3A_254) -> (i32)  : i32 {
          %get3A_332 = arith.index_cast %scan3A_330 : i32 to index
          %get3A_333 = memref.load %arg15[%get3A_332] : memref<128xi32, #tpu.memory_space<smem>>
          %gt3A_334 = arith.constant 0 : i32
          %gt3A_335 = arith.cmpi sgt, %get3A_333, %gt3A_334 : i32
          %convert_element_type3A_336 = arith.extui %gt3A_335 : i1 to i32
          %cond3A_337 = arith.constant 0 : i32
          %cond3A_338 = arith.cmpi ne, %convert_element_type3A_336, %cond3A_337 : i32
          scf.if %cond3A_338 {
            %mul3A_340 = arith.constant 128 : i32
            %mul3A_341 = arith.muli %scan3A_330, %mul3A_340 : i32
            %mul3A_342 = arith.constant 128 : i32
            %mul3A_343 = arith.muli %scan3A_330, %mul3A_342 : i32
            %dma_start3A = tpu.memref_slice %arg12[%mul3A_343] : memref<16384xi32, #tpu.memory_space<vmem>> -> memref<128xi32, #tpu.memory_space<vmem>>
            %dma_start3A_344 = tpu.memref_slice %arg9[%mul3A_341] : memref<16384xi32, #tpu.memory_space<vmem>> -> memref<128xi32, #tpu.memory_space<vmem>>
            %dma_start3A_345 = arith.constant 0 : i32
            %dma_start3A_346 = tpu.memref_slice %arg4[%dma_start3A_345] : memref<528384xi32, #tpu.memory_space<hbm>> -> memref<528384xi32, #tpu.memory_space<hbm>>
            tpu.enqueue_indirect_dma source(%dma_start3A_346 : memref<528384xi32, #tpu.memory_space<hbm>>) target(%dma_start3A : memref<128xi32, #tpu.memory_space<vmem>>) offsets(%dma_start3A_344 : memref<128xi32, #tpu.memory_space<vmem>>) semaphore(%arg16 : memref<!tpu.dma_semaphore, #tpu.memory_space<semaphore_mem>>)
          } else {
          }
          %scan3A_339 = arith.constant 0 : i32
          scf.yield %scan3A_339 : i32
        }
        %scan3A_260 = arith.constant 128 : i32
        %scan3A_261 = arith.constant 0 : i32
        %scan3A_262 = arith.constant 0 : i32
        %scan3A_263 = arith.constant 128 : i32
        %scan3A_264 = arith.addi %scan3A_262, %scan3A_263 : i32
        %scan3A_265 = arith.constant 1 : i32
        %scan3A_266 = scf.for %scan3A_330 = %scan3A_262 to %scan3A_264 step %scan3A_265 iter_args(%scan3A_331 = %scan3A_261) -> (i32)  : i32 {
          %get3A_332 = arith.index_cast %scan3A_330 : i32 to index
          %get3A_333 = memref.load %arg15[%get3A_332] : memref<128xi32, #tpu.memory_space<smem>>
          %swap3A_334 = arith.constant 0 : i32
          %swap3A_335 = arith.index_cast %scan3A_330 : i32 to index
          %swap3A_336 = memref.load %arg15[%swap3A_335] : memref<128xi32, #tpu.memory_space<smem>>
          memref.store %swap3A_334, %arg15[%swap3A_335] : memref<128xi32, #tpu.memory_space<smem>>
          %gt3A_337 = arith.constant 0 : i32
          %gt3A_338 = arith.cmpi sgt, %get3A_333, %gt3A_337 : i32
          %convert_element_type3A_339 = arith.extui %gt3A_338 : i1 to i32
          %cond3A_340 = arith.constant 0 : i32
          %cond3A_341 = arith.cmpi ne, %convert_element_type3A_339, %cond3A_340 : i32
          scf.if %cond3A_341 {
            %mul3A_345 = arith.constant 128 : i32
            %mul3A_346 = arith.muli %scan3A_330, %mul3A_345 : i32
            %dma_wait3A_347 = tpu.memref_slice %arg12[%mul3A_346] : memref<16384xi32, #tpu.memory_space<vmem>> -> memref<128xi32, #tpu.memory_space<vmem>>
            %dma_wait3A_348 = arith.constant 0 : i32
            %dma_wait3A_349 = tpu.memref_slice %arg4[%dma_wait3A_348] : memref<528384xi32, #tpu.memory_space<hbm>> -> memref<128xi32, #tpu.memory_space<hbm>>
            %dma_wait3A_350 = tpu.memref_slice %arg12[%mul3A_346] : memref<16384xi32, #tpu.memory_space<vmem>> -> memref<128xi32, #tpu.memory_space<vmem>>
            %dma_wait3A_351 = arith.constant 0 : i32
            %dma_wait3A_352 = tpu.memref_slice %arg4[%dma_wait3A_351] : memref<528384xi32, #tpu.memory_space<hbm>> -> memref<128xi32, #tpu.memory_space<hbm>>
            tpu.wait_dma2 semaphore(%arg16 : memref<!tpu.dma_semaphore, #tpu.memory_space<semaphore_mem>>) src(%dma_wait3A_352 : memref<128xi32, #tpu.memory_space<hbm>>) dst(%dma_wait3A_350 : memref<128xi32, #tpu.memory_space<vmem>>)
            %scan3A_353 = arith.constant 0 : i32
            %scan3A_354 = arith.constant 0 : i32
            %scan3A_355 = arith.constant 8 : i32
            %scan3A_356 = arith.addi %scan3A_354, %scan3A_355 : i32
            %scan3A_357 = arith.constant 1 : i32
            %scan3A_358 = scf.for %scan3A_362 = %scan3A_354 to %scan3A_356 step %scan3A_357 iter_args(%scan3A_363 = %scan3A_353) -> (i32)  : i32 {
              %mul3A_364 = arith.constant 128 : i32
              %mul3A_365 = arith.muli %scan3A_330, %mul3A_364 : i32
              %mul3A_366 = arith.constant 16 : i32
              %mul3A_367 = arith.muli %scan3A_362, %mul3A_366 : i32
              %add3A_368 = arith.addi %mul3A_365, %mul3A_367 : i32
              %get3A_369 = arith.index_cast %add3A_368 : i32 to index
              %get3A_370 = tpu.vector_load %arg9[%get3A_369] {strides = array<i32>} : memref<16384xi32, #tpu.memory_space<vmem>>, vector<16xi32>,
              %get3A_371 = arith.index_cast %add3A_368 : i32 to index
              %get3A_372 = tpu.vector_load %arg11[%get3A_371] {strides = array<i32>} : memref<16384xi32, #tpu.memory_space<vmem>>, vector<16xi32>,
              %get3A_373 = arith.index_cast %add3A_368 : i32 to index
              %get3A_374 = tpu.vector_load %arg12[%get3A_373] {strides = array<i32>} : memref<16384xi32, #tpu.memory_space<vmem>>, vector<16xi32>,
              %lt3A_375 = arith.cmpi slt, %get3A_372, %get3A_374 : vector<16xi32>
              %reduce_or3A = arith.constant 1.000000e+00 : f32
              %reduce_or3A_376 = arith.constant 0.000000e+00 : f32
              %reduce_or3A_377 = vector.broadcast %reduce_or3A : f32 to vector<16xf32>
              %reduce_or3A_378 = vector.broadcast %reduce_or3A_376 : f32 to vector<16xf32>
              %reduce_or3A_379 = arith.select %lt3A_375, %reduce_or3A_377, %reduce_or3A_378 : vector<16xi1>, vector<16xf32>
              %reduce_or3A_380 = arith.constant true
              %reduce_or3A_381 = vector.broadcast %reduce_or3A_380 : i1 to vector<16xi1>
              %reduce_or3A_382 = tpu.scan <max>, %reduce_or3A_379 masked %reduce_or3A_381 : vector<16xf32>, vector<16xi1> -> vector<16xf32>
              %reduce_or3A_383 = vector.extract %reduce_or3A_382[15] : f32 from vector<16xf32>
              %reduce_or3A_384 = arith.constant 0.000000e+00 : f32
              %reduce_or3A_385 = arith.cmpf ogt, %reduce_or3A_383, %reduce_or3A_384 : f32
              %convert_element_type3A_386 = arith.extui %reduce_or3A_385 : i1 to i32
              %cond3A_387 = arith.constant 0 : i32
              %cond3A_388 = arith.cmpi ne, %convert_element_type3A_386, %cond3A_387 : i32
              scf.if %cond3A_388 {
                %select_n3A = arith.select %lt3A_375, %get3A_370, %add3A_21 : vector<16xi1>, vector<16xi32>
                "tpu.region"() ({
                  %run_scoped3A = tpu.sem_alloc : memref<!tpu.dma_semaphore, #tpu.memory_space<semaphore_mem>>
                  %dma_start3A = tpu.memref_slice %arg11[%add3A_368] : memref<16384xi32, #tpu.memory_space<vmem>> -> memref<16xi32, #tpu.memory_space<vmem>>
                  %dma_start3A_390 = arith.constant 0 : i32
                  %dma_start3A_391 = tpu.memref_slice %arg4[%dma_start3A_390] : memref<528384xi32, #tpu.memory_space<hbm>> -> memref<528384xi32, #tpu.memory_space<hbm>>
                  tpu.enqueue_indirect_dma source(%dma_start3A : memref<16xi32, #tpu.memory_space<vmem>>) target(%dma_start3A_391 : memref<528384xi32, #tpu.memory_space<hbm>>) offsets(%select_n3A : vector<16xi32>) semaphore(%run_scoped3A : memref<!tpu.dma_semaphore, #tpu.memory_space<semaphore_mem>>)
                  %dma_wait3A_392 = tpu.memref_slice %arg11[%add3A_368] : memref<16384xi32, #tpu.memory_space<vmem>> -> memref<16xi32, #tpu.memory_space<vmem>>
                  %dma_wait3A_393 = arith.constant 0 : i32
                  %dma_wait3A_394 = tpu.memref_slice %arg4[%dma_wait3A_393] : memref<528384xi32, #tpu.memory_space<hbm>> -> memref<528384xi32, #tpu.memory_space<hbm>>
                  tpu.wait_indirect_dma semaphore(%run_scoped3A : memref<!tpu.dma_semaphore, #tpu.memory_space<semaphore_mem>>) src(%dma_wait3A_392 : memref<16xi32, #tpu.memory_space<vmem>>) dst(%dma_wait3A_394 : memref<528384xi32, #tpu.memory_space<hbm>>)
                  tpu.yield
                }) : () -> ()
              } else {
              }
              %convert_element_type3A_389 = arith.extui %reduce_or3A_385 : i1 to i32
              %or3A = arith.ori %scan3A_363, %convert_element_type3A_389 : i32
              scf.yield %or3A : i32
            }
            %scan3A_359 = arith.constant 8 : i32
            %swap3A_360 = arith.index_cast %scan3A_330 : i32 to index
            %swap3A_361 = memref.load %arg15[%swap3A_360] : memref<128xi32, #tpu.memory_space<smem>>
            memref.store %scan3A_358, %arg15[%swap3A_360] : memref<128xi32, #tpu.memory_space<smem>>
          } else {
          }
          %get3A_342 = arith.index_cast %scan3A_330 : i32 to index
          %get3A_343 = memref.load %arg15[%get3A_342] : memref<128xi32, #tpu.memory_space<smem>>
          %add3A_344 = arith.addi %scan3A_331, %get3A_343 : i32
          scf.yield %add3A_344 : i32
        }
        %scan3A_267 = arith.constant 128 : i32
        %broadcast_in_dim3A_268 = vector.broadcast %scan3A_266 : i32 to vector<16xi32>
        %swap3A_269 = arith.constant 0 : index
        %swap3A_270 = tpu.vector_load %arg13[%swap3A_269] {strides = array<i32>} : memref<16xi32, #tpu.memory_space<vmem>>, vector<16xi32>,
        tpu.vector_store %arg13[%swap3A_269], %broadcast_in_dim3A_268 {strides = array<i32>} : memref<16xi32, #tpu.memory_space<vmem>>, vector<16xi32>,
        %mul3A_271 = arith.constant 16 : i32
        %mul3A_272 = arith.muli %arg1, %mul3A_271 : i32
        "tpu.region"() ({
          %run_scoped3A = tpu.sem_alloc : memref<!tpu.dma_semaphore, #tpu.memory_space<semaphore_mem>>
          %dma_start3A = tpu.memref_slice %arg6[%mul3A_272] : memref<256xi32, #tpu.memory_space<vmem_shared>> -> memref<16xi32, #tpu.memory_space<vmem_shared>>
          %dma_start3A_330 = tpu.memref_slice %arg6[%mul3A_272] : memref<256xi32, #tpu.memory_space<vmem_shared>> -> memref<16xi32, #tpu.memory_space<vmem_shared>>
          tpu.enqueue_dma source(%arg13 : memref<16xi32, #tpu.memory_space<vmem>>) target(%dma_start3A_330 : memref<16xi32, #tpu.memory_space<vmem_shared>>) target_semaphore(%run_scoped3A : memref<!tpu.dma_semaphore, #tpu.memory_space<semaphore_mem>>)
          %dma_wait3A_331 = tpu.memref_slice %arg6[%mul3A_272] : memref<256xi32, #tpu.memory_space<vmem_shared>> -> memref<16xi32, #tpu.memory_space<vmem_shared>>
          %dma_wait3A_332 = tpu.memref_slice %arg6[%mul3A_272] : memref<256xi32, #tpu.memory_space<vmem_shared>> -> memref<16xi32, #tpu.memory_space<vmem_shared>>
          tpu.wait_dma2 semaphore(%run_scoped3A : memref<!tpu.dma_semaphore, #tpu.memory_space<semaphore_mem>>) src(%arg13 : memref<16xi32, #tpu.memory_space<vmem>>) dst(%dma_wait3A_332 : memref<16xi32, #tpu.memory_space<vmem_shared>>)
          tpu.yield
        }) : () -> ()
        %barrier3A_273 = arith.constant 0 : index
        tpu.barrier barrier_id(%barrier3A_273)
        "tpu.region"() ({
          %run_scoped3A = tpu.sem_alloc : memref<!tpu.dma_semaphore, #tpu.memory_space<semaphore_mem>>
          tpu.enqueue_dma source(%arg6 : memref<256xi32, #tpu.memory_space<vmem_shared>>) target(%arg14 : memref<256xi32, #tpu.memory_space<vmem>>) target_semaphore(%run_scoped3A : memref<!tpu.dma_semaphore, #tpu.memory_space<semaphore_mem>>)
          tpu.wait_dma2 semaphore(%run_scoped3A : memref<!tpu.dma_semaphore, #tpu.memory_space<semaphore_mem>>) src(%arg6 : memref<256xi32, #tpu.memory_space<vmem_shared>>) dst(%arg14 : memref<256xi32, #tpu.memory_space<vmem>>)
          tpu.yield
        }) : () -> ()
        %get3A_274 = arith.constant 0 : index
        %get3A_275 = tpu.vector_load %arg14[%get3A_274] {strides = array<i32>} : memref<256xi32, #tpu.memory_space<vmem>>, vector<16xi32>,
        %get3A_276 = arith.constant 16 : index
        %get3A_277 = tpu.vector_load %arg14[%get3A_276] {strides = array<i32>} : memref<256xi32, #tpu.memory_space<vmem>>, vector<16xi32>,
        %max3A = arith.maxsi %get3A_275, %get3A_277 : vector<16xi32>
        %get3A_278 = arith.constant 32 : index
        %get3A_279 = tpu.vector_load %arg14[%get3A_278] {strides = array<i32>} : memref<256xi32, #tpu.memory_space<vmem>>, vector<16xi32>,
        %max3A_280 = arith.maxsi %max3A, %get3A_279 : vector<16xi32>
        %get3A_281 = arith.constant 48 : index
        %get3A_282 = tpu.vector_load %arg14[%get3A_281] {strides = array<i32>} : memref<256xi32, #tpu.memory_space<vmem>>, vector<16xi32>,
        %max3A_283 = arith.maxsi %max3A_280, %get3A_282 : vector<16xi32>
        %get3A_284 = arith.constant 64 : index
        %get3A_285 = tpu.vector_load %arg14[%get3A_284] {strides = array<i32>} : memref<256xi32, #tpu.memory_space<vmem>>, vector<16xi32>,
        %max3A_286 = arith.maxsi %max3A_283, %get3A_285 : vector<16xi32>
        %get3A_287 = arith.constant 80 : index
        %get3A_288 = tpu.vector_load %arg14[%get3A_287] {strides = array<i32>} : memref<256xi32, #tpu.memory_space<vmem>>, vector<16xi32>,
        %max3A_289 = arith.maxsi %max3A_286, %get3A_288 : vector<16xi32>
        %get3A_290 = arith.constant 96 : index
        %get3A_291 = tpu.vector_load %arg14[%get3A_290] {strides = array<i32>} : memref<256xi32, #tpu.memory_space<vmem>>, vector<16xi32>,
        %max3A_292 = arith.maxsi %max3A_289, %get3A_291 : vector<16xi32>
        %get3A_293 = arith.constant 112 : index
        %get3A_294 = tpu.vector_load %arg14[%get3A_293] {strides = array<i32>} : memref<256xi32, #tpu.memory_space<vmem>>, vector<16xi32>,
        %max3A_295 = arith.maxsi %max3A_292, %get3A_294 : vector<16xi32>
        %get3A_296 = arith.constant 128 : index
        %get3A_297 = tpu.vector_load %arg14[%get3A_296] {strides = array<i32>} : memref<256xi32, #tpu.memory_space<vmem>>, vector<16xi32>,
        %max3A_298 = arith.maxsi %max3A_295, %get3A_297 : vector<16xi32>
        %get3A_299 = arith.constant 144 : index
        %get3A_300 = tpu.vector_load %arg14[%get3A_299] {strides = array<i32>} : memref<256xi32, #tpu.memory_space<vmem>>, vector<16xi32>,
        %max3A_301 = arith.maxsi %max3A_298, %get3A_300 : vector<16xi32>
        %get3A_302 = arith.constant 160 : index
        %get3A_303 = tpu.vector_load %arg14[%get3A_302] {strides = array<i32>} : memref<256xi32, #tpu.memory_space<vmem>>, vector<16xi32>,
        %max3A_304 = arith.maxsi %max3A_301, %get3A_303 : vector<16xi32>
        %get3A_305 = arith.constant 176 : index
        %get3A_306 = tpu.vector_load %arg14[%get3A_305] {strides = array<i32>} : memref<256xi32, #tpu.memory_space<vmem>>, vector<16xi32>,
        %max3A_307 = arith.maxsi %max3A_304, %get3A_306 : vector<16xi32>
        %get3A_308 = arith.constant 192 : index
        %get3A_309 = tpu.vector_load %arg14[%get3A_308] {strides = array<i32>} : memref<256xi32, #tpu.memory_space<vmem>>, vector<16xi32>,
        %max3A_310 = arith.maxsi %max3A_307, %get3A_309 : vector<16xi32>
        %get3A_311 = arith.constant 208 : index
        %get3A_312 = tpu.vector_load %arg14[%get3A_311] {strides = array<i32>} : memref<256xi32, #tpu.memory_space<vmem>>, vector<16xi32>,
        %max3A_313 = arith.maxsi %max3A_310, %get3A_312 : vector<16xi32>
        %get3A_314 = arith.constant 224 : index
        %get3A_315 = tpu.vector_load %arg14[%get3A_314] {strides = array<i32>} : memref<256xi32, #tpu.memory_space<vmem>>, vector<16xi32>,
        %max3A_316 = arith.maxsi %max3A_313, %get3A_315 : vector<16xi32>
        %get3A_317 = arith.constant 240 : index
        %get3A_318 = tpu.vector_load %arg14[%get3A_317] {strides = array<i32>} : memref<256xi32, #tpu.memory_space<vmem>>, vector<16xi32>,
        %max3A_319 = arith.maxsi %max3A_316, %get3A_318 : vector<16xi32>
        %barrier3A_320 = arith.constant 0 : index
        tpu.barrier barrier_id(%barrier3A_320)
        %reduce_max3A = arith.constant true
        %reduce_max3A_321 = vector.broadcast %reduce_max3A : i1 to vector<16xi1>
        %reduce_max3A_322 = arith.constant -2147483648 : i32
        %reduce_max3A_323 = vector.broadcast %reduce_max3A_322 : i32 to vector<16xi32>
        %reduce_max3A_324 = arith.xori %max3A_319, %reduce_max3A_323 : vector<16xi32>
        %reduce_max3A_325 = tpu.scan <max>, %reduce_max3A_324 masked %reduce_max3A_321 : vector<16xi32>, vector<16xi1> -> vector<16xi32>
        %reduce_max3A_326 = arith.xori %reduce_max3A_325, %reduce_max3A_323 : vector<16xi32>
        %reduce_max3A_327 = vector.extract %reduce_max3A_326[15] : i32 from vector<16xi32>
        %add3A_328 = arith.constant 1 : i32
        %add3A_329 = arith.addi %while3A_253, %add3A_328 : i32
        scf.yield %reduce_max3A_327, %add3A_329 : i32, i32
      }
      %add3A_167 = arith.addi %mul3A_15, %mul3A_2 : i32
      "tpu.region"() ({
        %run_scoped3A = tpu.sem_alloc : memref<!tpu.dma_semaphore, #tpu.memory_space<semaphore_mem>>
        %dma_start3A = tpu.memref_slice %arg4[%add3A_167] : memref<528384xi32, #tpu.memory_space<hbm>> -> memref<16384xi32, #tpu.memory_space<hbm>>
        %dma_start3A_252 = tpu.memref_slice %arg4[%add3A_167] : memref<528384xi32, #tpu.memory_space<hbm>> -> memref<16384xi32, #tpu.memory_space<hbm>>
        tpu.enqueue_dma source(%dma_start3A_252 : memref<16384xi32, #tpu.memory_space<hbm>>) target(%arg10 : memref<16384xi32, #tpu.memory_space<vmem>>) target_semaphore(%run_scoped3A : memref<!tpu.dma_semaphore, #tpu.memory_space<semaphore_mem>>)
        %dma_wait3A_253 = tpu.memref_slice %arg4[%add3A_167] : memref<528384xi32, #tpu.memory_space<hbm>> -> memref<16384xi32, #tpu.memory_space<hbm>>
        %dma_wait3A_254 = tpu.memref_slice %arg4[%add3A_167] : memref<528384xi32, #tpu.memory_space<hbm>> -> memref<16384xi32, #tpu.memory_space<hbm>>
        tpu.wait_dma2 semaphore(%run_scoped3A : memref<!tpu.dma_semaphore, #tpu.memory_space<semaphore_mem>>) src(%dma_wait3A_254 : memref<16384xi32, #tpu.memory_space<hbm>>) dst(%arg10 : memref<16384xi32, #tpu.memory_space<vmem>>)
        tpu.yield
      }) : () -> ()
      %scan3A_168 = arith.constant 0 : i32
      %scan3A_169 = arith.constant 0 : i32
      %scan3A_170 = arith.constant 512 : i32
      %scan3A_171 = arith.addi %scan3A_169, %scan3A_170 : i32
      %scan3A_172 = arith.constant 1 : i32
      %scan3A_173 = scf.for %scan3A_252 = %scan3A_169 to %scan3A_171 step %scan3A_172 iter_args(%scan3A_253 = %scan3A_168) -> (i32)  : i32 {
        %mul3A_254 = arith.constant 32 : i32
        %mul3A_255 = arith.muli %scan3A_252, %mul3A_254 : i32
        %add3A_256 = arith.constant 0 : i32
        %add3A_257 = arith.addi %mul3A_255, %add3A_256 : i32
        %get3A_258 = arith.index_cast %add3A_257 : i32 to index
        %get3A_259 = tpu.vector_load %arg10[%get3A_258] {strides = array<i32>} : memref<16384xi32, #tpu.memory_space<vmem>>, vector<16xi32>,
        %ge3A = arith.constant 262144 : i32
        %ge3A_260 = vector.broadcast %ge3A : i32 to vector<16xi32>
        %ge3A_261 = arith.cmpi sge, %get3A_259, %ge3A_260 : vector<16xi32>
        %sub3A = arith.constant 262144 : i32
        %sub3A_262 = vector.broadcast %sub3A : i32 to vector<16xi32>
        %sub3A_263 = arith.subi %get3A_259, %sub3A_262 : vector<16xi32>
        %select_n3A = arith.select %ge3A_261, %sub3A_263, %get3A_259 : vector<16xi1>, vector<16xi32>
        %min3A_264 = arith.constant 262143 : i32
        %min3A_265 = vector.broadcast %min3A_264 : i32 to vector<16xi32>
        %min3A_266 = arith.minsi %select_n3A, %min3A_265 : vector<16xi32>
        %add3A_267 = vector.broadcast %mul3A_15 : i32 to vector<16xi32>
        %add3A_268 = arith.addi %min3A_266, %add3A_267 : vector<16xi32>
        %swap3A_269 = arith.index_cast %add3A_257 : i32 to index
        %swap3A_270 = tpu.vector_load %arg9[%swap3A_269] {strides = array<i32>} : memref<16384xi32, #tpu.memory_space<vmem>>, vector<16xi32>,
        tpu.vector_store %arg9[%swap3A_269], %add3A_268 {strides = array<i32>} : memref<16384xi32, #tpu.memory_space<vmem>>, vector<16xi32>,
        %mul3A_271 = arith.constant 32 : i32
        %mul3A_272 = arith.muli %scan3A_252, %mul3A_271 : i32
        %add3A_273 = arith.constant 16 : i32
        %add3A_274 = arith.addi %mul3A_272, %add3A_273 : i32
        %get3A_275 = arith.index_cast %add3A_274 : i32 to index
        %get3A_276 = tpu.vector_load %arg10[%get3A_275] {strides = array<i32>} : memref<16384xi32, #tpu.memory_space<vmem>>, vector<16xi32>,
        %ge3A_277 = arith.constant 262144 : i32
        %ge3A_278 = vector.broadcast %ge3A_277 : i32 to vector<16xi32>
        %ge3A_279 = arith.cmpi sge, %get3A_276, %ge3A_278 : vector<16xi32>
        %sub3A_280 = arith.constant 262144 : i32
        %sub3A_281 = vector.broadcast %sub3A_280 : i32 to vector<16xi32>
        %sub3A_282 = arith.subi %get3A_276, %sub3A_281 : vector<16xi32>
        %select_n3A_283 = arith.select %ge3A_279, %sub3A_282, %get3A_276 : vector<16xi1>, vector<16xi32>
        %min3A_284 = arith.constant 262143 : i32
        %min3A_285 = vector.broadcast %min3A_284 : i32 to vector<16xi32>
        %min3A_286 = arith.minsi %select_n3A_283, %min3A_285 : vector<16xi32>
        %add3A_287 = vector.broadcast %mul3A_15 : i32 to vector<16xi32>
        %add3A_288 = arith.addi %min3A_286, %add3A_287 : vector<16xi32>
        %swap3A_289 = arith.index_cast %add3A_274 : i32 to index
        %swap3A_290 = tpu.vector_load %arg9[%swap3A_289] {strides = array<i32>} : memref<16384xi32, #tpu.memory_space<vmem>>, vector<16xi32>,
        tpu.vector_store %arg9[%swap3A_289], %add3A_288 {strides = array<i32>} : memref<16384xi32, #tpu.memory_space<vmem>>, vector<16xi32>,
        %scan3A_291 = arith.constant 0 : i32
        scf.yield %scan3A_291 : i32
      }
      %scan3A_174 = arith.constant 512 : i32
      %scan3A_175 = arith.constant 0 : i32
      %scan3A_176 = arith.constant 0 : i32
      %scan3A_177 = arith.constant 128 : i32
      %scan3A_178 = arith.addi %scan3A_176, %scan3A_177 : i32
      %scan3A_179 = arith.constant 1 : i32
      %scan3A_180 = scf.for %scan3A_252 = %scan3A_176 to %scan3A_178 step %scan3A_179 iter_args(%scan3A_253 = %scan3A_175) -> (i32)  : i32 {
        %mul3A_254 = arith.constant 128 : i32
        %mul3A_255 = arith.muli %scan3A_252, %mul3A_254 : i32
        %mul3A_256 = arith.constant 128 : i32
        %mul3A_257 = arith.muli %scan3A_252, %mul3A_256 : i32
        %dma_start3A = tpu.memref_slice %arg11[%mul3A_257] : memref<16384xi32, #tpu.memory_space<vmem>> -> memref<128xi32, #tpu.memory_space<vmem>>
        %dma_start3A_258 = tpu.memref_slice %arg9[%mul3A_255] : memref<16384xi32, #tpu.memory_space<vmem>> -> memref<128xi32, #tpu.memory_space<vmem>>
        %dma_start3A_259 = arith.constant 0 : i32
        %dma_start3A_260 = tpu.memref_slice %arg4[%dma_start3A_259] : memref<528384xi32, #tpu.memory_space<hbm>> -> memref<528384xi32, #tpu.memory_space<hbm>>
        tpu.enqueue_indirect_dma source(%dma_start3A_260 : memref<528384xi32, #tpu.memory_space<hbm>>) target(%dma_start3A : memref<128xi32, #tpu.memory_space<vmem>>) offsets(%dma_start3A_258 : memref<128xi32, #tpu.memory_space<vmem>>) semaphore(%arg16 : memref<!tpu.dma_semaphore, #tpu.memory_space<semaphore_mem>>)
        %scan3A_261 = arith.constant 0 : i32
        scf.yield %scan3A_261 : i32
      }
      %scan3A_181 = arith.constant 128 : i32
      %dma_wait3A_182 = arith.constant 0 : i32
      %dma_wait3A_183 = tpu.memref_slice %arg4[%dma_wait3A_182] : memref<528384xi32, #tpu.memory_space<hbm>> -> memref<16384xi32, #tpu.memory_space<hbm>>
      %dma_wait3A_184 = arith.constant 0 : i32
      %dma_wait3A_185 = tpu.memref_slice %arg4[%dma_wait3A_184] : memref<528384xi32, #tpu.memory_space<hbm>> -> memref<16384xi32, #tpu.memory_space<hbm>>
      tpu.wait_dma2 semaphore(%arg16 : memref<!tpu.dma_semaphore, #tpu.memory_space<semaphore_mem>>) src(%dma_wait3A_185 : memref<16384xi32, #tpu.memory_space<hbm>>) dst(%arg11 : memref<16384xi32, #tpu.memory_space<vmem>>)
      %scan3A_186 = arith.constant 1 : i32
      %scan3A_187 = arith.constant 0 : i32
      %scan3A_188 = arith.constant 512 : i32
      %scan3A_189 = arith.addi %scan3A_187, %scan3A_188 : i32
      %scan3A_190 = arith.constant 1 : i32
      %scan3A_191 = scf.for %scan3A_252 = %scan3A_187 to %scan3A_189 step %scan3A_190 iter_args(%scan3A_253 = %scan3A_186) -> (i32)  : i32 {
        %mul3A_254 = arith.constant 32 : i32
        %mul3A_255 = arith.muli %scan3A_252, %mul3A_254 : i32
        %add3A_256 = arith.constant 0 : i32
        %add3A_257 = arith.addi %mul3A_255, %add3A_256 : i32
        %get3A_258 = arith.index_cast %add3A_257 : i32 to index
        %get3A_259 = tpu.vector_load %arg10[%get3A_258] {strides = array<i32>} : memref<16384xi32, #tpu.memory_space<vmem>>, vector<16xi32>,
        %get3A_260 = arith.index_cast %add3A_257 : i32 to index
        %get3A_261 = tpu.vector_load %arg11[%get3A_260] {strides = array<i32>} : memref<16384xi32, #tpu.memory_space<vmem>>, vector<16xi32>,
        %lt3A_262 = arith.constant 524288 : i32
        %lt3A_263 = vector.broadcast %lt3A_262 : i32 to vector<16xi32>
        %lt3A_264 = arith.cmpi slt, %get3A_259, %lt3A_263 : vector<16xi32>
        %select_n3A = arith.select %lt3A_264, %get3A_261, %get3A_259 : vector<16xi1>, vector<16xi32>
        %swap3A_265 = arith.index_cast %add3A_257 : i32 to index
        %swap3A_266 = tpu.vector_load %arg10[%swap3A_265] {strides = array<i32>} : memref<16384xi32, #tpu.memory_space<vmem>>, vector<16xi32>,
        tpu.vector_store %arg10[%swap3A_265], %select_n3A {strides = array<i32>} : memref<16384xi32, #tpu.memory_space<vmem>>, vector<16xi32>,
        %add3A_267 = arith.constant 512 : i32
        %add3A_268 = arith.addi %add3A_257, %add3A_267 : i32
        %get3A_269 = arith.index_cast %add3A_268 : i32 to index
        %get3A_270 = tpu.vector_load %arg7[%get3A_269] {strides = array<i32>} : memref<17408xi32, #tpu.memory_space<vmem>>, vector<16xi32>,
        %eq3A_271 = arith.cmpi eq, %select_n3A, %get3A_270 : vector<16xi32>
        %reduce_and3A = arith.constant 1.000000e+00 : f32
        %reduce_and3A_272 = arith.constant 0.000000e+00 : f32
        %reduce_and3A_273 = vector.broadcast %reduce_and3A : f32 to vector<16xf32>
        %reduce_and3A_274 = vector.broadcast %reduce_and3A_272 : f32 to vector<16xf32>
        %reduce_and3A_275 = arith.select %eq3A_271, %reduce_and3A_273, %reduce_and3A_274 : vector<16xi1>, vector<16xf32>
        %reduce_and3A_276 = arith.constant true
        %reduce_and3A_277 = vector.broadcast %reduce_and3A_276 : i1 to vector<16xi1>
        %reduce_and3A_278 = tpu.scan <min>, %reduce_and3A_275 masked %reduce_and3A_277 : vector<16xf32>, vector<16xi1> -> vector<16xf32>
        %reduce_and3A_279 = vector.extract %reduce_and3A_278[15] : f32 from vector<16xf32>
        %reduce_and3A_280 = arith.constant 0.000000e+00 : f32
        %reduce_and3A_281 = arith.cmpf ogt, %reduce_and3A_279, %reduce_and3A_280 : f32
        %convert_element_type3A_282 = arith.extui %reduce_and3A_281 : i1 to i32
        %and3A_283 = arith.andi %scan3A_253, %convert_element_type3A_282 : i32
        %mul3A_284 = arith.constant 32 : i32
        %mul3A_285 = arith.muli %scan3A_252, %mul3A_284 : i32
        %add3A_286 = arith.constant 16 : i32
        %add3A_287 = arith.addi %mul3A_285, %add3A_286 : i32
        %get3A_288 = arith.index_cast %add3A_287 : i32 to index
        %get3A_289 = tpu.vector_load %arg10[%get3A_288] {strides = array<i32>} : memref<16384xi32, #tpu.memory_space<vmem>>, vector<16xi32>,
        %get3A_290 = arith.index_cast %add3A_287 : i32 to index
        %get3A_291 = tpu.vector_load %arg11[%get3A_290] {strides = array<i32>} : memref<16384xi32, #tpu.memory_space<vmem>>, vector<16xi32>,
        %lt3A_292 = arith.constant 524288 : i32
        %lt3A_293 = vector.broadcast %lt3A_292 : i32 to vector<16xi32>
        %lt3A_294 = arith.cmpi slt, %get3A_289, %lt3A_293 : vector<16xi32>
        %select_n3A_295 = arith.select %lt3A_294, %get3A_291, %get3A_289 : vector<16xi1>, vector<16xi32>
        %swap3A_296 = arith.index_cast %add3A_287 : i32 to index
        %swap3A_297 = tpu.vector_load %arg10[%swap3A_296] {strides = array<i32>} : memref<16384xi32, #tpu.memory_space<vmem>>, vector<16xi32>,
        tpu.vector_store %arg10[%swap3A_296], %select_n3A_295 {strides = array<i32>} : memref<16384xi32, #tpu.memory_space<vmem>>, vector<16xi32>,
        %add3A_298 = arith.constant 512 : i32
        %add3A_299 = arith.addi %add3A_287, %add3A_298 : i32
        %get3A_300 = arith.index_cast %add3A_299 : i32 to index
        %get3A_301 = tpu.vector_load %arg7[%get3A_300] {strides = array<i32>} : memref<17408xi32, #tpu.memory_space<vmem>>, vector<16xi32>,
        %eq3A_302 = arith.cmpi eq, %select_n3A_295, %get3A_301 : vector<16xi32>
        %reduce_and3A_303 = arith.constant 1.000000e+00 : f32
        %reduce_and3A_304 = arith.constant 0.000000e+00 : f32
        %reduce_and3A_305 = vector.broadcast %reduce_and3A_303 : f32 to vector<16xf32>
        %reduce_and3A_306 = vector.broadcast %reduce_and3A_304 : f32 to vector<16xf32>
        %reduce_and3A_307 = arith.select %eq3A_302, %reduce_and3A_305, %reduce_and3A_306 : vector<16xi1>, vector<16xf32>
        %reduce_and3A_308 = arith.constant true
        %reduce_and3A_309 = vector.broadcast %reduce_and3A_308 : i1 to vector<16xi1>
        %reduce_and3A_310 = tpu.scan <min>, %reduce_and3A_307 masked %reduce_and3A_309 : vector<16xf32>, vector<16xi1> -> vector<16xf32>
        %reduce_and3A_311 = vector.extract %reduce_and3A_310[15] : f32 from vector<16xf32>
        %reduce_and3A_312 = arith.constant 0.000000e+00 : f32
        %reduce_and3A_313 = arith.cmpf ogt, %reduce_and3A_311, %reduce_and3A_312 : f32
        %convert_element_type3A_314 = arith.extui %reduce_and3A_313 : i1 to i32
        %and3A_315 = arith.andi %and3A_283, %convert_element_type3A_314 : i32
        scf.yield %and3A_315 : i32
      }
      %scan3A_192 = arith.constant 512 : i32
      "tpu.region"() ({
        %run_scoped3A = tpu.sem_alloc : memref<!tpu.dma_semaphore, #tpu.memory_space<semaphore_mem>>
        %dma_start3A = tpu.memref_slice %arg5[%mul3A_2] : memref<262144xi32, #tpu.memory_space<vmem_shared>> -> memref<16384xi32, #tpu.memory_space<vmem_shared>>
        %dma_start3A_252 = tpu.memref_slice %arg5[%mul3A_2] : memref<262144xi32, #tpu.memory_space<vmem_shared>> -> memref<16384xi32, #tpu.memory_space<vmem_shared>>
        tpu.enqueue_dma source(%arg10 : memref<16384xi32, #tpu.memory_space<vmem>>) target(%dma_start3A_252 : memref<16384xi32, #tpu.memory_space<vmem_shared>>) target_semaphore(%run_scoped3A : memref<!tpu.dma_semaphore, #tpu.memory_space<semaphore_mem>>)
        %dma_wait3A_253 = tpu.memref_slice %arg5[%mul3A_2] : memref<262144xi32, #tpu.memory_space<vmem_shared>> -> memref<16384xi32, #tpu.memory_space<vmem_shared>>
        %dma_wait3A_254 = tpu.memref_slice %arg5[%mul3A_2] : memref<262144xi32, #tpu.memory_space<vmem_shared>> -> memref<16384xi32, #tpu.memory_space<vmem_shared>>
        tpu.wait_dma2 semaphore(%run_scoped3A : memref<!tpu.dma_semaphore, #tpu.memory_space<semaphore_mem>>) src(%arg10 : memref<16384xi32, #tpu.memory_space<vmem>>) dst(%dma_wait3A_254 : memref<16384xi32, #tpu.memory_space<vmem_shared>>)
        tpu.yield
      }) : () -> ()
      %broadcast_in_dim3A = vector.broadcast %scan3A_191 : i32 to vector<16xi32>
      %swap3A = arith.constant 0 : index
      %swap3A_193 = tpu.vector_load %arg13[%swap3A] {strides = array<i32>} : memref<16xi32, #tpu.memory_space<vmem>>, vector<16xi32>,
      tpu.vector_store %arg13[%swap3A], %broadcast_in_dim3A {strides = array<i32>} : memref<16xi32, #tpu.memory_space<vmem>>, vector<16xi32>,
      %mul3A_194 = arith.constant 16 : i32
      %mul3A_195 = arith.muli %arg1, %mul3A_194 : i32
      "tpu.region"() ({
        %run_scoped3A = tpu.sem_alloc : memref<!tpu.dma_semaphore, #tpu.memory_space<semaphore_mem>>
        %dma_start3A = tpu.memref_slice %arg6[%mul3A_195] : memref<256xi32, #tpu.memory_space<vmem_shared>> -> memref<16xi32, #tpu.memory_space<vmem_shared>>
        %dma_start3A_252 = tpu.memref_slice %arg6[%mul3A_195] : memref<256xi32, #tpu.memory_space<vmem_shared>> -> memref<16xi32, #tpu.memory_space<vmem_shared>>
        tpu.enqueue_dma source(%arg13 : memref<16xi32, #tpu.memory_space<vmem>>) target(%dma_start3A_252 : memref<16xi32, #tpu.memory_space<vmem_shared>>) target_semaphore(%run_scoped3A : memref<!tpu.dma_semaphore, #tpu.memory_space<semaphore_mem>>)
        %dma_wait3A_253 = tpu.memref_slice %arg6[%mul3A_195] : memref<256xi32, #tpu.memory_space<vmem_shared>> -> memref<16xi32, #tpu.memory_space<vmem_shared>>
        %dma_wait3A_254 = tpu.memref_slice %arg6[%mul3A_195] : memref<256xi32, #tpu.memory_space<vmem_shared>> -> memref<16xi32, #tpu.memory_space<vmem_shared>>
        tpu.wait_dma2 semaphore(%run_scoped3A : memref<!tpu.dma_semaphore, #tpu.memory_space<semaphore_mem>>) src(%arg13 : memref<16xi32, #tpu.memory_space<vmem>>) dst(%dma_wait3A_254 : memref<16xi32, #tpu.memory_space<vmem_shared>>)
        tpu.yield
      }) : () -> ()
      %barrier3A_196 = arith.constant 0 : index
      tpu.barrier barrier_id(%barrier3A_196)
      "tpu.region"() ({
        %run_scoped3A = tpu.sem_alloc : memref<!tpu.dma_semaphore, #tpu.memory_space<semaphore_mem>>
        tpu.enqueue_dma source(%arg6 : memref<256xi32, #tpu.memory_space<vmem_shared>>) target(%arg14 : memref<256xi32, #tpu.memory_space<vmem>>) target_semaphore(%run_scoped3A : memref<!tpu.dma_semaphore, #tpu.memory_space<semaphore_mem>>)
        tpu.wait_dma2 semaphore(%run_scoped3A : memref<!tpu.dma_semaphore, #tpu.memory_space<semaphore_mem>>) src(%arg6 : memref<256xi32, #tpu.memory_space<vmem_shared>>) dst(%arg14 : memref<256xi32, #tpu.memory_space<vmem>>)
        tpu.yield
      }) : () -> ()
      %get3A = arith.constant 0 : index
      %get3A_197 = tpu.vector_load %arg14[%get3A] {strides = array<i32>} : memref<256xi32, #tpu.memory_space<vmem>>, vector<16xi32>,
      %get3A_198 = arith.constant 16 : index
      %get3A_199 = tpu.vector_load %arg14[%get3A_198] {strides = array<i32>} : memref<256xi32, #tpu.memory_space<vmem>>, vector<16xi32>,
      %min3A = arith.minsi %get3A_197, %get3A_199 : vector<16xi32>
      %get3A_200 = arith.constant 32 : index
      %get3A_201 = tpu.vector_load %arg14[%get3A_200] {strides = array<i32>} : memref<256xi32, #tpu.memory_space<vmem>>, vector<16xi32>,
      %min3A_202 = arith.minsi %min3A, %get3A_201 : vector<16xi32>
      %get3A_203 = arith.constant 48 : index
      %get3A_204 = tpu.vector_load %arg14[%get3A_203] {strides = array<i32>} : memref<256xi32, #tpu.memory_space<vmem>>, vector<16xi32>,
      %min3A_205 = arith.minsi %min3A_202, %get3A_204 : vector<16xi32>
      %get3A_206 = arith.constant 64 : index
      %get3A_207 = tpu.vector_load %arg14[%get3A_206] {strides = array<i32>} : memref<256xi32, #tpu.memory_space<vmem>>, vector<16xi32>,
      %min3A_208 = arith.minsi %min3A_205, %get3A_207 : vector<16xi32>
      %get3A_209 = arith.constant 80 : index
      %get3A_210 = tpu.vector_load %arg14[%get3A_209] {strides = array<i32>} : memref<256xi32, #tpu.memory_space<vmem>>, vector<16xi32>,
      %min3A_211 = arith.minsi %min3A_208, %get3A_210 : vector<16xi32>
      %get3A_212 = arith.constant 96 : index
      %get3A_213 = tpu.vector_load %arg14[%get3A_212] {strides = array<i32>} : memref<256xi32, #tpu.memory_space<vmem>>, vector<16xi32>,
      %min3A_214 = arith.minsi %min3A_211, %get3A_213 : vector<16xi32>
      %get3A_215 = arith.constant 112 : index
      %get3A_216 = tpu.vector_load %arg14[%get3A_215] {strides = array<i32>} : memref<256xi32, #tpu.memory_space<vmem>>, vector<16xi32>,
      %min3A_217 = arith.minsi %min3A_214, %get3A_216 : vector<16xi32>
      %get3A_218 = arith.constant 128 : index
      %get3A_219 = tpu.vector_load %arg14[%get3A_218] {strides = array<i32>} : memref<256xi32, #tpu.memory_space<vmem>>, vector<16xi32>,
      %min3A_220 = arith.minsi %min3A_217, %get3A_219 : vector<16xi32>
      %get3A_221 = arith.constant 144 : index
      %get3A_222 = tpu.vector_load %arg14[%get3A_221] {strides = array<i32>} : memref<256xi32, #tpu.memory_space<vmem>>, vector<16xi32>,
      %min3A_223 = arith.minsi %min3A_220, %get3A_222 : vector<16xi32>
      %get3A_224 = arith.constant 160 : index
      %get3A_225 = tpu.vector_load %arg14[%get3A_224] {strides = array<i32>} : memref<256xi32, #tpu.memory_space<vmem>>, vector<16xi32>,
      %min3A_226 = arith.minsi %min3A_223, %get3A_225 : vector<16xi32>
      %get3A_227 = arith.constant 176 : index
      %get3A_228 = tpu.vector_load %arg14[%get3A_227] {strides = array<i32>} : memref<256xi32, #tpu.memory_space<vmem>>, vector<16xi32>,
      %min3A_229 = arith.minsi %min3A_226, %get3A_228 : vector<16xi32>
      %get3A_230 = arith.constant 192 : index
      %get3A_231 = tpu.vector_load %arg14[%get3A_230] {strides = array<i32>} : memref<256xi32, #tpu.memory_space<vmem>>, vector<16xi32>,
      %min3A_232 = arith.minsi %min3A_229, %get3A_231 : vector<16xi32>
      %get3A_233 = arith.constant 208 : index
      %get3A_234 = tpu.vector_load %arg14[%get3A_233] {strides = array<i32>} : memref<256xi32, #tpu.memory_space<vmem>>, vector<16xi32>,
      %min3A_235 = arith.minsi %min3A_232, %get3A_234 : vector<16xi32>
      %get3A_236 = arith.constant 224 : index
      %get3A_237 = tpu.vector_load %arg14[%get3A_236] {strides = array<i32>} : memref<256xi32, #tpu.memory_space<vmem>>, vector<16xi32>,
      %min3A_238 = arith.minsi %min3A_235, %get3A_237 : vector<16xi32>
      %get3A_239 = arith.constant 240 : index
      %get3A_240 = tpu.vector_load %arg14[%get3A_239] {strides = array<i32>} : memref<256xi32, #tpu.memory_space<vmem>>, vector<16xi32>,
      %min3A_241 = arith.minsi %min3A_238, %get3A_240 : vector<16xi32>
      %barrier3A_242 = arith.constant 0 : index
      tpu.barrier barrier_id(%barrier3A_242)
      %reduce_min3A = arith.constant true
      %reduce_min3A_243 = vector.broadcast %reduce_min3A : i1 to vector<16xi1>
      %reduce_min3A_244 = arith.constant -2147483648 : i32
      %reduce_min3A_245 = vector.broadcast %reduce_min3A_244 : i32 to vector<16xi32>
      %reduce_min3A_246 = arith.xori %min3A_241, %reduce_min3A_245 : vector<16xi32>
      %reduce_min3A_247 = tpu.scan <min>, %reduce_min3A_246 masked %reduce_min3A_243 : vector<16xi32>, vector<16xi1> -> vector<16xi32>
      %reduce_min3A_248 = arith.xori %reduce_min3A_247, %reduce_min3A_245 : vector<16xi32>
      %reduce_min3A_249 = vector.extract %reduce_min3A_248[15] : i32 from vector<16xi32>
      %add3A_250 = arith.constant 1 : i32
      %add3A_251 = arith.addi %while3A_108, %add3A_250 : i32
      scf.yield %add3A_251, %reduce_min3A_249 : i32, i32
    }
    %barrier3A = arith.constant 0 : index
    tpu.barrier barrier_id(%barrier3A)
    %scan3A_53 = arith.constant 0 : i32
    %scan3A_54 = arith.constant 0 : i32
    %scan3A_55 = arith.constant 32 : i32
    %scan3A_56 = arith.addi %scan3A_54, %scan3A_55 : i32
    %scan3A_57 = arith.constant 1 : i32
    %scan3A_58 = scf.for %scan3A_108 = %scan3A_54 to %scan3A_56 step %scan3A_57 iter_args(%scan3A_109 = %scan3A_53) -> (i32)  : i32 {
      %add3A_110 = arith.addi %mul3A_0, %scan3A_108 : i32
      %mul3A_111 = arith.constant 512 : i32
      %mul3A_112 = arith.muli %add3A_110, %mul3A_111 : i32
      %add3A_113 = arith.addi %mul3A_0, %scan3A_108 : i32
      %run_scoped3A = arith.constant 0 : i32
      "tpu.region"() ({
        %run_scoped3A_115 = tpu.sem_alloc : memref<!tpu.dma_semaphore, #tpu.memory_space<semaphore_mem>>
        %dma_start3A = arith.constant 0 : i32
        %dma_start3A_116 = tpu.memref_slice %arg3[%add3A_19, %run_scoped3A, %add3A_113, %dma_start3A] : memref<4x1x512x512xi32, #tpu.memory_space<hbm>> -> memref<1x1x1x512xi32, #tpu.memory_space<hbm>>
        %dma_start3A_117 = tpu.memref_squeeze %dma_start3A_116 : memref<1x1x1x512xi32, #tpu.memory_space<hbm>> -> memref<512xi32, #tpu.memory_space<hbm>>
        %dma_start3A_118 = tpu.memref_slice %arg5[%mul3A_112] : memref<262144xi32, #tpu.memory_space<vmem_shared>> -> memref<512xi32, #tpu.memory_space<vmem_shared>>
        tpu.enqueue_dma source(%dma_start3A_118 : memref<512xi32, #tpu.memory_space<vmem_shared>>) target(%dma_start3A_117 : memref<512xi32, #tpu.memory_space<hbm>>) target_semaphore(%run_scoped3A_115 : memref<!tpu.dma_semaphore, #tpu.memory_space<semaphore_mem>>)
        %dma_wait3A = arith.constant 0 : i32
        %dma_wait3A_119 = tpu.memref_slice %arg3[%add3A_19, %run_scoped3A, %add3A_113, %dma_wait3A] : memref<4x1x512x512xi32, #tpu.memory_space<hbm>> -> memref<1x1x1x512xi32, #tpu.memory_space<hbm>>
        %dma_wait3A_120 = tpu.memref_squeeze %dma_wait3A_119 : memref<1x1x1x512xi32, #tpu.memory_space<hbm>> -> memref<512xi32, #tpu.memory_space<hbm>>
        %dma_wait3A_121 = tpu.memref_slice %arg5[%mul3A_112] : memref<262144xi32, #tpu.memory_space<vmem_shared>> -> memref<512xi32, #tpu.memory_space<vmem_shared>>
        tpu.wait_dma2 semaphore(%run_scoped3A_115 : memref<!tpu.dma_semaphore, #tpu.memory_space<semaphore_mem>>) src(%dma_wait3A_121 : memref<512xi32, #tpu.memory_space<vmem_shared>>) dst(%dma_wait3A_120 : memref<512xi32, #tpu.memory_space<hbm>>)
        tpu.yield
      }) : () -> ()
      %scan3A_114 = arith.constant 0 : i32
      scf.yield %scan3A_114 : i32
    }
    %scan3A_59 = arith.constant 32 : i32
    %barrier3A_60 = arith.constant 0 : index
    tpu.barrier barrier_id(%barrier3A_60)
    %mul3A_61 = arith.constant 2 : i32
    %mul3A_62 = arith.muli %arg0, %mul3A_61 : i32
    %add3A_63 = arith.constant 1 : i32
    %add3A_64 = arith.addi %mul3A_62, %add3A_63 : i32
    %add3A_65 = vector.broadcast %mul3A_15 : i32 to vector<16xi32>
    %add3A_66 = arith.addi %add3A_65, %add3A_7 : vector<16xi32>
    %scan3A_67 = arith.constant 0 : i32
    %scan3A_68 = arith.constant 0 : i32
    %scan3A_69 = arith.constant 34 : i32
    %scan3A_70 = arith.addi %scan3A_68, %scan3A_69 : i32
    %scan3A_71 = arith.constant 1 : i32
    %scan3A_72 = scf.for %scan3A_108 = %scan3A_68 to %scan3A_70 step %scan3A_71 iter_args(%scan3A_109 = %scan3A_67) -> (i32)  : i32 {
      %sub3A = arith.constant 1 : i32
      %sub3A_110 = arith.subi %mul3A_0, %sub3A : i32
      %add3A_111 = arith.addi %sub3A_110, %scan3A_108 : i32
      %ge3A = arith.constant 0 : i32
      %ge3A_112 = arith.cmpi sge, %add3A_111, %ge3A : i32
      %lt3A = arith.constant 512 : i32
      %lt3A_113 = arith.cmpi slt, %add3A_111, %lt3A : i32
      %and3A = arith.andi %ge3A_112, %lt3A_113 : i1
      %convert_element_type3A = arith.extui %and3A : i1 to i32
      %cond3A = arith.constant 0 : i32
      %cond3A_114 = arith.cmpi ne, %convert_element_type3A, %cond3A : i32
      scf.if %cond3A_114 {
        %mul3A_116 = arith.constant 512 : i32
        %mul3A_117 = arith.muli %scan3A_108, %mul3A_116 : i32
        %run_scoped3A = arith.constant 0 : i32
        "tpu.region"() ({
          %run_scoped3A_118 = tpu.sem_alloc : memref<!tpu.dma_semaphore, #tpu.memory_space<semaphore_mem>>
          %dma_start3A = tpu.memref_slice %arg8[%mul3A_117] : memref<17408xf32, #tpu.memory_space<vmem>> -> memref<512xf32, #tpu.memory_space<vmem>>
          %dma_start3A_119 = arith.constant 0 : i32
          %dma_start3A_120 = tpu.memref_slice %arg2[%add3A_64, %run_scoped3A, %add3A_111, %dma_start3A_119] : memref<4x1x512x512xf32, #tpu.memory_space<hbm>> -> memref<1x1x1x512xf32, #tpu.memory_space<hbm>>
          %dma_start3A_121 = tpu.memref_squeeze %dma_start3A_120 : memref<1x1x1x512xf32, #tpu.memory_space<hbm>> -> memref<512xf32, #tpu.memory_space<hbm>>
          %dma_start3A_122 = tpu.memref_slice %arg8[%mul3A_117] : memref<17408xf32, #tpu.memory_space<vmem>> -> memref<512xf32, #tpu.memory_space<vmem>>
          %dma_start3A_123 = arith.constant 0 : i32
          %dma_start3A_124 = tpu.memref_slice %arg2[%add3A_64, %run_scoped3A, %add3A_111, %dma_start3A_123] : memref<4x1x512x512xf32, #tpu.memory_space<hbm>> -> memref<1x1x1x512xf32, #tpu.memory_space<hbm>>
          %dma_start3A_125 = tpu.memref_squeeze %dma_start3A_124 : memref<1x1x1x512xf32, #tpu.memory_space<hbm>> -> memref<512xf32, #tpu.memory_space<hbm>>
          tpu.enqueue_dma source(%dma_start3A_125 : memref<512xf32, #tpu.memory_space<hbm>>) target(%dma_start3A_122 : memref<512xf32, #tpu.memory_space<vmem>>) target_semaphore(%run_scoped3A_118 : memref<!tpu.dma_semaphore, #tpu.memory_space<semaphore_mem>>)
          %dma_wait3A = tpu.memref_slice %arg8[%mul3A_117] : memref<17408xf32, #tpu.memory_space<vmem>> -> memref<512xf32, #tpu.memory_space<vmem>>
          %dma_wait3A_126 = arith.constant 0 : i32
          %dma_wait3A_127 = tpu.memref_slice %arg2[%add3A_64, %run_scoped3A, %add3A_111, %dma_wait3A_126] : memref<4x1x512x512xf32, #tpu.memory_space<hbm>> -> memref<1x1x1x512xf32, #tpu.memory_space<hbm>>
          %dma_wait3A_128 = tpu.memref_squeeze %dma_wait3A_127 : memref<1x1x1x512xf32, #tpu.memory_space<hbm>> -> memref<512xf32, #tpu.memory_space<hbm>>
          %dma_wait3A_129 = tpu.memref_slice %arg8[%mul3A_117] : memref<17408xf32, #tpu.memory_space<vmem>> -> memref<512xf32, #tpu.memory_space<vmem>>
          %dma_wait3A_130 = arith.constant 0 : i32
          %dma_wait3A_131 = tpu.memref_slice %arg2[%add3A_64, %run_scoped3A, %add3A_111, %dma_wait3A_130] : memref<4x1x512x512xf32, #tpu.memory_space<hbm>> -> memref<1x1x1x512xf32, #tpu.memory_space<hbm>>
          %dma_wait3A_132 = tpu.memref_squeeze %dma_wait3A_131 : memref<1x1x1x512xf32, #tpu.memory_space<hbm>> -> memref<512xf32, #tpu.memory_space<hbm>>
          tpu.wait_dma2 semaphore(%run_scoped3A_118 : memref<!tpu.dma_semaphore, #tpu.memory_space<semaphore_mem>>) src(%dma_wait3A_132 : memref<512xf32, #tpu.memory_space<hbm>>) dst(%dma_wait3A_129 : memref<512xf32, #tpu.memory_space<vmem>>)
          tpu.yield
        }) : () -> ()
      } else {
      }
      %scan3A_115 = arith.constant 0 : i32
      scf.yield %scan3A_115 : i32
    }
    %scan3A_73 = arith.constant 34 : i32
    %scan3A_74 = arith.constant 0 : i32
    %scan3A_75 = arith.constant 0 : i32
    %scan3A_76 = arith.constant 544 : i32
    %scan3A_77 = arith.addi %scan3A_75, %scan3A_76 : i32
    %scan3A_78 = arith.constant 1 : i32
    %scan3A_79 = scf.for %scan3A_108 = %scan3A_75 to %scan3A_77 step %scan3A_78 iter_args(%scan3A_109 = %scan3A_74) -> (i32)  : i32 {
      %mul3A_110 = arith.constant 32 : i32
      %mul3A_111 = arith.muli %scan3A_108, %mul3A_110 : i32
      %add3A_112 = arith.constant 0 : i32
      %add3A_113 = arith.addi %mul3A_111, %add3A_112 : i32
      %get3A = arith.index_cast %add3A_113 : i32 to index
      %get3A_114 = tpu.vector_load %arg8[%get3A] {strides = array<i32>} : memref<17408xf32, #tpu.memory_space<vmem>>, vector<16xf32>,
      %sub3A = arith.constant 1 : i32
      %sub3A_115 = arith.subi %mul3A_0, %sub3A : i32
      %mul3A_116 = arith.constant 512 : i32
      %mul3A_117 = arith.muli %sub3A_115, %mul3A_116 : i32
      %add3A_118 = arith.addi %mul3A_117, %add3A_113 : i32
      %add3A_119 = vector.broadcast %add3A_118 : i32 to vector<16xi32>
      %add3A_120 = arith.addi %add3A_119, %iota3A : vector<16xi32>
      %eq3A = arith.constant 0.000000e+00 : f32
      %eq3A_121 = vector.broadcast %eq3A : f32 to vector<16xf32>
      %eq3A_122 = arith.cmpf oeq, %get3A_114, %eq3A_121 : vector<16xf32>
      %gt3A = arith.constant 1.000000e+00 : f32
      %gt3A_123 = vector.broadcast %gt3A : f32 to vector<16xf32>
      %gt3A_124 = arith.cmpf ogt, %get3A_114, %gt3A_123 : vector<16xf32>
      %add3A_125 = arith.constant 262144 : i32
      %add3A_126 = vector.broadcast %add3A_125 : i32 to vector<16xi32>
      %add3A_127 = arith.addi %add3A_126, %add3A_120 : vector<16xi32>
      %select_n3A = arith.select %gt3A_124, %add3A_127, %add3A_120 : vector<16xi1>, vector<16xi32>
      %jit3A = arith.constant 524288 : i32
      %broadcast_in_dim3A = vector.broadcast %jit3A : i32 to vector<16xi32>
      %select_n3A_128 = arith.select %eq3A_122, %broadcast_in_dim3A, %select_n3A : vector<16xi1>, vector<16xi32>
      %swap3A = arith.index_cast %add3A_113 : i32 to index
      %swap3A_129 = tpu.vector_load %arg7[%swap3A] {strides = array<i32>} : memref<17408xi32, #tpu.memory_space<vmem>>, vector<16xi32>,
      tpu.vector_store %arg7[%swap3A], %select_n3A_128 {strides = array<i32>} : memref<17408xi32, #tpu.memory_space<vmem>>, vector<16xi32>,
      %mul3A_130 = arith.constant 32 : i32
      %mul3A_131 = arith.muli %scan3A_108, %mul3A_130 : i32
      %add3A_132 = arith.constant 16 : i32
      %add3A_133 = arith.addi %mul3A_131, %add3A_132 : i32
      %get3A_134 = arith.index_cast %add3A_133 : i32 to index
      %get3A_135 = tpu.vector_load %arg8[%get3A_134] {strides = array<i32>} : memref<17408xf32, #tpu.memory_space<vmem>>, vector<16xf32>,
      %sub3A_136 = arith.constant 1 : i32
      %sub3A_137 = arith.subi %mul3A_0, %sub3A_136 : i32
      %mul3A_138 = arith.constant 512 : i32
      %mul3A_139 = arith.muli %sub3A_137, %mul3A_138 : i32
      %add3A_140 = arith.addi %mul3A_139, %add3A_133 : i32
      %add3A_141 = vector.broadcast %add3A_140 : i32 to vector<16xi32>
      %add3A_142 = arith.addi %add3A_141, %iota3A : vector<16xi32>
      %eq3A_143 = arith.constant 0.000000e+00 : f32
      %eq3A_144 = vector.broadcast %eq3A_143 : f32 to vector<16xf32>
      %eq3A_145 = arith.cmpf oeq, %get3A_135, %eq3A_144 : vector<16xf32>
      %gt3A_146 = arith.constant 1.000000e+00 : f32
      %gt3A_147 = vector.broadcast %gt3A_146 : f32 to vector<16xf32>
      %gt3A_148 = arith.cmpf ogt, %get3A_135, %gt3A_147 : vector<16xf32>
      %add3A_149 = arith.constant 262144 : i32
      %add3A_150 = vector.broadcast %add3A_149 : i32 to vector<16xi32>
      %add3A_151 = arith.addi %add3A_150, %add3A_142 : vector<16xi32>
      %select_n3A_152 = arith.select %gt3A_148, %add3A_151, %add3A_142 : vector<16xi1>, vector<16xi32>
      %jit3A_153 = arith.constant 524288 : i32
      %broadcast_in_dim3A_154 = vector.broadcast %jit3A_153 : i32 to vector<16xi32>
      %select_n3A_155 = arith.select %eq3A_145, %broadcast_in_dim3A_154, %select_n3A_152 : vector<16xi1>, vector<16xi32>
      %swap3A_156 = arith.index_cast %add3A_133 : i32 to index
      %swap3A_157 = tpu.vector_load %arg7[%swap3A_156] {strides = array<i32>} : memref<17408xi32, #tpu.memory_space<vmem>>, vector<16xi32>,
      tpu.vector_store %arg7[%swap3A_156], %select_n3A_155 {strides = array<i32>} : memref<17408xi32, #tpu.memory_space<vmem>>, vector<16xi32>,
      %scan3A_158 = arith.constant 0 : i32
      scf.yield %scan3A_158 : i32
    }
    %scan3A_80 = arith.constant 544 : i32
    %iota3A_81 = tpu.iota {dimensions = array<i32: 0>} : vector<16xi32>
    %scan3A_82 = arith.constant 0 : i32
    %scan3A_83 = arith.constant 0 : i32
    %scan3A_84 = arith.constant 512 : i32
    %scan3A_85 = arith.addi %scan3A_83, %scan3A_84 : i32
    %scan3A_86 = arith.constant 1 : i32
    %scan3A_87 = scf.for %scan3A_108 = %scan3A_83 to %scan3A_85 step %scan3A_86 iter_args(%scan3A_109 = %scan3A_82) -> (i32)  : i32 {
      %mul3A_110 = arith.constant 32 : i32
      %mul3A_111 = arith.muli %scan3A_108, %mul3A_110 : i32
      %add3A_112 = arith.constant 0 : i32
      %add3A_113 = arith.addi %mul3A_111, %add3A_112 : i32
      %get3A = arith.index_cast %add3A_113 : i32 to index
      %get3A_114 = tpu.vector_load %arg7[%get3A] {strides = array<i32>} : memref<17408xi32, #tpu.memory_space<vmem>>, vector<16xi32>,
      %add3A_115 = arith.constant 512 : i32
      %add3A_116 = arith.addi %add3A_113, %add3A_115 : i32
      %get3A_117 = arith.index_cast %add3A_116 : i32 to index
      %get3A_118 = tpu.vector_load %arg7[%get3A_117] {strides = array<i32>} : memref<17408xi32, #tpu.memory_space<vmem>>, vector<16xi32>,
      %add3A_119 = arith.constant 1024 : i32
      %add3A_120 = arith.addi %add3A_113, %add3A_119 : i32
      %get3A_121 = arith.index_cast %add3A_120 : i32 to index
      %get3A_122 = tpu.vector_load %arg7[%get3A_121] {strides = array<i32>} : memref<17408xi32, #tpu.memory_space<vmem>>, vector<16xi32>,
      %min3A = arith.minsi %get3A_114, %get3A_118 : vector<16xi32>
      %min3A_123 = arith.minsi %min3A, %get3A_122 : vector<16xi32>
      %swap3A = arith.index_cast %add3A_113 : i32 to index
      %swap3A_124 = tpu.vector_load %arg11[%swap3A] {strides = array<i32>} : memref<16384xi32, #tpu.memory_space<vmem>>, vector<16xi32>,
      tpu.vector_store %arg11[%swap3A], %min3A_123 {strides = array<i32>} : memref<16384xi32, #tpu.memory_space<vmem>>, vector<16xi32>,
      %mul3A_125 = arith.constant 32 : i32
      %mul3A_126 = arith.muli %scan3A_108, %mul3A_125 : i32
      %add3A_127 = arith.constant 16 : i32
      %add3A_128 = arith.addi %mul3A_126, %add3A_127 : i32
      %get3A_129 = arith.index_cast %add3A_128 : i32 to index
      %get3A_130 = tpu.vector_load %arg7[%get3A_129] {strides = array<i32>} : memref<17408xi32, #tpu.memory_space<vmem>>, vector<16xi32>,
      %add3A_131 = arith.constant 512 : i32
      %add3A_132 = arith.addi %add3A_128, %add3A_131 : i32
      %get3A_133 = arith.index_cast %add3A_132 : i32 to index
      %get3A_134 = tpu.vector_load %arg7[%get3A_133] {strides = array<i32>} : memref<17408xi32, #tpu.memory_space<vmem>>, vector<16xi32>,
      %add3A_135 = arith.constant 1024 : i32
      %add3A_136 = arith.addi %add3A_128, %add3A_135 : i32
      %get3A_137 = arith.index_cast %add3A_136 : i32 to index
      %get3A_138 = tpu.vector_load %arg7[%get3A_137] {strides = array<i32>} : memref<17408xi32, #tpu.memory_space<vmem>>, vector<16xi32>,
      %min3A_139 = arith.minsi %get3A_130, %get3A_134 : vector<16xi32>
      %min3A_140 = arith.minsi %min3A_139, %get3A_138 : vector<16xi32>
      %swap3A_141 = arith.index_cast %add3A_128 : i32 to index
      %swap3A_142 = tpu.vector_load %arg11[%swap3A_141] {strides = array<i32>} : memref<16384xi32, #tpu.memory_space<vmem>>, vector<16xi32>,
      tpu.vector_store %arg11[%swap3A_141], %min3A_140 {strides = array<i32>} : memref<16384xi32, #tpu.memory_space<vmem>>, vector<16xi32>,
      %scan3A_143 = arith.constant 0 : i32
      scf.yield %scan3A_143 : i32
    }
    %scan3A_88 = arith.constant 512 : i32
    %scan3A_89 = arith.constant 0 : i32
    %scan3A_90 = arith.constant 0 : i32
    %scan3A_91 = arith.constant 512 : i32
    %scan3A_92 = arith.addi %scan3A_90, %scan3A_91 : i32
    %scan3A_93 = arith.constant 1 : i32
    %scan3A_94 = scf.for %scan3A_108 = %scan3A_90 to %scan3A_92 step %scan3A_93 iter_args(%scan3A_109 = %scan3A_89) -> (i32)  : i32 {
      %mul3A_110 = arith.constant 32 : i32
      %mul3A_111 = arith.muli %scan3A_108, %mul3A_110 : i32
      %add3A_112 = arith.constant 0 : i32
      %add3A_113 = arith.addi %mul3A_111, %add3A_112 : i32
      %jit3A = arith.constant 512 : i32
      %eq3A = arith.constant 0 : i32
      %eq3A_114 = arith.cmpi eq, %jit3A, %eq3A : i32
      %jit3A_115 = arith.constant 1 : i32
      %select_n3A = arith.select %eq3A_114, %jit3A_115, %jit3A : i32
      %rem3A = arith.remsi %add3A_113, %select_n3A : i32
      %ne3A = arith.constant 0 : i32
      %ne3A_116 = arith.cmpi ne, %rem3A, %ne3A : i32
      %lt3A = arith.constant 0 : i32
      %lt3A_117 = arith.cmpi slt, %rem3A, %lt3A : i32
      %lt3A_118 = arith.constant 0 : i32
      %lt3A_119 = arith.cmpi slt, %select_n3A, %lt3A_118 : i32
      %ne3A_120 = arith.xori %lt3A_117, %lt3A_119 : i1
      %and3A = arith.andi %ne3A_120, %ne3A_116 : i1
      %add3A_121 = arith.addi %rem3A, %select_n3A : i32
      %select_n3A_122 = arith.select %and3A, %add3A_121, %rem3A : i32
      %get3A = arith.index_cast %add3A_113 : i32 to index
      %get3A_123 = tpu.vector_load %arg11[%get3A] {strides = array<i32>} : memref<16384xi32, #tpu.memory_space<vmem>>, vector<16xi32>,
      %sub3A = arith.constant 1 : i32
      %sub3A_124 = arith.subi %add3A_113, %sub3A : i32
      %get3A_125 = arith.index_cast %sub3A_124 : i32 to index
      %get3A_126 = tpu.vector_load %arg11[%get3A_125] {strides = array<i32>} : memref<16384xi32, #tpu.memory_space<vmem>>, vector<16xi32>,
      %add3A_127 = arith.constant 1 : i32
      %add3A_128 = arith.addi %add3A_113, %add3A_127 : i32
      %get3A_129 = arith.index_cast %add3A_128 : i32 to index
      %get3A_130 = tpu.vector_load %arg11[%get3A_129] {strides = array<i32>} : memref<16384xi32, #tpu.memory_space<vmem>>, vector<16xi32>,
      %eq3A_131 = arith.constant 0 : i32
      %eq3A_132 = arith.cmpi eq, %select_n3A_122, %eq3A_131 : i32
      %eq3A_133 = arith.constant 0 : i32
      %eq3A_134 = vector.broadcast %eq3A_133 : i32 to vector<16xi32>
      %eq3A_135 = arith.cmpi eq, %iota3A_81, %eq3A_134 : vector<16xi32>
      %and3A_136 = vector.broadcast %eq3A_132 : i1 to vector<16xi1>
      %and3A_137 = arith.andi %and3A_136, %eq3A_135 : vector<16xi1>
      %jit3A_138 = arith.constant 524288 : i32
      %broadcast_in_dim3A = vector.broadcast %jit3A_138 : i32 to vector<16xi32>
      %select_n3A_139 = arith.select %and3A_137, %broadcast_in_dim3A, %get3A_126 : vector<16xi1>, vector<16xi32>
      %eq3A_140 = arith.constant 496 : i32
      %eq3A_141 = arith.cmpi eq, %select_n3A_122, %eq3A_140 : i32
      %eq3A_142 = arith.constant 15 : i32
      %eq3A_143 = vector.broadcast %eq3A_142 : i32 to vector<16xi32>
      %eq3A_144 = arith.cmpi eq, %iota3A_81, %eq3A_143 : vector<16xi32>
      %and3A_145 = vector.broadcast %eq3A_141 : i1 to vector<16xi1>
      %and3A_146 = arith.andi %and3A_145, %eq3A_144 : vector<16xi1>
      %jit3A_147 = arith.constant 524288 : i32
      %broadcast_in_dim3A_148 = vector.broadcast %jit3A_147 : i32 to vector<16xi32>
      %select_n3A_149 = arith.select %and3A_146, %broadcast_in_dim3A_148, %get3A_130 : vector<16xi1>, vector<16xi32>
      %min3A = arith.minsi %select_n3A_139, %get3A_123 : vector<16xi32>
      %min3A_150 = arith.minsi %min3A, %select_n3A_149 : vector<16xi32>
      %add3A_151 = arith.constant 512 : i32
      %add3A_152 = arith.addi %add3A_113, %add3A_151 : i32
      %get3A_153 = arith.index_cast %add3A_152 : i32 to index
      %get3A_154 = tpu.vector_load %arg7[%get3A_153] {strides = array<i32>} : memref<17408xi32, #tpu.memory_space<vmem>>, vector<16xi32>,
      %lt3A_155 = arith.constant 524288 : i32
      %lt3A_156 = vector.broadcast %lt3A_155 : i32 to vector<16xi32>
      %lt3A_157 = arith.cmpi slt, %get3A_154, %lt3A_156 : vector<16xi32>
      %jit3A_158 = arith.constant 524288 : i32
      %broadcast_in_dim3A_159 = vector.broadcast %jit3A_158 : i32 to vector<16xi32>
      %select_n3A_160 = arith.select %lt3A_157, %min3A_150, %broadcast_in_dim3A_159 : vector<16xi1>, vector<16xi32>
      %swap3A = arith.index_cast %add3A_113 : i32 to index
      %swap3A_161 = tpu.vector_load %arg10[%swap3A] {strides = array<i32>} : memref<16384xi32, #tpu.memory_space<vmem>>, vector<16xi32>,
      tpu.vector_store %arg10[%swap3A], %select_n3A_160 {strides = array<i32>} : memref<16384xi32, #tpu.memory_space<vmem>>, vector<16xi32>,
      %mul3A_162 = arith.constant 32 : i32
      %mul3A_163 = arith.muli %scan3A_108, %mul3A_162 : i32
      %add3A_164 = arith.constant 16 : i32
      %add3A_165 = arith.addi %mul3A_163, %add3A_164 : i32
      %jit3A_166 = arith.constant 512 : i32
      %eq3A_167 = arith.constant 0 : i32
      %eq3A_168 = arith.cmpi eq, %jit3A_166, %eq3A_167 : i32
      %jit3A_169 = arith.constant 1 : i32
      %select_n3A_170 = arith.select %eq3A_168, %jit3A_169, %jit3A_166 : i32
      %rem3A_171 = arith.remsi %add3A_165, %select_n3A_170 : i32
      %ne3A_172 = arith.constant 0 : i32
      %ne3A_173 = arith.cmpi ne, %rem3A_171, %ne3A_172 : i32
      %lt3A_174 = arith.constant 0 : i32
      %lt3A_175 = arith.cmpi slt, %rem3A_171, %lt3A_174 : i32
      %lt3A_176 = arith.constant 0 : i32
      %lt3A_177 = arith.cmpi slt, %select_n3A_170, %lt3A_176 : i32
      %ne3A_178 = arith.xori %lt3A_175, %lt3A_177 : i1
      %and3A_179 = arith.andi %ne3A_178, %ne3A_173 : i1
      %add3A_180 = arith.addi %rem3A_171, %select_n3A_170 : i32
      %select_n3A_181 = arith.select %and3A_179, %add3A_180, %rem3A_171 : i32
      %get3A_182 = arith.index_cast %add3A_165 : i32 to index
      %get3A_183 = tpu.vector_load %arg11[%get3A_182] {strides = array<i32>} : memref<16384xi32, #tpu.memory_space<vmem>>, vector<16xi32>,
      %sub3A_184 = arith.constant 1 : i32
      %sub3A_185 = arith.subi %add3A_165, %sub3A_184 : i32
      %get3A_186 = arith.index_cast %sub3A_185 : i32 to index
      %get3A_187 = tpu.vector_load %arg11[%get3A_186] {strides = array<i32>} : memref<16384xi32, #tpu.memory_space<vmem>>, vector<16xi32>,
      %add3A_188 = arith.constant 1 : i32
      %add3A_189 = arith.addi %add3A_165, %add3A_188 : i32
      %get3A_190 = arith.index_cast %add3A_189 : i32 to index
      %get3A_191 = tpu.vector_load %arg11[%get3A_190] {strides = array<i32>} : memref<16384xi32, #tpu.memory_space<vmem>>, vector<16xi32>,
      %eq3A_192 = arith.constant 0 : i32
      %eq3A_193 = arith.cmpi eq, %select_n3A_181, %eq3A_192 : i32
      %eq3A_194 = arith.constant 0 : i32
      %eq3A_195 = vector.broadcast %eq3A_194 : i32 to vector<16xi32>
      %eq3A_196 = arith.cmpi eq, %iota3A_81, %eq3A_195 : vector<16xi32>
      %and3A_197 = vector.broadcast %eq3A_193 : i1 to vector<16xi1>
      %and3A_198 = arith.andi %and3A_197, %eq3A_196 : vector<16xi1>
      %jit3A_199 = arith.constant 524288 : i32
      %broadcast_in_dim3A_200 = vector.broadcast %jit3A_199 : i32 to vector<16xi32>
      %select_n3A_201 = arith.select %and3A_198, %broadcast_in_dim3A_200, %get3A_187 : vector<16xi1>, vector<16xi32>
      %eq3A_202 = arith.constant 496 : i32
      %eq3A_203 = arith.cmpi eq, %select_n3A_181, %eq3A_202 : i32
      %eq3A_204 = arith.constant 15 : i32
      %eq3A_205 = vector.broadcast %eq3A_204 : i32 to vector<16xi32>
      %eq3A_206 = arith.cmpi eq, %iota3A_81, %eq3A_205 : vector<16xi32>
      %and3A_207 = vector.broadcast %eq3A_203 : i1 to vector<16xi1>
      %and3A_208 = arith.andi %and3A_207, %eq3A_206 : vector<16xi1>
      %jit3A_209 = arith.constant 524288 : i32
      %broadcast_in_dim3A_210 = vector.broadcast %jit3A_209 : i32 to vector<16xi32>
      %select_n3A_211 = arith.select %and3A_208, %broadcast_in_dim3A_210, %get3A_191 : vector<16xi1>, vector<16xi32>
      %min3A_212 = arith.minsi %select_n3A_201, %get3A_183 : vector<16xi32>
      %min3A_213 = arith.minsi %min3A_212, %select_n3A_211 : vector<16xi32>
      %add3A_214 = arith.constant 512 : i32
      %add3A_215 = arith.addi %add3A_165, %add3A_214 : i32
      %get3A_216 = arith.index_cast %add3A_215 : i32 to index
      %get3A_217 = tpu.vector_load %arg7[%get3A_216] {strides = array<i32>} : memref<17408xi32, #tpu.memory_space<vmem>>, vector<16xi32>,
      %lt3A_218 = arith.constant 524288 : i32
      %lt3A_219 = vector.broadcast %lt3A_218 : i32 to vector<16xi32>
      %lt3A_220 = arith.cmpi slt, %get3A_217, %lt3A_219 : vector<16xi32>
      %jit3A_221 = arith.constant 524288 : i32
      %broadcast_in_dim3A_222 = vector.broadcast %jit3A_221 : i32 to vector<16xi32>
      %select_n3A_223 = arith.select %lt3A_220, %min3A_213, %broadcast_in_dim3A_222 : vector<16xi1>, vector<16xi32>
      %swap3A_224 = arith.index_cast %add3A_165 : i32 to index
      %swap3A_225 = tpu.vector_load %arg10[%swap3A_224] {strides = array<i32>} : memref<16384xi32, #tpu.memory_space<vmem>>, vector<16xi32>,
      tpu.vector_store %arg10[%swap3A_224], %select_n3A_223 {strides = array<i32>} : memref<16384xi32, #tpu.memory_space<vmem>>, vector<16xi32>,
      %scan3A_226 = arith.constant 0 : i32
      scf.yield %scan3A_226 : i32
    }
    %scan3A_95 = arith.constant 512 : i32
    "tpu.region"() ({
      %run_scoped3A = tpu.sem_alloc : memref<!tpu.dma_semaphore, #tpu.memory_space<semaphore_mem>>
      %dma_start3A = tpu.memref_slice %arg5[%mul3A_2] : memref<262144xi32, #tpu.memory_space<vmem_shared>> -> memref<16384xi32, #tpu.memory_space<vmem_shared>>
      %dma_start3A_108 = tpu.memref_slice %arg5[%mul3A_2] : memref<262144xi32, #tpu.memory_space<vmem_shared>> -> memref<16384xi32, #tpu.memory_space<vmem_shared>>
      tpu.enqueue_dma source(%arg10 : memref<16384xi32, #tpu.memory_space<vmem>>) target(%dma_start3A_108 : memref<16384xi32, #tpu.memory_space<vmem_shared>>) target_semaphore(%run_scoped3A : memref<!tpu.dma_semaphore, #tpu.memory_space<semaphore_mem>>)
      %dma_wait3A = tpu.memref_slice %arg5[%mul3A_2] : memref<262144xi32, #tpu.memory_space<vmem_shared>> -> memref<16384xi32, #tpu.memory_space<vmem_shared>>
      %dma_wait3A_109 = tpu.memref_slice %arg5[%mul3A_2] : memref<262144xi32, #tpu.memory_space<vmem_shared>> -> memref<16384xi32, #tpu.memory_space<vmem_shared>>
      tpu.wait_dma2 semaphore(%run_scoped3A : memref<!tpu.dma_semaphore, #tpu.memory_space<semaphore_mem>>) src(%arg10 : memref<16384xi32, #tpu.memory_space<vmem>>) dst(%dma_wait3A_109 : memref<16384xi32, #tpu.memory_space<vmem_shared>>)
      tpu.yield
    }) : () -> ()
    %while3A_96 = arith.constant 0 : i32
    %while3A_97 = arith.constant 0 : i32
    %while3A_98:2 = scf.while (%while3A_108 = %while3A_96, %while3A_109 = %while3A_97) : (i32, i32) -> (i32, i32) {
      %lt3A = arith.constant 15 : i32
      %lt3A_110 = arith.cmpi slt, %while3A_108, %lt3A : i32
      %eq3A = arith.constant 0 : i32
      %eq3A_111 = arith.cmpi eq, %while3A_109, %eq3A : i32
      %and3A = arith.andi %lt3A_110, %eq3A_111 : i1
      scf.condition(%and3A) %while3A_108, %while3A_109 : i32, i32
    } do {
    ^bb0(%while3A_108: i32, %while3A_109: i32):
      %barrier3A_110 = arith.constant 0 : index
      tpu.barrier barrier_id(%barrier3A_110)
      %eq3A = arith.constant 0 : i32
      %eq3A_111 = arith.cmpi eq, %arg1, %eq3A : i32
      %convert_element_type3A = arith.extui %eq3A_111 : i1 to i32
      %cond3A = arith.constant 0 : i32
      %cond3A_112 = arith.cmpi ne, %convert_element_type3A, %cond3A : i32
      scf.if %cond3A_112 {
        "tpu.region"() ({
          %run_scoped3A = tpu.sem_alloc : memref<!tpu.dma_semaphore, #tpu.memory_space<semaphore_mem>>
          %dma_start3A = arith.constant 512 : i32
          %dma_start3A_252 = tpu.memref_slice %arg7[%dma_start3A] : memref<17408xi32, #tpu.memory_space<vmem>> -> memref<16896xi32, #tpu.memory_space<vmem>>
          %dma_start3A_253 = arith.constant 0 : i32
          %dma_start3A_254 = tpu.memref_slice %arg5[%dma_start3A_253] : memref<262144xi32, #tpu.memory_space<vmem_shared>> -> memref<16896xi32, #tpu.memory_space<vmem_shared>>
          %dma_start3A_255 = arith.constant 512 : i32
          %dma_start3A_256 = tpu.memref_slice %arg7[%dma_start3A_255] : memref<17408xi32, #tpu.memory_space<vmem>> -> memref<16896xi32, #tpu.memory_space<vmem>>
          %dma_start3A_257 = arith.constant 0 : i32
          %dma_start3A_258 = tpu.memref_slice %arg5[%dma_start3A_257] : memref<262144xi32, #tpu.memory_space<vmem_shared>> -> memref<16896xi32, #tpu.memory_space<vmem_shared>>
          tpu.enqueue_dma source(%dma_start3A_258 : memref<16896xi32, #tpu.memory_space<vmem_shared>>) target(%dma_start3A_256 : memref<16896xi32, #tpu.memory_space<vmem>>) target_semaphore(%run_scoped3A : memref<!tpu.dma_semaphore, #tpu.memory_space<semaphore_mem>>)
          %dma_wait3A_259 = arith.constant 512 : i32
          %dma_wait3A_260 = tpu.memref_slice %arg7[%dma_wait3A_259] : memref<17408xi32, #tpu.memory_space<vmem>> -> memref<16896xi32, #tpu.memory_space<vmem>>
          %dma_wait3A_261 = arith.constant 0 : i32
          %dma_wait3A_262 = tpu.memref_slice %arg5[%dma_wait3A_261] : memref<262144xi32, #tpu.memory_space<vmem_shared>> -> memref<16896xi32, #tpu.memory_space<vmem_shared>>
          %dma_wait3A_263 = arith.constant 512 : i32
          %dma_wait3A_264 = tpu.memref_slice %arg7[%dma_wait3A_263] : memref<17408xi32, #tpu.memory_space<vmem>> -> memref<16896xi32, #tpu.memory_space<vmem>>
          %dma_wait3A_265 = arith.constant 0 : i32
          %dma_wait3A_266 = tpu.memref_slice %arg5[%dma_wait3A_265] : memref<262144xi32, #tpu.memory_space<vmem_shared>> -> memref<16896xi32, #tpu.memory_space<vmem_shared>>
          tpu.wait_dma2 semaphore(%run_scoped3A : memref<!tpu.dma_semaphore, #tpu.memory_space<semaphore_mem>>) src(%dma_wait3A_266 : memref<16896xi32, #tpu.memory_space<vmem_shared>>) dst(%dma_wait3A_264 : memref<16896xi32, #tpu.memory_space<vmem>>)
          tpu.yield
        }) : () -> ()
      } else {
      }
      %eq3A_113 = arith.constant 15 : i32
      %eq3A_114 = arith.cmpi eq, %arg1, %eq3A_113 : i32
      %convert_element_type3A_115 = arith.extui %eq3A_114 : i1 to i32
      %cond3A_116 = arith.constant 0 : i32
      %cond3A_117 = arith.cmpi ne, %convert_element_type3A_115, %cond3A_116 : i32
      scf.if %cond3A_117 {
        %sub3A = arith.constant 512 : i32
        %sub3A_252 = arith.subi %mul3A_2, %sub3A : i32
        "tpu.region"() ({
          %run_scoped3A = tpu.sem_alloc : memref<!tpu.dma_semaphore, #tpu.memory_space<semaphore_mem>>
          %dma_start3A = arith.constant 0 : i32
          %dma_start3A_253 = tpu.memref_slice %arg7[%dma_start3A] : memref<17408xi32, #tpu.memory_space<vmem>> -> memref<16896xi32, #tpu.memory_space<vmem>>
          %dma_start3A_254 = tpu.memref_slice %arg5[%sub3A_252] : memref<262144xi32, #tpu.memory_space<vmem_shared>> -> memref<16896xi32, #tpu.memory_space<vmem_shared>>
          %dma_start3A_255 = arith.constant 0 : i32
          %dma_start3A_256 = tpu.memref_slice %arg7[%dma_start3A_255] : memref<17408xi32, #tpu.memory_space<vmem>> -> memref<16896xi32, #tpu.memory_space<vmem>>
          %dma_start3A_257 = tpu.memref_slice %arg5[%sub3A_252] : memref<262144xi32, #tpu.memory_space<vmem_shared>> -> memref<16896xi32, #tpu.memory_space<vmem_shared>>
          tpu.enqueue_dma source(%dma_start3A_257 : memref<16896xi32, #tpu.memory_space<vmem_shared>>) target(%dma_start3A_256 : memref<16896xi32, #tpu.memory_space<vmem>>) target_semaphore(%run_scoped3A : memref<!tpu.dma_semaphore, #tpu.memory_space<semaphore_mem>>)
          %dma_wait3A_258 = arith.constant 0 : i32
          %dma_wait3A_259 = tpu.memref_slice %arg7[%dma_wait3A_258] : memref<17408xi32, #tpu.memory_space<vmem>> -> memref<16896xi32, #tpu.memory_space<vmem>>
          %dma_wait3A_260 = tpu.memref_slice %arg5[%sub3A_252] : memref<262144xi32, #tpu.memory_space<vmem_shared>> -> memref<16896xi32, #tpu.memory_space<vmem_shared>>
          %dma_wait3A_261 = arith.constant 0 : i32
          %dma_wait3A_262 = tpu.memref_slice %arg7[%dma_wait3A_261] : memref<17408xi32, #tpu.memory_space<vmem>> -> memref<16896xi32, #tpu.memory_space<vmem>>
          %dma_wait3A_263 = tpu.memref_slice %arg5[%sub3A_252] : memref<262144xi32, #tpu.memory_space<vmem_shared>> -> memref<16896xi32, #tpu.memory_space<vmem_shared>>
          tpu.wait_dma2 semaphore(%run_scoped3A : memref<!tpu.dma_semaphore, #tpu.memory_space<semaphore_mem>>) src(%dma_wait3A_263 : memref<16896xi32, #tpu.memory_space<vmem_shared>>) dst(%dma_wait3A_262 : memref<16896xi32, #tpu.memory_space<vmem>>)
          tpu.yield
        }) : () -> ()
      } else {
      }
      %gt3A = arith.constant 0 : i32
      %gt3A_118 = arith.cmpi sgt, %arg1, %gt3A : i32
      %lt3A = arith.constant 15 : i32
      %lt3A_119 = arith.cmpi slt, %arg1, %lt3A : i32
      %and3A = arith.andi %gt3A_118, %lt3A_119 : i1
      %convert_element_type3A_120 = arith.extui %and3A : i1 to i32
      %cond3A_121 = arith.constant 0 : i32
      %cond3A_122 = arith.cmpi ne, %convert_element_type3A_120, %cond3A_121 : i32
      scf.if %cond3A_122 {
        %sub3A = arith.constant 512 : i32
        %sub3A_252 = arith.subi %mul3A_2, %sub3A : i32
        "tpu.region"() ({
          %run_scoped3A = tpu.sem_alloc : memref<!tpu.dma_semaphore, #tpu.memory_space<semaphore_mem>>
          %dma_start3A = arith.constant 0 : i32
          %dma_start3A_253 = tpu.memref_slice %arg7[%dma_start3A] : memref<17408xi32, #tpu.memory_space<vmem>> -> memref<17408xi32, #tpu.memory_space<vmem>>
          %dma_start3A_254 = tpu.memref_slice %arg5[%sub3A_252] : memref<262144xi32, #tpu.memory_space<vmem_shared>> -> memref<17408xi32, #tpu.memory_space<vmem_shared>>
          %dma_start3A_255 = arith.constant 0 : i32
          %dma_start3A_256 = tpu.memref_slice %arg7[%dma_start3A_255] : memref<17408xi32, #tpu.memory_space<vmem>> -> memref<17408xi32, #tpu.memory_space<vmem>>
          %dma_start3A_257 = tpu.memref_slice %arg5[%sub3A_252] : memref<262144xi32, #tpu.memory_space<vmem_shared>> -> memref<17408xi32, #tpu.memory_space<vmem_shared>>
          tpu.enqueue_dma source(%dma_start3A_257 : memref<17408xi32, #tpu.memory_space<vmem_shared>>) target(%dma_start3A_256 : memref<17408xi32, #tpu.memory_space<vmem>>) target_semaphore(%run_scoped3A : memref<!tpu.dma_semaphore, #tpu.memory_space<semaphore_mem>>)
          %dma_wait3A_258 = arith.constant 0 : i32
          %dma_wait3A_259 = tpu.memref_slice %arg7[%dma_wait3A_258] : memref<17408xi32, #tpu.memory_space<vmem>> -> memref<17408xi32, #tpu.memory_space<vmem>>
          %dma_wait3A_260 = tpu.memref_slice %arg5[%sub3A_252] : memref<262144xi32, #tpu.memory_space<vmem_shared>> -> memref<17408xi32, #tpu.memory_space<vmem_shared>>
          %dma_wait3A_261 = arith.constant 0 : i32
          %dma_wait3A_262 = tpu.memref_slice %arg7[%dma_wait3A_261] : memref<17408xi32, #tpu.memory_space<vmem>> -> memref<17408xi32, #tpu.memory_space<vmem>>
          %dma_wait3A_263 = tpu.memref_slice %arg5[%sub3A_252] : memref<262144xi32, #tpu.memory_space<vmem_shared>> -> memref<17408xi32, #tpu.memory_space<vmem_shared>>
          tpu.wait_dma2 semaphore(%run_scoped3A : memref<!tpu.dma_semaphore, #tpu.memory_space<semaphore_mem>>) src(%dma_wait3A_263 : memref<17408xi32, #tpu.memory_space<vmem_shared>>) dst(%dma_wait3A_262 : memref<17408xi32, #tpu.memory_space<vmem>>)
          tpu.yield
        }) : () -> ()
      } else {
      }
      %iota3A_123 = tpu.iota {dimensions = array<i32: 0>} : vector<16xi32>
      %scan3A_124 = arith.constant 0 : i32
      %scan3A_125 = arith.constant 0 : i32
      %scan3A_126 = arith.constant 512 : i32
      %scan3A_127 = arith.addi %scan3A_125, %scan3A_126 : i32
      %scan3A_128 = arith.constant 1 : i32
      %scan3A_129 = scf.for %scan3A_252 = %scan3A_125 to %scan3A_127 step %scan3A_128 iter_args(%scan3A_253 = %scan3A_124) -> (i32)  : i32 {
        %mul3A_254 = arith.constant 32 : i32
        %mul3A_255 = arith.muli %scan3A_252, %mul3A_254 : i32
        %add3A_256 = arith.constant 0 : i32
        %add3A_257 = arith.addi %mul3A_255, %add3A_256 : i32
        %get3A_258 = arith.index_cast %add3A_257 : i32 to index
        %get3A_259 = tpu.vector_load %arg7[%get3A_258] {strides = array<i32>} : memref<17408xi32, #tpu.memory_space<vmem>>, vector<16xi32>,
        %add3A_260 = arith.constant 512 : i32
        %add3A_261 = arith.addi %add3A_257, %add3A_260 : i32
        %get3A_262 = arith.index_cast %add3A_261 : i32 to index
        %get3A_263 = tpu.vector_load %arg7[%get3A_262] {strides = array<i32>} : memref<17408xi32, #tpu.memory_space<vmem>>, vector<16xi32>,
        %add3A_264 = arith.constant 1024 : i32
        %add3A_265 = arith.addi %add3A_257, %add3A_264 : i32
        %get3A_266 = arith.index_cast %add3A_265 : i32 to index
        %get3A_267 = tpu.vector_load %arg7[%get3A_266] {strides = array<i32>} : memref<17408xi32, #tpu.memory_space<vmem>>, vector<16xi32>,
        %min3A_268 = arith.minsi %get3A_259, %get3A_263 : vector<16xi32>
        %min3A_269 = arith.minsi %min3A_268, %get3A_267 : vector<16xi32>
        %swap3A_270 = arith.index_cast %add3A_257 : i32 to index
        %swap3A_271 = tpu.vector_load %arg10[%swap3A_270] {strides = array<i32>} : memref<16384xi32, #tpu.memory_space<vmem>>, vector<16xi32>,
        tpu.vector_store %arg10[%swap3A_270], %min3A_269 {strides = array<i32>} : memref<16384xi32, #tpu.memory_space<vmem>>, vector<16xi32>,
        %mul3A_272 = arith.constant 32 : i32
        %mul3A_273 = arith.muli %scan3A_252, %mul3A_272 : i32
        %add3A_274 = arith.constant 16 : i32
        %add3A_275 = arith.addi %mul3A_273, %add3A_274 : i32
        %get3A_276 = arith.index_cast %add3A_275 : i32 to index
        %get3A_277 = tpu.vector_load %arg7[%get3A_276] {strides = array<i32>} : memref<17408xi32, #tpu.memory_space<vmem>>, vector<16xi32>,
        %add3A_278 = arith.constant 512 : i32
        %add3A_279 = arith.addi %add3A_275, %add3A_278 : i32
        %get3A_280 = arith.index_cast %add3A_279 : i32 to index
        %get3A_281 = tpu.vector_load %arg7[%get3A_280] {strides = array<i32>} : memref<17408xi32, #tpu.memory_space<vmem>>, vector<16xi32>,
        %add3A_282 = arith.constant 1024 : i32
        %add3A_283 = arith.addi %add3A_275, %add3A_282 : i32
        %get3A_284 = arith.index_cast %add3A_283 : i32 to index
        %get3A_285 = tpu.vector_load %arg7[%get3A_284] {strides = array<i32>} : memref<17408xi32, #tpu.memory_space<vmem>>, vector<16xi32>,
        %min3A_286 = arith.minsi %get3A_277, %get3A_281 : vector<16xi32>
        %min3A_287 = arith.minsi %min3A_286, %get3A_285 : vector<16xi32>
        %swap3A_288 = arith.index_cast %add3A_275 : i32 to index
        %swap3A_289 = tpu.vector_load %arg10[%swap3A_288] {strides = array<i32>} : memref<16384xi32, #tpu.memory_space<vmem>>, vector<16xi32>,
        tpu.vector_store %arg10[%swap3A_288], %min3A_287 {strides = array<i32>} : memref<16384xi32, #tpu.memory_space<vmem>>, vector<16xi32>,
        %scan3A_290 = arith.constant 0 : i32
        scf.yield %scan3A_290 : i32
      }
      %scan3A_130 = arith.constant 512 : i32
      %scan3A_131 = arith.constant 0 : i32
      %scan3A_132 = arith.constant 0 : i32
      %scan3A_133 = arith.constant 512 : i32
      %scan3A_134 = arith.addi %scan3A_132, %scan3A_133 : i32
      %scan3A_135 = arith.constant 1 : i32
      %scan3A_136 = scf.for %scan3A_252 = %scan3A_132 to %scan3A_134 step %scan3A_135 iter_args(%scan3A_253 = %scan3A_131) -> (i32)  : i32 {
        %mul3A_254 = arith.constant 32 : i32
        %mul3A_255 = arith.muli %scan3A_252, %mul3A_254 : i32
        %add3A_256 = arith.constant 0 : i32
        %add3A_257 = arith.addi %mul3A_255, %add3A_256 : i32
        %jit3A = arith.constant 512 : i32
        %eq3A_258 = arith.constant 0 : i32
        %eq3A_259 = arith.cmpi eq, %jit3A, %eq3A_258 : i32
        %jit3A_260 = arith.constant 1 : i32
        %select_n3A = arith.select %eq3A_259, %jit3A_260, %jit3A : i32
        %rem3A = arith.remsi %add3A_257, %select_n3A : i32
        %ne3A = arith.constant 0 : i32
        %ne3A_261 = arith.cmpi ne, %rem3A, %ne3A : i32
        %lt3A_262 = arith.constant 0 : i32
        %lt3A_263 = arith.cmpi slt, %rem3A, %lt3A_262 : i32
        %lt3A_264 = arith.constant 0 : i32
        %lt3A_265 = arith.cmpi slt, %select_n3A, %lt3A_264 : i32
        %ne3A_266 = arith.xori %lt3A_263, %lt3A_265 : i1
        %and3A_267 = arith.andi %ne3A_266, %ne3A_261 : i1
        %add3A_268 = arith.addi %rem3A, %select_n3A : i32
        %select_n3A_269 = arith.select %and3A_267, %add3A_268, %rem3A : i32
        %get3A_270 = arith.index_cast %add3A_257 : i32 to index
        %get3A_271 = tpu.vector_load %arg10[%get3A_270] {strides = array<i32>} : memref<16384xi32, #tpu.memory_space<vmem>>, vector<16xi32>,
        %sub3A = arith.constant 1 : i32
        %sub3A_272 = arith.subi %add3A_257, %sub3A : i32
        %get3A_273 = arith.index_cast %sub3A_272 : i32 to index
        %get3A_274 = tpu.vector_load %arg10[%get3A_273] {strides = array<i32>} : memref<16384xi32, #tpu.memory_space<vmem>>, vector<16xi32>,
        %add3A_275 = arith.constant 1 : i32
        %add3A_276 = arith.addi %add3A_257, %add3A_275 : i32
        %get3A_277 = arith.index_cast %add3A_276 : i32 to index
        %get3A_278 = tpu.vector_load %arg10[%get3A_277] {strides = array<i32>} : memref<16384xi32, #tpu.memory_space<vmem>>, vector<16xi32>,
        %eq3A_279 = arith.constant 0 : i32
        %eq3A_280 = arith.cmpi eq, %select_n3A_269, %eq3A_279 : i32
        %eq3A_281 = arith.constant 0 : i32
        %eq3A_282 = vector.broadcast %eq3A_281 : i32 to vector<16xi32>
        %eq3A_283 = arith.cmpi eq, %iota3A_123, %eq3A_282 : vector<16xi32>
        %and3A_284 = vector.broadcast %eq3A_280 : i1 to vector<16xi1>
        %and3A_285 = arith.andi %and3A_284, %eq3A_283 : vector<16xi1>
        %jit3A_286 = arith.constant 524288 : i32
        %broadcast_in_dim3A_287 = vector.broadcast %jit3A_286 : i32 to vector<16xi32>
        %select_n3A_288 = arith.select %and3A_285, %broadcast_in_dim3A_287, %get3A_274 : vector<16xi1>, vector<16xi32>
        %eq3A_289 = arith.constant 496 : i32
        %eq3A_290 = arith.cmpi eq, %select_n3A_269, %eq3A_289 : i32
        %eq3A_291 = arith.constant 15 : i32
        %eq3A_292 = vector.broadcast %eq3A_291 : i32 to vector<16xi32>
        %eq3A_293 = arith.cmpi eq, %iota3A_123, %eq3A_292 : vector<16xi32>
        %and3A_294 = vector.broadcast %eq3A_290 : i1 to vector<16xi1>
        %and3A_295 = arith.andi %and3A_294, %eq3A_293 : vector<16xi1>
        %jit3A_296 = arith.constant 524288 : i32
        %broadcast_in_dim3A_297 = vector.broadcast %jit3A_296 : i32 to vector<16xi32>
        %select_n3A_298 = arith.select %and3A_295, %broadcast_in_dim3A_297, %get3A_278 : vector<16xi1>, vector<16xi32>
        %min3A_299 = arith.minsi %select_n3A_288, %get3A_271 : vector<16xi32>
        %min3A_300 = arith.minsi %min3A_299, %select_n3A_298 : vector<16xi32>
        %add3A_301 = arith.constant 512 : i32
        %add3A_302 = arith.addi %add3A_257, %add3A_301 : i32
        %get3A_303 = arith.index_cast %add3A_302 : i32 to index
        %get3A_304 = tpu.vector_load %arg7[%get3A_303] {strides = array<i32>} : memref<17408xi32, #tpu.memory_space<vmem>>, vector<16xi32>,
        %lt3A_305 = arith.constant 524288 : i32
        %lt3A_306 = vector.broadcast %lt3A_305 : i32 to vector<16xi32>
        %lt3A_307 = arith.cmpi slt, %get3A_304, %lt3A_306 : vector<16xi32>
        %jit3A_308 = arith.constant 524288 : i32
        %broadcast_in_dim3A_309 = vector.broadcast %jit3A_308 : i32 to vector<16xi32>
        %select_n3A_310 = arith.select %lt3A_307, %min3A_300, %broadcast_in_dim3A_309 : vector<16xi1>, vector<16xi32>
        %ge3A = arith.constant 262144 : i32
        %ge3A_311 = vector.broadcast %ge3A : i32 to vector<16xi32>
        %ge3A_312 = arith.cmpi sge, %select_n3A_310, %ge3A_311 : vector<16xi32>
        %sub3A_313 = arith.constant 262144 : i32
        %sub3A_314 = vector.broadcast %sub3A_313 : i32 to vector<16xi32>
        %sub3A_315 = arith.subi %select_n3A_310, %sub3A_314 : vector<16xi32>
        %select_n3A_316 = arith.select %ge3A_312, %sub3A_315, %select_n3A_310 : vector<16xi1>, vector<16xi32>
        %min3A_317 = arith.constant 262143 : i32
        %min3A_318 = vector.broadcast %min3A_317 : i32 to vector<16xi32>
        %min3A_319 = arith.minsi %select_n3A_316, %min3A_318 : vector<16xi32>
        %swap3A_320 = arith.index_cast %add3A_257 : i32 to index
        %swap3A_321 = tpu.vector_load %arg9[%swap3A_320] {strides = array<i32>} : memref<16384xi32, #tpu.memory_space<vmem>>, vector<16xi32>,
        tpu.vector_store %arg9[%swap3A_320], %min3A_319 {strides = array<i32>} : memref<16384xi32, #tpu.memory_space<vmem>>, vector<16xi32>,
        %mul3A_322 = arith.constant 32 : i32
        %mul3A_323 = arith.muli %scan3A_252, %mul3A_322 : i32
        %add3A_324 = arith.constant 16 : i32
        %add3A_325 = arith.addi %mul3A_323, %add3A_324 : i32
        %jit3A_326 = arith.constant 512 : i32
        %eq3A_327 = arith.constant 0 : i32
        %eq3A_328 = arith.cmpi eq, %jit3A_326, %eq3A_327 : i32
        %jit3A_329 = arith.constant 1 : i32
        %select_n3A_330 = arith.select %eq3A_328, %jit3A_329, %jit3A_326 : i32
        %rem3A_331 = arith.remsi %add3A_325, %select_n3A_330 : i32
        %ne3A_332 = arith.constant 0 : i32
        %ne3A_333 = arith.cmpi ne, %rem3A_331, %ne3A_332 : i32
        %lt3A_334 = arith.constant 0 : i32
        %lt3A_335 = arith.cmpi slt, %rem3A_331, %lt3A_334 : i32
        %lt3A_336 = arith.constant 0 : i32
        %lt3A_337 = arith.cmpi slt, %select_n3A_330, %lt3A_336 : i32
        %ne3A_338 = arith.xori %lt3A_335, %lt3A_337 : i1
        %and3A_339 = arith.andi %ne3A_338, %ne3A_333 : i1
        %add3A_340 = arith.addi %rem3A_331, %select_n3A_330 : i32
        %select_n3A_341 = arith.select %and3A_339, %add3A_340, %rem3A_331 : i32
        %get3A_342 = arith.index_cast %add3A_325 : i32 to index
        %get3A_343 = tpu.vector_load %arg10[%get3A_342] {strides = array<i32>} : memref<16384xi32, #tpu.memory_space<vmem>>, vector<16xi32>,
        %sub3A_344 = arith.constant 1 : i32
        %sub3A_345 = arith.subi %add3A_325, %sub3A_344 : i32
        %get3A_346 = arith.index_cast %sub3A_345 : i32 to index
        %get3A_347 = tpu.vector_load %arg10[%get3A_346] {strides = array<i32>} : memref<16384xi32, #tpu.memory_space<vmem>>, vector<16xi32>,
        %add3A_348 = arith.constant 1 : i32
        %add3A_349 = arith.addi %add3A_325, %add3A_348 : i32
        %get3A_350 = arith.index_cast %add3A_349 : i32 to index
        %get3A_351 = tpu.vector_load %arg10[%get3A_350] {strides = array<i32>} : memref<16384xi32, #tpu.memory_space<vmem>>, vector<16xi32>,
        %eq3A_352 = arith.constant 0 : i32
        %eq3A_353 = arith.cmpi eq, %select_n3A_341, %eq3A_352 : i32
        %eq3A_354 = arith.constant 0 : i32
        %eq3A_355 = vector.broadcast %eq3A_354 : i32 to vector<16xi32>
        %eq3A_356 = arith.cmpi eq, %iota3A_123, %eq3A_355 : vector<16xi32>
        %and3A_357 = vector.broadcast %eq3A_353 : i1 to vector<16xi1>
        %and3A_358 = arith.andi %and3A_357, %eq3A_356 : vector<16xi1>
        %jit3A_359 = arith.constant 524288 : i32
        %broadcast_in_dim3A_360 = vector.broadcast %jit3A_359 : i32 to vector<16xi32>
        %select_n3A_361 = arith.select %and3A_358, %broadcast_in_dim3A_360, %get3A_347 : vector<16xi1>, vector<16xi32>
        %eq3A_362 = arith.constant 496 : i32
        %eq3A_363 = arith.cmpi eq, %select_n3A_341, %eq3A_362 : i32
        %eq3A_364 = arith.constant 15 : i32
        %eq3A_365 = vector.broadcast %eq3A_364 : i32 to vector<16xi32>
        %eq3A_366 = arith.cmpi eq, %iota3A_123, %eq3A_365 : vector<16xi32>
        %and3A_367 = vector.broadcast %eq3A_363 : i1 to vector<16xi1>
        %and3A_368 = arith.andi %and3A_367, %eq3A_366 : vector<16xi1>
        %jit3A_369 = arith.constant 524288 : i32
        %broadcast_in_dim3A_370 = vector.broadcast %jit3A_369 : i32 to vector<16xi32>
        %select_n3A_371 = arith.select %and3A_368, %broadcast_in_dim3A_370, %get3A_351 : vector<16xi1>, vector<16xi32>
        %min3A_372 = arith.minsi %select_n3A_361, %get3A_343 : vector<16xi32>
        %min3A_373 = arith.minsi %min3A_372, %select_n3A_371 : vector<16xi32>
        %add3A_374 = arith.constant 512 : i32
        %add3A_375 = arith.addi %add3A_325, %add3A_374 : i32
        %get3A_376 = arith.index_cast %add3A_375 : i32 to index
        %get3A_377 = tpu.vector_load %arg7[%get3A_376] {strides = array<i32>} : memref<17408xi32, #tpu.memory_space<vmem>>, vector<16xi32>,
        %lt3A_378 = arith.constant 524288 : i32
        %lt3A_379 = vector.broadcast %lt3A_378 : i32 to vector<16xi32>
        %lt3A_380 = arith.cmpi slt, %get3A_377, %lt3A_379 : vector<16xi32>
        %jit3A_381 = arith.constant 524288 : i32
        %broadcast_in_dim3A_382 = vector.broadcast %jit3A_381 : i32 to vector<16xi32>
        %select_n3A_383 = arith.select %lt3A_380, %min3A_373, %broadcast_in_dim3A_382 : vector<16xi1>, vector<16xi32>
        %ge3A_384 = arith.constant 262144 : i32
        %ge3A_385 = vector.broadcast %ge3A_384 : i32 to vector<16xi32>
        %ge3A_386 = arith.cmpi sge, %select_n3A_383, %ge3A_385 : vector<16xi32>
        %sub3A_387 = arith.constant 262144 : i32
        %sub3A_388 = vector.broadcast %sub3A_387 : i32 to vector<16xi32>
        %sub3A_389 = arith.subi %select_n3A_383, %sub3A_388 : vector<16xi32>
        %select_n3A_390 = arith.select %ge3A_386, %sub3A_389, %select_n3A_383 : vector<16xi1>, vector<16xi32>
        %min3A_391 = arith.constant 262143 : i32
        %min3A_392 = vector.broadcast %min3A_391 : i32 to vector<16xi32>
        %min3A_393 = arith.minsi %select_n3A_390, %min3A_392 : vector<16xi32>
        %swap3A_394 = arith.index_cast %add3A_325 : i32 to index
        %swap3A_395 = tpu.vector_load %arg9[%swap3A_394] {strides = array<i32>} : memref<16384xi32, #tpu.memory_space<vmem>>, vector<16xi32>,
        tpu.vector_store %arg9[%swap3A_394], %min3A_393 {strides = array<i32>} : memref<16384xi32, #tpu.memory_space<vmem>>, vector<16xi32>,
        %scan3A_396 = arith.constant 0 : i32
        scf.yield %scan3A_396 : i32
      }
      %scan3A_137 = arith.constant 512 : i32
      %scan3A_138 = arith.constant 0 : i32
      %scan3A_139 = arith.constant 0 : i32
      %scan3A_140 = arith.constant 128 : i32
      %scan3A_141 = arith.addi %scan3A_139, %scan3A_140 : i32
      %scan3A_142 = arith.constant 1 : i32
      %scan3A_143 = scf.for %scan3A_252 = %scan3A_139 to %scan3A_141 step %scan3A_142 iter_args(%scan3A_253 = %scan3A_138) -> (i32)  : i32 {
        %mul3A_254 = arith.constant 128 : i32
        %mul3A_255 = arith.muli %scan3A_252, %mul3A_254 : i32
        %mul3A_256 = arith.constant 128 : i32
        %mul3A_257 = arith.muli %scan3A_252, %mul3A_256 : i32
        %dma_start3A = tpu.memref_slice %arg10[%mul3A_257] : memref<16384xi32, #tpu.memory_space<vmem>> -> memref<128xi32, #tpu.memory_space<vmem>>
        %dma_start3A_258 = tpu.memref_slice %arg9[%mul3A_255] : memref<16384xi32, #tpu.memory_space<vmem>> -> memref<128xi32, #tpu.memory_space<vmem>>
        %dma_start3A_259 = arith.constant 0 : i32
        %dma_start3A_260 = tpu.memref_slice %arg5[%dma_start3A_259] : memref<262144xi32, #tpu.memory_space<vmem_shared>> -> memref<262144xi32, #tpu.memory_space<vmem_shared>>
        tpu.enqueue_indirect_dma source(%dma_start3A_260 : memref<262144xi32, #tpu.memory_space<vmem_shared>>) target(%dma_start3A : memref<128xi32, #tpu.memory_space<vmem>>) offsets(%dma_start3A_258 : memref<128xi32, #tpu.memory_space<vmem>>) semaphore(%arg16 : memref<!tpu.dma_semaphore, #tpu.memory_space<semaphore_mem>>)
        %scan3A_261 = arith.constant 0 : i32
        scf.yield %scan3A_261 : i32
      }
      %scan3A_144 = arith.constant 128 : i32
      %dma_wait3A = arith.constant 0 : i32
      %dma_wait3A_145 = tpu.memref_slice %arg5[%dma_wait3A] : memref<262144xi32, #tpu.memory_space<vmem_shared>> -> memref<16384xi32, #tpu.memory_space<vmem_shared>>
      %dma_wait3A_146 = arith.constant 0 : i32
      %dma_wait3A_147 = tpu.memref_slice %arg5[%dma_wait3A_146] : memref<262144xi32, #tpu.memory_space<vmem_shared>> -> memref<16384xi32, #tpu.memory_space<vmem_shared>>
      tpu.wait_dma2 semaphore(%arg16 : memref<!tpu.dma_semaphore, #tpu.memory_space<semaphore_mem>>) src(%dma_wait3A_147 : memref<16384xi32, #tpu.memory_space<vmem_shared>>) dst(%arg10 : memref<16384xi32, #tpu.memory_space<vmem>>)
      %scan3A_148 = arith.constant 0 : i32
      %scan3A_149 = arith.constant 0 : i32
      %scan3A_150 = arith.constant 512 : i32
      %scan3A_151 = arith.addi %scan3A_149, %scan3A_150 : i32
      %scan3A_152 = arith.constant 1 : i32
      %scan3A_153 = scf.for %scan3A_252 = %scan3A_149 to %scan3A_151 step %scan3A_152 iter_args(%scan3A_253 = %scan3A_148) -> (i32)  : i32 {
        %mul3A_254 = arith.constant 32 : i32
        %mul3A_255 = arith.muli %scan3A_252, %mul3A_254 : i32
        %add3A_256 = arith.constant 0 : i32
        %add3A_257 = arith.addi %mul3A_255, %add3A_256 : i32
        %get3A_258 = arith.index_cast %add3A_257 : i32 to index
        %get3A_259 = tpu.vector_load %arg10[%get3A_258] {strides = array<i32>} : memref<16384xi32, #tpu.memory_space<vmem>>, vector<16xi32>,
        %add3A_260 = arith.constant 512 : i32
        %add3A_261 = arith.addi %add3A_257, %add3A_260 : i32
        %get3A_262 = arith.index_cast %add3A_261 : i32 to index
        %get3A_263 = tpu.vector_load %arg7[%get3A_262] {strides = array<i32>} : memref<17408xi32, #tpu.memory_space<vmem>>, vector<16xi32>,
        %lt3A_264 = arith.constant 524288 : i32
        %lt3A_265 = vector.broadcast %lt3A_264 : i32 to vector<16xi32>
        %lt3A_266 = arith.cmpi slt, %get3A_263, %lt3A_265 : vector<16xi32>
        %select_n3A = arith.select %lt3A_266, %get3A_259, %get3A_263 : vector<16xi1>, vector<16xi32>
        %swap3A_267 = arith.index_cast %add3A_257 : i32 to index
        %swap3A_268 = tpu.vector_load %arg10[%swap3A_267] {strides = array<i32>} : memref<16384xi32, #tpu.memory_space<vmem>>, vector<16xi32>,
        tpu.vector_store %arg10[%swap3A_267], %select_n3A {strides = array<i32>} : memref<16384xi32, #tpu.memory_space<vmem>>, vector<16xi32>,
        %jit3A = arith.constant 524288 : i32
        %broadcast_in_dim3A_269 = vector.broadcast %jit3A : i32 to vector<16xi32>
        %select_n3A_270 = arith.select %lt3A_266, %select_n3A, %broadcast_in_dim3A_269 : vector<16xi1>, vector<16xi32>
        %swap3A_271 = arith.index_cast %add3A_257 : i32 to index
        %swap3A_272 = tpu.vector_load %arg11[%swap3A_271] {strides = array<i32>} : memref<16384xi32, #tpu.memory_space<vmem>>, vector<16xi32>,
        tpu.vector_store %arg11[%swap3A_271], %select_n3A_270 {strides = array<i32>} : memref<16384xi32, #tpu.memory_space<vmem>>, vector<16xi32>,
        %ge3A = arith.constant 262144 : i32
        %ge3A_273 = vector.broadcast %ge3A : i32 to vector<16xi32>
        %ge3A_274 = arith.cmpi sge, %get3A_263, %ge3A_273 : vector<16xi32>
        %sub3A = arith.constant 262144 : i32
        %sub3A_275 = vector.broadcast %sub3A : i32 to vector<16xi32>
        %sub3A_276 = arith.subi %get3A_263, %sub3A_275 : vector<16xi32>
        %select_n3A_277 = arith.select %ge3A_274, %sub3A_276, %get3A_263 : vector<16xi1>, vector<16xi32>
        %min3A_278 = arith.constant 262143 : i32
        %min3A_279 = vector.broadcast %min3A_278 : i32 to vector<16xi32>
        %min3A_280 = arith.minsi %select_n3A_277, %min3A_279 : vector<16xi32>
        %add3A_281 = vector.broadcast %mul3A_15 : i32 to vector<16xi32>
        %add3A_282 = arith.addi %min3A_280, %add3A_281 : vector<16xi32>
        %swap3A_283 = arith.index_cast %add3A_257 : i32 to index
        %swap3A_284 = tpu.vector_load %arg9[%swap3A_283] {strides = array<i32>} : memref<16384xi32, #tpu.memory_space<vmem>>, vector<16xi32>,
        tpu.vector_store %arg9[%swap3A_283], %add3A_282 {strides = array<i32>} : memref<16384xi32, #tpu.memory_space<vmem>>, vector<16xi32>,
        %mul3A_285 = arith.constant 32 : i32
        %mul3A_286 = arith.muli %scan3A_252, %mul3A_285 : i32
        %add3A_287 = arith.constant 16 : i32
        %add3A_288 = arith.addi %mul3A_286, %add3A_287 : i32
        %get3A_289 = arith.index_cast %add3A_288 : i32 to index
        %get3A_290 = tpu.vector_load %arg10[%get3A_289] {strides = array<i32>} : memref<16384xi32, #tpu.memory_space<vmem>>, vector<16xi32>,
        %add3A_291 = arith.constant 512 : i32
        %add3A_292 = arith.addi %add3A_288, %add3A_291 : i32
        %get3A_293 = arith.index_cast %add3A_292 : i32 to index
        %get3A_294 = tpu.vector_load %arg7[%get3A_293] {strides = array<i32>} : memref<17408xi32, #tpu.memory_space<vmem>>, vector<16xi32>,
        %lt3A_295 = arith.constant 524288 : i32
        %lt3A_296 = vector.broadcast %lt3A_295 : i32 to vector<16xi32>
        %lt3A_297 = arith.cmpi slt, %get3A_294, %lt3A_296 : vector<16xi32>
        %select_n3A_298 = arith.select %lt3A_297, %get3A_290, %get3A_294 : vector<16xi1>, vector<16xi32>
        %swap3A_299 = arith.index_cast %add3A_288 : i32 to index
        %swap3A_300 = tpu.vector_load %arg10[%swap3A_299] {strides = array<i32>} : memref<16384xi32, #tpu.memory_space<vmem>>, vector<16xi32>,
        tpu.vector_store %arg10[%swap3A_299], %select_n3A_298 {strides = array<i32>} : memref<16384xi32, #tpu.memory_space<vmem>>, vector<16xi32>,
        %jit3A_301 = arith.constant 524288 : i32
        %broadcast_in_dim3A_302 = vector.broadcast %jit3A_301 : i32 to vector<16xi32>
        %select_n3A_303 = arith.select %lt3A_297, %select_n3A_298, %broadcast_in_dim3A_302 : vector<16xi1>, vector<16xi32>
        %swap3A_304 = arith.index_cast %add3A_288 : i32 to index
        %swap3A_305 = tpu.vector_load %arg11[%swap3A_304] {strides = array<i32>} : memref<16384xi32, #tpu.memory_space<vmem>>, vector<16xi32>,
        tpu.vector_store %arg11[%swap3A_304], %select_n3A_303 {strides = array<i32>} : memref<16384xi32, #tpu.memory_space<vmem>>, vector<16xi32>,
        %ge3A_306 = arith.constant 262144 : i32
        %ge3A_307 = vector.broadcast %ge3A_306 : i32 to vector<16xi32>
        %ge3A_308 = arith.cmpi sge, %get3A_294, %ge3A_307 : vector<16xi32>
        %sub3A_309 = arith.constant 262144 : i32
        %sub3A_310 = vector.broadcast %sub3A_309 : i32 to vector<16xi32>
        %sub3A_311 = arith.subi %get3A_294, %sub3A_310 : vector<16xi32>
        %select_n3A_312 = arith.select %ge3A_308, %sub3A_311, %get3A_294 : vector<16xi1>, vector<16xi32>
        %min3A_313 = arith.constant 262143 : i32
        %min3A_314 = vector.broadcast %min3A_313 : i32 to vector<16xi32>
        %min3A_315 = arith.minsi %select_n3A_312, %min3A_314 : vector<16xi32>
        %add3A_316 = vector.broadcast %mul3A_15 : i32 to vector<16xi32>
        %add3A_317 = arith.addi %min3A_315, %add3A_316 : vector<16xi32>
        %swap3A_318 = arith.index_cast %add3A_288 : i32 to index
        %swap3A_319 = tpu.vector_load %arg9[%swap3A_318] {strides = array<i32>} : memref<16384xi32, #tpu.memory_space<vmem>>, vector<16xi32>,
        tpu.vector_store %arg9[%swap3A_318], %add3A_317 {strides = array<i32>} : memref<16384xi32, #tpu.memory_space<vmem>>, vector<16xi32>,
        %scan3A_320 = arith.constant 0 : i32
        scf.yield %scan3A_320 : i32
      }
      %scan3A_154 = arith.constant 512 : i32
      %add3A_155 = arith.addi %mul3A_15, %mul3A_2 : i32
      "tpu.region"() ({
        %run_scoped3A = tpu.sem_alloc : memref<!tpu.dma_semaphore, #tpu.memory_space<semaphore_mem>>
        %dma_start3A = tpu.memref_slice %arg4[%add3A_155] : memref<528384xi32, #tpu.memory_space<hbm>> -> memref<16384xi32, #tpu.memory_space<hbm>>
        %dma_start3A_252 = tpu.memref_slice %arg4[%add3A_155] : memref<528384xi32, #tpu.memory_space<hbm>> -> memref<16384xi32, #tpu.memory_space<hbm>>
        tpu.enqueue_dma source(%arg10 : memref<16384xi32, #tpu.memory_space<vmem>>) target(%dma_start3A_252 : memref<16384xi32, #tpu.memory_space<hbm>>) target_semaphore(%run_scoped3A : memref<!tpu.dma_semaphore, #tpu.memory_space<semaphore_mem>>)
        %dma_wait3A_253 = tpu.memref_slice %arg4[%add3A_155] : memref<528384xi32, #tpu.memory_space<hbm>> -> memref<16384xi32, #tpu.memory_space<hbm>>
        %dma_wait3A_254 = tpu.memref_slice %arg4[%add3A_155] : memref<528384xi32, #tpu.memory_space<hbm>> -> memref<16384xi32, #tpu.memory_space<hbm>>
        tpu.wait_dma2 semaphore(%run_scoped3A : memref<!tpu.dma_semaphore, #tpu.memory_space<semaphore_mem>>) src(%arg10 : memref<16384xi32, #tpu.memory_space<vmem>>) dst(%dma_wait3A_254 : memref<16384xi32, #tpu.memory_space<hbm>>)
        tpu.yield
      }) : () -> ()
      %scan3A_156 = arith.constant 0 : i32
      %scan3A_157 = arith.constant 0 : i32
      %scan3A_158 = arith.constant 128 : i32
      %scan3A_159 = arith.addi %scan3A_157, %scan3A_158 : i32
      %scan3A_160 = arith.constant 1 : i32
      %scan3A_161 = scf.for %scan3A_252 = %scan3A_157 to %scan3A_159 step %scan3A_160 iter_args(%scan3A_253 = %scan3A_156) -> (i32)  : i32 {
        %swap3A_254 = arith.constant 1 : i32
        %swap3A_255 = arith.index_cast %scan3A_252 : i32 to index
        %swap3A_256 = memref.load %arg15[%swap3A_255] : memref<128xi32, #tpu.memory_space<smem>>
        memref.store %swap3A_254, %arg15[%swap3A_255] : memref<128xi32, #tpu.memory_space<smem>>
        %scan3A_257 = arith.constant 0 : i32
        scf.yield %scan3A_257 : i32
      }
      %scan3A_162 = arith.constant 128 : i32
      %barrier3A_163 = arith.constant 0 : index
      tpu.barrier barrier_id(%barrier3A_163)
      %while3A_164 = arith.constant 1 : i32
      %while3A_165 = arith.constant 0 : i32
      %while3A_166:2 = scf.while (%while3A_252 = %while3A_164, %while3A_253 = %while3A_165) : (i32, i32) -> (i32, i32) {
        %gt3A_254 = arith.constant 0 : i32
        %gt3A_255 = arith.cmpi sgt, %while3A_252, %gt3A_254 : i32
        %lt3A_256 = arith.constant 100 : i32
        %lt3A_257 = arith.cmpi slt, %while3A_253, %lt3A_256 : i32
        %and3A_258 = arith.andi %gt3A_255, %lt3A_257 : i1
        scf.condition(%and3A_258) %while3A_252, %while3A_253 : i32, i32
      } do {
      ^bb0(%while3A_252: i32, %while3A_253: i32):
        %scan3A_254 = arith.constant 0 : i32
        %scan3A_255 = arith.constant 0 : i32
        %scan3A_256 = arith.constant 128 : i32
        %scan3A_257 = arith.addi %scan3A_255, %scan3A_256 : i32
        %scan3A_258 = arith.constant 1 : i32
        %scan3A_259 = scf.for %scan3A_330 = %scan3A_255 to %scan3A_257 step %scan3A_258 iter_args(%scan3A_331 = %scan3A_254) -> (i32)  : i32 {
          %get3A_332 = arith.index_cast %scan3A_330 : i32 to index
          %get3A_333 = memref.load %arg15[%get3A_332] : memref<128xi32, #tpu.memory_space<smem>>
          %gt3A_334 = arith.constant 0 : i32
          %gt3A_335 = arith.cmpi sgt, %get3A_333, %gt3A_334 : i32
          %convert_element_type3A_336 = arith.extui %gt3A_335 : i1 to i32
          %cond3A_337 = arith.constant 0 : i32
          %cond3A_338 = arith.cmpi ne, %convert_element_type3A_336, %cond3A_337 : i32
          scf.if %cond3A_338 {
            %mul3A_340 = arith.constant 128 : i32
            %mul3A_341 = arith.muli %scan3A_330, %mul3A_340 : i32
            %mul3A_342 = arith.constant 128 : i32
            %mul3A_343 = arith.muli %scan3A_330, %mul3A_342 : i32
            %dma_start3A = tpu.memref_slice %arg12[%mul3A_343] : memref<16384xi32, #tpu.memory_space<vmem>> -> memref<128xi32, #tpu.memory_space<vmem>>
            %dma_start3A_344 = tpu.memref_slice %arg9[%mul3A_341] : memref<16384xi32, #tpu.memory_space<vmem>> -> memref<128xi32, #tpu.memory_space<vmem>>
            %dma_start3A_345 = arith.constant 0 : i32
            %dma_start3A_346 = tpu.memref_slice %arg4[%dma_start3A_345] : memref<528384xi32, #tpu.memory_space<hbm>> -> memref<528384xi32, #tpu.memory_space<hbm>>
            tpu.enqueue_indirect_dma source(%dma_start3A_346 : memref<528384xi32, #tpu.memory_space<hbm>>) target(%dma_start3A : memref<128xi32, #tpu.memory_space<vmem>>) offsets(%dma_start3A_344 : memref<128xi32, #tpu.memory_space<vmem>>) semaphore(%arg16 : memref<!tpu.dma_semaphore, #tpu.memory_space<semaphore_mem>>)
          } else {
          }
          %scan3A_339 = arith.constant 0 : i32
          scf.yield %scan3A_339 : i32
        }
        %scan3A_260 = arith.constant 128 : i32
        %scan3A_261 = arith.constant 0 : i32
        %scan3A_262 = arith.constant 0 : i32
        %scan3A_263 = arith.constant 128 : i32
        %scan3A_264 = arith.addi %scan3A_262, %scan3A_263 : i32
        %scan3A_265 = arith.constant 1 : i32
        %scan3A_266 = scf.for %scan3A_330 = %scan3A_262 to %scan3A_264 step %scan3A_265 iter_args(%scan3A_331 = %scan3A_261) -> (i32)  : i32 {
          %get3A_332 = arith.index_cast %scan3A_330 : i32 to index
          %get3A_333 = memref.load %arg15[%get3A_332] : memref<128xi32, #tpu.memory_space<smem>>
          %swap3A_334 = arith.constant 0 : i32
          %swap3A_335 = arith.index_cast %scan3A_330 : i32 to index
          %swap3A_336 = memref.load %arg15[%swap3A_335] : memref<128xi32, #tpu.memory_space<smem>>
          memref.store %swap3A_334, %arg15[%swap3A_335] : memref<128xi32, #tpu.memory_space<smem>>
          %gt3A_337 = arith.constant 0 : i32
          %gt3A_338 = arith.cmpi sgt, %get3A_333, %gt3A_337 : i32
          %convert_element_type3A_339 = arith.extui %gt3A_338 : i1 to i32
          %cond3A_340 = arith.constant 0 : i32
          %cond3A_341 = arith.cmpi ne, %convert_element_type3A_339, %cond3A_340 : i32
          scf.if %cond3A_341 {
            %mul3A_345 = arith.constant 128 : i32
            %mul3A_346 = arith.muli %scan3A_330, %mul3A_345 : i32
            %dma_wait3A_347 = tpu.memref_slice %arg12[%mul3A_346] : memref<16384xi32, #tpu.memory_space<vmem>> -> memref<128xi32, #tpu.memory_space<vmem>>
            %dma_wait3A_348 = arith.constant 0 : i32
            %dma_wait3A_349 = tpu.memref_slice %arg4[%dma_wait3A_348] : memref<528384xi32, #tpu.memory_space<hbm>> -> memref<128xi32, #tpu.memory_space<hbm>>
            %dma_wait3A_350 = tpu.memref_slice %arg12[%mul3A_346] : memref<16384xi32, #tpu.memory_space<vmem>> -> memref<128xi32, #tpu.memory_space<vmem>>
            %dma_wait3A_351 = arith.constant 0 : i32
            %dma_wait3A_352 = tpu.memref_slice %arg4[%dma_wait3A_351] : memref<528384xi32, #tpu.memory_space<hbm>> -> memref<128xi32, #tpu.memory_space<hbm>>
            tpu.wait_dma2 semaphore(%arg16 : memref<!tpu.dma_semaphore, #tpu.memory_space<semaphore_mem>>) src(%dma_wait3A_352 : memref<128xi32, #tpu.memory_space<hbm>>) dst(%dma_wait3A_350 : memref<128xi32, #tpu.memory_space<vmem>>)
            %scan3A_353 = arith.constant 0 : i32
            %scan3A_354 = arith.constant 0 : i32
            %scan3A_355 = arith.constant 8 : i32
            %scan3A_356 = arith.addi %scan3A_354, %scan3A_355 : i32
            %scan3A_357 = arith.constant 1 : i32
            %scan3A_358 = scf.for %scan3A_362 = %scan3A_354 to %scan3A_356 step %scan3A_357 iter_args(%scan3A_363 = %scan3A_353) -> (i32)  : i32 {
              %mul3A_364 = arith.constant 128 : i32
              %mul3A_365 = arith.muli %scan3A_330, %mul3A_364 : i32
              %mul3A_366 = arith.constant 16 : i32
              %mul3A_367 = arith.muli %scan3A_362, %mul3A_366 : i32
              %add3A_368 = arith.addi %mul3A_365, %mul3A_367 : i32
              %get3A_369 = arith.index_cast %add3A_368 : i32 to index
              %get3A_370 = tpu.vector_load %arg9[%get3A_369] {strides = array<i32>} : memref<16384xi32, #tpu.memory_space<vmem>>, vector<16xi32>,
              %get3A_371 = arith.index_cast %add3A_368 : i32 to index
              %get3A_372 = tpu.vector_load %arg11[%get3A_371] {strides = array<i32>} : memref<16384xi32, #tpu.memory_space<vmem>>, vector<16xi32>,
              %get3A_373 = arith.index_cast %add3A_368 : i32 to index
              %get3A_374 = tpu.vector_load %arg12[%get3A_373] {strides = array<i32>} : memref<16384xi32, #tpu.memory_space<vmem>>, vector<16xi32>,
              %lt3A_375 = arith.cmpi slt, %get3A_372, %get3A_374 : vector<16xi32>
              %reduce_or3A = arith.constant 1.000000e+00 : f32
              %reduce_or3A_376 = arith.constant 0.000000e+00 : f32
              %reduce_or3A_377 = vector.broadcast %reduce_or3A : f32 to vector<16xf32>
              %reduce_or3A_378 = vector.broadcast %reduce_or3A_376 : f32 to vector<16xf32>
              %reduce_or3A_379 = arith.select %lt3A_375, %reduce_or3A_377, %reduce_or3A_378 : vector<16xi1>, vector<16xf32>
              %reduce_or3A_380 = arith.constant true
              %reduce_or3A_381 = vector.broadcast %reduce_or3A_380 : i1 to vector<16xi1>
              %reduce_or3A_382 = tpu.scan <max>, %reduce_or3A_379 masked %reduce_or3A_381 : vector<16xf32>, vector<16xi1> -> vector<16xf32>
              %reduce_or3A_383 = vector.extract %reduce_or3A_382[15] : f32 from vector<16xf32>
              %reduce_or3A_384 = arith.constant 0.000000e+00 : f32
              %reduce_or3A_385 = arith.cmpf ogt, %reduce_or3A_383, %reduce_or3A_384 : f32
              %convert_element_type3A_386 = arith.extui %reduce_or3A_385 : i1 to i32
              %cond3A_387 = arith.constant 0 : i32
              %cond3A_388 = arith.cmpi ne, %convert_element_type3A_386, %cond3A_387 : i32
              scf.if %cond3A_388 {
                %select_n3A = arith.select %lt3A_375, %get3A_370, %add3A_66 : vector<16xi1>, vector<16xi32>
                "tpu.region"() ({
                  %run_scoped3A = tpu.sem_alloc : memref<!tpu.dma_semaphore, #tpu.memory_space<semaphore_mem>>
                  %dma_start3A = tpu.memref_slice %arg11[%add3A_368] : memref<16384xi32, #tpu.memory_space<vmem>> -> memref<16xi32, #tpu.memory_space<vmem>>
                  %dma_start3A_390 = arith.constant 0 : i32
                  %dma_start3A_391 = tpu.memref_slice %arg4[%dma_start3A_390] : memref<528384xi32, #tpu.memory_space<hbm>> -> memref<528384xi32, #tpu.memory_space<hbm>>
                  tpu.enqueue_indirect_dma source(%dma_start3A : memref<16xi32, #tpu.memory_space<vmem>>) target(%dma_start3A_391 : memref<528384xi32, #tpu.memory_space<hbm>>) offsets(%select_n3A : vector<16xi32>) semaphore(%run_scoped3A : memref<!tpu.dma_semaphore, #tpu.memory_space<semaphore_mem>>)
                  %dma_wait3A_392 = tpu.memref_slice %arg11[%add3A_368] : memref<16384xi32, #tpu.memory_space<vmem>> -> memref<16xi32, #tpu.memory_space<vmem>>
                  %dma_wait3A_393 = arith.constant 0 : i32
                  %dma_wait3A_394 = tpu.memref_slice %arg4[%dma_wait3A_393] : memref<528384xi32, #tpu.memory_space<hbm>> -> memref<528384xi32, #tpu.memory_space<hbm>>
                  tpu.wait_indirect_dma semaphore(%run_scoped3A : memref<!tpu.dma_semaphore, #tpu.memory_space<semaphore_mem>>) src(%dma_wait3A_392 : memref<16xi32, #tpu.memory_space<vmem>>) dst(%dma_wait3A_394 : memref<528384xi32, #tpu.memory_space<hbm>>)
                  tpu.yield
                }) : () -> ()
              } else {
              }
              %convert_element_type3A_389 = arith.extui %reduce_or3A_385 : i1 to i32
              %or3A = arith.ori %scan3A_363, %convert_element_type3A_389 : i32
              scf.yield %or3A : i32
            }
            %scan3A_359 = arith.constant 8 : i32
            %swap3A_360 = arith.index_cast %scan3A_330 : i32 to index
            %swap3A_361 = memref.load %arg15[%swap3A_360] : memref<128xi32, #tpu.memory_space<smem>>
            memref.store %scan3A_358, %arg15[%swap3A_360] : memref<128xi32, #tpu.memory_space<smem>>
          } else {
          }
          %get3A_342 = arith.index_cast %scan3A_330 : i32 to index
          %get3A_343 = memref.load %arg15[%get3A_342] : memref<128xi32, #tpu.memory_space<smem>>
          %add3A_344 = arith.addi %scan3A_331, %get3A_343 : i32
          scf.yield %add3A_344 : i32
        }
        %scan3A_267 = arith.constant 128 : i32
        %broadcast_in_dim3A_268 = vector.broadcast %scan3A_266 : i32 to vector<16xi32>
        %swap3A_269 = arith.constant 0 : index
        %swap3A_270 = tpu.vector_load %arg13[%swap3A_269] {strides = array<i32>} : memref<16xi32, #tpu.memory_space<vmem>>, vector<16xi32>,
        tpu.vector_store %arg13[%swap3A_269], %broadcast_in_dim3A_268 {strides = array<i32>} : memref<16xi32, #tpu.memory_space<vmem>>, vector<16xi32>,
        %mul3A_271 = arith.constant 16 : i32
        %mul3A_272 = arith.muli %arg1, %mul3A_271 : i32
        "tpu.region"() ({
          %run_scoped3A = tpu.sem_alloc : memref<!tpu.dma_semaphore, #tpu.memory_space<semaphore_mem>>
          %dma_start3A = tpu.memref_slice %arg6[%mul3A_272] : memref<256xi32, #tpu.memory_space<vmem_shared>> -> memref<16xi32, #tpu.memory_space<vmem_shared>>
          %dma_start3A_330 = tpu.memref_slice %arg6[%mul3A_272] : memref<256xi32, #tpu.memory_space<vmem_shared>> -> memref<16xi32, #tpu.memory_space<vmem_shared>>
          tpu.enqueue_dma source(%arg13 : memref<16xi32, #tpu.memory_space<vmem>>) target(%dma_start3A_330 : memref<16xi32, #tpu.memory_space<vmem_shared>>) target_semaphore(%run_scoped3A : memref<!tpu.dma_semaphore, #tpu.memory_space<semaphore_mem>>)
          %dma_wait3A_331 = tpu.memref_slice %arg6[%mul3A_272] : memref<256xi32, #tpu.memory_space<vmem_shared>> -> memref<16xi32, #tpu.memory_space<vmem_shared>>
          %dma_wait3A_332 = tpu.memref_slice %arg6[%mul3A_272] : memref<256xi32, #tpu.memory_space<vmem_shared>> -> memref<16xi32, #tpu.memory_space<vmem_shared>>
          tpu.wait_dma2 semaphore(%run_scoped3A : memref<!tpu.dma_semaphore, #tpu.memory_space<semaphore_mem>>) src(%arg13 : memref<16xi32, #tpu.memory_space<vmem>>) dst(%dma_wait3A_332 : memref<16xi32, #tpu.memory_space<vmem_shared>>)
          tpu.yield
        }) : () -> ()
        %barrier3A_273 = arith.constant 0 : index
        tpu.barrier barrier_id(%barrier3A_273)
        "tpu.region"() ({
          %run_scoped3A = tpu.sem_alloc : memref<!tpu.dma_semaphore, #tpu.memory_space<semaphore_mem>>
          tpu.enqueue_dma source(%arg6 : memref<256xi32, #tpu.memory_space<vmem_shared>>) target(%arg14 : memref<256xi32, #tpu.memory_space<vmem>>) target_semaphore(%run_scoped3A : memref<!tpu.dma_semaphore, #tpu.memory_space<semaphore_mem>>)
          tpu.wait_dma2 semaphore(%run_scoped3A : memref<!tpu.dma_semaphore, #tpu.memory_space<semaphore_mem>>) src(%arg6 : memref<256xi32, #tpu.memory_space<vmem_shared>>) dst(%arg14 : memref<256xi32, #tpu.memory_space<vmem>>)
          tpu.yield
        }) : () -> ()
        %get3A_274 = arith.constant 0 : index
        %get3A_275 = tpu.vector_load %arg14[%get3A_274] {strides = array<i32>} : memref<256xi32, #tpu.memory_space<vmem>>, vector<16xi32>,
        %get3A_276 = arith.constant 16 : index
        %get3A_277 = tpu.vector_load %arg14[%get3A_276] {strides = array<i32>} : memref<256xi32, #tpu.memory_space<vmem>>, vector<16xi32>,
        %max3A = arith.maxsi %get3A_275, %get3A_277 : vector<16xi32>
        %get3A_278 = arith.constant 32 : index
        %get3A_279 = tpu.vector_load %arg14[%get3A_278] {strides = array<i32>} : memref<256xi32, #tpu.memory_space<vmem>>, vector<16xi32>,
        %max3A_280 = arith.maxsi %max3A, %get3A_279 : vector<16xi32>
        %get3A_281 = arith.constant 48 : index
        %get3A_282 = tpu.vector_load %arg14[%get3A_281] {strides = array<i32>} : memref<256xi32, #tpu.memory_space<vmem>>, vector<16xi32>,
        %max3A_283 = arith.maxsi %max3A_280, %get3A_282 : vector<16xi32>
        %get3A_284 = arith.constant 64 : index
        %get3A_285 = tpu.vector_load %arg14[%get3A_284] {strides = array<i32>} : memref<256xi32, #tpu.memory_space<vmem>>, vector<16xi32>,
        %max3A_286 = arith.maxsi %max3A_283, %get3A_285 : vector<16xi32>
        %get3A_287 = arith.constant 80 : index
        %get3A_288 = tpu.vector_load %arg14[%get3A_287] {strides = array<i32>} : memref<256xi32, #tpu.memory_space<vmem>>, vector<16xi32>,
        %max3A_289 = arith.maxsi %max3A_286, %get3A_288 : vector<16xi32>
        %get3A_290 = arith.constant 96 : index
        %get3A_291 = tpu.vector_load %arg14[%get3A_290] {strides = array<i32>} : memref<256xi32, #tpu.memory_space<vmem>>, vector<16xi32>,
        %max3A_292 = arith.maxsi %max3A_289, %get3A_291 : vector<16xi32>
        %get3A_293 = arith.constant 112 : index
        %get3A_294 = tpu.vector_load %arg14[%get3A_293] {strides = array<i32>} : memref<256xi32, #tpu.memory_space<vmem>>, vector<16xi32>,
        %max3A_295 = arith.maxsi %max3A_292, %get3A_294 : vector<16xi32>
        %get3A_296 = arith.constant 128 : index
        %get3A_297 = tpu.vector_load %arg14[%get3A_296] {strides = array<i32>} : memref<256xi32, #tpu.memory_space<vmem>>, vector<16xi32>,
        %max3A_298 = arith.maxsi %max3A_295, %get3A_297 : vector<16xi32>
        %get3A_299 = arith.constant 144 : index
        %get3A_300 = tpu.vector_load %arg14[%get3A_299] {strides = array<i32>} : memref<256xi32, #tpu.memory_space<vmem>>, vector<16xi32>,
        %max3A_301 = arith.maxsi %max3A_298, %get3A_300 : vector<16xi32>
        %get3A_302 = arith.constant 160 : index
        %get3A_303 = tpu.vector_load %arg14[%get3A_302] {strides = array<i32>} : memref<256xi32, #tpu.memory_space<vmem>>, vector<16xi32>,
        %max3A_304 = arith.maxsi %max3A_301, %get3A_303 : vector<16xi32>
        %get3A_305 = arith.constant 176 : index
        %get3A_306 = tpu.vector_load %arg14[%get3A_305] {strides = array<i32>} : memref<256xi32, #tpu.memory_space<vmem>>, vector<16xi32>,
        %max3A_307 = arith.maxsi %max3A_304, %get3A_306 : vector<16xi32>
        %get3A_308 = arith.constant 192 : index
        %get3A_309 = tpu.vector_load %arg14[%get3A_308] {strides = array<i32>} : memref<256xi32, #tpu.memory_space<vmem>>, vector<16xi32>,
        %max3A_310 = arith.maxsi %max3A_307, %get3A_309 : vector<16xi32>
        %get3A_311 = arith.constant 208 : index
        %get3A_312 = tpu.vector_load %arg14[%get3A_311] {strides = array<i32>} : memref<256xi32, #tpu.memory_space<vmem>>, vector<16xi32>,
        %max3A_313 = arith.maxsi %max3A_310, %get3A_312 : vector<16xi32>
        %get3A_314 = arith.constant 224 : index
        %get3A_315 = tpu.vector_load %arg14[%get3A_314] {strides = array<i32>} : memref<256xi32, #tpu.memory_space<vmem>>, vector<16xi32>,
        %max3A_316 = arith.maxsi %max3A_313, %get3A_315 : vector<16xi32>
        %get3A_317 = arith.constant 240 : index
        %get3A_318 = tpu.vector_load %arg14[%get3A_317] {strides = array<i32>} : memref<256xi32, #tpu.memory_space<vmem>>, vector<16xi32>,
        %max3A_319 = arith.maxsi %max3A_316, %get3A_318 : vector<16xi32>
        %barrier3A_320 = arith.constant 0 : index
        tpu.barrier barrier_id(%barrier3A_320)
        %reduce_max3A = arith.constant true
        %reduce_max3A_321 = vector.broadcast %reduce_max3A : i1 to vector<16xi1>
        %reduce_max3A_322 = arith.constant -2147483648 : i32
        %reduce_max3A_323 = vector.broadcast %reduce_max3A_322 : i32 to vector<16xi32>
        %reduce_max3A_324 = arith.xori %max3A_319, %reduce_max3A_323 : vector<16xi32>
        %reduce_max3A_325 = tpu.scan <max>, %reduce_max3A_324 masked %reduce_max3A_321 : vector<16xi32>, vector<16xi1> -> vector<16xi32>
        %reduce_max3A_326 = arith.xori %reduce_max3A_325, %reduce_max3A_323 : vector<16xi32>
        %reduce_max3A_327 = vector.extract %reduce_max3A_326[15] : i32 from vector<16xi32>
        %add3A_328 = arith.constant 1 : i32
        %add3A_329 = arith.addi %while3A_253, %add3A_328 : i32
        scf.yield %reduce_max3A_327, %add3A_329 : i32, i32
      }
      %add3A_167 = arith.addi %mul3A_15, %mul3A_2 : i32
      "tpu.region"() ({
        %run_scoped3A = tpu.sem_alloc : memref<!tpu.dma_semaphore, #tpu.memory_space<semaphore_mem>>
        %dma_start3A = tpu.memref_slice %arg4[%add3A_167] : memref<528384xi32, #tpu.memory_space<hbm>> -> memref<16384xi32, #tpu.memory_space<hbm>>
        %dma_start3A_252 = tpu.memref_slice %arg4[%add3A_167] : memref<528384xi32, #tpu.memory_space<hbm>> -> memref<16384xi32, #tpu.memory_space<hbm>>
        tpu.enqueue_dma source(%dma_start3A_252 : memref<16384xi32, #tpu.memory_space<hbm>>) target(%arg10 : memref<16384xi32, #tpu.memory_space<vmem>>) target_semaphore(%run_scoped3A : memref<!tpu.dma_semaphore, #tpu.memory_space<semaphore_mem>>)
        %dma_wait3A_253 = tpu.memref_slice %arg4[%add3A_167] : memref<528384xi32, #tpu.memory_space<hbm>> -> memref<16384xi32, #tpu.memory_space<hbm>>
        %dma_wait3A_254 = tpu.memref_slice %arg4[%add3A_167] : memref<528384xi32, #tpu.memory_space<hbm>> -> memref<16384xi32, #tpu.memory_space<hbm>>
        tpu.wait_dma2 semaphore(%run_scoped3A : memref<!tpu.dma_semaphore, #tpu.memory_space<semaphore_mem>>) src(%dma_wait3A_254 : memref<16384xi32, #tpu.memory_space<hbm>>) dst(%arg10 : memref<16384xi32, #tpu.memory_space<vmem>>)
        tpu.yield
      }) : () -> ()
      %scan3A_168 = arith.constant 0 : i32
      %scan3A_169 = arith.constant 0 : i32
      %scan3A_170 = arith.constant 512 : i32
      %scan3A_171 = arith.addi %scan3A_169, %scan3A_170 : i32
      %scan3A_172 = arith.constant 1 : i32
      %scan3A_173 = scf.for %scan3A_252 = %scan3A_169 to %scan3A_171 step %scan3A_172 iter_args(%scan3A_253 = %scan3A_168) -> (i32)  : i32 {
        %mul3A_254 = arith.constant 32 : i32
        %mul3A_255 = arith.muli %scan3A_252, %mul3A_254 : i32
        %add3A_256 = arith.constant 0 : i32
        %add3A_257 = arith.addi %mul3A_255, %add3A_256 : i32
        %get3A_258 = arith.index_cast %add3A_257 : i32 to index
        %get3A_259 = tpu.vector_load %arg10[%get3A_258] {strides = array<i32>} : memref<16384xi32, #tpu.memory_space<vmem>>, vector<16xi32>,
        %ge3A = arith.constant 262144 : i32
        %ge3A_260 = vector.broadcast %ge3A : i32 to vector<16xi32>
        %ge3A_261 = arith.cmpi sge, %get3A_259, %ge3A_260 : vector<16xi32>
        %sub3A = arith.constant 262144 : i32
        %sub3A_262 = vector.broadcast %sub3A : i32 to vector<16xi32>
        %sub3A_263 = arith.subi %get3A_259, %sub3A_262 : vector<16xi32>
        %select_n3A = arith.select %ge3A_261, %sub3A_263, %get3A_259 : vector<16xi1>, vector<16xi32>
        %min3A_264 = arith.constant 262143 : i32
        %min3A_265 = vector.broadcast %min3A_264 : i32 to vector<16xi32>
        %min3A_266 = arith.minsi %select_n3A, %min3A_265 : vector<16xi32>
        %add3A_267 = vector.broadcast %mul3A_15 : i32 to vector<16xi32>
        %add3A_268 = arith.addi %min3A_266, %add3A_267 : vector<16xi32>
        %swap3A_269 = arith.index_cast %add3A_257 : i32 to index
        %swap3A_270 = tpu.vector_load %arg9[%swap3A_269] {strides = array<i32>} : memref<16384xi32, #tpu.memory_space<vmem>>, vector<16xi32>,
        tpu.vector_store %arg9[%swap3A_269], %add3A_268 {strides = array<i32>} : memref<16384xi32, #tpu.memory_space<vmem>>, vector<16xi32>,
        %mul3A_271 = arith.constant 32 : i32
        %mul3A_272 = arith.muli %scan3A_252, %mul3A_271 : i32
        %add3A_273 = arith.constant 16 : i32
        %add3A_274 = arith.addi %mul3A_272, %add3A_273 : i32
        %get3A_275 = arith.index_cast %add3A_274 : i32 to index
        %get3A_276 = tpu.vector_load %arg10[%get3A_275] {strides = array<i32>} : memref<16384xi32, #tpu.memory_space<vmem>>, vector<16xi32>,
        %ge3A_277 = arith.constant 262144 : i32
        %ge3A_278 = vector.broadcast %ge3A_277 : i32 to vector<16xi32>
        %ge3A_279 = arith.cmpi sge, %get3A_276, %ge3A_278 : vector<16xi32>
        %sub3A_280 = arith.constant 262144 : i32
        %sub3A_281 = vector.broadcast %sub3A_280 : i32 to vector<16xi32>
        %sub3A_282 = arith.subi %get3A_276, %sub3A_281 : vector<16xi32>
        %select_n3A_283 = arith.select %ge3A_279, %sub3A_282, %get3A_276 : vector<16xi1>, vector<16xi32>
        %min3A_284 = arith.constant 262143 : i32
        %min3A_285 = vector.broadcast %min3A_284 : i32 to vector<16xi32>
        %min3A_286 = arith.minsi %select_n3A_283, %min3A_285 : vector<16xi32>
        %add3A_287 = vector.broadcast %mul3A_15 : i32 to vector<16xi32>
        %add3A_288 = arith.addi %min3A_286, %add3A_287 : vector<16xi32>
        %swap3A_289 = arith.index_cast %add3A_274 : i32 to index
        %swap3A_290 = tpu.vector_load %arg9[%swap3A_289] {strides = array<i32>} : memref<16384xi32, #tpu.memory_space<vmem>>, vector<16xi32>,
        tpu.vector_store %arg9[%swap3A_289], %add3A_288 {strides = array<i32>} : memref<16384xi32, #tpu.memory_space<vmem>>, vector<16xi32>,
        %scan3A_291 = arith.constant 0 : i32
        scf.yield %scan3A_291 : i32
      }
      %scan3A_174 = arith.constant 512 : i32
      %scan3A_175 = arith.constant 0 : i32
      %scan3A_176 = arith.constant 0 : i32
      %scan3A_177 = arith.constant 128 : i32
      %scan3A_178 = arith.addi %scan3A_176, %scan3A_177 : i32
      %scan3A_179 = arith.constant 1 : i32
      %scan3A_180 = scf.for %scan3A_252 = %scan3A_176 to %scan3A_178 step %scan3A_179 iter_args(%scan3A_253 = %scan3A_175) -> (i32)  : i32 {
        %mul3A_254 = arith.constant 128 : i32
        %mul3A_255 = arith.muli %scan3A_252, %mul3A_254 : i32
        %mul3A_256 = arith.constant 128 : i32
        %mul3A_257 = arith.muli %scan3A_252, %mul3A_256 : i32
        %dma_start3A = tpu.memref_slice %arg11[%mul3A_257] : memref<16384xi32, #tpu.memory_space<vmem>> -> memref<128xi32, #tpu.memory_space<vmem>>
        %dma_start3A_258 = tpu.memref_slice %arg9[%mul3A_255] : memref<16384xi32, #tpu.memory_space<vmem>> -> memref<128xi32, #tpu.memory_space<vmem>>
        %dma_start3A_259 = arith.constant 0 : i32
        %dma_start3A_260 = tpu.memref_slice %arg4[%dma_start3A_259] : memref<528384xi32, #tpu.memory_space<hbm>> -> memref<528384xi32, #tpu.memory_space<hbm>>
        tpu.enqueue_indirect_dma source(%dma_start3A_260 : memref<528384xi32, #tpu.memory_space<hbm>>) target(%dma_start3A : memref<128xi32, #tpu.memory_space<vmem>>) offsets(%dma_start3A_258 : memref<128xi32, #tpu.memory_space<vmem>>) semaphore(%arg16 : memref<!tpu.dma_semaphore, #tpu.memory_space<semaphore_mem>>)
        %scan3A_261 = arith.constant 0 : i32
        scf.yield %scan3A_261 : i32
      }
      %scan3A_181 = arith.constant 128 : i32
      %dma_wait3A_182 = arith.constant 0 : i32
      %dma_wait3A_183 = tpu.memref_slice %arg4[%dma_wait3A_182] : memref<528384xi32, #tpu.memory_space<hbm>> -> memref<16384xi32, #tpu.memory_space<hbm>>
      %dma_wait3A_184 = arith.constant 0 : i32
      %dma_wait3A_185 = tpu.memref_slice %arg4[%dma_wait3A_184] : memref<528384xi32, #tpu.memory_space<hbm>> -> memref<16384xi32, #tpu.memory_space<hbm>>
      tpu.wait_dma2 semaphore(%arg16 : memref<!tpu.dma_semaphore, #tpu.memory_space<semaphore_mem>>) src(%dma_wait3A_185 : memref<16384xi32, #tpu.memory_space<hbm>>) dst(%arg11 : memref<16384xi32, #tpu.memory_space<vmem>>)
      %scan3A_186 = arith.constant 1 : i32
      %scan3A_187 = arith.constant 0 : i32
      %scan3A_188 = arith.constant 512 : i32
      %scan3A_189 = arith.addi %scan3A_187, %scan3A_188 : i32
      %scan3A_190 = arith.constant 1 : i32
      %scan3A_191 = scf.for %scan3A_252 = %scan3A_187 to %scan3A_189 step %scan3A_190 iter_args(%scan3A_253 = %scan3A_186) -> (i32)  : i32 {
        %mul3A_254 = arith.constant 32 : i32
        %mul3A_255 = arith.muli %scan3A_252, %mul3A_254 : i32
        %add3A_256 = arith.constant 0 : i32
        %add3A_257 = arith.addi %mul3A_255, %add3A_256 : i32
        %get3A_258 = arith.index_cast %add3A_257 : i32 to index
        %get3A_259 = tpu.vector_load %arg10[%get3A_258] {strides = array<i32>} : memref<16384xi32, #tpu.memory_space<vmem>>, vector<16xi32>,
        %get3A_260 = arith.index_cast %add3A_257 : i32 to index
        %get3A_261 = tpu.vector_load %arg11[%get3A_260] {strides = array<i32>} : memref<16384xi32, #tpu.memory_space<vmem>>, vector<16xi32>,
        %lt3A_262 = arith.constant 524288 : i32
        %lt3A_263 = vector.broadcast %lt3A_262 : i32 to vector<16xi32>
        %lt3A_264 = arith.cmpi slt, %get3A_259, %lt3A_263 : vector<16xi32>
        %select_n3A = arith.select %lt3A_264, %get3A_261, %get3A_259 : vector<16xi1>, vector<16xi32>
        %swap3A_265 = arith.index_cast %add3A_257 : i32 to index
        %swap3A_266 = tpu.vector_load %arg10[%swap3A_265] {strides = array<i32>} : memref<16384xi32, #tpu.memory_space<vmem>>, vector<16xi32>,
        tpu.vector_store %arg10[%swap3A_265], %select_n3A {strides = array<i32>} : memref<16384xi32, #tpu.memory_space<vmem>>, vector<16xi32>,
        %add3A_267 = arith.constant 512 : i32
        %add3A_268 = arith.addi %add3A_257, %add3A_267 : i32
        %get3A_269 = arith.index_cast %add3A_268 : i32 to index
        %get3A_270 = tpu.vector_load %arg7[%get3A_269] {strides = array<i32>} : memref<17408xi32, #tpu.memory_space<vmem>>, vector<16xi32>,
        %eq3A_271 = arith.cmpi eq, %select_n3A, %get3A_270 : vector<16xi32>
        %reduce_and3A = arith.constant 1.000000e+00 : f32
        %reduce_and3A_272 = arith.constant 0.000000e+00 : f32
        %reduce_and3A_273 = vector.broadcast %reduce_and3A : f32 to vector<16xf32>
        %reduce_and3A_274 = vector.broadcast %reduce_and3A_272 : f32 to vector<16xf32>
        %reduce_and3A_275 = arith.select %eq3A_271, %reduce_and3A_273, %reduce_and3A_274 : vector<16xi1>, vector<16xf32>
        %reduce_and3A_276 = arith.constant true
        %reduce_and3A_277 = vector.broadcast %reduce_and3A_276 : i1 to vector<16xi1>
        %reduce_and3A_278 = tpu.scan <min>, %reduce_and3A_275 masked %reduce_and3A_277 : vector<16xf32>, vector<16xi1> -> vector<16xf32>
        %reduce_and3A_279 = vector.extract %reduce_and3A_278[15] : f32 from vector<16xf32>
        %reduce_and3A_280 = arith.constant 0.000000e+00 : f32
        %reduce_and3A_281 = arith.cmpf ogt, %reduce_and3A_279, %reduce_and3A_280 : f32
        %convert_element_type3A_282 = arith.extui %reduce_and3A_281 : i1 to i32
        %and3A_283 = arith.andi %scan3A_253, %convert_element_type3A_282 : i32
        %mul3A_284 = arith.constant 32 : i32
        %mul3A_285 = arith.muli %scan3A_252, %mul3A_284 : i32
        %add3A_286 = arith.constant 16 : i32
        %add3A_287 = arith.addi %mul3A_285, %add3A_286 : i32
        %get3A_288 = arith.index_cast %add3A_287 : i32 to index
        %get3A_289 = tpu.vector_load %arg10[%get3A_288] {strides = array<i32>} : memref<16384xi32, #tpu.memory_space<vmem>>, vector<16xi32>,
        %get3A_290 = arith.index_cast %add3A_287 : i32 to index
        %get3A_291 = tpu.vector_load %arg11[%get3A_290] {strides = array<i32>} : memref<16384xi32, #tpu.memory_space<vmem>>, vector<16xi32>,
        %lt3A_292 = arith.constant 524288 : i32
        %lt3A_293 = vector.broadcast %lt3A_292 : i32 to vector<16xi32>
        %lt3A_294 = arith.cmpi slt, %get3A_289, %lt3A_293 : vector<16xi32>
        %select_n3A_295 = arith.select %lt3A_294, %get3A_291, %get3A_289 : vector<16xi1>, vector<16xi32>
        %swap3A_296 = arith.index_cast %add3A_287 : i32 to index
        %swap3A_297 = tpu.vector_load %arg10[%swap3A_296] {strides = array<i32>} : memref<16384xi32, #tpu.memory_space<vmem>>, vector<16xi32>,
        tpu.vector_store %arg10[%swap3A_296], %select_n3A_295 {strides = array<i32>} : memref<16384xi32, #tpu.memory_space<vmem>>, vector<16xi32>,
        %add3A_298 = arith.constant 512 : i32
        %add3A_299 = arith.addi %add3A_287, %add3A_298 : i32
        %get3A_300 = arith.index_cast %add3A_299 : i32 to index
        %get3A_301 = tpu.vector_load %arg7[%get3A_300] {strides = array<i32>} : memref<17408xi32, #tpu.memory_space<vmem>>, vector<16xi32>,
        %eq3A_302 = arith.cmpi eq, %select_n3A_295, %get3A_301 : vector<16xi32>
        %reduce_and3A_303 = arith.constant 1.000000e+00 : f32
        %reduce_and3A_304 = arith.constant 0.000000e+00 : f32
        %reduce_and3A_305 = vector.broadcast %reduce_and3A_303 : f32 to vector<16xf32>
        %reduce_and3A_306 = vector.broadcast %reduce_and3A_304 : f32 to vector<16xf32>
        %reduce_and3A_307 = arith.select %eq3A_302, %reduce_and3A_305, %reduce_and3A_306 : vector<16xi1>, vector<16xf32>
        %reduce_and3A_308 = arith.constant true
        %reduce_and3A_309 = vector.broadcast %reduce_and3A_308 : i1 to vector<16xi1>
        %reduce_and3A_310 = tpu.scan <min>, %reduce_and3A_307 masked %reduce_and3A_309 : vector<16xf32>, vector<16xi1> -> vector<16xf32>
        %reduce_and3A_311 = vector.extract %reduce_and3A_310[15] : f32 from vector<16xf32>
        %reduce_and3A_312 = arith.constant 0.000000e+00 : f32
        %reduce_and3A_313 = arith.cmpf ogt, %reduce_and3A_311, %reduce_and3A_312 : f32
        %convert_element_type3A_314 = arith.extui %reduce_and3A_313 : i1 to i32
        %and3A_315 = arith.andi %and3A_283, %convert_element_type3A_314 : i32
        scf.yield %and3A_315 : i32
      }
      %scan3A_192 = arith.constant 512 : i32
      "tpu.region"() ({
        %run_scoped3A = tpu.sem_alloc : memref<!tpu.dma_semaphore, #tpu.memory_space<semaphore_mem>>
        %dma_start3A = tpu.memref_slice %arg5[%mul3A_2] : memref<262144xi32, #tpu.memory_space<vmem_shared>> -> memref<16384xi32, #tpu.memory_space<vmem_shared>>
        %dma_start3A_252 = tpu.memref_slice %arg5[%mul3A_2] : memref<262144xi32, #tpu.memory_space<vmem_shared>> -> memref<16384xi32, #tpu.memory_space<vmem_shared>>
        tpu.enqueue_dma source(%arg10 : memref<16384xi32, #tpu.memory_space<vmem>>) target(%dma_start3A_252 : memref<16384xi32, #tpu.memory_space<vmem_shared>>) target_semaphore(%run_scoped3A : memref<!tpu.dma_semaphore, #tpu.memory_space<semaphore_mem>>)
        %dma_wait3A_253 = tpu.memref_slice %arg5[%mul3A_2] : memref<262144xi32, #tpu.memory_space<vmem_shared>> -> memref<16384xi32, #tpu.memory_space<vmem_shared>>
        %dma_wait3A_254 = tpu.memref_slice %arg5[%mul3A_2] : memref<262144xi32, #tpu.memory_space<vmem_shared>> -> memref<16384xi32, #tpu.memory_space<vmem_shared>>
        tpu.wait_dma2 semaphore(%run_scoped3A : memref<!tpu.dma_semaphore, #tpu.memory_space<semaphore_mem>>) src(%arg10 : memref<16384xi32, #tpu.memory_space<vmem>>) dst(%dma_wait3A_254 : memref<16384xi32, #tpu.memory_space<vmem_shared>>)
        tpu.yield
      }) : () -> ()
      %broadcast_in_dim3A = vector.broadcast %scan3A_191 : i32 to vector<16xi32>
      %swap3A = arith.constant 0 : index
      %swap3A_193 = tpu.vector_load %arg13[%swap3A] {strides = array<i32>} : memref<16xi32, #tpu.memory_space<vmem>>, vector<16xi32>,
      tpu.vector_store %arg13[%swap3A], %broadcast_in_dim3A {strides = array<i32>} : memref<16xi32, #tpu.memory_space<vmem>>, vector<16xi32>,
      %mul3A_194 = arith.constant 16 : i32
      %mul3A_195 = arith.muli %arg1, %mul3A_194 : i32
      "tpu.region"() ({
        %run_scoped3A = tpu.sem_alloc : memref<!tpu.dma_semaphore, #tpu.memory_space<semaphore_mem>>
        %dma_start3A = tpu.memref_slice %arg6[%mul3A_195] : memref<256xi32, #tpu.memory_space<vmem_shared>> -> memref<16xi32, #tpu.memory_space<vmem_shared>>
        %dma_start3A_252 = tpu.memref_slice %arg6[%mul3A_195] : memref<256xi32, #tpu.memory_space<vmem_shared>> -> memref<16xi32, #tpu.memory_space<vmem_shared>>
        tpu.enqueue_dma source(%arg13 : memref<16xi32, #tpu.memory_space<vmem>>) target(%dma_start3A_252 : memref<16xi32, #tpu.memory_space<vmem_shared>>) target_semaphore(%run_scoped3A : memref<!tpu.dma_semaphore, #tpu.memory_space<semaphore_mem>>)
        %dma_wait3A_253 = tpu.memref_slice %arg6[%mul3A_195] : memref<256xi32, #tpu.memory_space<vmem_shared>> -> memref<16xi32, #tpu.memory_space<vmem_shared>>
        %dma_wait3A_254 = tpu.memref_slice %arg6[%mul3A_195] : memref<256xi32, #tpu.memory_space<vmem_shared>> -> memref<16xi32, #tpu.memory_space<vmem_shared>>
        tpu.wait_dma2 semaphore(%run_scoped3A : memref<!tpu.dma_semaphore, #tpu.memory_space<semaphore_mem>>) src(%arg13 : memref<16xi32, #tpu.memory_space<vmem>>) dst(%dma_wait3A_254 : memref<16xi32, #tpu.memory_space<vmem_shared>>)
        tpu.yield
      }) : () -> ()
      %barrier3A_196 = arith.constant 0 : index
      tpu.barrier barrier_id(%barrier3A_196)
      "tpu.region"() ({
        %run_scoped3A = tpu.sem_alloc : memref<!tpu.dma_semaphore, #tpu.memory_space<semaphore_mem>>
        tpu.enqueue_dma source(%arg6 : memref<256xi32, #tpu.memory_space<vmem_shared>>) target(%arg14 : memref<256xi32, #tpu.memory_space<vmem>>) target_semaphore(%run_scoped3A : memref<!tpu.dma_semaphore, #tpu.memory_space<semaphore_mem>>)
        tpu.wait_dma2 semaphore(%run_scoped3A : memref<!tpu.dma_semaphore, #tpu.memory_space<semaphore_mem>>) src(%arg6 : memref<256xi32, #tpu.memory_space<vmem_shared>>) dst(%arg14 : memref<256xi32, #tpu.memory_space<vmem>>)
        tpu.yield
      }) : () -> ()
      %get3A = arith.constant 0 : index
      %get3A_197 = tpu.vector_load %arg14[%get3A] {strides = array<i32>} : memref<256xi32, #tpu.memory_space<vmem>>, vector<16xi32>,
      %get3A_198 = arith.constant 16 : index
      %get3A_199 = tpu.vector_load %arg14[%get3A_198] {strides = array<i32>} : memref<256xi32, #tpu.memory_space<vmem>>, vector<16xi32>,
      %min3A = arith.minsi %get3A_197, %get3A_199 : vector<16xi32>
      %get3A_200 = arith.constant 32 : index
      %get3A_201 = tpu.vector_load %arg14[%get3A_200] {strides = array<i32>} : memref<256xi32, #tpu.memory_space<vmem>>, vector<16xi32>,
      %min3A_202 = arith.minsi %min3A, %get3A_201 : vector<16xi32>
      %get3A_203 = arith.constant 48 : index
      %get3A_204 = tpu.vector_load %arg14[%get3A_203] {strides = array<i32>} : memref<256xi32, #tpu.memory_space<vmem>>, vector<16xi32>,
      %min3A_205 = arith.minsi %min3A_202, %get3A_204 : vector<16xi32>
      %get3A_206 = arith.constant 64 : index
      %get3A_207 = tpu.vector_load %arg14[%get3A_206] {strides = array<i32>} : memref<256xi32, #tpu.memory_space<vmem>>, vector<16xi32>,
      %min3A_208 = arith.minsi %min3A_205, %get3A_207 : vector<16xi32>
      %get3A_209 = arith.constant 80 : index
      %get3A_210 = tpu.vector_load %arg14[%get3A_209] {strides = array<i32>} : memref<256xi32, #tpu.memory_space<vmem>>, vector<16xi32>,
      %min3A_211 = arith.minsi %min3A_208, %get3A_210 : vector<16xi32>
      %get3A_212 = arith.constant 96 : index
      %get3A_213 = tpu.vector_load %arg14[%get3A_212] {strides = array<i32>} : memref<256xi32, #tpu.memory_space<vmem>>, vector<16xi32>,
      %min3A_214 = arith.minsi %min3A_211, %get3A_213 : vector<16xi32>
      %get3A_215 = arith.constant 112 : index
      %get3A_216 = tpu.vector_load %arg14[%get3A_215] {strides = array<i32>} : memref<256xi32, #tpu.memory_space<vmem>>, vector<16xi32>,
      %min3A_217 = arith.minsi %min3A_214, %get3A_216 : vector<16xi32>
      %get3A_218 = arith.constant 128 : index
      %get3A_219 = tpu.vector_load %arg14[%get3A_218] {strides = array<i32>} : memref<256xi32, #tpu.memory_space<vmem>>, vector<16xi32>,
      %min3A_220 = arith.minsi %min3A_217, %get3A_219 : vector<16xi32>
      %get3A_221 = arith.constant 144 : index
      %get3A_222 = tpu.vector_load %arg14[%get3A_221] {strides = array<i32>} : memref<256xi32, #tpu.memory_space<vmem>>, vector<16xi32>,
      %min3A_223 = arith.minsi %min3A_220, %get3A_222 : vector<16xi32>
      %get3A_224 = arith.constant 160 : index
      %get3A_225 = tpu.vector_load %arg14[%get3A_224] {strides = array<i32>} : memref<256xi32, #tpu.memory_space<vmem>>, vector<16xi32>,
      %min3A_226 = arith.minsi %min3A_223, %get3A_225 : vector<16xi32>
      %get3A_227 = arith.constant 176 : index
      %get3A_228 = tpu.vector_load %arg14[%get3A_227] {strides = array<i32>} : memref<256xi32, #tpu.memory_space<vmem>>, vector<16xi32>,
      %min3A_229 = arith.minsi %min3A_226, %get3A_228 : vector<16xi32>
      %get3A_230 = arith.constant 192 : index
      %get3A_231 = tpu.vector_load %arg14[%get3A_230] {strides = array<i32>} : memref<256xi32, #tpu.memory_space<vmem>>, vector<16xi32>,
      %min3A_232 = arith.minsi %min3A_229, %get3A_231 : vector<16xi32>
      %get3A_233 = arith.constant 208 : index
      %get3A_234 = tpu.vector_load %arg14[%get3A_233] {strides = array<i32>} : memref<256xi32, #tpu.memory_space<vmem>>, vector<16xi32>,
      %min3A_235 = arith.minsi %min3A_232, %get3A_234 : vector<16xi32>
      %get3A_236 = arith.constant 224 : index
      %get3A_237 = tpu.vector_load %arg14[%get3A_236] {strides = array<i32>} : memref<256xi32, #tpu.memory_space<vmem>>, vector<16xi32>,
      %min3A_238 = arith.minsi %min3A_235, %get3A_237 : vector<16xi32>
      %get3A_239 = arith.constant 240 : index
      %get3A_240 = tpu.vector_load %arg14[%get3A_239] {strides = array<i32>} : memref<256xi32, #tpu.memory_space<vmem>>, vector<16xi32>,
      %min3A_241 = arith.minsi %min3A_238, %get3A_240 : vector<16xi32>
      %barrier3A_242 = arith.constant 0 : index
      tpu.barrier barrier_id(%barrier3A_242)
      %reduce_min3A = arith.constant true
      %reduce_min3A_243 = vector.broadcast %reduce_min3A : i1 to vector<16xi1>
      %reduce_min3A_244 = arith.constant -2147483648 : i32
      %reduce_min3A_245 = vector.broadcast %reduce_min3A_244 : i32 to vector<16xi32>
      %reduce_min3A_246 = arith.xori %min3A_241, %reduce_min3A_245 : vector<16xi32>
      %reduce_min3A_247 = tpu.scan <min>, %reduce_min3A_246 masked %reduce_min3A_243 : vector<16xi32>, vector<16xi1> -> vector<16xi32>
      %reduce_min3A_248 = arith.xori %reduce_min3A_247, %reduce_min3A_245 : vector<16xi32>
      %reduce_min3A_249 = vector.extract %reduce_min3A_248[15] : i32 from vector<16xi32>
      %add3A_250 = arith.constant 1 : i32
      %add3A_251 = arith.addi %while3A_108, %add3A_250 : i32
      scf.yield %add3A_251, %reduce_min3A_249 : i32, i32
    }
    %barrier3A_99 = arith.constant 0 : index
    tpu.barrier barrier_id(%barrier3A_99)
    %scan3A_100 = arith.constant 0 : i32
    %scan3A_101 = arith.constant 0 : i32
    %scan3A_102 = arith.constant 32 : i32
    %scan3A_103 = arith.addi %scan3A_101, %scan3A_102 : i32
    %scan3A_104 = arith.constant 1 : i32
    %scan3A_105 = scf.for %scan3A_108 = %scan3A_101 to %scan3A_103 step %scan3A_104 iter_args(%scan3A_109 = %scan3A_100) -> (i32)  : i32 {
      %add3A_110 = arith.addi %mul3A_0, %scan3A_108 : i32
      %mul3A_111 = arith.constant 512 : i32
      %mul3A_112 = arith.muli %add3A_110, %mul3A_111 : i32
      %add3A_113 = arith.addi %mul3A_0, %scan3A_108 : i32
      %run_scoped3A = arith.constant 0 : i32
      "tpu.region"() ({
        %run_scoped3A_115 = tpu.sem_alloc : memref<!tpu.dma_semaphore, #tpu.memory_space<semaphore_mem>>
        %dma_start3A = arith.constant 0 : i32
        %dma_start3A_116 = tpu.memref_slice %arg3[%add3A_64, %run_scoped3A, %add3A_113, %dma_start3A] : memref<4x1x512x512xi32, #tpu.memory_space<hbm>> -> memref<1x1x1x512xi32, #tpu.memory_space<hbm>>
        %dma_start3A_117 = tpu.memref_squeeze %dma_start3A_116 : memref<1x1x1x512xi32, #tpu.memory_space<hbm>> -> memref<512xi32, #tpu.memory_space<hbm>>
        %dma_start3A_118 = tpu.memref_slice %arg5[%mul3A_112] : memref<262144xi32, #tpu.memory_space<vmem_shared>> -> memref<512xi32, #tpu.memory_space<vmem_shared>>
        tpu.enqueue_dma source(%dma_start3A_118 : memref<512xi32, #tpu.memory_space<vmem_shared>>) target(%dma_start3A_117 : memref<512xi32, #tpu.memory_space<hbm>>) target_semaphore(%run_scoped3A_115 : memref<!tpu.dma_semaphore, #tpu.memory_space<semaphore_mem>>)
        %dma_wait3A = arith.constant 0 : i32
        %dma_wait3A_119 = tpu.memref_slice %arg3[%add3A_64, %run_scoped3A, %add3A_113, %dma_wait3A] : memref<4x1x512x512xi32, #tpu.memory_space<hbm>> -> memref<1x1x1x512xi32, #tpu.memory_space<hbm>>
        %dma_wait3A_120 = tpu.memref_squeeze %dma_wait3A_119 : memref<1x1x1x512xi32, #tpu.memory_space<hbm>> -> memref<512xi32, #tpu.memory_space<hbm>>
        %dma_wait3A_121 = tpu.memref_slice %arg5[%mul3A_112] : memref<262144xi32, #tpu.memory_space<vmem_shared>> -> memref<512xi32, #tpu.memory_space<vmem_shared>>
        tpu.wait_dma2 semaphore(%run_scoped3A_115 : memref<!tpu.dma_semaphore, #tpu.memory_space<semaphore_mem>>) src(%dma_wait3A_121 : memref<512xi32, #tpu.memory_space<vmem_shared>>) dst(%dma_wait3A_120 : memref<512xi32, #tpu.memory_space<hbm>>)
        tpu.yield
      }) : () -> ()
      %scan3A_114 = arith.constant 0 : i32
      scf.yield %scan3A_114 : i32
    }
    %scan3A_106 = arith.constant 32 : i32
    %barrier3A_107 = arith.constant 0 : index
    tpu.barrier barrier_id(%barrier3A_107)
    return
  }
}

</mosaic_0001>

<sc_bundles>
// kernel: _run.3.cloned.1.call-start
scs
__scs_entry_jumppad:
0x0: {  	(pc) =	sbr.rel $0x88, $3  }
0x1: {  	(tag) =	ssettag $0x0;
	lr =	simm.s32 $0x1  }
0x2: {  	[smem:$0x3FA0] =	sst lr;
	_ =	strace $0xD0000000  }
0x3: {  	_ = 	snop  }
0x4: {  	_ = 	snop  }
0x5: {  	_ = 	snop  }
0x6: {  	_ = 	snop  }
0x7: {  	_ = 	snop  }
__scs_overlays_trampoline_lowered:
0x8: {  	[smem:$0x3FAF] =	sst s0  }
0x9: {  	[smem:$0x3FB0] =	sst s1  }
0xa: {  	[smem:$0x3FB1] =	sst s2  }
0xb: {  	[smem:$0x3FB2] =	sst s3  }
0xc: {  	[smem:$0x3FB3] =	sst s4  }
0xd: {  	[smem:$0x3FB4] =	sst s5  }
0xe: {  	[smem:$0x3FB5] =	sst s6  }
0xf: {  	[smem:$0x3FB6] =	sst s7  }
0x10: {  	[smem:$0x3FB7] =	sst s8  }
0x11: {  	[smem:$0x3FB8] =	sst s9;
	s0 =	simm.s32 @!p0 $0x0  }
0x12: {  	s1 =	sld [smem:$0x3F9E];
	s0 =	simm.s32 @p0 $0x1  }
0x13: {  	[smem:$0x3FB9] =	sst s0;
	s0 =	simm.s32 @!p1 $0x0  }
0x14: {  	s2 =	sld [smem:$0x3F9D];
	s0 =	simm.s32 @p1 $0x1  }
0x15: {  	[smem:$0x3FBA] =	sst s0;
	s0 =	simm.s32 @!p2 $0x0  }
0x16: {  	s3 =	sld [smem:$0x3FDB];
	s0 =	simm.s32 @p2 $0x1  }
0x17: {  	s4 =	simm.s32 $0x1BF5;
	[smem:$0x3FBC] =	sst s0  }
0x18: {  	s0 =	sld [smem:$0x3F9F];
	_ =	swait.ge [sflag:s4], $0x0  }
0x19: {  	s7 =	sld [smem:$0x3FA0]  }
0x1a: {  	s8 =	sadd.s32 $0xFFFFE003, lr  }
0x1b: {  	s9 =	sadd.s32 $0xFFFFFEF7, lr;
	s5 =	simm.s32 $0xFFFFFFFF;
	p2 =	slt.u32 s8, $0xFFFFF086  }
0x1c: {  	p1 =	slt.u32 s9, $0xF7A;
	s5 =	simm.s32 @!p2 $0x0  }
0x1d: {  	s5 =	simm.s32 @p1 $0x1;
	p0 =	seq.s32 s7, s2  }
0x1e: {  	s7 =	smul.u32 @!p0 $0xF7A, s2;
	p2 =	seq.s32 @!p0 s5, $0x0  }
0x1f: {  	s9 =	smul.u32 $0xF7A, s1;
	s8 =	simm.s32 @!p0 $0x1BF5;
	p2 =	por !p2, p0  }
0x20: {  	[sflag:s8] =	ssyncset.s32 @!p0 $0xFFFFF086;
	s6 =	sadd.s32 @!p0 s3, s7;
	s7 =	simm.s32 @!p0 $0x108  }
0x21: {  	s3 =	sadd.s32 s3, s9;
	s6 =	sadd.s32 @!p0 $0x88, s6;
	s7 =	simm.s32 @p2 $0x1082  }
0x22: {  	[simem:s7], [sflag:s8] =	dma.local @!p0 [hbm:s6], $0xF7A  }
0x23: {  	s9 =	sor.u32 $0xD0000000, s2;
	s6 =	simm.s32 $0x108;
	_ =	swait.ge @!p0 [sflag:s8], $0x0  }
0x24: {  	s3 =	sadd.s32 $0x88, s3;
	s6 =	simm.s32 @!p1 $0x1082;
	[sflag:s4] =	ssyncset.s32 $0xFFFFF086  }
0x25: {  	[simem:s6], [sflag:s4] =	dma.local [hbm:s3], $0xF7A  }
0x26: {  	[smem:$0x3FA0] =	sst s1;
	(tag) =	ssettag s2;
	_ =	strace s9  }
0x27: {  	s1 =	sld [smem:$0x3FB0]  }
0x28: {  	s2 =	sld [smem:$0x3FB1]  }
0x29: {  	s4 =	sld [smem:$0x3FB3]  }
0x2a: {  	p0 =	seq.s32 s5, $0x0;
	s5 =	sld [smem:$0x3FB4]  }
0x2b: {  	s6 =	sld [smem:$0x3FB5]  }
0x2c: {  	s7 =	sld [smem:$0x3FB6]  }
0x2d: {  	s3 =	simm.s32 $0x108;
	s8 =	sld [smem:$0x3FB7]  }
0x2e: {  	s3 =	simm.s32 @!p0 $0x1082;
	s9 =	sld [smem:$0x3FB8]  }
0x2f: {  	lr =	sadd.s32 s0, s3;
	s0 =	sld [smem:$0x3FAF]  }
0x30: {  	s3 =	sld [smem:$0x3FB2]  }
0x31: {  	[smem:$0x3FBB] =	sst s10  }
0x32: {  	s10 =	sld [smem:$0x3FB9];
	_ =	sdelay $0x3  }
0x33: {  	p0 =	seq.s32 s10, $0x1;
	s10 =	sld [smem:$0x3FBB];
	_ =	sdelay $0x3  }
0x34: {  	[smem:$0x3FBB] =	sst s10  }
0x35: {  	s10 =	sld [smem:$0x3FBA];
	_ =	sdelay $0x3  }
0x36: {  	p1 =	seq.s32 s10, $0x1;
	s10 =	sld [smem:$0x3FBB];
	_ =	sdelay $0x3  }
0x37: {  	[smem:$0x3FBB] =	sst s10  }
0x38: {  	s10 =	sld [smem:$0x3FBC]  }
0x39: {  	_ = 	snop;
	(pc) =	sbr.ind lr, $3  }
0x3a: {  	_ = 	snop  }
0x3b: {  	_ = 	snop  }
0x3c: {  	p2 =	seq.s32 s10, $0x1;
	s10 =	sld [smem:$0x3FBB]  }
0x3d: {  	_ =	shalt  }
0x3e: {  	_ =	shalt  }
0x3f: {  	_ =	shalt  }
0x40: {  	_ =	shalt  }
0x41: {  	_ =	shalt  }
0x42: {  	_ =	shalt  }
0x43: {  	_ =	shalt  }
0x44: {  	_ =	shalt  }
0x45: {  	_ =	shalt  }
0x46: {  	_ =	shalt  }
0x47: {  	_ =	shalt  }
0x48: {  	_ =	shalt  }
0x49: {  	_ =	shalt  }
0x4a: {  	_ =	shalt  }
0x4b: {  	_ =	shalt  }
0x4c: {  	_ =	shalt  }
0x4d: {  	_ =	shalt  }
0x4e: {  	_ =	shalt  }
0x4f: {  	_ =	shalt  }
0x50: {  	_ =	shalt  }
0x51: {  	_ =	shalt  }
0x52: {  	_ =	shalt  }
0x53: {  	_ =	shalt  }
0x54: {  	_ =	shalt  }
0x55: {  	_ =	shalt  }
0x56: {  	_ =	shalt  }
0x57: {  	_ =	shalt  }
0x58: {  	_ =	shalt  }
0x59: {  	_ =	shalt  }
0x5a: {  	_ =	shalt  }
0x5b: {  	_ =	shalt  }
0x5c: {  	_ =	shalt  }
0x5d: {  	_ =	shalt  }
0x5e: {  	_ =	shalt  }
0x5f: {  	_ =	shalt  }
0x60: {  	_ =	shalt  }
0x61: {  	_ =	shalt  }
0x62: {  	_ =	shalt  }
0x63: {  	_ =	shalt  }
0x64: {  	_ =	shalt  }
0x65: {  	_ =	shalt  }
0x66: {  	_ =	shalt  }
0x67: {  	_ =	shalt  }
0x68: {  	_ =	shalt  }
0x69: {  	_ =	shalt  }
0x6a: {  	_ =	shalt  }
0x6b: {  	_ =	shalt  }
0x6c: {  	_ =	shalt  }
0x6d: {  	_ =	shalt  }
0x6e: {  	_ =	shalt  }
0x6f: {  	_ =	shalt  }
0x70: {  	_ =	shalt  }
0x71: {  	_ =	shalt  }
0x72: {  	_ =	shalt  }
0x73: {  	_ =	shalt  }
0x74: {  	_ =	shalt  }
0x75: {  	_ =	shalt  }
0x76: {  	_ =	shalt  }
0x77: {  	_ =	shalt  }
0x78: {  	_ =	shalt  }
0x79: {  	_ =	shalt  }
0x7a: {  	_ =	shalt  }
0x7b: {  	_ =	shalt  }
0x7c: {  	_ =	shalt  }
0x7d: {  	_ =	shalt  }
0x7e: {  	_ =	shalt  }
0x7f: {  	_ =	shalt  }
0x80: {  	_ =	shalt  }
0x81: {  	_ =	shalt  }
0x82: {  	_ =	shalt  }
0x83: {  	_ =	shalt  }
0x84: {  	_ =	shalt  }
0x85: {  	_ =	shalt  }
0x86: {  	_ =	shalt  }
0x87: {  	_ =	shalt  }
.Lfunc_end0:
.L_simem_size_0:
called_computation_lowered:
.L_overlay_start_0:
0x88: {  	s2 =	sld [smem:$0x3FD9]  }
0x89: {  	s3 =	sld [smem:$0x3FFE];
	_ =	sdelay $0x1  }
0x8a: {  	s1 =	srdreg.scid  }
0x8b: {  	s0 =	sand.u32 $0x1, s1  }
0x8c: {  	s17 =	sshll.u32 s0, $0xA;
	s2 =	sadd.s32 s3, s2  }
0x8d: {  	s2 =	sadd.s32 s2, s17  }
0x8e: {  	[smem:$0x3FC7] =	sst s2  }
0x8f: {  	_ = 	snop  }
0x90: {  	s2 =	sld [smem:$0x3FC9]  }
0x91: {  	s18 =	sld [smem:$0x3FD0];
	(tm) =	ssettm $0x1  }
0x92: {  	s4 =	sld [smem:$0x3FFB];
	_ =	sdelay $0x3  }
0x93: {  	_ =	strace s4  }
0x94: {  	s4 =	sld [smem:$0x3FFC];
	_ =	sdelay $0x3  }
0x95: {  	_ =	strace s4  }
0x96: {  	s4 =	sld [smem:$0x3FFD];
	_ =	sdelay $0x3  }
0x97: {  	_ =	strace s4  }
0x98: {  	_ =	strace $0x8FFFFFFF  }
0x99: {  	s19 =	sld [smem:$0x3FDB];
	_ =	sdelay $0x1  }
0x9a: {  	s5 =	simm.s32 $_scs_section_size  }
0x9b: {  	s6 =	simm.s32 $_size__tile_overlayer_lowered;
	s7 =	simm.s32 $_tile_overlayer_lowered  }
0x9c: {  	s22 =	simm.s32 $0x1BFF;
	s21 =	sshll.u32 s7, $0x1;
	s4 =	sadd.s32 s5, s19  }
0x9d: {  	s8 =	simm.s32 $0x0;
	s20 =	sshll.u32 s6, $0x1;
	s6 =	sadd.s32 s21, s4  }
0x9e: {  	[timem:s8], [sflag:s22] =	dma.local [hbm:s6], s20  }
0x9f: {  	_ =	swait.ge [sflag:s22], s20  }
0xa0: {  	s5 =	ssub.s32 $0x0, s20;
	[sflag:s22] =	ssyncset.done $0x0  }
0xa1: {  	[sflag:s22] =	ssyncadd.s32 s5;
	_ =	sdelay $0x1  }
0xa2: {  	s23 =	simm.s32 $0x1B8B  }
0xa3: {  	_ =	swait.ge [sflag:s23], $0x1  }
0xa4: {  	[sflag:s23] =	ssyncset.done $0x0  }
0xa5: {  	s25 =	simm.s32 $0x1B8E;
	s24 =	sld [smem:$0x3FFE];
	[sflag:s23] =	ssyncadd.s32 $0xFFFFFFFF  }
0xa6: {  	s26 =	simm.s32 $execute0_lowered;
	[smem:$0x3FD2] =	sst s25  }
0xa7: {  	s6 =	sshll.u32 s26, $0x1;
	_ =	strace $0x80000046;
	[dreg:$0x1] =	wrdreg $0xFFFFFFFF  }
0xa8: {  	s28 =	simm.s32 $_size_execute0_lowered;
	s4 =	sadd.s32 s4, s6;
	[dreg:$0x0] =	wrdreg $0x0  }
0xa9: {  	s6 =	sshll.u32 s28, $0x1;
	[dreg:$0x2] =	wrdreg s4  }
0xaa: {  	[dreg:$0x3] =	wrdreg s6  }
0xab: {  	[dreg:$0x4] =	wrdreg $0xC0  }
0xac: {  	_ =	task [dreg:s8], $0x5FFFF  }
0xad: {  	[dreg:$0x1] =	wrdreg $0xFFFFFFFF  }
0xae: {  	[dreg:$0x0] =	wrdreg $0x60  }
0xaf: {  	[dreg:$0x2] =	wrdreg s2  }
0xb0: {  	[dreg:$0x3] =	wrdreg s18  }
0xb1: {  	[dreg:$0x4] =	wrdreg s24  }
0xb2: {  	[dreg:$0x5] =	wrdreg $0x0  }
0xb3: {  	[dreg:$0x6] =	wrdreg $0x40000  }
0xb4: {  	[dreg:$0x7] =	wrdreg $0x9  }
0xb5: {  	_ =	task.clear_ibuf [dreg:s8], $0x8FFFF;
	_ =	strace $0x90000046  }
0xb6: {  	s29 =	simm.s32 $0x9;
	_ =	strace $0x80000048  }
0xb7: {  	_ =	swait.ge [sflag:s29], $0x1  }
0xb8: {  	[sflag:s29] =	ssyncadd.s32 $0xFFFFFFFF  }
0xb9: {  	_ =	strace $0x90000048  }
0xba: {  	_ =	sfence  }
0xbb: {  	s30 =	sld [smem:$0x0];
	_ =	sdelay $0x2  }
0xbc: {  	s31 =	sshll.u32 s1, $0xD;
	s1 =	sshrl.u32 s1, $0x2  }
0xbd: {  	s3 =	sand.u32 $0x4000, s31;
	s1 =	sadd.s32 s1, s30  }
0xbe: {  	s0 =	sor.u32 s3, s0;
	s1 =	sshll.u32 s1, $0x11  }
0xbf: {  	s0 =	sor.u32 s1, s0  }
0xc0: {  	s0 =	sadd.s32 $0x8F2B, s0  }
0xc1: {  	[sflag:s0] =	ssyncadd.remote.s32 $0x1  }
0xc2: {  	_ =	sfence.sel $0xFFFF  }
0xc3: {  	[dreg:$0x0] =	wrdreg $0xFFFFFFFF;
	(pc) =	sbr.abs _section_cstart, $3  }
0xc4: {  	[dreg:$0x1] =	wrdreg $0xFFFFFFFF  }
0xc5: {  	_ =	task.clear_ibuf [dreg:s8], $0x2FFFF;
	_ =	strace $0x9FFFFFFF  }
0xc6: {  	(tm) =	ssettm $0x7FFFFFFF  }
0xc7: {  	_ =	shalt  }
tec
execute0_lowered:
.L_overlay_start_1:
0x0: {  	(tag) =	ssettag $0x1  }
0x1: {  	s0 =	rddreg [dreg:$0x0]  }
0x2: {  	s3 =	rddreg [dreg:$0x1]  }
0x3: {  	s4 =	rddreg [dreg:$0x2]  }
0x4: {  	s1 =	rddreg [dreg:$0x3]  }
0x5: {  	s2 =	rddreg [dreg:$0x4]  }
0x6: {  	s5 =	srdreg.scid;
	s18 =	simm.s32 $0x0;
	s19 =	stileid.u32  }
0x7: {  	s20 =	simm.s32 $0x10810;
	s21 =	simm.s32 $0x2;
	s22 =	simm.s32 $0x80  }
0x8: {  	s23 =	simm.s32 $0x1;
	s24 =	simm.s32 $0x1C810;
	s25 =	simm.s32 $0x1C890  }
0x9: {  	s7 =	sand.u32 $0x1, s5;
	[smem:$0x7FF] =	sst s18;
	s5 =	sadd.s32 $0x800, s4  }
0xa: {  	s28 =	sshll.u32 s19, $0x7;
	s9 =	sshll.u32 s19, $0xE;
	s16 =	sadd.s32 $0xFFFFFFFF, s19  }
0xb: {  	s12 =	sshll.u32 s19, $0x4;
	p2 =	seq.s32 s19, $0xF;
	s30 =	sshll.u32 s19, $0xB  }
0xc: {  	s31 =	sshll.u32 s19, $0x9;
	s6 =	ssub.s32 $0x2, s7;
	_ =	strace $0x80000047  }
0xd: {  	s13 =	smul.u32 $0x40800, s7;
	s15 =	sor.u32 $0x40000, s28;
	s14 =	sshll.u32 s7, $0x10  }
0xe: {  	s12 =	sadd.s32 s12, s2;
	p0 =	sne.s32 @!p2 s19, $0x0;
	[dreg:$0x9] =	wrdreg s30  }
0xf: {  	s8 =	sshrl.u32 s6, $0x1;
	s7 =	sadd.s32 s0, s14;
	s17 =	sor.u32 $0x8000, s14  }
0x10: {  	p1 =	por !p0, p2;
	s26 =	ssub.s32 s6, s8;
	s6 =	sshll.u32 s19, $0x5  }
0x11: {  	s8 =	sadd.s32 s9, s1;
	s11 =	sadd.s32 s9, s13;
	p1 =	sgt.u32 @!p1 s16, $0xD  }
0x12: {  	s9 =	sadd.s32 $0xFFFFFE00, s9;
	v0 =	vmov s13;
	s13 =	sadd.s32 s3, s14;
	p1 =	por @!p2 p1, !p0  }
0x13: {  	s14 =	sadd.s32 s0, s17;
	s0 =	sadd.s32 $0xFFFFFFF0, s31;
	p1 =	por p1, p2  }
0x14: {  	s10 =	sadd.s32 $0xFFFFFE00, s8;
	[dreg:$0xb] =	wrdreg s0;
	s0 =	simm.s32 @!p1 $0x0  }
0x15: {  	v1 =	vadd.s32 s15, v0;
	s15 =	sadd.s32 s3, s17;
	[dreg:$0x7] =	wrdreg s9;
	s0 =	simm.s32 @p1 $0x1  }
0x16: {  	s29 =	smax.u32 s26, $0x1;
	[smem:$0x7FB] =	sst s0;
	s0 =	simm.s32 @!p2 $0x0  }
0x17: {  	p0 =	por p0, p2;
	[dreg:$0x8] =	wrdreg s29;
	s0 =	simm.s32 @p2 $0x1  }
0x18: {  	v3 =	vimm.f32 $0.0e+00;
	v4 =	vimm.s32 $0x80000;
	s3 =	sadd.s32 $0xFFFFFFC0, s30;
	v2 =	vbroadcast v1, $0x0;
	[smem:$0x7FC] =	sst s0;
	s0 =	simm.s32 @!p0 $0x0  }
0x19: {  	vm0 =	vmxor vm0, vm0;
	vm1 =	vmmov $0x1;
	s11 =	sshrl.u32 s11, $0x3;
	v1 =	vlaneseq.u32;
	[dreg:$0xa] =	wrdreg s3;
	s0 =	simm.s32 @p0 $0x1  }
0x1a: {  	vm2 =	vcmask $0x3F3C;
	s26 =	simm.s32 $0x10;
	s11 =	sadd.s32 s5, s11;
	v5 =	vor.u32 $0x40000, v1;
	v2 =	vor.u32 v1, v2;
	[smem:$0x7FD] =	sst s0  }
.LBB2_1:
0x1b: {  	[dreg:$0x6] =	wrdreg s18;
	s0 =	simm.s32 $0x0  }
.LBB2_2:
0x1c: {  	p0 =	sne.s32 s0, $0x7C0  }
.Ltmp0:
0x1d: {  	s3 =	sshra.s32 s0, $0x2;
	(pc) =	sbr.rel @p0 .LBB2_2-.Ltmp0, $4  }
0x1e: {  	[tilespmem:s3+$0x8410] =	vst v3  }
0x1f: {  	[tilespmem:s3+$0xC610] =	vst v3  }
0x20: {  	[tilespmem:s3+$0x4010] =	vst v4  }
0x21: {  	s0 =	sadd.s32 $0x40, s0;
	[tilespmem:s3+$0x8210] =	vst v4  }
0x22: {  	s0 =	sadd.s32 $0xFFFFFFFF, s6  }
0x23: {  	s17 =	rddreg [dreg:$0xa];
	p0 =	sgt.u32 s0, $0x1FF  }
0x24: {  	s18 =	rddreg [dreg:$0xb];
	s0 =	sand.u32 @!p0 $0x7E00, s17  }
0x25: {  	s3 =	simm.s32 $0x8410;
	s4 =	sand.u32 @!p0 $0x70, s18;
	s0 =	sadd.s32 @!p0 s0, s7  }
0x26: {  	s16 =	simm.s32 @!p0 $0x80;
	s0 =	sadd.s32 @!p0 s4, s0;
	s4 =	simm.s32 @!p0 $0x400  }
0x27: {  	[tilespmem:s3], [sflag:$0x2] =	stream.strided.gather @!p0 [hbm4b:s0+s16], $0x200, s4, s16, $0x38;
	[tilespmem:$0x1C990] =	vst v63  }
0x28: {  	p0 =	por p0, p0  }
0x29: {  	s0 =	simm.s32 $0x0;
	s16 =	simm.s32 $0x8610;
	s19 =	simm.s32 @!p0 $0x2  }
.LBB2_4:
0x2a: {  	s3 =	sadd.s32 s0, s6;
	_ =	swait.ge @!p0 [sflag:s19], $0x200  }
0x2b: {  	s17 =	sadd.s32 $0x40, s17;
	s18 =	sadd.s32 $0x10, s18;
	s0 =	sadd.s32 $0x1, s0  }
0x2c: {  	p1 =	sgt.u32 s3, $0x1FF;
	[sflag:s19] =	ssyncset.done @!p0 $0x0;
	p2 =	sne.s32 s0, $0x21  }
0x2d: {  	s3 =	sand.u32 @!p1 $0x7E00, s17;
	s4 =	simm.s32 @!p1 $0x80;
	[sflag:s19] =	ssyncadd.s32 @!p0 $0xFFFFFE00  }
.Ltmp1:
0x2e: {  	s19 =	sand.u32 @!p1 $0x70, s18;
	s3 =	sadd.s32 @!p1 s3, s7;
	(pc) =	sbr.rel @p2 .LBB2_4-.Ltmp1, $4  }
0x2f: {  	s3 =	sadd.s32 @!p1 s19, s3;
	s19 =	simm.s32 @!p1 $0x400  }
0x30: {  	[tilespmem:s16], [sflag:$0x2] =	stream.strided.gather @!p1 [hbm4b:s3+s4], $0x200, s19, s4, $0x38;
	[tilespmem:$0x1C990] =	vst v63  }
0x31: {  	p0 =	por p1, p1  }
0x32: {  	s19 =	simm.s32 @!p0 $0x2;
	s16 =	sadd.s32 $0x200, s16;
	s4 =	simm.s32 $0x0  }
0x33: {  	_ =	swait.ge @!p0 [sflag:s19], $0x200  }
0x34: {  	[sflag:s19] =	ssyncset.done @!p0 $0x0  }
0x35: {  	s0 =	simm.s32 $0x0;
	[sflag:s19] =	ssyncadd.s32 @!p0 $0xFFFFFE00  }
0x36: {  	v6 =	vld [tilespmem:s0+$0x8420]  }
0x37: {  	v7 =	vld [tilespmem:s0+$0x8410];
	_ =	sdelay $0x2  }
0x38: {  	s16 =	simm.s32 $0x80;
	v8 =	vor.u32 s9, v1;
	v9 =	vadd.s32 s9, v5;
	s18 =	sadd.s32 $0x10, s9;
	s17 =	smov.u32 s9  }
.LBB2_6:
0x39: {  	s3 =	sshra.s32 s16, $0x2;
	p0 =	sne.s32 s16, $0x10F80;
	s16 =	sadd.s32 $0x80, s16;
	v10 =	vor.u32 s18, v1;
	vm3 =	vgt.f32 v6, $1.000000000e+00;
	v11 =	vadd.s32 s18, v5  }
.Ltmp2:
0x3a: {  	vm5 =	veq.f32 v6, $0.0e+00;
	vm4 =	vgt.f32 v7, $1.000000000e+00;
	v6 =	vld [tilespmem:s3+$0x8420];
	v10 =	vsel vm3, v11, v10;
	(pc) =	sbr.rel @p0 .LBB2_6-.Ltmp2, $4  }
0x3b: {  	vm3 =	veq.f32 v7, $0.0e+00;
	v7 =	vld [tilespmem:s3+$0x8410];
	v8 =	vsel vm4, v9, v8;
	v9 =	vsel vm5, $0x80000, v10  }
0x3c: {  	v8 =	vsel vm3, $0x80000, v8;
	[tilespmem:s0+$0x4020] =	vst v9  }
0x3d: {  	s17 =	sadd.s32 $0x20, s17;
	[tilespmem:s0+$0x4010] =	vst v8;
	s0 =	smov.u32 s3  }
0x3e: {  	s18 =	sadd.s32 $0x10, s17;
	v9 =	vadd.s32 s17, v5;
	v8 =	vor.u32 s17, v1  }
0x3f: {  	v10 =	vor.u32 s18, v1;
	vm3 =	vgt.f32 v6, $1.000000000e+00;
	v11 =	vadd.s32 s18, v5  }
0x40: {  	vm5 =	veq.f32 v6, $0.0e+00;
	vm4 =	vgt.f32 v7, $1.000000000e+00;
	v6 =	vsel vm3, v11, v10  }
0x41: {  	vm3 =	veq.f32 v7, $0.0e+00;
	v7 =	vsel vm4, v9, v8;
	v6 =	vsel vm5, $0x80000, v6  }
0x42: {  	v7 =	vsel vm3, $0x80000, v7;
	[tilespmem:s0+$0x4020] =	vst v6  }
0x43: {  	[tilespmem:s0+$0x4010] =	vst v7;
	s0 =	simm.s32 $0x4010  }
0x44: {  	s3 =	sand.u32 $0x3FE0, s4;
	v6 =	vld [tilespmem:s0+$0x0]  }
0x45: {  	v7 =	vld [tilespmem:s3+$0x4210];
	_ =	sdelay $0x1  }
0x46: {  	v8 =	vld [tilespmem:s3+$0x4410];
	_ =	sdelay $0x2  }
0x47: {  	vm3 =	vlt.s32 v6, v7  }
0x48: {  	v6 =	vsel vm3, v6, v7  }
0x49: {  	vm3 =	vlt.s32 v6, v8  }
0x4a: {  	s4 =	simm.s32 $0x14820;
	v6 =	vsel vm3, v6, v8  }
0x4b: {  	[tilespmem:s4+$0xFFFFFFF0] =	vst v6  }
0x4c: {  	v7 =	vld [tilespmem:s0+$0x10]  }
0x4d: {  	v8 =	vld [tilespmem:s0+$0x210];
	_ =	sdelay $0x1  }
0x4e: {  	v6 =	vld [tilespmem:s0+$0x410];
	_ =	sdelay $0x2  }
0x4f: {  	vm3 =	vlt.s32 v7, v8  }
0x50: {  	v7 =	vsel vm3, v7, v8  }
0x51: {  	s16 =	simm.s32 $0x20;
	s17 =	simm.s32 $0x14820;
	vm3 =	vlt.s32 v7, v6  }
.LBB2_8:
0x52: {  	p0 =	sne.s32 s16, $0x3FE0;
	v6 =	vsel vm3, v7, v6;
	s4 =	sadd.s32 $0x20, s4;
	s0 =	sadd.s32 $0x20, s0  }
0x53: {  	s3 =	smov.u32 s16;
	s16 =	sadd.s32 $0x20, s16;
	[tilespmem:s17+$0x0] =	vst v6;
	s17 =	smov.u32 s4  }
0x54: {  	s3 =	sand.u32 $0x3FE0, s3;
	v6 =	vld [tilespmem:s0+$0x0]  }
0x55: {  	v7 =	vld [tilespmem:s3+$0x4210];
	_ =	sdelay $0x1  }
0x56: {  	v8 =	vld [tilespmem:s3+$0x4410];
	_ =	sdelay $0x2  }
0x57: {  	vm3 =	vlt.s32 v6, v7  }
0x58: {  	v6 =	vsel vm3, v6, v7  }
0x59: {  	vm3 =	vlt.s32 v6, v8  }
0x5a: {  	v6 =	vsel vm3, v6, v8  }
0x5b: {  	[tilespmem:s4+$0xFFFFFFF0] =	vst v6  }
0x5c: {  	v7 =	vld [tilespmem:s0+$0x10]  }
0x5d: {  	v8 =	vld [tilespmem:s0+$0x210]  }
0x5e: {  	v6 =	vld [tilespmem:s0+$0x410];
	_ =	sdelay $0x1  }
.Ltmp3:
0x5f: {  	(pc) =	sbr.rel @p0 .LBB2_8-.Ltmp3, $4  }
0x60: {  	_ = 	snop  }
0x61: {  	vm3 =	vlt.s32 v7, v8  }
0x62: {  	v7 =	vsel vm3, v7, v8  }
0x63: {  	vm3 =	vlt.s32 v7, v6  }
0x64: {  	v6 =	vsel vm3, v7, v6  }
0x65: {  	s0 =	simm.s32 $0x14821;
	[tilespmem:s17+$0x0] =	vst v6  }
0x66: {  	s3 =	simm.s32 $0x0;
	v6 =	vld [tilespmem:s0+$0xFFFFFFEE]  }
0x67: {  	s4 =	sand.u32 $0xF, s3;
	v7 =	vld [tilespmem:s0+$0xFFFFFFEF]  }
0x68: {  	vm3 =	vmmov vm0;
	p0 =	seq.s32 s4, $0x0  }
0x69: {  	s3 =	sand.u32 $0x3FE0, s3;
	v8 =	vld [tilespmem:s0+$0xFFFFFFF0];
	vm3 =	vmneg @p0 vm3  }
0x6a: {  	v9 =	vld [tilespmem:s3+$0x4210];
	vm3 =	vmand vm3, vm1  }
0x6b: {  	v6 =	vsel vm3, $0x80000, v6  }
0x6c: {  	vm3 =	vlt.s32 v6, v7  }
0x6d: {  	v6 =	vsel vm3, v6, v7  }
0x6e: {  	vm3 =	vlt.s32 v6, v8  }
0x6f: {  	v6 =	vsel vm3, v6, v8;
	vm3 =	vlt.s32 v9, $0x80000  }
0x70: {  	s4 =	simm.s32 $0x10820;
	v6 =	vnsel vm3, $0x80000, v6  }
0x71: {  	[tilespmem:s4+$0xFFFFFFF0] =	vst v6  }
0x72: {  	v7 =	vld [tilespmem:s0+$0xFFFFFFFF]  }
0x73: {  	v8 =	vld [tilespmem:s0+$0xFFFFFFFE]  }
0x74: {  	s16 =	simm.s32 $0x4220;
	s31 =	simm.s32 $0x10;
	v6 =	vld [tilespmem:s0+$0x0]  }
0x75: {  	s3 =	sand.u32 $0x1F0, s31;
	v63 =	vld [tilespmem:s16+$0x0]  }
0x76: {  	p0 =	seq.s32 s3, $0x1F0;
	vm3 =	vmmov vm0  }
0x77: {  	vm3 =	vmneg @p0 vm3  }
0x78: {  	vm3 =	vmand vm3, vm2;
	vm4 =	vlt.s32 v8, v7  }
0x79: {  	v6 =	vsel vm3, $0x80000, v6;
	v7 =	vsel vm4, v8, v7  }
0x7a: {  	s19 =	simm.s32 $0x20;
	s18 =	simm.s32 $0x10820;
	s17 =	simm.s32 $0x1;
	vm3 =	vlt.s32 v63, $0x80000;
	vm4 =	vlt.s32 v7, v6  }
.LBB2_10:
0x7b: {  	v6 =	vsel vm4, v7, v6;
	s16 =	sadd.s32 $0x20, s16;
	s0 =	sadd.s32 $0x20, s0;
	s4 =	sadd.s32 $0x20, s4  }
0x7c: {  	p0 =	sne.s32 s17, $0x1FF;
	s3 =	smov.u32 s17;
	s17 =	sadd.s32 $0x1, s17;
	v6 =	vnsel vm3, $0x80000, v6  }
0x7d: {  	[tilespmem:s18+$0x0] =	vst v6;
	s18 =	smov.u32 s4  }
0x7e: {  	v6 =	vld [tilespmem:s0+$0xFFFFFFEE]  }
0x7f: {  	s3 =	sand.u32 $0xF, s3;
	v7 =	vld [tilespmem:s0+$0xFFFFFFEF]  }
0x80: {  	vm3 =	vmmov vm0;
	p1 =	seq.s32 s3, $0x0  }
0x81: {  	s3 =	sand.u32 $0x3FE0, s19;
	vm3 =	vmneg @p1 vm3;
	v8 =	vld [tilespmem:s0+$0xFFFFFFF0]  }
0x82: {  	vm3 =	vmand vm3, vm1;
	v9 =	vld [tilespmem:s3+$0x4210]  }
0x83: {  	v6 =	vsel vm3, $0x80000, v6  }
0x84: {  	vm3 =	vlt.s32 v6, v7  }
0x85: {  	v6 =	vsel vm3, v6, v7  }
0x86: {  	vm3 =	vlt.s32 v6, v8  }
0x87: {  	v6 =	vsel vm3, v6, v8;
	vm3 =	vlt.s32 v9, $0x80000  }
0x88: {  	v6 =	vnsel vm3, $0x80000, v6  }
0x89: {  	[tilespmem:s4+$0xFFFFFFF0] =	vst v6  }
0x8a: {  	v6 =	vld [tilespmem:s0+$0x0]  }
0x8b: {  	v7 =	vld [tilespmem:s0+$0xFFFFFFFF]  }
0x8c: {  	s3 =	sadd.s32 $0x10, s19;
	v8 =	vld [tilespmem:s0+$0xFFFFFFFE]  }
0x8d: {  	s3 =	sand.u32 $0x1F0, s3  }
0x8e: {  	p1 =	seq.s32 s3, $0x1F0;
	vm3 =	vmmov vm0;
	v9 =	vld [tilespmem:s16+$0x0]  }
.Ltmp4:
0x8f: {  	vm3 =	vmneg @p1 vm3;
	(pc) =	sbr.rel @p0 .LBB2_10-.Ltmp4, $4  }
0x90: {  	vm3 =	vmand vm3, vm2  }
0x91: {  	v6 =	vsel vm3, $0x80000, v6;
	vm3 =	vlt.s32 v8, v7  }
0x92: {  	v7 =	vsel vm3, v8, v7  }
0x93: {  	s19 =	sadd.s32 $0x20, s19;
	vm4 =	vlt.s32 v7, v6;
	vm3 =	vlt.s32 v9, $0x80000  }
0x94: {  	v6 =	vsel vm4, v7, v6  }
0x95: {  	v6 =	vnsel vm3, $0x80000, v6  }
0x96: {  	[tilespmem:s18+$0x0] =	vst v6  }
0x97: {  	[spmem:s8] =	stream.linear.scatter [tilespmem:s20], [sflag:$0x2], $0x4000, $0x38;
	[tilespmem:$0x1C990] =	vst v63  }
0x98: {  	_ =	swait.ge [sflag:s21], $0x4000  }
0x99: {  	[sflag:s21] =	ssyncset.done $0x0  }
0x9a: {  	s28 =	simm.s32 $0x0;
	s29 =	simm.s32 $0x0;
	[sflag:s21] =	ssyncadd.s32 $0xFFFFC000  }
.LBB2_12:
0x9b: {  	[bflag:$0x0] =	sbarrier.arrive $0xFFFF  }
0x9c: {  	s0 =	sld [smem:$0x7FC];
	_ =	sdelay $0x2  }
0x9d: {  	p0 =	seq.s32 s0, $0x1  }
0x9e: {  	s0 =	simm.s32 @p0 $0x4010  }
0x9f: {  	[tilespmem:s0], [sflag:$0x2] =	stream.linear.gather @p0 [spmem:s10], $0x4200, $0x38;
	[tilespmem:$0x1C990] =	vst v63  }
0xa0: {  	s0 =	simm.s32 @p0 $0x2  }
0xa1: {  	_ =	swait.ge @p0 [sflag:s0], $0x4200  }
0xa2: {  	s30 =	sld [smem:$0x7FB];
	_ =	sdelay $0x1  }
0xa3: {  	[sflag:s0] =	ssyncset.done @p0 $0x0  }
0xa4: {  	[sflag:s0] =	ssyncadd.s32 @p0 $0xFFFFBE00;
	p0 =	seq.s32 s30, $0x1  }
0xa5: {  	s0 =	simm.s32 @!p0 $0x4010  }
0xa6: {  	[tilespmem:s0], [sflag:$0x2] =	stream.linear.gather @!p0 [spmem:s10], $0x4400, $0x38;
	[tilespmem:$0x1C990] =	vst v63  }
0xa7: {  	s0 =	simm.s32 @!p0 $0x2  }
0xa8: {  	_ =	swait.ge @!p0 [sflag:s0], $0x4400  }
0xa9: {  	s31 =	sld [smem:$0x7FD];
	_ =	sdelay $0x1  }
0xaa: {  	[sflag:s0] =	ssyncset.done @!p0 $0x0  }
0xab: {  	[sflag:s0] =	ssyncadd.s32 @!p0 $0xFFFFBC00;
	p0 =	seq.s32 s31, $0x1  }
0xac: {  	s0 =	simm.s32 @!p0 $0x4210  }
0xad: {  	[tilespmem:s0], [sflag:$0x2] =	stream.linear.gather @!p0 [spmem:s1], $0x4200, $0x38;
	[tilespmem:$0x1C990] =	vst v63  }
0xae: {  	s0 =	simm.s32 @!p0 $0x2  }
0xaf: {  	_ =	swait.ge @!p0 [sflag:s0], $0x4200  }
0xb0: {  	[sflag:s0] =	ssyncset.done @!p0 $0x0  }
0xb1: {  	[sflag:s0] =	ssyncadd.s32 @!p0 $0xFFFFBE00;
	s0 =	simm.s32 $0x4010  }
0xb2: {  	s3 =	sand.u32 $0x3FE0, s28;
	v6 =	vld [tilespmem:s0+$0x0]  }
0xb3: {  	v7 =	vld [tilespmem:s3+$0x4210];
	_ =	sdelay $0x1  }
0xb4: {  	v8 =	vld [tilespmem:s3+$0x4410];
	_ =	sdelay $0x2  }
0xb5: {  	vm3 =	vlt.s32 v6, v7  }
0xb6: {  	v6 =	vsel vm3, v6, v7  }
0xb7: {  	vm3 =	vlt.s32 v6, v8  }
0xb8: {  	s4 =	simm.s32 $0x10820;
	v6 =	vsel vm3, v6, v8  }
0xb9: {  	[tilespmem:s4+$0xFFFFFFF0] =	vst v6  }
0xba: {  	v7 =	vld [tilespmem:s0+$0x10]  }
0xbb: {  	v8 =	vld [tilespmem:s0+$0x210];
	_ =	sdelay $0x1  }
0xbc: {  	v6 =	vld [tilespmem:s0+$0x410];
	_ =	sdelay $0x2  }
0xbd: {  	vm3 =	vlt.s32 v7, v8  }
0xbe: {  	v7 =	vsel vm3, v7, v8  }
0xbf: {  	s16 =	simm.s32 $0x20;
	s17 =	simm.s32 $0x10820;
	vm3 =	vlt.s32 v7, v6  }
.LBB2_13:
0xc0: {  	p0 =	sne.s32 s16, $0x3FE0;
	v6 =	vsel vm3, v7, v6;
	s4 =	sadd.s32 $0x20, s4;
	s0 =	sadd.s32 $0x20, s0  }
0xc1: {  	s3 =	smov.u32 s16;
	s16 =	sadd.s32 $0x20, s16;
	[tilespmem:s17+$0x0] =	vst v6;
	s17 =	smov.u32 s4  }
0xc2: {  	s3 =	sand.u32 $0x3FE0, s3;
	v6 =	vld [tilespmem:s0+$0x0]  }
0xc3: {  	v7 =	vld [tilespmem:s3+$0x4210];
	_ =	sdelay $0x1  }
0xc4: {  	v8 =	vld [tilespmem:s3+$0x4410];
	_ =	sdelay $0x2  }
0xc5: {  	vm3 =	vlt.s32 v6, v7  }
0xc6: {  	v6 =	vsel vm3, v6, v7  }
0xc7: {  	vm3 =	vlt.s32 v6, v8  }
0xc8: {  	v6 =	vsel vm3, v6, v8  }
0xc9: {  	[tilespmem:s4+$0xFFFFFFF0] =	vst v6  }
0xca: {  	v7 =	vld [tilespmem:s0+$0x10]  }
0xcb: {  	v8 =	vld [tilespmem:s0+$0x210]  }
0xcc: {  	v6 =	vld [tilespmem:s0+$0x410];
	_ =	sdelay $0x1  }
.Ltmp5:
0xcd: {  	(pc) =	sbr.rel @p0 .LBB2_13-.Ltmp5, $4  }
0xce: {  	_ = 	snop  }
0xcf: {  	vm3 =	vlt.s32 v7, v8  }
0xd0: {  	v7 =	vsel vm3, v7, v8  }
0xd1: {  	vm3 =	vlt.s32 v7, v6  }
0xd2: {  	v6 =	vsel vm3, v7, v6  }
0xd3: {  	s0 =	simm.s32 $0x10821;
	[tilespmem:s17+$0x0] =	vst v6  }
0xd4: {  	s3 =	simm.s32 $0x0;
	v6 =	vld [tilespmem:s0+$0xFFFFFFEE]  }
0xd5: {  	s4 =	sand.u32 $0xF, s3;
	v7 =	vld [tilespmem:s0+$0xFFFFFFEF]  }
0xd6: {  	vm3 =	vmmov vm0;
	p0 =	seq.s32 s4, $0x0  }
0xd7: {  	s3 =	sand.u32 $0x3FE0, s3;
	v8 =	vld [tilespmem:s0+$0xFFFFFFF0];
	vm3 =	vmneg @p0 vm3  }
0xd8: {  	v9 =	vld [tilespmem:s3+$0x4210];
	vm3 =	vmand vm3, vm1  }
0xd9: {  	v6 =	vsel vm3, $0x80000, v6  }
0xda: {  	vm3 =	vlt.s32 v6, v7  }
0xdb: {  	v6 =	vsel vm3, v6, v7  }
0xdc: {  	vm3 =	vlt.s32 v6, v8  }
0xdd: {  	v6 =	vsel vm3, v6, v8;
	vm3 =	vlt.s32 v9, $0x80000  }
0xde: {  	v6 =	vnsel vm3, $0x80000, v6  }
0xdf: {  	vm3 =	vgt.s32 v6, $0x3FFFF;
	v7 =	vadd.s32 $0xFFFC0000, v6  }
0xe0: {  	v6 =	vsel vm3, v7, v6  }
0xe1: {  	vm3 =	vlt.s32 v6, $0x3FFFF  }
0xe2: {  	s4 =	simm.s32 $0xC820;
	v6 =	vnsel vm3, $0x3FFFF, v6  }
0xe3: {  	[tilespmem:s4+$0xFFFFFFF0] =	vst v6  }
0xe4: {  	v6 =	vld [tilespmem:s0+$0xFFFFFFFF]  }
0xe5: {  	v7 =	vld [tilespmem:s0+$0xFFFFFFFE]  }
0xe6: {  	s31 =	simm.s32 $0x10;
	v8 =	vld [tilespmem:s0+$0x0]  }
0xe7: {  	s16 =	simm.s32 $0x4220;
	s3 =	sand.u32 $0x1F0, s31  }
0xe8: {  	p0 =	seq.s32 s3, $0x1F0;
	vm3 =	vmmov vm0;
	v63 =	vld [tilespmem:s16+$0x0]  }
0xe9: {  	vm3 =	vmneg @p0 vm3  }
0xea: {  	vm3 =	vmand vm3, vm2;
	vm4 =	vlt.s32 v7, v6  }
0xeb: {  	v8 =	vsel vm3, $0x80000, v8;
	v6 =	vsel vm4, v7, v6  }
0xec: {  	vm3 =	vlt.s32 v6, v8  }
0xed: {  	vm15 =	vlt.s32 v63, $0x80000;
	v6 =	vsel vm3, v6, v8  }
0xee: {  	v6 =	vnsel vm15, $0x80000, v6  }
0xef: {  	vm3 =	vgt.s32 v6, $0x3FFFF;
	v7 =	vadd.s32 $0xFFFC0000, v6  }
0xf0: {  	s19 =	simm.s32 $0x20;
	s18 =	simm.s32 $0xC820;
	s17 =	simm.s32 $0x1;
	v6 =	vsel vm3, v7, v6  }
.LBB2_15:
0xf1: {  	vm3 =	vlt.s32 v6, $0x3FFFF;
	s16 =	sadd.s32 $0x20, s16;
	s0 =	sadd.s32 $0x20, s0;
	s4 =	sadd.s32 $0x20, s4  }
0xf2: {  	p3 =	sne.s32 s17, $0x1FF;
	s3 =	smov.u32 s17;
	s17 =	sadd.s32 $0x1, s17;
	v6 =	vnsel vm3, $0x3FFFF, v6  }
0xf3: {  	[tilespmem:s18+$0x0] =	vst v6;
	s18 =	smov.u32 s4  }
0xf4: {  	v6 =	vld [tilespmem:s0+$0xFFFFFFEE]  }
0xf5: {  	s3 =	sand.u32 $0xF, s3;
	v7 =	vld [tilespmem:s0+$0xFFFFFFEF]  }
0xf6: {  	vm3 =	vmmov vm0;
	p0 =	seq.s32 s3, $0x0  }
0xf7: {  	s3 =	sand.u32 $0x3FE0, s19;
	vm3 =	vmneg @p0 vm3;
	v8 =	vld [tilespmem:s0+$0xFFFFFFF0]  }
0xf8: {  	vm3 =	vmand vm3, vm1;
	v9 =	vld [tilespmem:s3+$0x4210]  }
0xf9: {  	v6 =	vsel vm3, $0x80000, v6  }
0xfa: {  	vm3 =	vlt.s32 v6, v7  }
0xfb: {  	v6 =	vsel vm3, v6, v7  }
0xfc: {  	vm3 =	vlt.s32 v6, v8  }
0xfd: {  	v6 =	vsel vm3, v6, v8;
	vm3 =	vlt.s32 v9, $0x80000  }
0xfe: {  	v6 =	vnsel vm3, $0x80000, v6  }
0xff: {  	vm3 =	vgt.s32 v6, $0x3FFFF;
	v7 =	vadd.s32 $0xFFFC0000, v6  }
0x100: {  	v6 =	vsel vm3, v7, v6  }
0x101: {  	vm3 =	vlt.s32 v6, $0x3FFFF  }
0x102: {  	v6 =	vnsel vm3, $0x3FFFF, v6  }
0x103: {  	[tilespmem:s4+$0xFFFFFFF0] =	vst v6  }
0x104: {  	v6 =	vld [tilespmem:s0+$0x0]  }
0x105: {  	v7 =	vld [tilespmem:s0+$0xFFFFFFFF]  }
0x106: {  	s3 =	sadd.s32 $0x10, s19;
	v8 =	vld [tilespmem:s0+$0xFFFFFFFE]  }
0x107: {  	s3 =	sand.u32 $0x1F0, s3  }
0x108: {  	p0 =	seq.s32 s3, $0x1F0;
	vm3 =	vmmov vm0;
	v9 =	vld [tilespmem:s16+$0x0]  }
0x109: {  	vm3 =	vmneg @p0 vm3  }
0x10a: {  	vm3 =	vmand vm3, vm2  }
0x10b: {  	v6 =	vsel vm3, $0x80000, v6;
	vm3 =	vlt.s32 v8, v7  }
0x10c: {  	v7 =	vsel vm3, v8, v7  }
.Ltmp6:
0x10d: {  	vm3 =	vlt.s32 v7, v6;
	vm4 =	vlt.s32 v9, $0x80000;
	(pc) =	sbr.rel @p3 .LBB2_15-.Ltmp6, $4  }
0x10e: {  	v6 =	vsel vm3, v7, v6  }
0x10f: {  	v6 =	vnsel vm4, $0x80000, v6  }
0x110: {  	vm3 =	vgt.s32 v6, $0x3FFFF;
	v7 =	vadd.s32 $0xFFFC0000, v6  }
0x111: {  	s19 =	sadd.s32 $0x20, s19;
	v6 =	vsel vm3, v7, v6  }
0x112: {  	vm3 =	vlt.s32 v6, $0x3FFFF  }
0x113: {  	v6 =	vnsel vm3, $0x3FFFF, v6  }
0x114: {  	s0 =	simm.s32 $0x200;
	s4 =	simm.s32 $0x10810;
	s16 =	simm.s32 $0xC810;
	[tilespmem:s18+$0x0] =	vst v6  }
.LBB2_17:
0x115: {  	[tilespmem:s4], [sflag:$0x1] =	stream.indirect.gather [spmem:s1], $0x1, s16, s22, $0xb8;
	[tilespmem:$0x1C990] =	vst v63  }
0x116: {  	s3 =	smov.u32 s0;
	p0 =	sne.s32 s0, $0xFE00  }
.Ltmp7:
0x117: {  	s0 =	sadd.s32 $0x200, s0;
	(pc) =	sbr.rel @p0 .LBB2_17-.Ltmp7, $3  }
0x118: {  	_ =	sdelay $0x1  }
0x119: {  	s3 =	sshra.s32 s3, $0x2  }
0x11a: {  	s4 =	sadd.s32 $0x10810, s3;
	s16 =	sadd.s32 $0xC810, s3  }
0x11b: {  	[tilespmem:s4], [sflag:$0x1] =	stream.indirect.gather [spmem:s1], $0x1, s16, s22, $0xb8;
	[tilespmem:$0x1C990] =	vst v63  }
0x11c: {  	_ =	swait.ge [sflag:s23], $0x4000  }
0x11d: {  	s0 =	simm.s32 $0x0;
	[sflag:s23] =	ssyncset.done $0x0  }
0x11e: {  	s0 =	sand.u32 $0x3FE0, s0;
	[sflag:s23] =	ssyncadd.s32 $0xFFFFC000  }
0x11f: {  	v6 =	vld [tilespmem:s0+$0x4210]  }
0x120: {  	s3 =	simm.s32 $0x10820  }
0x121: {  	v7 =	vld [tilespmem:s3+$0xFFFFFFF0];
	_ =	sdelay $0x2  }
0x122: {  	vm3 =	vgt.s32 v6, $0x3FFFF;
	v8 =	vadd.s32 $0xFFFC0000, v6  }
0x123: {  	vm4 =	vlt.s32 v6, $0x80000;
	v8 =	vsel vm3, v8, v6  }
0x124: {  	v6 =	vsel vm4, v7, v6;
	vm3 =	vlt.s32 v8, $0x3FFFF  }
0x125: {  	s31 =	simm.s32 $0x14820;
	v7 =	vnsel vm4, $0x80000, v7;
	[tilespmem:s3+$0xFFFFFFF0] =	vst v6;
	v6 =	vnsel vm3, $0x3FFFF, v8  }
0x126: {  	s18 =	simm.s32 $0xC820;
	[tilespmem:s31+$0xFFFFFFF0] =	vst v7;
	v6 =	vadd.s32 v0, v6  }
0x127: {  	s0 =	simm.s32 $0x4220;
	[tilespmem:s18+$0xFFFFFFF0] =	vst v6  }
0x128: {  	v6 =	vld [tilespmem:s0+$0x0];
	_ =	sdelay $0x1  }
0x129: {  	v7 =	vld [tilespmem:s3+$0x0];
	_ =	sdelay $0x2  }
0x12a: {  	vm3 =	vgt.s32 v6, $0x3FFFF;
	v8 =	vadd.s32 $0xFFFC0000, v6  }
0x12b: {  	vm15 =	vlt.s32 v6, $0x80000;
	v8 =	vsel vm3, v8, v6  }
0x12c: {  	v6 =	vsel vm15, v7, v6;
	vm3 =	vlt.s32 v8, $0x3FFFF  }
0x12d: {  	s19 =	simm.s32 $0x20;
	s30 =	simm.s32 $0x40;
	v7 =	vnsel vm15, $0x80000, v7;
	[tilespmem:s3+$0x0] =	vst v6;
	v6 =	vnsel vm3, $0x3FFFF, v8  }
0x12e: {  	s4 =	simm.s32 $0xC840;
	s16 =	simm.s32 $0x14840;
	s17 =	simm.s32 $0x10840;
	[tilespmem:s31+$0x0] =	vst v7;
	v6 =	vadd.s32 v0, v6  }
.LBB2_19:
0x12f: {  	s3 =	sand.u32 $0x3FE0, s19;
	s0 =	sadd.s32 $0x20, s0  }
0x130: {  	[tilespmem:s18+$0x0] =	vst v6;
	s19 =	smov.u32 s30;
	s31 =	sadd.s32 $0x20, s30;
	s18 =	smov.u32 s4  }
0x131: {  	p0 =	sne.s32 s30, $0x3FE0;
	v6 =	vld [tilespmem:s3+$0x4210]  }
0x132: {  	v7 =	vld [tilespmem:s17+$0xFFFFFFF0];
	_ =	sdelay $0x3  }
0x133: {  	vm3 =	vlt.s32 v6, $0x80000;
	vm4 =	vgt.s32 v6, $0x3FFFF;
	v8 =	vadd.s32 $0xFFFC0000, v6  }
0x134: {  	v9 =	vsel vm3, v7, v6;
	v7 =	vnsel vm3, $0x80000, v7;
	v6 =	vsel vm4, v8, v6  }
0x135: {  	vm3 =	vlt.s32 v6, $0x3FFFF  }
0x136: {  	[tilespmem:s17+$0xFFFFFFF0] =	vst v9;
	v6 =	vnsel vm3, $0x3FFFF, v6  }
0x137: {  	[tilespmem:s16+$0xFFFFFFF0] =	vst v7;
	v6 =	vadd.s32 v0, v6  }
0x138: {  	[tilespmem:s4+$0xFFFFFFF0] =	vst v6  }
0x139: {  	v6 =	vld [tilespmem:s0+$0x0]  }
0x13a: {  	v7 =	vld [tilespmem:s17+$0x0];
	_ =	sdelay $0x3  }
.Ltmp8:
0x13b: {  	vm3 =	vlt.s32 v6, $0x80000;
	vm4 =	vgt.s32 v6, $0x3FFFF;
	v8 =	vadd.s32 $0xFFFC0000, v6;
	(pc) =	sbr.rel @p0 .LBB2_19-.Ltmp8, $4  }
0x13c: {  	v9 =	vsel vm3, v7, v6;
	v7 =	vnsel vm3, $0x80000, v7;
	v6 =	vsel vm4, v8, v6  }
0x13d: {  	[tilespmem:s17+$0x0] =	vst v9;
	vm3 =	vlt.s32 v6, $0x3FFFF  }
0x13e: {  	s30 =	smov.u32 s31;
	[tilespmem:s16+$0x0] =	vst v7;
	v6 =	vnsel vm3, $0x3FFFF, v6  }
0x13f: {  	s4 =	sadd.s32 $0x20, s4;
	s17 =	sadd.s32 $0x20, s17;
	s16 =	sadd.s32 $0x20, s16;
	v6 =	vadd.s32 v0, v6  }
0x140: {  	s3 =	sand.u32 $0x3FE0, s19;
	[tilespmem:s18+$0x0] =	vst v6  }
0x141: {  	v6 =	vld [tilespmem:s3+$0x4210];
	_ =	sdelay $0x1  }
0x142: {  	v7 =	vld [tilespmem:s17+$0xFFFFFFF0];
	_ =	sdelay $0x2  }
0x143: {  	vm3 =	vgt.s32 v6, $0x3FFFF;
	v8 =	vadd.s32 $0xFFFC0000, v6  }
0x144: {  	vm4 =	vlt.s32 v6, $0x80000;
	v8 =	vsel vm3, v8, v6  }
0x145: {  	v6 =	vsel vm4, v7, v6;
	vm3 =	vlt.s32 v8, $0x3FFFF  }
0x146: {  	v7 =	vnsel vm4, $0x80000, v7;
	[tilespmem:s17+$0xFFFFFFF0] =	vst v6;
	v6 =	vnsel vm3, $0x3FFFF, v8  }
0x147: {  	[tilespmem:s16+$0xFFFFFFF0] =	vst v7;
	v6 =	vadd.s32 v0, v6  }
0x148: {  	s0 =	sadd.s32 $0x20, s0;
	[tilespmem:s4+$0xFFFFFFF0] =	vst v6  }
0x149: {  	v6 =	vld [tilespmem:s0+$0x0];
	_ =	sdelay $0x1  }
0x14a: {  	v7 =	vld [tilespmem:s17+$0x0];
	_ =	sdelay $0x2  }
0x14b: {  	vm3 =	vgt.s32 v6, $0x3FFFF;
	v63 =	vadd.s32 $0xFFFC0000, v6  }
0x14c: {  	vm15 =	vlt.s32 v6, $0x80000;
	v8 =	vsel vm3, v63, v6  }
0x14d: {  	v6 =	vsel vm15, v7, v6;
	vm3 =	vlt.s32 v8, $0x3FFFF  }
0x14e: {  	v7 =	vnsel vm15, $0x80000, v7;
	[tilespmem:s17+$0x0] =	vst v6;
	v6 =	vnsel vm3, $0x3FFFF, v8  }
0x14f: {  	[tilespmem:s16+$0x0] =	vst v7;
	v6 =	vadd.s32 v0, v6  }
0x150: {  	s31 =	simm.s32 $0x0;
	[tilespmem:s4+$0x0] =	vst v6  }
0x151: {  	[hbm4b:s11+s31] =	stream.linear.scatter [tilespmem:s20], [sflag:$0x2], $0x4000, $0x38;
	[tilespmem:$0x1C990] =	vst v63  }
0x152: {  	_ =	swait.ge [sflag:s21], $0x4000  }
0x153: {  	[sflag:s21] =	ssyncset.done $0x0  }
0x154: {  	s0 =	simm.s32 $0x4;
	s4 =	simm.s32 $0x0;
	[sflag:s21] =	ssyncadd.s32 $0xFFFFC000  }
.LBB2_21:
0x155: {  	p0 =	sne.s32 s0, $0x1FC  }
0x156: {  	[smem:s4] =	sst s23;
	s3 =	smov.u32 s0;
	s0 =	sadd.s32 $0x4, s0  }
.Ltmp9:
0x157: {  	(pc) =	sbr.rel @p0 .LBB2_21-.Ltmp9, $2  }
0x158: {  	_ =	sdelay $0x2  }
0x159: {  	s4 =	sshra.s32 s3, $0x2  }
.Ltmp10:
0x15a: {  	(pc) =	sbr.rel .LBB2_23-.Ltmp10, $4  }
0x15b: {  	_ = 	snop  }
0x15c: {  	[smem:s4] =	sst s23  }
0x15d: {  	[bflag:$0x0] =	sbarrier.arrive $0xFFFF  }
0x15e: {  	s0 =	simm.s32 $0x0  }
.LBB2_29:
0x15f: {  	v6 =	vmov s17  }
0x160: {  	[tilespmem:$0x1C810] =	vst v6  }
0x161: {  	[spmem:s12] =	stream.linear.scatter [tilespmem:s24], [sflag:$0x2], $0x10, $0x38;
	[tilespmem:$0x1C990] =	vst v63  }
0x162: {  	_ =	swait.ge [sflag:s21], $0x10  }
0x163: {  	[sflag:s21] =	ssyncset.done $0x0  }
0x164: {  	[sflag:s21] =	ssyncadd.s32 $0xFFFFFFF0  }
0x165: {  	[bflag:$0x0] =	sbarrier.arrive $0xFFFF  }
0x166: {  	[tilespmem:s25], [sflag:$0x2] =	stream.linear.gather [spmem:s2], $0x100, $0x38;
	[tilespmem:$0x1C990] =	vst v63  }
0x167: {  	_ =	swait.ge [sflag:s21], $0x100  }
0x168: {  	[sflag:s21] =	ssyncset.done $0x0  }
0x169: {  	[sflag:s21] =	ssyncadd.s32 $0xFFFFFF00  }
0x16a: {  	v6 =	vld [tilespmem:$0x1C890]  }
0x16b: {  	v7 =	vld [tilespmem:$0x1C8A0];
	_ =	sdelay $0x1  }
0x16c: {  	v8 =	vld [tilespmem:$0x1C8B0];
	_ =	sdelay $0x1  }
0x16d: {  	v9 =	vld [tilespmem:$0x1C8C0]  }
0x16e: {  	vm3 =	vgt.s32 v6, v7  }
0x16f: {  	v6 =	vsel vm3, v6, v7;
	v7 =	vld [tilespmem:$0x1C8D0]  }
0x170: {  	vm3 =	vgt.s32 v6, v8  }
0x171: {  	v56 =	vld [tilespmem:$0x1C8E0];
	v6 =	vsel vm3, v6, v8  }
0x172: {  	vm3 =	vgt.s32 v6, v9  }
0x173: {  	v57 =	vld [tilespmem:$0x1C8F0];
	v6 =	vsel vm3, v6, v9  }
0x174: {  	vm3 =	vgt.s32 v6, v7  }
0x175: {  	v6 =	vsel vm3, v6, v7;
	v7 =	vld [tilespmem:$0x1C900]  }
0x176: {  	vm3 =	vgt.s32 v6, v56  }
0x177: {  	v58 =	vld [tilespmem:$0x1C910];
	v6 =	vsel vm3, v6, v56  }
0x178: {  	vm3 =	vgt.s32 v6, v57  }
0x179: {  	v59 =	vld [tilespmem:$0x1C920];
	v6 =	vsel vm3, v6, v57  }
0x17a: {  	vm3 =	vgt.s32 v6, v7  }
0x17b: {  	v6 =	vsel vm3, v6, v7;
	v7 =	vld [tilespmem:$0x1C930]  }
0x17c: {  	vm3 =	vgt.s32 v6, v58  }
0x17d: {  	v60 =	vld [tilespmem:$0x1C940];
	v6 =	vsel vm3, v6, v58  }
0x17e: {  	vm3 =	vgt.s32 v6, v59  }
0x17f: {  	v61 =	vld [tilespmem:$0x1C950];
	v6 =	vsel vm3, v6, v59  }
0x180: {  	vm3 =	vgt.s32 v6, v7  }
0x181: {  	v6 =	vsel vm3, v6, v7;
	v7 =	vld [tilespmem:$0x1C960]  }
0x182: {  	vm3 =	vgt.s32 v6, v60  }
0x183: {  	v62 =	vld [tilespmem:$0x1C970];
	v6 =	vsel vm3, v6, v60  }
0x184: {  	vm3 =	vgt.s32 v6, v61  }
0x185: {  	v63 =	vld [tilespmem:$0x1C980];
	v6 =	vsel vm3, v6, v61  }
0x186: {  	vm3 =	vgt.s32 v6, v7  }
0x187: {  	v6 =	vsel vm3, v6, v7  }
0x188: {  	vm3 =	vgt.s32 v6, v62  }
0x189: {  	v6 =	vsel vm3, v6, v62  }
0x18a: {  	vm3 =	vgt.s32 v6, v63  }
0x18b: {  	v6 =	vsel vm3, v6, v63  }
0x18c: {  	[bflag:$0x0] =	sbarrier.arrive $0xFFFF;
	v6 =	vxor.u32 $0x80000000, v6  }
0x18d: {  	(xrf0) =	vmax.scan.msk.u32 $0xffff, v6;
	_ =	sdelay $0x5  }
0x18e: {  	v6, _, _ =	vpop (xrf0)  }
0x18f: {  	(v2sf) =	vpush v6, $0xF;
	_ =	sdelay $0xe  }
0x190: {  	s3 =	spop (v2sf)  }
0x191: {  	p0 =	slt.u32 s3, $0x80000001  }
0x192: {  	p1 =	slt.u32 @!p0 s0, $0x63  }
0x193: {  	p0 =	por p0, !p1  }
.Ltmp11:
0x194: {  	_ = 	snop;
	(pc) =	sbr.rel @p0 .LBB2_30-.Ltmp11, $2  }
0x195: {  	_ =	sdelay $0x2  }
0x196: {  	s0 =	sadd.s32 $0x1, s0  }
.LBB2_23:
0x197: {  	s3 =	sld [smem:$0x0];
	_ =	sdelay $0x1  }
0x198: {  	s4 =	simm.s32 $0x200;
	s16 =	simm.s32 $0x400  }
0x199: {  	s18 =	simm.s32 $0x2;
	s17 =	sld [smem:$0x1];
	p0 =	slt.s32 s3, $0x1  }
0x19a: {  	s19 =	simm.s32 @!p0 $0x18810;
	s30 =	simm.s32 @!p0 $0xC810;
	s31 =	simm.s32 @!p0 $0x80  }
.LBB2_24:
0x19b: {  	[tilespmem:s19], [sflag:$0x1] =	stream.indirect.gather @!p0 [hbm4b:s5+s31], $0x1, s30, s31, $0xb8;
	[tilespmem:$0x1C990] =	vst v63  }
0x19c: {  	s19 =	smov.u32 s4;
	s4 =	smov.u32 s16;
	s16 =	sadd.s32 $0x200, s16  }
0x19d: {  	s3 =	smov.u32 s17;
	p1 =	sne.s32 s16, $0x10000  }
.Ltmp12:
0x19e: {  	s17 =	sld [smem:s18+$0x0];
	(pc) =	sbr.rel @p1 .LBB2_24-.Ltmp12, $4  }
0x19f: {  	_ = 	snop  }
0x1a0: {  	p0 =	slt.s32 s3, $0x1  }
0x1a1: {  	s18 =	sadd.s32 $0x1, s18;
	s3 =	sshra.s32 @!p0 s19, $0x2  }
0x1a2: {  	s31 =	simm.s32 @!p0 $0x80;
	s19 =	sadd.s32 @!p0 $0x18810, s3;
	s30 =	sadd.s32 @!p0 $0xC810, s3  }
0x1a3: {  	[tilespmem:s19], [sflag:$0x1] =	stream.indirect.gather @!p0 [hbm4b:s5+s31], $0x1, s30, s31, $0xb8;
	[tilespmem:$0x1C990] =	vst v63  }
.Ltmp13:
0x1a4: {  	p0 =	slt.s32 s17, $0x1;
	(pc) =	sbr.rel .LBB2_26-.Ltmp13, $4  }
0x1a5: {  	s18 =	simm.s32 $0x0;
	s3 =	sshra.s32 @!p0 s4, $0x2  }
0x1a6: {  	s16 =	simm.s32 @!p0 $0x80;
	s4 =	sadd.s32 @!p0 $0x18810, s3;
	s3 =	sadd.s32 @!p0 $0xC810, s3  }
0x1a7: {  	[tilespmem:s4], [sflag:$0x1] =	stream.indirect.gather @!p0 [hbm4b:s5+s16], $0x1, s3, s16, $0xb8;
	[tilespmem:$0x1C990] =	vst v63  }
0x1a8: {  	s17 =	simm.s32 $0x0;
	s4 =	simm.s32 $0x0;
	s16 =	simm.s32 $0x0  }
.LBB2_28:
0x1a9: {  	s18 =	sadd.s32 $0x200, s18  }
0x1aa: {  	p0 =	sne.s32 s18, $0x10000  }
.Ltmp14:
0x1ab: {  	_ = 	snop;
	(pc) =	sbr.rel @!p0 .LBB2_29-.Ltmp14, $2  }
0x1ac: {  	_ =	sdelay $0x2  }
0x1ad: {  	s17 =	sadd.s32 s17, s19;
	s16 =	sadd.s32 $0x1, s16  }
.LBB2_26:
0x1ae: {  	s3 =	sld [smem:s16+$0x0];
	_ =	sdelay $0x2  }
0x1af: {  	p0 =	slt.s32 s3, $0x1  }
.Ltmp15:
0x1b0: {  	_ = 	snop;
	(pc) =	sbr.rel @p0 .LBB2_28-.Ltmp15, $2  }
0x1b1: {  	_ =	sdelay $0x2  }
0x1b2: {  	[smem:s16] =	sst s4;
	s19 =	simm.s32 $0x0  }
0x1b3: {  	_ =	swait.ge [sflag:s23], $0x80  }
0x1b4: {  	[sflag:s23] =	ssyncset.done $0x0  }
0x1b5: {  	s19 =	sshra.s32 s18, $0x2;
	[sflag:s23] =	ssyncadd.s32 $0xFFFFFF80  }
0x1b6: {  	v6 =	vld [tilespmem:s19+$0x14810]  }
0x1b7: {  	v7 =	vld [tilespmem:s19+$0x18810];
	_ =	sdelay $0x4  }
0x1b8: {  	vm3 =	vlt.s32 v6, v7  }
0x1b9: {  	v8 =	vsel vm3, $0x3F800000, v3  }
0x1ba: {  	(xrf0) =	vmax.scan.msk.f32 $0xffff, v8;
	_ =	sdelay $0x5  }
0x1bb: {  	v8, _, _ =	vpop (xrf0)  }
0x1bc: {  	(v2sf) =	vpush v8, $0xF;
	_ =	sdelay $0xe  }
0x1bd: {  	s3 =	spop (v2sf)  }
0x1be: {  	p0 =	sgt.f32 s3, $0.0e+00;
	_ =	sdelay $0x1  }
0x1bf: {  	s3 =	simm.s32 @!p0 $0x0  }
0x1c0: {  	s3 =	simm.s32 @p0 $0x1  }
0x1c1: {  	[smem:$0x7F8] =	sst s3;
	s3 =	sshra.s32 @p0 s18, $0x2  }
0x1c2: {  	v8 =	vld @p0 [tilespmem:s3+$0xC810];
	_ =	sdelay $0x3  }
0x1c3: {  	vm3 =	vlt.s32 @p0 v6, v7  }
0x1c4: {  	v6 =	vsel @p0 vm3, v8, v2;
	_ =	sdelay $0x3  }
0x1c5: {  	s30 =	simm.s32 @p0 $0x0;
	s3 =	sadd.s32 $0x14810, s19;
	vm3 =	vmmov @p0 $0xffff  }
0x1c6: {  	[hbm4b:s5+s30] =	stream.indirect_vreg.scatter @p0 [tilespmem:s3], [sflag:$0x2], $0x1, v6, vm3, $0xb8;
	[tilespmem:$0x1C990] =	vst v63  }
0x1c7: {  	s3 =	simm.s32 @p0 $0x2  }
0x1c8: {  	_ =	swait.ge @p0 [sflag:s3], $0x10  }
0x1c9: {  	[sflag:s3] =	ssyncset.done @p0 $0x0  }
0x1ca: {  	[sflag:s3] =	ssyncadd.s32 @p0 $0xFFFFFFF0  }
0x1cb: {  	v6 =	vld [tilespmem:s19+$0x14820]  }
0x1cc: {  	v7 =	vld [tilespmem:s19+$0x18820];
	_ =	sdelay $0x4  }
0x1cd: {  	vm3 =	vlt.s32 v6, v7  }
0x1ce: {  	v57 =	vsel vm3, $0x3F800000, v3  }
0x1cf: {  	(xrf0) =	vmax.scan.msk.f32 $0xffff, v57;
	_ =	sdelay $0x5  }
0x1d0: {  	v8, _, _ =	vpop (xrf0)  }
0x1d1: {  	(v2sf) =	vpush v8, $0xF;
	_ =	sdelay $0xe  }
0x1d2: {  	s30 =	spop (v2sf)  }
0x1d3: {  	p0 =	sgt.f32 s30, $0.0e+00;
	_ =	sdelay $0x1  }
0x1d4: {  	s3 =	simm.s32 @!p0 $0x0  }
0x1d5: {  	s3 =	simm.s32 @p0 $0x1  }
0x1d6: {  	[smem:$0x7F9] =	sst s3;
	s3 =	sshra.s32 @p0 s18, $0x2  }
0x1d7: {  	v8 =	vld @p0 [tilespmem:s3+$0xC820];
	_ =	sdelay $0x3  }
0x1d8: {  	vm3 =	vlt.s32 @p0 v6, v7  }
0x1d9: {  	v6 =	vsel @p0 vm3, v8, v2;
	_ =	sdelay $0x3  }
0x1da: {  	s30 =	simm.s32 @p0 $0x0;
	s3 =	sadd.s32 @p0 $0x14820, s3;
	vm3 =	vmmov @p0 $0xffff  }
0x1db: {  	[hbm4b:s5+s30] =	stream.indirect_vreg.scatter @p0 [tilespmem:s3], [sflag:$0x2], $0x1, v6, vm3, $0xb8;
	[tilespmem:$0x1C990] =	vst v63  }
0x1dc: {  	s3 =	simm.s32 @p0 $0x2  }
0x1dd: {  	_ =	swait.ge @p0 [sflag:s3], $0x10  }
0x1de: {  	[sflag:s3] =	ssyncset.done @p0 $0x0  }
0x1df: {  	[sflag:s3] =	ssyncadd.s32 @p0 $0xFFFFFFF0  }
0x1e0: {  	v6 =	vld [tilespmem:s19+$0x14830]  }
0x1e1: {  	v7 =	vld [tilespmem:s19+$0x18830];
	_ =	sdelay $0x4  }
0x1e2: {  	vm3 =	vlt.s32 v6, v7  }
0x1e3: {  	v58 =	vsel vm3, $0x3F800000, v3  }
0x1e4: {  	(xrf0) =	vmax.scan.msk.f32 $0xffff, v58;
	_ =	sdelay $0x5  }
0x1e5: {  	v8, _, _ =	vpop (xrf0)  }
0x1e6: {  	(v2sf) =	vpush v8, $0xF;
	_ =	sdelay $0xe  }
0x1e7: {  	s31 =	spop (v2sf)  }
0x1e8: {  	p0 =	sgt.f32 s31, $0.0e+00;
	_ =	sdelay $0x1  }
0x1e9: {  	s3 =	simm.s32 @!p0 $0x0  }
0x1ea: {  	s3 =	simm.s32 @p0 $0x1  }
0x1eb: {  	[smem:$0x7FA] =	sst s3;
	s3 =	sshra.s32 @p0 s18, $0x2  }
0x1ec: {  	v8 =	vld @p0 [tilespmem:s3+$0xC830];
	_ =	sdelay $0x3  }
0x1ed: {  	vm3 =	vlt.s32 @p0 v6, v7  }
0x1ee: {  	v6 =	vsel @p0 vm3, v8, v2;
	_ =	sdelay $0x3  }
0x1ef: {  	s30 =	simm.s32 @p0 $0x0;
	s3 =	sadd.s32 @p0 $0x14830, s3;
	vm3 =	vmmov @p0 $0xffff  }
0x1f0: {  	[hbm4b:s5+s30] =	stream.indirect_vreg.scatter @p0 [tilespmem:s3], [sflag:$0x2], $0x1, v6, vm3, $0xb8;
	[tilespmem:$0x1C990] =	vst v63  }
0x1f1: {  	s3 =	simm.s32 @p0 $0x2  }
0x1f2: {  	_ =	swait.ge @p0 [sflag:s3], $0x10  }
0x1f3: {  	[sflag:s3] =	ssyncset.done @p0 $0x0  }
0x1f4: {  	[sflag:s3] =	ssyncadd.s32 @p0 $0xFFFFFFF0  }
0x1f5: {  	v6 =	vld [tilespmem:s19+$0x14840]  }
0x1f6: {  	v7 =	vld [tilespmem:s19+$0x18840];
	_ =	sdelay $0x4  }
0x1f7: {  	vm3 =	vlt.s32 v6, v7  }
0x1f8: {  	v59 =	vsel vm3, $0x3F800000, v3  }
0x1f9: {  	(xrf0) =	vmax.scan.msk.f32 $0xffff, v59;
	_ =	sdelay $0x5  }
0x1fa: {  	v8, _, _ =	vpop (xrf0)  }
0x1fb: {  	(v2sf) =	vpush v8, $0xF;
	_ =	sdelay $0xe  }
0x1fc: {  	s30 =	spop (v2sf)  }
0x1fd: {  	p6 =	sgt.f32 s30, $0.0e+00;
	_ =	sdelay $0x1  }
0x1fe: {  	s3 =	sshra.s32 @p6 s18, $0x2  }
0x1ff: {  	v8 =	vld @p6 [tilespmem:s3+$0xC840];
	_ =	sdelay $0x3  }
0x200: {  	vm3 =	vlt.s32 @p6 v6, v7  }
0x201: {  	v6 =	vsel @p6 vm3, v8, v2;
	_ =	sdelay $0x3  }
0x202: {  	s30 =	simm.s32 @p6 $0x0;
	s3 =	sadd.s32 @p6 $0x14840, s3;
	vm3 =	vmmov @p6 $0xffff  }
0x203: {  	[hbm4b:s5+s30] =	stream.indirect_vreg.scatter @p6 [tilespmem:s3], [sflag:$0x2], $0x1, v6, vm3, $0xb8;
	[tilespmem:$0x1C990] =	vst v63  }
0x204: {  	s3 =	simm.s32 @p6 $0x2  }
0x205: {  	_ =	swait.ge @p6 [sflag:s3], $0x10  }
0x206: {  	[sflag:s3] =	ssyncset.done @p6 $0x0  }
0x207: {  	[sflag:s3] =	ssyncadd.s32 @p6 $0xFFFFFFF0  }
0x208: {  	v6 =	vld [tilespmem:s19+$0x14850]  }
0x209: {  	v7 =	vld [tilespmem:s19+$0x18850];
	_ =	sdelay $0x4  }
0x20a: {  	vm3 =	vlt.s32 v6, v7  }
0x20b: {  	v60 =	vsel vm3, $0x3F800000, v3  }
0x20c: {  	(xrf0) =	vmax.scan.msk.f32 $0xffff, v60;
	_ =	sdelay $0x5  }
0x20d: {  	v8, _, _ =	vpop (xrf0)  }
0x20e: {  	(v2sf) =	vpush v8, $0xF;
	_ =	sdelay $0xe  }
0x20f: {  	s31 =	spop (v2sf)  }
0x210: {  	p3 =	sgt.f32 s31, $0.0e+00;
	_ =	sdelay $0x1  }
0x211: {  	s3 =	sshra.s32 @p3 s18, $0x2  }
0x212: {  	v8 =	vld @p3 [tilespmem:s3+$0xC850];
	_ =	sdelay $0x3  }
0x213: {  	vm3 =	vlt.s32 @p3 v6, v7  }
0x214: {  	v6 =	vsel @p3 vm3, v8, v2;
	_ =	sdelay $0x3  }
0x215: {  	s30 =	simm.s32 @p3 $0x0;
	s3 =	sadd.s32 @p3 $0x14850, s3;
	vm3 =	vmmov @p3 $0xffff  }
0x216: {  	[hbm4b:s5+s30] =	stream.indirect_vreg.scatter @p3 [tilespmem:s3], [sflag:$0x2], $0x1, v6, vm3, $0xb8;
	[tilespmem:$0x1C990] =	vst v63  }
0x217: {  	s3 =	simm.s32 @p3 $0x2  }
0x218: {  	_ =	swait.ge @p3 [sflag:s3], $0x10  }
0x219: {  	[sflag:s3] =	ssyncset.done @p3 $0x0  }
0x21a: {  	[sflag:s3] =	ssyncadd.s32 @p3 $0xFFFFFFF0  }
0x21b: {  	v6 =	vld [tilespmem:s19+$0x14860]  }
0x21c: {  	v7 =	vld [tilespmem:s19+$0x18860];
	_ =	sdelay $0x4  }
0x21d: {  	vm3 =	vlt.s32 v6, v7  }
0x21e: {  	v61 =	vsel vm3, $0x3F800000, v3  }
0x21f: {  	(xrf0) =	vmax.scan.msk.f32 $0xffff, v61;
	_ =	sdelay $0x5  }
0x220: {  	v8, _, _ =	vpop (xrf0)  }
0x221: {  	(v2sf) =	vpush v8, $0xF;
	_ =	sdelay $0xe  }
0x222: {  	s30 =	spop (v2sf)  }
0x223: {  	p1 =	sgt.f32 s30, $0.0e+00;
	_ =	sdelay $0x1  }
0x224: {  	s3 =	sshra.s32 @p1 s18, $0x2  }
0x225: {  	v8 =	vld @p1 [tilespmem:s3+$0xC860];
	_ =	sdelay $0x3  }
0x226: {  	vm3 =	vlt.s32 @p1 v6, v7  }
0x227: {  	v6 =	vsel @p1 vm3, v8, v2;
	_ =	sdelay $0x3  }
0x228: {  	s30 =	simm.s32 @p1 $0x0;
	s3 =	sadd.s32 @p1 $0x14860, s3;
	vm3 =	vmmov @p1 $0xffff  }
0x229: {  	[hbm4b:s5+s30] =	stream.indirect_vreg.scatter @p1 [tilespmem:s3], [sflag:$0x2], $0x1, v6, vm3, $0xb8;
	[tilespmem:$0x1C990] =	vst v63  }
0x22a: {  	s3 =	simm.s32 @p1 $0x2  }
0x22b: {  	_ =	swait.ge @p1 [sflag:s3], $0x10  }
0x22c: {  	[sflag:s3] =	ssyncset.done @p1 $0x0  }
0x22d: {  	[sflag:s3] =	ssyncadd.s32 @p1 $0xFFFFFFF0  }
0x22e: {  	v6 =	vld [tilespmem:s19+$0x14870]  }
0x22f: {  	v7 =	vld [tilespmem:s19+$0x18870];
	_ =	sdelay $0x4  }
0x230: {  	vm3 =	vlt.s32 v6, v7  }
0x231: {  	v62 =	vsel vm3, $0x3F800000, v3  }
0x232: {  	(xrf0) =	vmax.scan.msk.f32 $0xffff, v62;
	_ =	sdelay $0x5  }
0x233: {  	v8, _, _ =	vpop (xrf0)  }
0x234: {  	(v2sf) =	vpush v8, $0xF;
	_ =	sdelay $0xe  }
0x235: {  	s31 =	spop (v2sf)  }
0x236: {  	p2 =	sgt.f32 s31, $0.0e+00;
	_ =	sdelay $0x1  }
0x237: {  	s3 =	sshra.s32 @p2 s18, $0x2  }
0x238: {  	v8 =	vld @p2 [tilespmem:s3+$0xC870];
	_ =	sdelay $0x3  }
0x239: {  	vm3 =	vlt.s32 @p2 v6, v7  }
0x23a: {  	v6 =	vsel @p2 vm3, v8, v2;
	_ =	sdelay $0x3  }
0x23b: {  	s30 =	simm.s32 @p2 $0x0;
	s3 =	sadd.s32 @p2 $0x14870, s3;
	vm3 =	vmmov @p2 $0xffff  }
0x23c: {  	[hbm4b:s5+s30] =	stream.indirect_vreg.scatter @p2 [tilespmem:s3], [sflag:$0x2], $0x1, v6, vm3, $0xb8;
	[tilespmem:$0x1C990] =	vst v63  }
0x23d: {  	s3 =	simm.s32 @p2 $0x2  }
0x23e: {  	_ =	swait.ge @p2 [sflag:s3], $0x10  }
0x23f: {  	[sflag:s3] =	ssyncset.done @p2 $0x0  }
0x240: {  	[sflag:s3] =	ssyncadd.s32 @p2 $0xFFFFFFF0  }
0x241: {  	v6 =	vld [tilespmem:s19+$0x14880]  }
0x242: {  	v7 =	vld [tilespmem:s19+$0x18880];
	_ =	sdelay $0x4  }
0x243: {  	vm3 =	vlt.s32 v6, v7  }
0x244: {  	v63 =	vsel vm3, $0x3F800000, v3  }
0x245: {  	(xrf0) =	vmax.scan.msk.f32 $0xffff, v63;
	_ =	sdelay $0x5  }
0x246: {  	v8, _, _ =	vpop (xrf0)  }
0x247: {  	(v2sf) =	vpush v8, $0xF;
	_ =	sdelay $0xe  }
0x248: {  	s30 =	spop (v2sf)  }
0x249: {  	p0 =	sgt.f32 s30, $0.0e+00;
	_ =	sdelay $0x1  }
0x24a: {  	s3 =	sshra.s32 @p0 s18, $0x2  }
0x24b: {  	s31 =	sld [smem:$0x7F8];
	v8 =	vld @p0 [tilespmem:s3+$0xC880];
	_ =	sdelay $0x1  }
0x24c: {  	s30 =	sld [smem:$0x7F9]  }
0x24d: {  	p4 =	seq.s32 s31, $0x1;
	s31 =	sld [smem:$0x7FA]  }
0x24e: {  	vm3 =	vlt.s32 @p0 v6, v7  }
0x24f: {  	p5 =	seq.s32 s30, $0x1;
	v6 =	vsel @p0 vm3, v8, v2  }
0x250: {  	p4 =	por p4, p5;
	p5 =	seq.s32 s31, $0x1  }
0x251: {  	p4 =	por p4, p5  }
0x252: {  	p4 =	por p4, p6  }
0x253: {  	s19 =	simm.s32 @p0 $0x0;
	s3 =	sadd.s32 @p0 $0x14880, s3;
	p3 =	por p4, p3;
	vm3 =	vmmov @p0 $0xffff  }
0x254: {  	[hbm4b:s5+s19] =	stream.indirect_vreg.scatter @p0 [tilespmem:s3], [sflag:$0x2], $0x1, v6, vm3, $0xb8;
	[tilespmem:$0x1C990] =	vst v63  }
.Ltmp16:
0x255: {  	p1 =	por p3, p1;
	s3 =	simm.s32 @p0 $0x2;
	(pc) =	sbr.rel .LBB2_28-.Ltmp16, $4  }
0x256: {  	p1 =	por p1, p2;
	_ =	swait.ge @p0 [sflag:s3], $0x10  }
0x257: {  	p1 =	por p1, p0;
	s19 =	simm.s32 $0x1;
	[sflag:s3] =	ssyncset.done @p0 $0x0  }
0x258: {  	s19 =	simm.s32 @!p1 $0x0;
	[sflag:s3] =	ssyncadd.s32 @p0 $0xFFFFFFF0  }
0x259: {  	[smem:s16] =	sst s19  }
.LBB2_30:
0x25a: {  	s0 =	simm.s32 $0x0  }
0x25b: {  	[tilespmem:s20], [sflag:$0x2] =	stream.linear.gather [hbm4b:s11+s0], $0x4000, $0x38;
	[tilespmem:$0x1C990] =	vst v63  }
0x25c: {  	_ =	swait.ge [sflag:s21], $0x4000  }
0x25d: {  	[sflag:s21] =	ssyncset.done $0x0  }
0x25e: {  	s4 =	simm.s32 $0x0;
	[sflag:s21] =	ssyncadd.s32 $0xFFFFC000  }
0x25f: {  	v6 =	vld [tilespmem:s4+$0x10820]  }
0x260: {  	v7 =	vld [tilespmem:s4+$0x10810];
	_ =	sdelay $0x3  }
0x261: {  	s0 =	simm.s32 $0x20;
	vm3 =	vgt.s32 v6, $0x3FFFF;
	v8 =	vadd.s32 $0xFFFC0000, v6  }
0x262: {  	vm4 =	vgt.s32 v7, $0x3FFFF;
	v9 =	vadd.s32 $0xFFFC0000, v7;
	v8 =	vsel vm3, v8, v6;
	v6 =	vld [tilespmem:s0+$0x10820]  }
0x263: {  	v9 =	vsel vm4, v9, v7;
	v7 =	vld [tilespmem:s0+$0x10810];
	vm3 =	vlt.s32 v8, $0x3FFFF  }
0x264: {  	vm4 =	vlt.s32 v9, $0x3FFFF;
	v8 =	vnsel vm3, $0x3FFFF, v8  }
0x265: {  	v9 =	vnsel vm4, $0x3FFFF, v9;
	v10 =	vadd.s32 v0, v8  }
0x266: {  	s16 =	simm.s32 $0x100;
	v8 =	vadd.s32 v0, v9;
	[tilespmem:s4+$0xC820] =	vst v10  }
.LBB2_31:
0x267: {  	s3 =	sshra.s32 s16, $0x2;
	p0 =	sne.s32 s16, $0xFF80;
	s16 =	sadd.s32 $0x80, s16;
	vm3 =	vgt.s32 v6, $0x3FFFF;
	v9 =	vadd.s32 $0xFFFC0000, v6;
	[tilespmem:s4+$0xC810] =	vst v8  }
.Ltmp17:
0x268: {  	s4 =	smov.u32 s0;
	vm4 =	vgt.s32 v7, $0x3FFFF;
	v8 =	vadd.s32 $0xFFFC0000, v7;
	v9 =	vsel vm3, v9, v6;
	v6 =	vld [tilespmem:s3+$0x10820];
	s0 =	smov.u32 s3;
	(pc) =	sbr.rel @p0 .LBB2_31-.Ltmp17, $4  }
0x269: {  	v8 =	vsel vm4, v8, v7;
	v7 =	vld [tilespmem:s0+$0x10810];
	vm3 =	vlt.s32 v9, $0x3FFFF  }
0x26a: {  	vm4 =	vlt.s32 v8, $0x3FFFF;
	v9 =	vnsel vm3, $0x3FFFF, v9  }
0x26b: {  	v8 =	vnsel vm4, $0x3FFFF, v8;
	v9 =	vadd.s32 v0, v9  }
0x26c: {  	v8 =	vadd.s32 v0, v8;
	[tilespmem:s4+$0xC820] =	vst v9  }
0x26d: {  	vm3 =	vgt.s32 v6, $0x3FFFF;
	v9 =	vadd.s32 $0xFFFC0000, v6  }
0x26e: {  	vm4 =	vgt.s32 v7, $0x3FFFF;
	v6 =	vsel vm3, v9, v6;
	v63 =	vadd.s32 $0xFFFC0000, v7  }
0x26f: {  	v7 =	vsel vm4, v63, v7;
	vm3 =	vlt.s32 v6, $0x3FFFF  }
0x270: {  	vm4 =	vlt.s32 v7, $0x3FFFF;
	v6 =	vnsel vm3, $0x3FFFF, v6  }
0x271: {  	[tilespmem:s4+$0xC810] =	vst v8;
	v7 =	vnsel vm4, $0x3FFFF, v7;
	v6 =	vadd.s32 v0, v6  }
0x272: {  	v7 =	vadd.s32 v0, v7;
	[tilespmem:s0+$0xC820] =	vst v6  }
0x273: {  	s4 =	simm.s32 $0x14810;
	s16 =	simm.s32 $0xC810;
	[tilespmem:s0+$0xC810] =	vst v7;
	s0 =	simm.s32 $0x200  }
.LBB2_33:
0x274: {  	[tilespmem:s4], [sflag:$0x1] =	stream.indirect.gather [hbm4b:s5+s22], $0x1, s16, s22, $0xb8;
	[tilespmem:$0x1C990] =	vst v63  }
0x275: {  	s3 =	smov.u32 s0;
	p0 =	sne.s32 s0, $0xFE00  }
.Ltmp18:
0x276: {  	s0 =	sadd.s32 $0x200, s0;
	(pc) =	sbr.rel @p0 .LBB2_33-.Ltmp18, $3  }
0x277: {  	_ =	sdelay $0x1  }
0x278: {  	s3 =	sshra.s32 s3, $0x2  }
0x279: {  	s4 =	sadd.s32 $0x14810, s3;
	s16 =	sadd.s32 $0xC810, s3  }
0x27a: {  	[tilespmem:s4], [sflag:$0x1] =	stream.indirect.gather [hbm4b:s5+s22], $0x1, s16, s22, $0xb8;
	[tilespmem:$0x1C990] =	vst v63  }
0x27b: {  	s0 =	simm.s32 $0x1  }
0x27c: {  	_ =	swait.ge [sflag:s0], $0x4000  }
0x27d: {  	[sflag:s0] =	ssyncset.done $0x0  }
0x27e: {  	s3 =	simm.s32 $0x10820;
	[sflag:s0] =	ssyncadd.s32 $0xFFFFC000  }
0x27f: {  	s17 =	simm.s32 $0x14820;
	v6 =	vld [tilespmem:s3+$0xFFFFFFF0]  }
0x280: {  	v7 =	vld [tilespmem:s17+$0xFFFFFFF0];
	_ =	sdelay $0x3  }
0x281: {  	vm3 =	vlt.s32 v6, $0x80000  }
0x282: {  	v6 =	vsel vm3, v7, v6  }
0x283: {  	v7 =	vld [tilespmem:s3+$0x0];
	[tilespmem:s3+$0xFFFFFFF0] =	vst v6  }
0x284: {  	v8 =	vld [tilespmem:s17+$0x0];
	_ =	sdelay $0x3  }
0x285: {  	s18 =	simm.s32 $0x0;
	s16 =	simm.s32 $0x10840;
	vm3 =	vlt.s32 v7, $0x80000  }
0x286: {  	s4 =	sand.u32 $0x3FE0, s18;
	v9 =	vld [tilespmem:s16+$0xFFFFFFF0];
	v7 =	vsel vm3, v8, v7  }
0x287: {  	s19 =	simm.s32 $0x14840;
	v8 =	vld [tilespmem:s4+$0x4210];
	[tilespmem:s3+$0x0] =	vst v7  }
0x288: {  	v10 =	vld [tilespmem:s19+$0xFFFFFFF0];
	_ =	sdelay $0x3  }
0x289: {  	s31 =	simm.s32 $0x4220;
	vm3 =	vlt.s32 v9, $0x80000  }
0x28a: {  	v11 =	vld [tilespmem:s31+$0x0];
	v9 =	vsel vm3, v10, v9  }
0x28b: {  	v10 =	vld [tilespmem:s16+$0x0];
	[tilespmem:s16+$0xFFFFFFF0] =	vst v9  }
0x28c: {  	v12 =	vld [tilespmem:s19+$0x0];
	_ =	sdelay $0x1  }
0x28d: {  	s17 =	simm.s32 $0x20  }
0x28e: {  	s3 =	sand.u32 $0x3FE0, s17  }
0x28f: {  	v62 =	vld [tilespmem:s3+$0x4210];
	vm3 =	vlt.s32 v10, $0x80000  }
0x290: {  	v10 =	vsel vm3, v12, v10;
	vm3 =	veq.s32 v6, v8  }
0x291: {  	v6 =	vsel vm3, $0x3F800000, v3  }
0x292: {  	vm4 =	veq.s32 v7, v11;
	(xrf0) =	vmin.scan.msk.f32 $0xffff, v6  }
0x293: {  	v6 =	vsel vm4, $0x3F800000, v3  }
0x294: {  	vm14 =	veq.s32 v9, v62;
	(xrf0) =	vmin.scan.msk.f32 $0xffff, v6  }
0x295: {  	v8 =	vsel vm14, $0x3F800000, v3;
	_ =	sdelay $0x1  }
0x296: {  	s18 =	simm.s32 $0x10860  }
0x297: {  	v13 =	vld [tilespmem:s18+$0xFFFFFFF0];
	s19 =	simm.s32 $0x14860;
	[tilespmem:s16+$0x0] =	vst v10;
	(xrf0) =	vmin.scan.msk.f32 $0xffff, v8;
	v8, _, _ =	vpop (xrf0)  }
0x298: {  	v14 =	vld [tilespmem:s19+$0xFFFFFFF0];
	(v2sf) =	vpush v8, $0xF  }
0x299: {  	s4 =	simm.s32 $0x4240;
	v63, _, _ =	vpop (xrf0)  }
0x29a: {  	v7 =	vld [tilespmem:s4+$0x0];
	(v2sf) =	vpush v63, $0xF;
	_ =	sdelay $0x1  }
0x29b: {  	vm3 =	vlt.s32 v13, $0x80000  }
0x29c: {  	v6 =	vsel vm3, v14, v13  }
0x29d: {  	v9 =	vld [tilespmem:s18+$0x0];
	[tilespmem:s18+$0xFFFFFFF0] =	vst v6  }
0x29e: {  	vm3 =	veq.s32 v10, v7;
	v11 =	vld [tilespmem:s19+$0x0]  }
0x29f: {  	v10 =	vsel vm3, $0x3F800000, v3  }
0x2a0: {  	(xrf0) =	vmin.scan.msk.f32 $0xffff, v10;
	_ =	sdelay $0x1  }
0x2a1: {  	vm15 =	vlt.s32 v9, $0x80000  }
0x2a2: {  	s31 =	simm.s32 $0x40;
	s16 =	simm.s32 $0x10880;
	v7 =	vsel vm15, v11, v9;
	v11, _, _ =	vpop (xrf0)  }
0x2a3: {  	s30 =	simm.s32 $0x80;
	s3 =	sand.u32 $0x3FE0, s31;
	v8 =	vld [tilespmem:s16+$0xFFFFFFF0];
	(v2sf) =	vpush v11, $0xF  }
0x2a4: {  	s17 =	simm.s32 $0x60;
	s19 =	simm.s32 $0x14880;
	v9 =	vld [tilespmem:s3+$0x4210];
	[tilespmem:s18+$0x0] =	vst v7;
	s18 =	simm.s32 $0x10880  }
.LBB2_35:
0x2a5: {  	p0 =	sne.s32 s30, $0x3FE0;
	v10 =	vld [tilespmem:s19+$0xFFFFFFF0];
	s4 =	sadd.s32 $0x20, s4;
	v11, _, _ =	vpop (xrf0);
	s3 =	spop (v2sf)  }
0x2a6: {  	v12 =	vld [tilespmem:s4+$0x0];
	(v2sf) =	vpush v11, $0xF;
	p1 =	sgt.f32 s3, $0.0e+00  }
0x2a7: {  	s3 =	spop (v2sf)  }
0x2a8: {  	p2 =	sgt.f32 s3, $0.0e+00;
	s0 =	simm.s32 @!p1 $0x0  }
0x2a9: {  	vm3 =	vlt.s32 v8, $0x80000;
	vm4 =	veq.s32 v6, v9  }
0x2aa: {  	v6 =	vsel vm3, v10, v8;
	v8 =	vsel vm4, $0x3F800000, v3;
	s0 =	simm.s32 @!p2 $0x0  }
0x2ab: {  	[tilespmem:s16+$0xFFFFFFF0] =	vst v6;
	v9 =	vld [tilespmem:s16+$0x0];
	vm3 =	veq.s32 v7, v12;
	(xrf0) =	vmin.scan.msk.f32 $0xffff, v8  }
0x2ac: {  	v7 =	vld [tilespmem:s19+$0x0];
	v8 =	vsel vm3, $0x3F800000, v3  }
0x2ad: {  	(xrf0) =	vmin.scan.msk.f32 $0xffff, v8  }
.Ltmp19:
0x2ae: {  	(pc) =	sbr.rel @p0 .LBB2_35-.Ltmp19, $4  }
0x2af: {  	_ = 	snop  }
0x2b0: {  	s16 =	sadd.s32 $0x20, s16;
	vm3 =	vlt.s32 v9, $0x80000  }
0x2b1: {  	s3 =	sand.u32 $0x3FE0, s17;
	s17 =	smov.u32 s30;
	v8 =	vld [tilespmem:s16+$0xFFFFFFF0];
	v7 =	vsel vm3, v7, v9;
	v10, _, _ =	vpop (xrf0)  }
0x2b2: {  	s30 =	sadd.s32 $0x20, s30;
	s19 =	sadd.s32 $0x20, s19;
	v9 =	vld [tilespmem:s3+$0x4210];
	[tilespmem:s18+$0x0] =	vst v7;
	(v2sf) =	vpush v10, $0xF;
	s18 =	smov.u32 s16  }
0x2b3: {  	v10 =	vld [tilespmem:s19+$0xFFFFFFF0];
	_ =	sdelay $0x3  }
0x2b4: {  	vm3 =	vlt.s32 v8, $0x80000  }
0x2b5: {  	s3 =	sadd.s32 $0x20, s4;
	v52 =	vld [tilespmem:s16+$0x0];
	v8 =	vsel vm3, v10, v8  }
0x2b6: {  	v11 =	vld [tilespmem:s3+$0x0];
	[tilespmem:s16+$0xFFFFFFF0] =	vst v8  }
0x2b7: {  	v12 =	vld [tilespmem:s19+$0x0];
	_ =	sdelay $0x3  }
0x2b8: {  	vm3 =	vlt.s32 v52, $0x80000  }
0x2b9: {  	s17 =	sand.u32 $0x3FE0, s17;
	v10 =	vsel vm3, v12, v52  }
0x2ba: {  	s3 =	sadd.s32 $0x20, s3;
	v53 =	vld [tilespmem:s17+$0x4210];
	[tilespmem:s18+$0x0] =	vst v10  }
0x2bb: {  	vm3 =	veq.s32 v6, v9;
	v6 =	vld [tilespmem:s3+$0x0];
	_ =	sdelay $0x2  }
0x2bc: {  	v9 =	vsel vm3, $0x3F800000, v3;
	vm3 =	veq.s32 v7, v11  }
0x2bd: {  	(xrf0) =	vmin.scan.msk.f32 $0xffff, v9;
	v7 =	vsel vm3, $0x3F800000, v3;
	vm3 =	veq.s32 v8, v53  }
0x2be: {  	(xrf0) =	vmin.scan.msk.f32 $0xffff, v7;
	v7 =	vsel vm3, $0x3F800000, v3;
	vm3 =	veq.s32 v10, v6  }
0x2bf: {  	v6, _, _ =	vpop (xrf0);
	(xrf0) =	vmin.scan.msk.f32 $0xffff, v7;
	v7 =	vsel vm3, $0x3F800000, v3  }
0x2c0: {  	(xrf0) =	vmin.scan.msk.f32 $0xffff, v7;
	_ =	sdelay $0x2  }
0x2c1: {  	(v2sf) =	vpush v6, $0xF;
	v6, _, _ =	vpop (xrf0)  }
0x2c2: {  	(v2sf) =	vpush v6, $0xF;
	v6, _, _ =	vpop (xrf0)  }
0x2c3: {  	(v2sf) =	vpush v6, $0xF;
	v6, _, _ =	vpop (xrf0)  }
0x2c4: {  	(v2sf) =	vpush v6, $0xF;
	v6, _, _ =	vpop (xrf0)  }
0x2c5: {  	(v2sf) =	vpush v6, $0xF;
	_ =	sdelay $0x6  }
0x2c6: {  	s19 =	spop (v2sf)  }
0x2c7: {  	s30 =	spop (v2sf);
	p0 =	sgt.f32 s19, $0.0e+00  }
0x2c8: {  	p1 =	sgt.f32 s30, $0.0e+00;
	s31 =	spop (v2sf)  }
0x2c9: {  	[spmem:s8] =	stream.linear.scatter [tilespmem:s20], [sflag:$0x2], $0x4000, $0x38;
	[tilespmem:$0x1C990] =	vst v63  }
0x2ca: {  	s0 =	simm.s32 @!p0 $0x0;
	p0 =	sgt.f32 s31, $0.0e+00;
	s17 =	spop (v2sf)  }
0x2cb: {  	s0 =	simm.s32 @!p1 $0x0;
	s18 =	spop (v2sf);
	p1 =	sgt.f32 s17, $0.0e+00  }
0x2cc: {  	s0 =	simm.s32 @!p0 $0x0;
	p0 =	sgt.f32 s18, $0.0e+00;
	s19 =	spop (v2sf)  }
0x2cd: {  	s0 =	simm.s32 @!p1 $0x0;
	p1 =	sgt.f32 s19, $0.0e+00;
	s30 =	spop (v2sf)  }
0x2ce: {  	s0 =	simm.s32 @!p0 $0x0;
	p0 =	sgt.f32 s30, $0.0e+00;
	s31 =	spop (v2sf)  }
0x2cf: {  	s0 =	simm.s32 @!p1 $0x0;
	p1 =	sgt.f32 s31, $0.0e+00  }
0x2d0: {  	s0 =	simm.s32 @!p0 $0x0;
	_ =	swait.ge [sflag:s21], $0x4000  }
0x2d1: {  	[sflag:s21] =	ssyncset.done $0x0;
	s0 =	simm.s32 @!p1 $0x0  }
0x2d2: {  	[sflag:s21] =	ssyncadd.s32 $0xFFFFC000;
	v6 =	vmov s0  }
0x2d3: {  	[tilespmem:$0x1C810] =	vst v6  }
0x2d4: {  	[spmem:s12] =	stream.linear.scatter [tilespmem:s24], [sflag:$0x2], $0x10, $0x38;
	[tilespmem:$0x1C990] =	vst v63  }
0x2d5: {  	_ =	swait.ge [sflag:s21], $0x10  }
0x2d6: {  	[sflag:s21] =	ssyncset.done $0x0  }
0x2d7: {  	[sflag:s21] =	ssyncadd.s32 $0xFFFFFFF0  }
0x2d8: {  	[bflag:$0x0] =	sbarrier.arrive $0xFFFF  }
0x2d9: {  	[tilespmem:s25], [sflag:$0x2] =	stream.linear.gather [spmem:s2], $0x100, $0x38;
	[tilespmem:$0x1C990] =	vst v63  }
0x2da: {  	_ =	swait.ge [sflag:s21], $0x100  }
0x2db: {  	[sflag:s21] =	ssyncset.done $0x0  }
0x2dc: {  	[sflag:s21] =	ssyncadd.s32 $0xFFFFFF00  }
0x2dd: {  	v6 =	vld [tilespmem:$0x1C890]  }
0x2de: {  	v7 =	vld [tilespmem:$0x1C8A0];
	_ =	sdelay $0x1  }
0x2df: {  	v54 =	vld [tilespmem:$0x1C8B0];
	_ =	sdelay $0x1  }
0x2e0: {  	v55 =	vld [tilespmem:$0x1C8C0]  }
0x2e1: {  	vm3 =	vlt.s32 v6, v7  }
0x2e2: {  	v6 =	vsel vm3, v6, v7;
	v7 =	vld [tilespmem:$0x1C8D0]  }
0x2e3: {  	vm3 =	vlt.s32 v6, v54  }
0x2e4: {  	v56 =	vld [tilespmem:$0x1C8E0];
	v6 =	vsel vm3, v6, v54  }
0x2e5: {  	vm3 =	vlt.s32 v6, v55  }
0x2e6: {  	v57 =	vld [tilespmem:$0x1C8F0];
	v6 =	vsel vm3, v6, v55  }
0x2e7: {  	vm3 =	vlt.s32 v6, v7  }
0x2e8: {  	v6 =	vsel vm3, v6, v7;
	v7 =	vld [tilespmem:$0x1C900]  }
0x2e9: {  	vm3 =	vlt.s32 v6, v56  }
0x2ea: {  	v58 =	vld [tilespmem:$0x1C910];
	v6 =	vsel vm3, v6, v56  }
0x2eb: {  	vm3 =	vlt.s32 v6, v57  }
0x2ec: {  	v59 =	vld [tilespmem:$0x1C920];
	v6 =	vsel vm3, v6, v57  }
0x2ed: {  	vm3 =	vlt.s32 v6, v7  }
0x2ee: {  	v6 =	vsel vm3, v6, v7;
	v7 =	vld [tilespmem:$0x1C930]  }
0x2ef: {  	vm3 =	vlt.s32 v6, v58  }
0x2f0: {  	v60 =	vld [tilespmem:$0x1C940];
	v6 =	vsel vm3, v6, v58  }
0x2f1: {  	vm3 =	vlt.s32 v6, v59  }
0x2f2: {  	v61 =	vld [tilespmem:$0x1C950];
	v6 =	vsel vm3, v6, v59  }
0x2f3: {  	vm3 =	vlt.s32 v6, v7  }
0x2f4: {  	v6 =	vsel vm3, v6, v7;
	v7 =	vld [tilespmem:$0x1C960]  }
0x2f5: {  	vm3 =	vlt.s32 v6, v60  }
0x2f6: {  	v62 =	vld [tilespmem:$0x1C970];
	v6 =	vsel vm3, v6, v60  }
0x2f7: {  	vm3 =	vlt.s32 v6, v61  }
0x2f8: {  	v63 =	vld [tilespmem:$0x1C980];
	v6 =	vsel vm3, v6, v61  }
0x2f9: {  	vm3 =	vlt.s32 v6, v7  }
0x2fa: {  	v6 =	vsel vm3, v6, v7  }
0x2fb: {  	vm3 =	vlt.s32 v6, v62  }
0x2fc: {  	v6 =	vsel vm3, v6, v62  }
0x2fd: {  	vm3 =	vlt.s32 v6, v63  }
0x2fe: {  	v6 =	vsel vm3, v6, v63  }
0x2ff: {  	[bflag:$0x0] =	sbarrier.arrive $0xFFFF;
	v6 =	vxor.u32 $0x80000000, v6  }
0x300: {  	(xrf0) =	vmin.scan.msk.u32 $0xffff, v6;
	_ =	sdelay $0x5  }
0x301: {  	v6, _, _ =	vpop (xrf0)  }
0x302: {  	(v2sf) =	vpush v6, $0xF;
	_ =	sdelay $0xe  }
0x303: {  	p0 =	sgt.u32 s29, $0xD;
	s0 =	spop (v2sf)  }
0x304: {  	p1 =	seq.s32 @!p0 s0, $0x80000000  }
0x305: {  	p0 =	por p0, !p1  }
.Ltmp20:
0x306: {  	_ = 	snop;
	(pc) =	sbr.rel @!p0 .LBB2_12-.Ltmp20, $2  }
0x307: {  	_ =	sdelay $0x2  }
0x308: {  	s29 =	sadd.s32 $0x1, s29  }
0x309: {  	s0 =	simm.s32 $0x0  }
0x30a: {  	[bflag:$0x0] =	sbarrier.arrive $0xFFFF;
	s3 =	stileid.u32;
	s17 =	sshrl.u32 s8, $0x3  }
0x30b: {  	s0 =	sand.u32 $0x70, s0;
	s3 =	sshll.u32 s3, $0x6;
	s4 =	rddreg [dreg:$0x9]  }
0x30c: {  	[dreg:$0xd] =	wrdreg s17;
	s16 =	sand.u32 $0x7E00, s4;
	s0 =	sadd.s32 s0, s13  }
0x30d: {  	s28 =	sor.u32 $0x1C02, s3;
	[dreg:$0xc] =	wrdreg s16;
	s0 =	sadd.s32 s16, s0  }
0x30e: {  	[hbm:s0@s22], [sflag:s28] =	dma.strided [spmem:s17@s26], $0x40, s23, $0x10   }
0x30f: {  	s4 =	sadd.s32 $0x40, s4;
	s16 =	sadd.s32 $0x200, s8;
	s0 =	simm.s32 $0x10  }
.LBB2_38:
0x310: {  	s3 =	sand.u32 $0x70, s0  }
0x311: {  	_ =	swait.ge [sflag:s21], $0x40;
	s17 =	sand.u32 $0x7E00, s4;
	p0 =	sne.s32 s0, $0x1F0  }
.Ltmp21:
0x312: {  	s18 =	sshrl.u32 s16, $0x3;
	[sflag:s21] =	ssyncset.done $0x0;
	(pc) =	sbr.rel @p0 .LBB2_38-.Ltmp21, $4  }
0x313: {  	s3 =	sadd.s32 s3, s13;
	[sflag:s21] =	ssyncadd.s32 $0xFFFFFFC0  }
0x314: {  	s0 =	sadd.s32 $0x10, s0;
	s3 =	sadd.s32 s17, s3  }
0x315: {  	[hbm:s3@s22], [sflag:s28] =	dma.strided [spmem:s18@s26], $0x40, s23, $0x10   }
0x316: {  	s4 =	sadd.s32 $0x40, s4;
	s16 =	sadd.s32 $0x200, s16  }
0x317: {  	_ =	swait.ge [sflag:s21], $0x40  }
0x318: {  	[sflag:s21] =	ssyncset.done $0x0  }
0x319: {  	[sflag:s21] =	ssyncadd.s32 $0xFFFFFFC0  }
0x31a: {  	s0 =	sadd.s32 $0xFFFFFFFF, s6;
	[bflag:$0x0] =	sbarrier.arrive $0xFFFF  }
0x31b: {  	p0 =	sgt.u32 s0, $0x1FF;
	s17 =	rddreg [dreg:$0xa]  }
0x31c: {  	s18 =	rddreg [dreg:$0xb];
	s0 =	sand.u32 @!p0 $0x7E00, s17  }
0x31d: {  	s3 =	simm.s32 $0x8410;
	s4 =	sand.u32 @!p0 $0x70, s18;
	s0 =	sadd.s32 @!p0 s0, s14  }
0x31e: {  	s16 =	simm.s32 @!p0 $0x80;
	s0 =	sadd.s32 @!p0 s4, s0;
	s4 =	simm.s32 @!p0 $0x400  }
0x31f: {  	[tilespmem:s3], [sflag:$0x2] =	stream.strided.gather @!p0 [hbm4b:s0+s16], $0x200, s4, s16, $0x38;
	[tilespmem:$0x1C990] =	vst v63  }
0x320: {  	p0 =	por p0, p0  }
0x321: {  	s0 =	simm.s32 $0x0;
	s16 =	simm.s32 $0x8610;
	s19 =	simm.s32 @!p0 $0x2  }
.LBB2_40:
0x322: {  	s3 =	sadd.s32 s0, s6;
	_ =	swait.ge @!p0 [sflag:s19], $0x200  }
0x323: {  	s17 =	sadd.s32 $0x40, s17;
	s18 =	sadd.s32 $0x10, s18;
	s0 =	sadd.s32 $0x1, s0  }
0x324: {  	p1 =	sgt.u32 s3, $0x1FF;
	[sflag:s19] =	ssyncset.done @!p0 $0x0;
	p2 =	sne.s32 s0, $0x21  }
0x325: {  	s3 =	sand.u32 @!p1 $0x7E00, s17;
	s4 =	simm.s32 @!p1 $0x80;
	[sflag:s19] =	ssyncadd.s32 @!p0 $0xFFFFFE00  }
.Ltmp22:
0x326: {  	s19 =	sand.u32 @!p1 $0x70, s18;
	s3 =	sadd.s32 @!p1 s3, s14;
	(pc) =	sbr.rel @p2 .LBB2_40-.Ltmp22, $4  }
0x327: {  	s3 =	sadd.s32 @!p1 s19, s3;
	s19 =	simm.s32 @!p1 $0x400  }
0x328: {  	[tilespmem:s16], [sflag:$0x2] =	stream.strided.gather @!p1 [hbm4b:s3+s4], $0x200, s19, s4, $0x38;
	[tilespmem:$0x1C990] =	vst v63  }
0x329: {  	p0 =	por p1, p1  }
0x32a: {  	s19 =	simm.s32 @!p0 $0x2;
	s16 =	sadd.s32 $0x200, s16;
	s4 =	simm.s32 $0x0  }
0x32b: {  	_ =	swait.ge @!p0 [sflag:s19], $0x200  }
0x32c: {  	[sflag:s19] =	ssyncset.done @!p0 $0x0  }
0x32d: {  	s0 =	simm.s32 $0x0;
	[sflag:s19] =	ssyncadd.s32 @!p0 $0xFFFFFE00  }
0x32e: {  	v6 =	vld [tilespmem:s0+$0x8420]  }
0x32f: {  	v7 =	vld [tilespmem:s0+$0x8410];
	_ =	sdelay $0x2  }
0x330: {  	s16 =	simm.s32 $0x80;
	v8 =	vor.u32 s9, v1;
	v9 =	vadd.s32 s9, v5;
	s18 =	sadd.s32 $0x10, s9;
	s17 =	smov.u32 s9  }
.LBB2_42:
0x331: {  	s3 =	sshra.s32 s16, $0x2;
	p0 =	sne.s32 s16, $0x10F80;
	s16 =	sadd.s32 $0x80, s16;
	v10 =	vor.u32 s18, v1;
	vm3 =	vgt.f32 v6, $1.000000000e+00;
	v11 =	vadd.s32 s18, v5  }
.Ltmp23:
0x332: {  	vm5 =	veq.f32 v6, $0.0e+00;
	vm4 =	vgt.f32 v7, $1.000000000e+00;
	v6 =	vld [tilespmem:s3+$0x8420];
	v10 =	vsel vm3, v11, v10;
	(pc) =	sbr.rel @p0 .LBB2_42-.Ltmp23, $4  }
0x333: {  	vm3 =	veq.f32 v7, $0.0e+00;
	v7 =	vld [tilespmem:s3+$0x8410];
	v8 =	vsel vm4, v9, v8;
	v9 =	vsel vm5, $0x80000, v10  }
0x334: {  	v8 =	vsel vm3, $0x80000, v8;
	[tilespmem:s0+$0x4020] =	vst v9  }
0x335: {  	s17 =	sadd.s32 $0x20, s17;
	[tilespmem:s0+$0x4010] =	vst v8;
	s0 =	smov.u32 s3  }
0x336: {  	s18 =	sadd.s32 $0x10, s17;
	v9 =	vadd.s32 s17, v5;
	v8 =	vor.u32 s17, v1  }
0x337: {  	v10 =	vor.u32 s18, v1;
	vm3 =	vgt.f32 v6, $1.000000000e+00;
	v11 =	vadd.s32 s18, v5  }
0x338: {  	vm5 =	veq.f32 v6, $0.0e+00;
	vm4 =	vgt.f32 v7, $1.000000000e+00;
	v6 =	vsel vm3, v11, v10  }
0x339: {  	vm3 =	veq.f32 v7, $0.0e+00;
	v7 =	vsel vm4, v9, v8;
	v6 =	vsel vm5, $0x80000, v6  }
0x33a: {  	v7 =	vsel vm3, $0x80000, v7;
	[tilespmem:s0+$0x4020] =	vst v6  }
0x33b: {  	[tilespmem:s0+$0x4010] =	vst v7;
	s0 =	simm.s32 $0x4010  }
0x33c: {  	s3 =	sand.u32 $0x3FE0, s4;
	v6 =	vld [tilespmem:s0+$0x0]  }
0x33d: {  	v7 =	vld [tilespmem:s3+$0x4210];
	_ =	sdelay $0x1  }
0x33e: {  	v8 =	vld [tilespmem:s3+$0x4410];
	_ =	sdelay $0x2  }
0x33f: {  	vm3 =	vlt.s32 v6, v7  }
0x340: {  	v6 =	vsel vm3, v6, v7  }
0x341: {  	vm3 =	vlt.s32 v6, v8  }
0x342: {  	s4 =	simm.s32 $0x14820;
	v6 =	vsel vm3, v6, v8  }
0x343: {  	[tilespmem:s4+$0xFFFFFFF0] =	vst v6  }
0x344: {  	v7 =	vld [tilespmem:s0+$0x10]  }
0x345: {  	v8 =	vld [tilespmem:s0+$0x210];
	_ =	sdelay $0x1  }
0x346: {  	v6 =	vld [tilespmem:s0+$0x410];
	_ =	sdelay $0x2  }
0x347: {  	vm3 =	vlt.s32 v7, v8  }
0x348: {  	v7 =	vsel vm3, v7, v8  }
0x349: {  	s16 =	simm.s32 $0x20;
	s17 =	simm.s32 $0x14820;
	vm3 =	vlt.s32 v7, v6  }
.LBB2_44:
0x34a: {  	p0 =	sne.s32 s16, $0x3FE0;
	v6 =	vsel vm3, v7, v6;
	s4 =	sadd.s32 $0x20, s4;
	s0 =	sadd.s32 $0x20, s0  }
0x34b: {  	s3 =	smov.u32 s16;
	s16 =	sadd.s32 $0x20, s16;
	[tilespmem:s17+$0x0] =	vst v6;
	s17 =	smov.u32 s4  }
0x34c: {  	s3 =	sand.u32 $0x3FE0, s3;
	v6 =	vld [tilespmem:s0+$0x0]  }
0x34d: {  	v7 =	vld [tilespmem:s3+$0x4210];
	_ =	sdelay $0x1  }
0x34e: {  	v8 =	vld [tilespmem:s3+$0x4410];
	_ =	sdelay $0x2  }
0x34f: {  	vm3 =	vlt.s32 v6, v7  }
0x350: {  	v6 =	vsel vm3, v6, v7  }
0x351: {  	vm3 =	vlt.s32 v6, v8  }
0x352: {  	v6 =	vsel vm3, v6, v8  }
0x353: {  	[tilespmem:s4+$0xFFFFFFF0] =	vst v6  }
0x354: {  	v7 =	vld [tilespmem:s0+$0x10]  }
0x355: {  	v8 =	vld [tilespmem:s0+$0x210]  }
0x356: {  	v6 =	vld [tilespmem:s0+$0x410];
	_ =	sdelay $0x1  }
.Ltmp24:
0x357: {  	(pc) =	sbr.rel @p0 .LBB2_44-.Ltmp24, $4  }
0x358: {  	_ = 	snop  }
0x359: {  	vm3 =	vlt.s32 v7, v8  }
0x35a: {  	v7 =	vsel vm3, v7, v8  }
0x35b: {  	vm3 =	vlt.s32 v7, v6  }
0x35c: {  	v6 =	vsel vm3, v7, v6  }
0x35d: {  	s0 =	simm.s32 $0x14821;
	[tilespmem:s17+$0x0] =	vst v6  }
0x35e: {  	s3 =	simm.s32 $0x0;
	v6 =	vld [tilespmem:s0+$0xFFFFFFEE]  }
0x35f: {  	s4 =	sand.u32 $0xF, s3;
	v7 =	vld [tilespmem:s0+$0xFFFFFFEF]  }
0x360: {  	vm3 =	vmmov vm0;
	p0 =	seq.s32 s4, $0x0  }
0x361: {  	s3 =	sand.u32 $0x3FE0, s3;
	v8 =	vld [tilespmem:s0+$0xFFFFFFF0];
	vm3 =	vmneg @p0 vm3  }
0x362: {  	v9 =	vld [tilespmem:s3+$0x4210];
	vm3 =	vmand vm3, vm1  }
0x363: {  	v6 =	vsel vm3, $0x80000, v6  }
0x364: {  	vm3 =	vlt.s32 v6, v7  }
0x365: {  	v6 =	vsel vm3, v6, v7  }
0x366: {  	vm3 =	vlt.s32 v6, v8  }
0x367: {  	v6 =	vsel vm3, v6, v8;
	vm3 =	vlt.s32 v9, $0x80000  }
0x368: {  	s4 =	simm.s32 $0x10820;
	v6 =	vnsel vm3, $0x80000, v6  }
0x369: {  	[tilespmem:s4+$0xFFFFFFF0] =	vst v6  }
0x36a: {  	v7 =	vld [tilespmem:s0+$0xFFFFFFFF]  }
0x36b: {  	v8 =	vld [tilespmem:s0+$0xFFFFFFFE]  }
0x36c: {  	s16 =	simm.s32 $0x4220;
	s31 =	simm.s32 $0x10;
	v6 =	vld [tilespmem:s0+$0x0]  }
0x36d: {  	s3 =	sand.u32 $0x1F0, s31;
	v63 =	vld [tilespmem:s16+$0x0]  }
0x36e: {  	p0 =	seq.s32 s3, $0x1F0;
	vm3 =	vmmov vm0  }
0x36f: {  	vm3 =	vmneg @p0 vm3  }
0x370: {  	vm3 =	vmand vm3, vm2;
	vm4 =	vlt.s32 v8, v7  }
0x371: {  	v6 =	vsel vm3, $0x80000, v6;
	v7 =	vsel vm4, v8, v7  }
0x372: {  	s19 =	simm.s32 $0x20;
	s18 =	simm.s32 $0x10820;
	s17 =	simm.s32 $0x1;
	vm3 =	vlt.s32 v63, $0x80000;
	vm4 =	vlt.s32 v7, v6  }
.LBB2_46:
0x373: {  	v6 =	vsel vm4, v7, v6;
	s16 =	sadd.s32 $0x20, s16;
	s0 =	sadd.s32 $0x20, s0;
	s4 =	sadd.s32 $0x20, s4  }
0x374: {  	p0 =	sne.s32 s17, $0x1FF;
	s3 =	smov.u32 s17;
	s17 =	sadd.s32 $0x1, s17;
	v6 =	vnsel vm3, $0x80000, v6  }
0x375: {  	[tilespmem:s18+$0x0] =	vst v6;
	s18 =	smov.u32 s4  }
0x376: {  	v6 =	vld [tilespmem:s0+$0xFFFFFFEE]  }
0x377: {  	s3 =	sand.u32 $0xF, s3;
	v7 =	vld [tilespmem:s0+$0xFFFFFFEF]  }
0x378: {  	vm3 =	vmmov vm0;
	p1 =	seq.s32 s3, $0x0  }
0x379: {  	s3 =	sand.u32 $0x3FE0, s19;
	vm3 =	vmneg @p1 vm3;
	v8 =	vld [tilespmem:s0+$0xFFFFFFF0]  }
0x37a: {  	vm3 =	vmand vm3, vm1;
	v9 =	vld [tilespmem:s3+$0x4210]  }
0x37b: {  	v6 =	vsel vm3, $0x80000, v6  }
0x37c: {  	vm3 =	vlt.s32 v6, v7  }
0x37d: {  	v6 =	vsel vm3, v6, v7  }
0x37e: {  	vm3 =	vlt.s32 v6, v8  }
0x37f: {  	v6 =	vsel vm3, v6, v8;
	vm3 =	vlt.s32 v9, $0x80000  }
0x380: {  	v6 =	vnsel vm3, $0x80000, v6  }
0x381: {  	[tilespmem:s4+$0xFFFFFFF0] =	vst v6  }
0x382: {  	v6 =	vld [tilespmem:s0+$0x0]  }
0x383: {  	v7 =	vld [tilespmem:s0+$0xFFFFFFFF]  }
0x384: {  	s3 =	sadd.s32 $0x10, s19;
	v8 =	vld [tilespmem:s0+$0xFFFFFFFE]  }
0x385: {  	s3 =	sand.u32 $0x1F0, s3  }
0x386: {  	p1 =	seq.s32 s3, $0x1F0;
	vm3 =	vmmov vm0;
	v9 =	vld [tilespmem:s16+$0x0]  }
.Ltmp25:
0x387: {  	vm3 =	vmneg @p1 vm3;
	(pc) =	sbr.rel @p0 .LBB2_46-.Ltmp25, $4  }
0x388: {  	vm3 =	vmand vm3, vm2  }
0x389: {  	v6 =	vsel vm3, $0x80000, v6;
	vm3 =	vlt.s32 v8, v7  }
0x38a: {  	v7 =	vsel vm3, v8, v7  }
0x38b: {  	s19 =	sadd.s32 $0x20, s19;
	vm4 =	vlt.s32 v7, v6;
	vm3 =	vlt.s32 v9, $0x80000  }
0x38c: {  	v6 =	vsel vm4, v7, v6  }
0x38d: {  	v6 =	vnsel vm3, $0x80000, v6  }
0x38e: {  	[tilespmem:s18+$0x0] =	vst v6  }
0x38f: {  	[spmem:s8] =	stream.linear.scatter [tilespmem:s20], [sflag:$0x2], $0x4000, $0x38;
	[tilespmem:$0x1C990] =	vst v63  }
0x390: {  	_ =	swait.ge [sflag:s21], $0x4000  }
0x391: {  	[sflag:s21] =	ssyncset.done $0x0  }
0x392: {  	s31 =	simm.s32 $0x0;
	s0 =	simm.s32 $0x0;
	[sflag:s21] =	ssyncadd.s32 $0xFFFFC000  }
.LBB2_48:
0x393: {  	[bflag:$0x0] =	sbarrier.arrive $0xFFFF  }
0x394: {  	s3 =	sld [smem:$0x7FC];
	_ =	sdelay $0x2  }
0x395: {  	p0 =	seq.s32 s3, $0x1  }
0x396: {  	s3 =	simm.s32 @p0 $0x4010  }
0x397: {  	[tilespmem:s3], [sflag:$0x2] =	stream.linear.gather @p0 [spmem:s10], $0x4200, $0x38;
	[tilespmem:$0x1C990] =	vst v63  }
0x398: {  	s3 =	simm.s32 @p0 $0x2  }
0x399: {  	_ =	swait.ge @p0 [sflag:s3], $0x4200  }
0x39a: {  	s19 =	sld [smem:$0x7FB];
	_ =	sdelay $0x1  }
0x39b: {  	[sflag:s3] =	ssyncset.done @p0 $0x0  }
0x39c: {  	[sflag:s3] =	ssyncadd.s32 @p0 $0xFFFFBE00;
	p0 =	seq.s32 s19, $0x1  }
0x39d: {  	s3 =	simm.s32 @!p0 $0x4010  }
0x39e: {  	[tilespmem:s3], [sflag:$0x2] =	stream.linear.gather @!p0 [spmem:s10], $0x4400, $0x38;
	[tilespmem:$0x1C990] =	vst v63  }
0x39f: {  	s3 =	simm.s32 @!p0 $0x2  }
0x3a0: {  	_ =	swait.ge @!p0 [sflag:s3], $0x4400  }
0x3a1: {  	s29 =	sld [smem:$0x7FD];
	_ =	sdelay $0x1  }
0x3a2: {  	[sflag:s3] =	ssyncset.done @!p0 $0x0  }
0x3a3: {  	[sflag:s3] =	ssyncadd.s32 @!p0 $0xFFFFBC00;
	p0 =	seq.s32 s29, $0x1  }
0x3a4: {  	s3 =	simm.s32 @!p0 $0x4210  }
0x3a5: {  	[tilespmem:s3], [sflag:$0x2] =	stream.linear.gather @!p0 [spmem:s1], $0x4200, $0x38;
	[tilespmem:$0x1C990] =	vst v63  }
0x3a6: {  	s3 =	simm.s32 @!p0 $0x2  }
0x3a7: {  	_ =	swait.ge @!p0 [sflag:s3], $0x4200  }
0x3a8: {  	[sflag:s3] =	ssyncset.done @!p0 $0x0  }
0x3a9: {  	s4 =	simm.s32 $0x4010;
	[sflag:s3] =	ssyncadd.s32 @!p0 $0xFFFFBE00  }
0x3aa: {  	s30 =	sand.u32 $0x3FE0, s31;
	v6 =	vld [tilespmem:s4+$0x0]  }
0x3ab: {  	v7 =	vld [tilespmem:s30+$0x4210];
	_ =	sdelay $0x1  }
0x3ac: {  	v8 =	vld [tilespmem:s30+$0x4410];
	_ =	sdelay $0x2  }
0x3ad: {  	vm3 =	vlt.s32 v6, v7  }
0x3ae: {  	v6 =	vsel vm3, v6, v7  }
0x3af: {  	vm3 =	vlt.s32 v6, v8  }
0x3b0: {  	s16 =	simm.s32 $0x10820;
	v6 =	vsel vm3, v6, v8  }
0x3b1: {  	[tilespmem:s16+$0xFFFFFFF0] =	vst v6  }
0x3b2: {  	v7 =	vld [tilespmem:s4+$0x10]  }
0x3b3: {  	v8 =	vld [tilespmem:s4+$0x210];
	_ =	sdelay $0x1  }
0x3b4: {  	v6 =	vld [tilespmem:s4+$0x410];
	_ =	sdelay $0x2  }
0x3b5: {  	vm3 =	vlt.s32 v7, v8  }
0x3b6: {  	v7 =	vsel vm3, v7, v8  }
0x3b7: {  	s17 =	simm.s32 $0x20;
	s18 =	simm.s32 $0x10820;
	vm3 =	vlt.s32 v7, v6  }
.LBB2_49:
0x3b8: {  	p0 =	sne.s32 s17, $0x3FE0;
	v6 =	vsel vm3, v7, v6;
	s16 =	sadd.s32 $0x20, s16;
	s4 =	sadd.s32 $0x20, s4  }
0x3b9: {  	s3 =	smov.u32 s17;
	s17 =	sadd.s32 $0x20, s17;
	[tilespmem:s18+$0x0] =	vst v6;
	s18 =	smov.u32 s16  }
0x3ba: {  	s3 =	sand.u32 $0x3FE0, s3;
	v6 =	vld [tilespmem:s4+$0x0]  }
0x3bb: {  	v7 =	vld [tilespmem:s3+$0x4210];
	_ =	sdelay $0x1  }
0x3bc: {  	v8 =	vld [tilespmem:s3+$0x4410];
	_ =	sdelay $0x2  }
0x3bd: {  	vm3 =	vlt.s32 v6, v7  }
0x3be: {  	v6 =	vsel vm3, v6, v7  }
0x3bf: {  	vm3 =	vlt.s32 v6, v8  }
0x3c0: {  	v6 =	vsel vm3, v6, v8  }
0x3c1: {  	[tilespmem:s16+$0xFFFFFFF0] =	vst v6  }
0x3c2: {  	v7 =	vld [tilespmem:s4+$0x10]  }
0x3c3: {  	v8 =	vld [tilespmem:s4+$0x210]  }
0x3c4: {  	v6 =	vld [tilespmem:s4+$0x410];
	_ =	sdelay $0x1  }
.Ltmp26:
0x3c5: {  	(pc) =	sbr.rel @p0 .LBB2_49-.Ltmp26, $4  }
0x3c6: {  	_ = 	snop  }
0x3c7: {  	vm3 =	vlt.s32 v7, v8  }
0x3c8: {  	v7 =	vsel vm3, v7, v8  }
0x3c9: {  	vm3 =	vlt.s32 v7, v6  }
0x3ca: {  	v6 =	vsel vm3, v7, v6  }
0x3cb: {  	s4 =	simm.s32 $0x10821;
	[tilespmem:s18+$0x0] =	vst v6  }
0x3cc: {  	s3 =	simm.s32 $0x0;
	v6 =	vld [tilespmem:s4+$0xFFFFFFEE]  }
0x3cd: {  	s16 =	sand.u32 $0xF, s3;
	v7 =	vld [tilespmem:s4+$0xFFFFFFEF]  }
0x3ce: {  	vm3 =	vmmov vm0;
	p0 =	seq.s32 s16, $0x0  }
0x3cf: {  	s3 =	sand.u32 $0x3FE0, s3;
	v8 =	vld [tilespmem:s4+$0xFFFFFFF0];
	vm3 =	vmneg @p0 vm3  }
0x3d0: {  	v9 =	vld [tilespmem:s3+$0x4210];
	vm3 =	vmand vm3, vm1  }
0x3d1: {  	v6 =	vsel vm3, $0x80000, v6  }
0x3d2: {  	vm3 =	vlt.s32 v6, v7  }
0x3d3: {  	v6 =	vsel vm3, v6, v7  }
0x3d4: {  	vm3 =	vlt.s32 v6, v8  }
0x3d5: {  	v6 =	vsel vm3, v6, v8;
	vm3 =	vlt.s32 v9, $0x80000  }
0x3d6: {  	v6 =	vnsel vm3, $0x80000, v6  }
0x3d7: {  	vm3 =	vgt.s32 v6, $0x3FFFF;
	v7 =	vadd.s32 $0xFFFC0000, v6  }
0x3d8: {  	v6 =	vsel vm3, v7, v6  }
0x3d9: {  	vm3 =	vlt.s32 v6, $0x3FFFF  }
0x3da: {  	s16 =	simm.s32 $0xC820;
	v6 =	vnsel vm3, $0x3FFFF, v6  }
0x3db: {  	[tilespmem:s16+$0xFFFFFFF0] =	vst v6  }
0x3dc: {  	v6 =	vld [tilespmem:s4+$0xFFFFFFFF]  }
0x3dd: {  	v7 =	vld [tilespmem:s4+$0xFFFFFFFE]  }
0x3de: {  	s30 =	simm.s32 $0x10;
	v8 =	vld [tilespmem:s4+$0x0]  }
0x3df: {  	s17 =	simm.s32 $0x4220;
	s3 =	sand.u32 $0x1F0, s30  }
0x3e0: {  	p0 =	seq.s32 s3, $0x1F0;
	vm3 =	vmmov vm0;
	v63 =	vld [tilespmem:s17+$0x0]  }
0x3e1: {  	vm3 =	vmneg @p0 vm3  }
0x3e2: {  	vm3 =	vmand vm3, vm2;
	vm4 =	vlt.s32 v7, v6  }
0x3e3: {  	v8 =	vsel vm3, $0x80000, v8;
	v6 =	vsel vm4, v7, v6  }
0x3e4: {  	vm3 =	vlt.s32 v6, v8  }
0x3e5: {  	vm15 =	vlt.s32 v63, $0x80000;
	v6 =	vsel vm3, v6, v8  }
0x3e6: {  	v6 =	vnsel vm15, $0x80000, v6  }
0x3e7: {  	vm3 =	vgt.s32 v6, $0x3FFFF;
	v7 =	vadd.s32 $0xFFFC0000, v6  }
0x3e8: {  	s29 =	simm.s32 $0x20;
	s19 =	simm.s32 $0xC820;
	s18 =	simm.s32 $0x1;
	v6 =	vsel vm3, v7, v6  }
.LBB2_51:
0x3e9: {  	vm3 =	vlt.s32 v6, $0x3FFFF;
	s17 =	sadd.s32 $0x20, s17;
	s4 =	sadd.s32 $0x20, s4;
	s16 =	sadd.s32 $0x20, s16  }
0x3ea: {  	p3 =	sne.s32 s18, $0x1FF;
	s3 =	smov.u32 s18;
	s18 =	sadd.s32 $0x1, s18;
	v6 =	vnsel vm3, $0x3FFFF, v6  }
0x3eb: {  	[tilespmem:s19+$0x0] =	vst v6;
	s19 =	smov.u32 s16  }
0x3ec: {  	v6 =	vld [tilespmem:s4+$0xFFFFFFEE]  }
0x3ed: {  	s3 =	sand.u32 $0xF, s3;
	v7 =	vld [tilespmem:s4+$0xFFFFFFEF]  }
0x3ee: {  	vm3 =	vmmov vm0;
	p0 =	seq.s32 s3, $0x0  }
0x3ef: {  	s3 =	sand.u32 $0x3FE0, s29;
	vm3 =	vmneg @p0 vm3;
	v8 =	vld [tilespmem:s4+$0xFFFFFFF0]  }
0x3f0: {  	vm3 =	vmand vm3, vm1;
	v9 =	vld [tilespmem:s3+$0x4210]  }
0x3f1: {  	v6 =	vsel vm3, $0x80000, v6  }
0x3f2: {  	vm3 =	vlt.s32 v6, v7  }
0x3f3: {  	v6 =	vsel vm3, v6, v7  }
0x3f4: {  	vm3 =	vlt.s32 v6, v8  }
0x3f5: {  	v6 =	vsel vm3, v6, v8;
	vm3 =	vlt.s32 v9, $0x80000  }
0x3f6: {  	v6 =	vnsel vm3, $0x80000, v6  }
0x3f7: {  	vm3 =	vgt.s32 v6, $0x3FFFF;
	v7 =	vadd.s32 $0xFFFC0000, v6  }
0x3f8: {  	v6 =	vsel vm3, v7, v6  }
0x3f9: {  	vm3 =	vlt.s32 v6, $0x3FFFF  }
0x3fa: {  	v6 =	vnsel vm3, $0x3FFFF, v6  }
0x3fb: {  	[tilespmem:s16+$0xFFFFFFF0] =	vst v6  }
0x3fc: {  	v6 =	vld [tilespmem:s4+$0x0]  }
0x3fd: {  	v7 =	vld [tilespmem:s4+$0xFFFFFFFF]  }
0x3fe: {  	s3 =	sadd.s32 $0x10, s29;
	v8 =	vld [tilespmem:s4+$0xFFFFFFFE]  }
0x3ff: {  	s3 =	sand.u32 $0x1F0, s3  }
0x400: {  	p0 =	seq.s32 s3, $0x1F0;
	vm3 =	vmmov vm0;
	v9 =	vld [tilespmem:s17+$0x0]  }
0x401: {  	vm3 =	vmneg @p0 vm3  }
0x402: {  	vm3 =	vmand vm3, vm2  }
0x403: {  	v6 =	vsel vm3, $0x80000, v6;
	vm3 =	vlt.s32 v8, v7  }
0x404: {  	v7 =	vsel vm3, v8, v7  }
.Ltmp27:
0x405: {  	vm3 =	vlt.s32 v7, v6;
	vm4 =	vlt.s32 v9, $0x80000;
	(pc) =	sbr.rel @p3 .LBB2_51-.Ltmp27, $4  }
0x406: {  	v6 =	vsel vm3, v7, v6  }
0x407: {  	v6 =	vnsel vm4, $0x80000, v6  }
0x408: {  	vm3 =	vgt.s32 v6, $0x3FFFF;
	v7 =	vadd.s32 $0xFFFC0000, v6  }
0x409: {  	s29 =	sadd.s32 $0x20, s29;
	v6 =	vsel vm3, v7, v6  }
0x40a: {  	vm3 =	vlt.s32 v6, $0x3FFFF  }
0x40b: {  	v6 =	vnsel vm3, $0x3FFFF, v6  }
0x40c: {  	s4 =	simm.s32 $0x200;
	s16 =	simm.s32 $0x10810;
	s17 =	simm.s32 $0xC810;
	[tilespmem:s19+$0x0] =	vst v6  }
.LBB2_53:
0x40d: {  	[tilespmem:s16], [sflag:$0x1] =	stream.indirect.gather [spmem:s1], $0x1, s17, s22, $0xb8;
	[tilespmem:$0x1C990] =	vst v63  }
0x40e: {  	s3 =	smov.u32 s4;
	p0 =	sne.s32 s4, $0xFE00  }
.Ltmp28:
0x40f: {  	s4 =	sadd.s32 $0x200, s4;
	(pc) =	sbr.rel @p0 .LBB2_53-.Ltmp28, $3  }
0x410: {  	_ =	sdelay $0x1  }
0x411: {  	s3 =	sshra.s32 s3, $0x2  }
0x412: {  	s16 =	sadd.s32 $0x10810, s3;
	s17 =	sadd.s32 $0xC810, s3  }
0x413: {  	[tilespmem:s16], [sflag:$0x1] =	stream.indirect.gather [spmem:s1], $0x1, s17, s22, $0xb8;
	[tilespmem:$0x1C990] =	vst v63  }
0x414: {  	_ =	swait.ge [sflag:s23], $0x4000  }
0x415: {  	s3 =	simm.s32 $0x0;
	[sflag:s23] =	ssyncset.done $0x0  }
0x416: {  	s3 =	sand.u32 $0x3FE0, s3;
	[sflag:s23] =	ssyncadd.s32 $0xFFFFC000  }
0x417: {  	v6 =	vld [tilespmem:s3+$0x4210]  }
0x418: {  	s17 =	simm.s32 $0x10820  }
0x419: {  	v7 =	vld [tilespmem:s17+$0xFFFFFFF0];
	_ =	sdelay $0x2  }
0x41a: {  	vm3 =	vgt.s32 v6, $0x3FFFF;
	v8 =	vadd.s32 $0xFFFC0000, v6  }
0x41b: {  	vm4 =	vlt.s32 v6, $0x80000;
	v8 =	vsel vm3, v8, v6  }
0x41c: {  	v6 =	vsel vm4, v7, v6;
	vm3 =	vlt.s32 v8, $0x3FFFF  }
0x41d: {  	s18 =	simm.s32 $0x14820;
	v7 =	vnsel vm4, $0x80000, v7;
	[tilespmem:s17+$0xFFFFFFF0] =	vst v6;
	v6 =	vnsel vm3, $0x3FFFF, v8  }
0x41e: {  	s19 =	simm.s32 $0xC820;
	[tilespmem:s18+$0xFFFFFFF0] =	vst v7;
	v6 =	vadd.s32 v0, v6  }
0x41f: {  	s4 =	simm.s32 $0x4220;
	[tilespmem:s19+$0xFFFFFFF0] =	vst v6  }
0x420: {  	v6 =	vld [tilespmem:s4+$0x0];
	_ =	sdelay $0x1  }
0x421: {  	v7 =	vld [tilespmem:s17+$0x0];
	_ =	sdelay $0x2  }
0x422: {  	vm3 =	vgt.s32 v6, $0x3FFFF;
	v8 =	vadd.s32 $0xFFFC0000, v6  }
0x423: {  	vm15 =	vlt.s32 v6, $0x80000;
	v8 =	vsel vm3, v8, v6  }
0x424: {  	v6 =	vsel vm15, v7, v6;
	vm3 =	vlt.s32 v8, $0x3FFFF  }
0x425: {  	s29 =	simm.s32 $0x20;
	s30 =	simm.s32 $0x40;
	v7 =	vnsel vm15, $0x80000, v7;
	[tilespmem:s17+$0x0] =	vst v6;
	v6 =	vnsel vm3, $0x3FFFF, v8  }
0x426: {  	s16 =	simm.s32 $0xC840;
	s17 =	simm.s32 $0x14840;
	[tilespmem:s18+$0x0] =	vst v7;
	s18 =	simm.s32 $0x10840;
	v6 =	vadd.s32 v0, v6  }
.LBB2_55:
0x427: {  	s3 =	sand.u32 $0x3FE0, s29;
	s4 =	sadd.s32 $0x20, s4  }
0x428: {  	[tilespmem:s19+$0x0] =	vst v6;
	s29 =	smov.u32 s30;
	s9 =	sadd.s32 $0x20, s30;
	s19 =	smov.u32 s16  }
0x429: {  	p0 =	sne.s32 s30, $0x3FE0;
	v6 =	vld [tilespmem:s3+$0x4210]  }
0x42a: {  	v7 =	vld [tilespmem:s18+$0xFFFFFFF0];
	_ =	sdelay $0x3  }
0x42b: {  	vm3 =	vlt.s32 v6, $0x80000;
	vm4 =	vgt.s32 v6, $0x3FFFF;
	v8 =	vadd.s32 $0xFFFC0000, v6  }
0x42c: {  	v9 =	vsel vm3, v7, v6;
	v7 =	vnsel vm3, $0x80000, v7;
	v6 =	vsel vm4, v8, v6  }
0x42d: {  	vm3 =	vlt.s32 v6, $0x3FFFF  }
0x42e: {  	[tilespmem:s18+$0xFFFFFFF0] =	vst v9;
	v6 =	vnsel vm3, $0x3FFFF, v6  }
0x42f: {  	[tilespmem:s17+$0xFFFFFFF0] =	vst v7;
	v6 =	vadd.s32 v0, v6  }
0x430: {  	[tilespmem:s16+$0xFFFFFFF0] =	vst v6  }
0x431: {  	v6 =	vld [tilespmem:s4+$0x0]  }
0x432: {  	v7 =	vld [tilespmem:s18+$0x0];
	_ =	sdelay $0x3  }
.Ltmp29:
0x433: {  	vm3 =	vlt.s32 v6, $0x80000;
	vm4 =	vgt.s32 v6, $0x3FFFF;
	v8 =	vadd.s32 $0xFFFC0000, v6;
	(pc) =	sbr.rel @p0 .LBB2_55-.Ltmp29, $4  }
0x434: {  	v9 =	vsel vm3, v7, v6;
	v7 =	vnsel vm3, $0x80000, v7;
	v6 =	vsel vm4, v8, v6  }
0x435: {  	[tilespmem:s18+$0x0] =	vst v9;
	vm3 =	vlt.s32 v6, $0x3FFFF  }
0x436: {  	s30 =	smov.u32 s9;
	[tilespmem:s17+$0x0] =	vst v7;
	v6 =	vnsel vm3, $0x3FFFF, v6  }
0x437: {  	s16 =	sadd.s32 $0x20, s16;
	s18 =	sadd.s32 $0x20, s18;
	s17 =	sadd.s32 $0x20, s17;
	v6 =	vadd.s32 v0, v6  }
0x438: {  	s3 =	sand.u32 $0x3FE0, s29;
	[tilespmem:s19+$0x0] =	vst v6  }
0x439: {  	v6 =	vld [tilespmem:s3+$0x4210];
	_ =	sdelay $0x1  }
0x43a: {  	v7 =	vld [tilespmem:s18+$0xFFFFFFF0];
	_ =	sdelay $0x2  }
0x43b: {  	vm3 =	vgt.s32 v6, $0x3FFFF;
	v8 =	vadd.s32 $0xFFFC0000, v6  }
0x43c: {  	vm4 =	vlt.s32 v6, $0x80000;
	v8 =	vsel vm3, v8, v6  }
0x43d: {  	v6 =	vsel vm4, v7, v6;
	vm3 =	vlt.s32 v8, $0x3FFFF  }
0x43e: {  	v7 =	vnsel vm4, $0x80000, v7;
	[tilespmem:s18+$0xFFFFFFF0] =	vst v6;
	v6 =	vnsel vm3, $0x3FFFF, v8  }
0x43f: {  	[tilespmem:s17+$0xFFFFFFF0] =	vst v7;
	v6 =	vadd.s32 v0, v6  }
0x440: {  	s29 =	sadd.s32 $0x20, s4;
	[tilespmem:s16+$0xFFFFFFF0] =	vst v6  }
0x441: {  	v6 =	vld [tilespmem:s29+$0x0];
	_ =	sdelay $0x1  }
0x442: {  	v7 =	vld [tilespmem:s18+$0x0];
	_ =	sdelay $0x2  }
0x443: {  	vm3 =	vgt.s32 v6, $0x3FFFF;
	v63 =	vadd.s32 $0xFFFC0000, v6  }
0x444: {  	vm15 =	vlt.s32 v6, $0x80000;
	v8 =	vsel vm3, v63, v6  }
0x445: {  	v6 =	vsel vm15, v7, v6;
	vm3 =	vlt.s32 v8, $0x3FFFF  }
0x446: {  	v7 =	vnsel vm15, $0x80000, v7;
	[tilespmem:s18+$0x0] =	vst v6;
	v6 =	vnsel vm3, $0x3FFFF, v8  }
0x447: {  	[tilespmem:s17+$0x0] =	vst v7;
	v6 =	vadd.s32 v0, v6  }
0x448: {  	s30 =	simm.s32 $0x0;
	[tilespmem:s16+$0x0] =	vst v6  }
0x449: {  	[hbm4b:s11+s30] =	stream.linear.scatter [tilespmem:s20], [sflag:$0x2], $0x4000, $0x38;
	[tilespmem:$0x1C990] =	vst v63  }
0x44a: {  	_ =	swait.ge [sflag:s21], $0x4000  }
0x44b: {  	[sflag:s21] =	ssyncset.done $0x0  }
0x44c: {  	s4 =	simm.s32 $0x4;
	s16 =	simm.s32 $0x0;
	[sflag:s21] =	ssyncadd.s32 $0xFFFFC000  }
.LBB2_57:
0x44d: {  	p0 =	sne.s32 s4, $0x1FC  }
0x44e: {  	[smem:s16] =	sst s23;
	s3 =	smov.u32 s4;
	s4 =	sadd.s32 $0x4, s4  }
.Ltmp30:
0x44f: {  	(pc) =	sbr.rel @p0 .LBB2_57-.Ltmp30, $2  }
0x450: {  	_ =	sdelay $0x2  }
0x451: {  	s16 =	sshra.s32 s3, $0x2  }
.Ltmp31:
0x452: {  	(pc) =	sbr.rel .LBB2_59-.Ltmp31, $4  }
0x453: {  	_ = 	snop  }
0x454: {  	[smem:s16] =	sst s23  }
0x455: {  	[bflag:$0x0] =	sbarrier.arrive $0xFFFF  }
0x456: {  	s4 =	simm.s32 $0x0  }
.LBB2_65:
0x457: {  	v6 =	vmov s18  }
0x458: {  	[tilespmem:$0x1C810] =	vst v6  }
0x459: {  	[spmem:s12] =	stream.linear.scatter [tilespmem:s24], [sflag:$0x2], $0x10, $0x38;
	[tilespmem:$0x1C990] =	vst v63  }
0x45a: {  	_ =	swait.ge [sflag:s21], $0x10  }
0x45b: {  	[sflag:s21] =	ssyncset.done $0x0  }
0x45c: {  	[sflag:s21] =	ssyncadd.s32 $0xFFFFFFF0  }
0x45d: {  	[bflag:$0x0] =	sbarrier.arrive $0xFFFF  }
0x45e: {  	[tilespmem:s25], [sflag:$0x2] =	stream.linear.gather [spmem:s2], $0x100, $0x38;
	[tilespmem:$0x1C990] =	vst v63  }
0x45f: {  	_ =	swait.ge [sflag:s21], $0x100  }
0x460: {  	[sflag:s21] =	ssyncset.done $0x0  }
0x461: {  	[sflag:s21] =	ssyncadd.s32 $0xFFFFFF00  }
0x462: {  	v6 =	vld [tilespmem:$0x1C890]  }
0x463: {  	v7 =	vld [tilespmem:$0x1C8A0];
	_ =	sdelay $0x1  }
0x464: {  	v8 =	vld [tilespmem:$0x1C8B0];
	_ =	sdelay $0x1  }
0x465: {  	v9 =	vld [tilespmem:$0x1C8C0]  }
0x466: {  	vm3 =	vgt.s32 v6, v7  }
0x467: {  	v6 =	vsel vm3, v6, v7;
	v7 =	vld [tilespmem:$0x1C8D0]  }
0x468: {  	vm3 =	vgt.s32 v6, v8  }
0x469: {  	v56 =	vld [tilespmem:$0x1C8E0];
	v6 =	vsel vm3, v6, v8  }
0x46a: {  	vm3 =	vgt.s32 v6, v9  }
0x46b: {  	v57 =	vld [tilespmem:$0x1C8F0];
	v6 =	vsel vm3, v6, v9  }
0x46c: {  	vm3 =	vgt.s32 v6, v7  }
0x46d: {  	v6 =	vsel vm3, v6, v7;
	v7 =	vld [tilespmem:$0x1C900]  }
0x46e: {  	vm3 =	vgt.s32 v6, v56  }
0x46f: {  	v58 =	vld [tilespmem:$0x1C910];
	v6 =	vsel vm3, v6, v56  }
0x470: {  	vm3 =	vgt.s32 v6, v57  }
0x471: {  	v59 =	vld [tilespmem:$0x1C920];
	v6 =	vsel vm3, v6, v57  }
0x472: {  	vm3 =	vgt.s32 v6, v7  }
0x473: {  	v6 =	vsel vm3, v6, v7;
	v7 =	vld [tilespmem:$0x1C930]  }
0x474: {  	vm3 =	vgt.s32 v6, v58  }
0x475: {  	v60 =	vld [tilespmem:$0x1C940];
	v6 =	vsel vm3, v6, v58  }
0x476: {  	vm3 =	vgt.s32 v6, v59  }
0x477: {  	v61 =	vld [tilespmem:$0x1C950];
	v6 =	vsel vm3, v6, v59  }
0x478: {  	vm3 =	vgt.s32 v6, v7  }
0x479: {  	v6 =	vsel vm3, v6, v7;
	v7 =	vld [tilespmem:$0x1C960]  }
0x47a: {  	vm3 =	vgt.s32 v6, v60  }
0x47b: {  	v62 =	vld [tilespmem:$0x1C970];
	v6 =	vsel vm3, v6, v60  }
0x47c: {  	vm3 =	vgt.s32 v6, v61  }
0x47d: {  	v63 =	vld [tilespmem:$0x1C980];
	v6 =	vsel vm3, v6, v61  }
0x47e: {  	vm3 =	vgt.s32 v6, v7  }
0x47f: {  	v6 =	vsel vm3, v6, v7  }
0x480: {  	vm3 =	vgt.s32 v6, v62  }
0x481: {  	v6 =	vsel vm3, v6, v62  }
0x482: {  	vm3 =	vgt.s32 v6, v63  }
0x483: {  	v6 =	vsel vm3, v6, v63  }
0x484: {  	[bflag:$0x0] =	sbarrier.arrive $0xFFFF;
	v6 =	vxor.u32 $0x80000000, v6  }
0x485: {  	(xrf0) =	vmax.scan.msk.u32 $0xffff, v6;
	_ =	sdelay $0x5  }
0x486: {  	v6, _, _ =	vpop (xrf0)  }
0x487: {  	(v2sf) =	vpush v6, $0xF;
	_ =	sdelay $0xe  }
0x488: {  	s3 =	spop (v2sf)  }
0x489: {  	p0 =	slt.u32 s3, $0x80000001  }
0x48a: {  	p1 =	slt.u32 @!p0 s4, $0x63  }
0x48b: {  	p0 =	por p0, !p1  }
.Ltmp32:
0x48c: {  	_ = 	snop;
	(pc) =	sbr.rel @p0 .LBB2_66-.Ltmp32, $2  }
0x48d: {  	_ =	sdelay $0x2  }
0x48e: {  	s4 =	sadd.s32 $0x1, s4  }
.LBB2_59:
0x48f: {  	s3 =	sld [smem:$0x0];
	_ =	sdelay $0x1  }
0x490: {  	s16 =	simm.s32 $0x200;
	s17 =	simm.s32 $0x400  }
0x491: {  	s19 =	simm.s32 $0x2;
	s18 =	sld [smem:$0x1];
	p0 =	slt.s32 s3, $0x1  }
0x492: {  	s29 =	simm.s32 @!p0 $0x18810;
	s30 =	simm.s32 @!p0 $0xC810;
	s3 =	simm.s32 @!p0 $0x80  }
.LBB2_60:
0x493: {  	[tilespmem:s29], [sflag:$0x1] =	stream.indirect.gather @!p0 [hbm4b:s5+s3], $0x1, s30, s3, $0xb8;
	[tilespmem:$0x1C990] =	vst v63  }
0x494: {  	s9 =	smov.u32 s16;
	s16 =	smov.u32 s17;
	s17 =	sadd.s32 $0x200, s17  }
0x495: {  	s3 =	smov.u32 s18;
	p1 =	sne.s32 s17, $0x10000  }
.Ltmp33:
0x496: {  	s18 =	sld [smem:s19+$0x0];
	(pc) =	sbr.rel @p1 .LBB2_60-.Ltmp33, $4  }
0x497: {  	_ = 	snop  }
0x498: {  	p0 =	slt.s32 s3, $0x1  }
0x499: {  	s19 =	sadd.s32 $0x1, s19;
	s3 =	sshra.s32 @!p0 s9, $0x2  }
0x49a: {  	s29 =	sadd.s32 @!p0 $0x18810, s3;
	s30 =	sadd.s32 @!p0 $0xC810, s3;
	s3 =	simm.s32 @!p0 $0x80  }
0x49b: {  	[tilespmem:s29], [sflag:$0x1] =	stream.indirect.gather @!p0 [hbm4b:s5+s3], $0x1, s30, s3, $0xb8;
	[tilespmem:$0x1C990] =	vst v63  }
.Ltmp34:
0x49c: {  	p0 =	slt.s32 s18, $0x1;
	(pc) =	sbr.rel .LBB2_62-.Ltmp34, $4  }
0x49d: {  	s17 =	simm.s32 $0x0;
	s3 =	sshra.s32 @!p0 s16, $0x2  }
0x49e: {  	s16 =	simm.s32 @!p0 $0x80;
	s9 =	sadd.s32 @!p0 $0x18810, s3;
	s3 =	sadd.s32 @!p0 $0xC810, s3  }
0x49f: {  	[tilespmem:s9], [sflag:$0x1] =	stream.indirect.gather @!p0 [hbm4b:s5+s16], $0x1, s3, s16, $0xb8;
	[tilespmem:$0x1C990] =	vst v63  }
0x4a0: {  	s19 =	simm.s32 $0x0;
	s18 =	simm.s32 $0x0;
	s16 =	simm.s32 $0x0  }
.LBB2_64:
0x4a1: {  	s19 =	sadd.s32 $0x200, s19  }
0x4a2: {  	p0 =	sne.s32 s19, $0x10000  }
.Ltmp35:
0x4a3: {  	_ = 	snop;
	(pc) =	sbr.rel @!p0 .LBB2_65-.Ltmp35, $2  }
0x4a4: {  	_ =	sdelay $0x2  }
0x4a5: {  	s18 =	sadd.s32 s18, s29;
	s17 =	sadd.s32 $0x1, s17  }
.LBB2_62:
0x4a6: {  	s3 =	sld [smem:s17+$0x0];
	_ =	sdelay $0x2  }
0x4a7: {  	p0 =	slt.s32 s3, $0x1  }
.Ltmp36:
0x4a8: {  	_ = 	snop;
	(pc) =	sbr.rel @p0 .LBB2_64-.Ltmp36, $2  }
0x4a9: {  	_ =	sdelay $0x2  }
0x4aa: {  	[smem:s17] =	sst s16;
	s29 =	simm.s32 $0x0  }
0x4ab: {  	_ =	swait.ge [sflag:s23], $0x80  }
0x4ac: {  	[sflag:s23] =	ssyncset.done $0x0  }
0x4ad: {  	s29 =	sshra.s32 s19, $0x2;
	[sflag:s23] =	ssyncadd.s32 $0xFFFFFF80  }
0x4ae: {  	v6 =	vld [tilespmem:s29+$0x14810]  }
0x4af: {  	v7 =	vld [tilespmem:s29+$0x18810];
	_ =	sdelay $0x4  }
0x4b0: {  	vm3 =	vlt.s32 v6, v7  }
0x4b1: {  	v8 =	vsel vm3, $0x3F800000, v3  }
0x4b2: {  	(xrf0) =	vmax.scan.msk.f32 $0xffff, v8;
	_ =	sdelay $0x5  }
0x4b3: {  	v8, _, _ =	vpop (xrf0)  }
0x4b4: {  	(v2sf) =	vpush v8, $0xF;
	_ =	sdelay $0xe  }
0x4b5: {  	s3 =	spop (v2sf)  }
0x4b6: {  	p0 =	sgt.f32 s3, $0.0e+00;
	_ =	sdelay $0x1  }
0x4b7: {  	s3 =	simm.s32 @!p0 $0x0  }
0x4b8: {  	s3 =	simm.s32 @p0 $0x1  }
0x4b9: {  	[smem:$0x7F5] =	sst s3;
	s3 =	sshra.s32 @p0 s19, $0x2  }
0x4ba: {  	v8 =	vld @p0 [tilespmem:s3+$0xC810];
	_ =	sdelay $0x3  }
0x4bb: {  	vm3 =	vlt.s32 @p0 v6, v7  }
0x4bc: {  	v6 =	vsel @p0 vm3, v8, v2;
	_ =	sdelay $0x3  }
0x4bd: {  	s9 =	simm.s32 @p0 $0x0;
	s3 =	sadd.s32 $0x14810, s29;
	vm3 =	vmmov @p0 $0xffff  }
0x4be: {  	[hbm4b:s5+s9] =	stream.indirect_vreg.scatter @p0 [tilespmem:s3], [sflag:$0x2], $0x1, v6, vm3, $0xb8;
	[tilespmem:$0x1C990] =	vst v63  }
0x4bf: {  	s3 =	simm.s32 @p0 $0x2  }
0x4c0: {  	_ =	swait.ge @p0 [sflag:s3], $0x10  }
0x4c1: {  	[sflag:s3] =	ssyncset.done @p0 $0x0  }
0x4c2: {  	[sflag:s3] =	ssyncadd.s32 @p0 $0xFFFFFFF0  }
0x4c3: {  	v6 =	vld [tilespmem:s29+$0x14820]  }
0x4c4: {  	v7 =	vld [tilespmem:s29+$0x18820];
	_ =	sdelay $0x4  }
0x4c5: {  	vm3 =	vlt.s32 v6, v7  }
0x4c6: {  	v57 =	vsel vm3, $0x3F800000, v3  }
0x4c7: {  	(xrf0) =	vmax.scan.msk.f32 $0xffff, v57;
	_ =	sdelay $0x5  }
0x4c8: {  	v8, _, _ =	vpop (xrf0)  }
0x4c9: {  	(v2sf) =	vpush v8, $0xF;
	_ =	sdelay $0xe  }
0x4ca: {  	s9 =	spop (v2sf)  }
0x4cb: {  	p0 =	sgt.f32 s9, $0.0e+00;
	_ =	sdelay $0x1  }
0x4cc: {  	s3 =	simm.s32 @!p0 $0x0  }
0x4cd: {  	s3 =	simm.s32 @p0 $0x1  }
0x4ce: {  	[smem:$0x7F6] =	sst s3;
	s3 =	sshra.s32 @p0 s19, $0x2  }
0x4cf: {  	v8 =	vld @p0 [tilespmem:s3+$0xC820];
	_ =	sdelay $0x3  }
0x4d0: {  	vm3 =	vlt.s32 @p0 v6, v7  }
0x4d1: {  	v6 =	vsel @p0 vm3, v8, v2;
	_ =	sdelay $0x3  }
0x4d2: {  	s9 =	simm.s32 @p0 $0x0;
	s3 =	sadd.s32 @p0 $0x14820, s3;
	vm3 =	vmmov @p0 $0xffff  }
0x4d3: {  	[hbm4b:s5+s9] =	stream.indirect_vreg.scatter @p0 [tilespmem:s3], [sflag:$0x2], $0x1, v6, vm3, $0xb8;
	[tilespmem:$0x1C990] =	vst v63  }
0x4d4: {  	s3 =	simm.s32 @p0 $0x2  }
0x4d5: {  	_ =	swait.ge @p0 [sflag:s3], $0x10  }
0x4d6: {  	[sflag:s3] =	ssyncset.done @p0 $0x0  }
0x4d7: {  	[sflag:s3] =	ssyncadd.s32 @p0 $0xFFFFFFF0  }
0x4d8: {  	v6 =	vld [tilespmem:s29+$0x14830]  }
0x4d9: {  	v7 =	vld [tilespmem:s29+$0x18830];
	_ =	sdelay $0x4  }
0x4da: {  	vm3 =	vlt.s32 v6, v7  }
0x4db: {  	v58 =	vsel vm3, $0x3F800000, v3  }
0x4dc: {  	(xrf0) =	vmax.scan.msk.f32 $0xffff, v58;
	_ =	sdelay $0x5  }
0x4dd: {  	v8, _, _ =	vpop (xrf0)  }
0x4de: {  	(v2sf) =	vpush v8, $0xF;
	_ =	sdelay $0xe  }
0x4df: {  	s30 =	spop (v2sf)  }
0x4e0: {  	p0 =	sgt.f32 s30, $0.0e+00;
	_ =	sdelay $0x1  }
0x4e1: {  	s3 =	simm.s32 @!p0 $0x0  }
0x4e2: {  	s3 =	simm.s32 @p0 $0x1  }
0x4e3: {  	[smem:$0x7F7] =	sst s3;
	s3 =	sshra.s32 @p0 s19, $0x2  }
0x4e4: {  	v8 =	vld @p0 [tilespmem:s3+$0xC830];
	_ =	sdelay $0x3  }
0x4e5: {  	vm3 =	vlt.s32 @p0 v6, v7  }
0x4e6: {  	v6 =	vsel @p0 vm3, v8, v2;
	_ =	sdelay $0x3  }
0x4e7: {  	s9 =	simm.s32 @p0 $0x0;
	s3 =	sadd.s32 @p0 $0x14830, s3;
	vm3 =	vmmov @p0 $0xffff  }
0x4e8: {  	[hbm4b:s5+s9] =	stream.indirect_vreg.scatter @p0 [tilespmem:s3], [sflag:$0x2], $0x1, v6, vm3, $0xb8;
	[tilespmem:$0x1C990] =	vst v63  }
0x4e9: {  	s3 =	simm.s32 @p0 $0x2  }
0x4ea: {  	_ =	swait.ge @p0 [sflag:s3], $0x10  }
0x4eb: {  	[sflag:s3] =	ssyncset.done @p0 $0x0  }
0x4ec: {  	[sflag:s3] =	ssyncadd.s32 @p0 $0xFFFFFFF0  }
0x4ed: {  	v6 =	vld [tilespmem:s29+$0x14840]  }
0x4ee: {  	v7 =	vld [tilespmem:s29+$0x18840];
	_ =	sdelay $0x4  }
0x4ef: {  	vm3 =	vlt.s32 v6, v7  }
0x4f0: {  	v59 =	vsel vm3, $0x3F800000, v3  }
0x4f1: {  	(xrf0) =	vmax.scan.msk.f32 $0xffff, v59;
	_ =	sdelay $0x5  }
0x4f2: {  	v8, _, _ =	vpop (xrf0)  }
0x4f3: {  	(v2sf) =	vpush v8, $0xF;
	_ =	sdelay $0xe  }
0x4f4: {  	s9 =	spop (v2sf)  }
0x4f5: {  	p6 =	sgt.f32 s9, $0.0e+00;
	_ =	sdelay $0x1  }
0x4f6: {  	s3 =	sshra.s32 @p6 s19, $0x2  }
0x4f7: {  	v8 =	vld @p6 [tilespmem:s3+$0xC840];
	_ =	sdelay $0x3  }
0x4f8: {  	vm3 =	vlt.s32 @p6 v6, v7  }
0x4f9: {  	v6 =	vsel @p6 vm3, v8, v2;
	_ =	sdelay $0x3  }
0x4fa: {  	s9 =	simm.s32 @p6 $0x0;
	s3 =	sadd.s32 @p6 $0x14840, s3;
	vm3 =	vmmov @p6 $0xffff  }
0x4fb: {  	[hbm4b:s5+s9] =	stream.indirect_vreg.scatter @p6 [tilespmem:s3], [sflag:$0x2], $0x1, v6, vm3, $0xb8;
	[tilespmem:$0x1C990] =	vst v63  }
0x4fc: {  	s3 =	simm.s32 @p6 $0x2  }
0x4fd: {  	_ =	swait.ge @p6 [sflag:s3], $0x10  }
0x4fe: {  	[sflag:s3] =	ssyncset.done @p6 $0x0  }
0x4ff: {  	[sflag:s3] =	ssyncadd.s32 @p6 $0xFFFFFFF0  }
0x500: {  	v6 =	vld [tilespmem:s29+$0x14850]  }
0x501: {  	v7 =	vld [tilespmem:s29+$0x18850];
	_ =	sdelay $0x4  }
0x502: {  	vm3 =	vlt.s32 v6, v7  }
0x503: {  	v60 =	vsel vm3, $0x3F800000, v3  }
0x504: {  	(xrf0) =	vmax.scan.msk.f32 $0xffff, v60;
	_ =	sdelay $0x5  }
0x505: {  	v8, _, _ =	vpop (xrf0)  }
0x506: {  	(v2sf) =	vpush v8, $0xF;
	_ =	sdelay $0xe  }
0x507: {  	s30 =	spop (v2sf)  }
0x508: {  	p3 =	sgt.f32 s30, $0.0e+00;
	_ =	sdelay $0x1  }
0x509: {  	s3 =	sshra.s32 @p3 s19, $0x2  }
0x50a: {  	v8 =	vld @p3 [tilespmem:s3+$0xC850];
	_ =	sdelay $0x3  }
0x50b: {  	vm3 =	vlt.s32 @p3 v6, v7  }
0x50c: {  	v6 =	vsel @p3 vm3, v8, v2;
	_ =	sdelay $0x3  }
0x50d: {  	s9 =	simm.s32 @p3 $0x0;
	s3 =	sadd.s32 @p3 $0x14850, s3;
	vm3 =	vmmov @p3 $0xffff  }
0x50e: {  	[hbm4b:s5+s9] =	stream.indirect_vreg.scatter @p3 [tilespmem:s3], [sflag:$0x2], $0x1, v6, vm3, $0xb8;
	[tilespmem:$0x1C990] =	vst v63  }
0x50f: {  	s3 =	simm.s32 @p3 $0x2  }
0x510: {  	_ =	swait.ge @p3 [sflag:s3], $0x10  }
0x511: {  	[sflag:s3] =	ssyncset.done @p3 $0x0  }
0x512: {  	[sflag:s3] =	ssyncadd.s32 @p3 $0xFFFFFFF0  }
0x513: {  	v6 =	vld [tilespmem:s29+$0x14860]  }
0x514: {  	v7 =	vld [tilespmem:s29+$0x18860];
	_ =	sdelay $0x4  }
0x515: {  	vm3 =	vlt.s32 v6, v7  }
0x516: {  	v61 =	vsel vm3, $0x3F800000, v3  }
0x517: {  	(xrf0) =	vmax.scan.msk.f32 $0xffff, v61;
	_ =	sdelay $0x5  }
0x518: {  	v8, _, _ =	vpop (xrf0)  }
0x519: {  	(v2sf) =	vpush v8, $0xF;
	_ =	sdelay $0xe  }
0x51a: {  	s9 =	spop (v2sf)  }
0x51b: {  	p1 =	sgt.f32 s9, $0.0e+00;
	_ =	sdelay $0x1  }
0x51c: {  	s3 =	sshra.s32 @p1 s19, $0x2  }
0x51d: {  	v8 =	vld @p1 [tilespmem:s3+$0xC860];
	_ =	sdelay $0x3  }
0x51e: {  	vm3 =	vlt.s32 @p1 v6, v7  }
0x51f: {  	v6 =	vsel @p1 vm3, v8, v2;
	_ =	sdelay $0x3  }
0x520: {  	s9 =	simm.s32 @p1 $0x0;
	s3 =	sadd.s32 @p1 $0x14860, s3;
	vm3 =	vmmov @p1 $0xffff  }
0x521: {  	[hbm4b:s5+s9] =	stream.indirect_vreg.scatter @p1 [tilespmem:s3], [sflag:$0x2], $0x1, v6, vm3, $0xb8;
	[tilespmem:$0x1C990] =	vst v63  }
0x522: {  	s3 =	simm.s32 @p1 $0x2  }
0x523: {  	_ =	swait.ge @p1 [sflag:s3], $0x10  }
0x524: {  	[sflag:s3] =	ssyncset.done @p1 $0x0  }
0x525: {  	[sflag:s3] =	ssyncadd.s32 @p1 $0xFFFFFFF0  }
0x526: {  	v6 =	vld [tilespmem:s29+$0x14870]  }
0x527: {  	v7 =	vld [tilespmem:s29+$0x18870];
	_ =	sdelay $0x4  }
0x528: {  	vm3 =	vlt.s32 v6, v7  }
0x529: {  	v62 =	vsel vm3, $0x3F800000, v3  }
0x52a: {  	(xrf0) =	vmax.scan.msk.f32 $0xffff, v62;
	_ =	sdelay $0x5  }
0x52b: {  	v8, _, _ =	vpop (xrf0)  }
0x52c: {  	(v2sf) =	vpush v8, $0xF;
	_ =	sdelay $0xe  }
0x52d: {  	s30 =	spop (v2sf)  }
0x52e: {  	p2 =	sgt.f32 s30, $0.0e+00;
	_ =	sdelay $0x1  }
0x52f: {  	s3 =	sshra.s32 @p2 s19, $0x2  }
0x530: {  	v8 =	vld @p2 [tilespmem:s3+$0xC870];
	_ =	sdelay $0x3  }
0x531: {  	vm3 =	vlt.s32 @p2 v6, v7  }
0x532: {  	v6 =	vsel @p2 vm3, v8, v2;
	_ =	sdelay $0x3  }
0x533: {  	s9 =	simm.s32 @p2 $0x0;
	s3 =	sadd.s32 @p2 $0x14870, s3;
	vm3 =	vmmov @p2 $0xffff  }
0x534: {  	[hbm4b:s5+s9] =	stream.indirect_vreg.scatter @p2 [tilespmem:s3], [sflag:$0x2], $0x1, v6, vm3, $0xb8;
	[tilespmem:$0x1C990] =	vst v63  }
0x535: {  	s3 =	simm.s32 @p2 $0x2  }
0x536: {  	_ =	swait.ge @p2 [sflag:s3], $0x10  }
0x537: {  	[sflag:s3] =	ssyncset.done @p2 $0x0  }
0x538: {  	[sflag:s3] =	ssyncadd.s32 @p2 $0xFFFFFFF0  }
0x539: {  	v6 =	vld [tilespmem:s29+$0x14880]  }
0x53a: {  	v7 =	vld [tilespmem:s29+$0x18880];
	_ =	sdelay $0x4  }
0x53b: {  	vm3 =	vlt.s32 v6, v7  }
0x53c: {  	v63 =	vsel vm3, $0x3F800000, v3  }
0x53d: {  	(xrf0) =	vmax.scan.msk.f32 $0xffff, v63;
	_ =	sdelay $0x5  }
0x53e: {  	v8, _, _ =	vpop (xrf0)  }
0x53f: {  	(v2sf) =	vpush v8, $0xF;
	_ =	sdelay $0xe  }
0x540: {  	s9 =	spop (v2sf)  }
0x541: {  	s30 =	sld [smem:$0x7F5];
	p0 =	sgt.f32 s9, $0.0e+00  }
0x542: {  	_ = 	snop  }
0x543: {  	s3 =	sshra.s32 @p0 s19, $0x2  }
0x544: {  	p4 =	seq.s32 s30, $0x1;
	s30 =	sld [smem:$0x7F6];
	v8 =	vld @p0 [tilespmem:s3+$0xC880];
	_ =	sdelay $0x2  }
0x545: {  	p5 =	seq.s32 s30, $0x1;
	s30 =	sld [smem:$0x7F7]  }
0x546: {  	vm3 =	vlt.s32 @p0 v6, v7  }
0x547: {  	v6 =	vsel @p0 vm3, v8, v2  }
0x548: {  	p4 =	por p4, p5;
	p5 =	seq.s32 s30, $0x1  }
0x549: {  	p4 =	por p4, p5  }
0x54a: {  	p4 =	por p4, p6  }
0x54b: {  	p3 =	por p4, p3;
	s9 =	simm.s32 @p0 $0x0;
	s3 =	sadd.s32 @p0 $0x14880, s3;
	vm3 =	vmmov @p0 $0xffff  }
0x54c: {  	[hbm4b:s5+s9] =	stream.indirect_vreg.scatter @p0 [tilespmem:s3], [sflag:$0x2], $0x1, v6, vm3, $0xb8;
	[tilespmem:$0x1C990] =	vst v63  }
.Ltmp37:
0x54d: {  	p1 =	por p3, p1;
	s3 =	simm.s32 @p0 $0x2;
	(pc) =	sbr.rel .LBB2_64-.Ltmp37, $4  }
0x54e: {  	p1 =	por p1, p2;
	_ =	swait.ge @p0 [sflag:s3], $0x10  }
0x54f: {  	s29 =	simm.s32 $0x1;
	p1 =	por p1, p0;
	[sflag:s3] =	ssyncset.done @p0 $0x0  }
0x550: {  	s29 =	simm.s32 @!p1 $0x0;
	[sflag:s3] =	ssyncadd.s32 @p0 $0xFFFFFFF0  }
0x551: {  	[smem:s17] =	sst s29  }
.LBB2_66:
0x552: {  	s3 =	simm.s32 $0x0  }
0x553: {  	[tilespmem:s20], [sflag:$0x2] =	stream.linear.gather [hbm4b:s11+s3], $0x4000, $0x38;
	[tilespmem:$0x1C990] =	vst v63  }
0x554: {  	_ =	swait.ge [sflag:s21], $0x4000  }
0x555: {  	[sflag:s21] =	ssyncset.done $0x0  }
0x556: {  	s16 =	simm.s32 $0x0;
	[sflag:s21] =	ssyncadd.s32 $0xFFFFC000  }
0x557: {  	v6 =	vld [tilespmem:s16+$0x10820]  }
0x558: {  	v7 =	vld [tilespmem:s16+$0x10810];
	_ =	sdelay $0x3  }
0x559: {  	s4 =	simm.s32 $0x20;
	vm3 =	vgt.s32 v6, $0x3FFFF;
	v8 =	vadd.s32 $0xFFFC0000, v6  }
0x55a: {  	vm4 =	vgt.s32 v7, $0x3FFFF;
	v9 =	vadd.s32 $0xFFFC0000, v7;
	v8 =	vsel vm3, v8, v6;
	v6 =	vld [tilespmem:s4+$0x10820]  }
0x55b: {  	v9 =	vsel vm4, v9, v7;
	v7 =	vld [tilespmem:s4+$0x10810];
	vm3 =	vlt.s32 v8, $0x3FFFF  }
0x55c: {  	vm4 =	vlt.s32 v9, $0x3FFFF;
	v8 =	vnsel vm3, $0x3FFFF, v8  }
0x55d: {  	v9 =	vnsel vm4, $0x3FFFF, v9;
	v10 =	vadd.s32 v0, v8  }
0x55e: {  	s17 =	simm.s32 $0x100;
	v8 =	vadd.s32 v0, v9;
	[tilespmem:s16+$0xC820] =	vst v10  }
.LBB2_67:
0x55f: {  	s3 =	sshra.s32 s17, $0x2;
	p0 =	sne.s32 s17, $0xFF80;
	s17 =	sadd.s32 $0x80, s17;
	vm3 =	vgt.s32 v6, $0x3FFFF;
	v9 =	vadd.s32 $0xFFFC0000, v6;
	[tilespmem:s16+$0xC810] =	vst v8  }
.Ltmp38:
0x560: {  	s16 =	smov.u32 s4;
	vm4 =	vgt.s32 v7, $0x3FFFF;
	v8 =	vadd.s32 $0xFFFC0000, v7;
	v9 =	vsel vm3, v9, v6;
	v6 =	vld [tilespmem:s3+$0x10820];
	s4 =	smov.u32 s3;
	(pc) =	sbr.rel @p0 .LBB2_67-.Ltmp38, $4  }
0x561: {  	v8 =	vsel vm4, v8, v7;
	v7 =	vld [tilespmem:s4+$0x10810];
	vm3 =	vlt.s32 v9, $0x3FFFF  }
0x562: {  	vm4 =	vlt.s32 v8, $0x3FFFF;
	v9 =	vnsel vm3, $0x3FFFF, v9  }
0x563: {  	v8 =	vnsel vm4, $0x3FFFF, v8;
	v9 =	vadd.s32 v0, v9  }
0x564: {  	v8 =	vadd.s32 v0, v8;
	[tilespmem:s16+$0xC820] =	vst v9  }
0x565: {  	vm3 =	vgt.s32 v6, $0x3FFFF;
	v9 =	vadd.s32 $0xFFFC0000, v6  }
0x566: {  	vm4 =	vgt.s32 v7, $0x3FFFF;
	v6 =	vsel vm3, v9, v6;
	v63 =	vadd.s32 $0xFFFC0000, v7  }
0x567: {  	v7 =	vsel vm4, v63, v7;
	vm3 =	vlt.s32 v6, $0x3FFFF  }
0x568: {  	vm4 =	vlt.s32 v7, $0x3FFFF;
	v6 =	vnsel vm3, $0x3FFFF, v6  }
0x569: {  	[tilespmem:s16+$0xC810] =	vst v8;
	v7 =	vnsel vm4, $0x3FFFF, v7;
	v6 =	vadd.s32 v0, v6  }
0x56a: {  	v7 =	vadd.s32 v0, v7;
	[tilespmem:s4+$0xC820] =	vst v6  }
0x56b: {  	s16 =	simm.s32 $0x14810;
	s3 =	simm.s32 $0xC810;
	[tilespmem:s4+$0xC810] =	vst v7;
	s4 =	simm.s32 $0x200  }
.LBB2_69:
0x56c: {  	[tilespmem:s16], [sflag:$0x1] =	stream.indirect.gather [hbm4b:s5+s22], $0x1, s3, s22, $0xb8;
	[tilespmem:$0x1C990] =	vst v63  }
0x56d: {  	s3 =	smov.u32 s4;
	p0 =	sne.s32 s4, $0xFE00  }
.Ltmp39:
0x56e: {  	s4 =	sadd.s32 $0x200, s4;
	(pc) =	sbr.rel @p0 .LBB2_69-.Ltmp39, $3  }
0x56f: {  	_ =	sdelay $0x1  }
0x570: {  	s3 =	sshra.s32 s3, $0x2  }
0x571: {  	s16 =	sadd.s32 $0x14810, s3;
	s3 =	sadd.s32 $0xC810, s3  }
0x572: {  	[tilespmem:s16], [sflag:$0x1] =	stream.indirect.gather [hbm4b:s5+s22], $0x1, s3, s22, $0xb8;
	[tilespmem:$0x1C990] =	vst v63  }
0x573: {  	s4 =	simm.s32 $0x1  }
0x574: {  	_ =	swait.ge [sflag:s4], $0x4000  }
0x575: {  	[sflag:s4] =	ssyncset.done $0x0  }
0x576: {  	s19 =	simm.s32 $0x10820;
	[sflag:s4] =	ssyncadd.s32 $0xFFFFC000  }
0x577: {  	s9 =	simm.s32 $0x14820;
	v6 =	vld [tilespmem:s19+$0xFFFFFFF0]  }
0x578: {  	v7 =	vld [tilespmem:s9+$0xFFFFFFF0];
	_ =	sdelay $0x3  }
0x579: {  	vm3 =	vlt.s32 v6, $0x80000  }
0x57a: {  	v6 =	vsel vm3, v7, v6  }
0x57b: {  	v7 =	vld [tilespmem:s19+$0x0];
	[tilespmem:s19+$0xFFFFFFF0] =	vst v6  }
0x57c: {  	v8 =	vld [tilespmem:s9+$0x0];
	_ =	sdelay $0x3  }
0x57d: {  	s17 =	simm.s32 $0x0;
	s16 =	simm.s32 $0x10840;
	vm3 =	vlt.s32 v7, $0x80000  }
0x57e: {  	v9 =	vld [tilespmem:s16+$0xFFFFFFF0];
	s9 =	sand.u32 $0x3FE0, s17;
	v7 =	vsel vm3, v8, v7  }
0x57f: {  	s18 =	simm.s32 $0x14840;
	v8 =	vld [tilespmem:s9+$0x4210];
	[tilespmem:s19+$0x0] =	vst v7  }
0x580: {  	v10 =	vld [tilespmem:s18+$0xFFFFFFF0];
	_ =	sdelay $0x3  }
0x581: {  	vm3 =	vlt.s32 v9, $0x80000;
	s19 =	simm.s32 $0x4220  }
0x582: {  	v11 =	vld [tilespmem:s19+$0x0];
	v9 =	vsel vm3, v10, v9  }
0x583: {  	v10 =	vld [tilespmem:s16+$0x0];
	[tilespmem:s16+$0xFFFFFFF0] =	vst v9  }
0x584: {  	v12 =	vld [tilespmem:s18+$0x0];
	_ =	sdelay $0x1  }
0x585: {  	s17 =	simm.s32 $0x20  }
0x586: {  	s3 =	sand.u32 $0x3FE0, s17  }
0x587: {  	v62 =	vld [tilespmem:s3+$0x4210];
	vm3 =	vlt.s32 v10, $0x80000  }
0x588: {  	v10 =	vsel vm3, v12, v10;
	vm3 =	veq.s32 v6, v8  }
0x589: {  	v6 =	vsel vm3, $0x3F800000, v3  }
0x58a: {  	vm4 =	veq.s32 v7, v11;
	(xrf0) =	vmin.scan.msk.f32 $0xffff, v6  }
0x58b: {  	v6 =	vsel vm4, $0x3F800000, v3  }
0x58c: {  	vm14 =	veq.s32 v9, v62;
	(xrf0) =	vmin.scan.msk.f32 $0xffff, v6  }
0x58d: {  	v8 =	vsel vm14, $0x3F800000, v3;
	_ =	sdelay $0x1  }
0x58e: {  	s9 =	simm.s32 $0x10860  }
0x58f: {  	v13 =	vld [tilespmem:s9+$0xFFFFFFF0];
	s18 =	simm.s32 $0x14860;
	[tilespmem:s16+$0x0] =	vst v10;
	(xrf0) =	vmin.scan.msk.f32 $0xffff, v8;
	v8, _, _ =	vpop (xrf0)  }
0x590: {  	v14 =	vld [tilespmem:s18+$0xFFFFFFF0];
	(v2sf) =	vpush v8, $0xF  }
0x591: {  	s16 =	simm.s32 $0x4240;
	v63, _, _ =	vpop (xrf0)  }
0x592: {  	v7 =	vld [tilespmem:s16+$0x0];
	(v2sf) =	vpush v63, $0xF;
	_ =	sdelay $0x1  }
0x593: {  	vm3 =	vlt.s32 v13, $0x80000  }
0x594: {  	v6 =	vsel vm3, v14, v13  }
0x595: {  	v9 =	vld [tilespmem:s9+$0x0];
	[tilespmem:s9+$0xFFFFFFF0] =	vst v6  }
0x596: {  	vm3 =	veq.s32 v10, v7;
	v11 =	vld [tilespmem:s18+$0x0]  }
0x597: {  	v10 =	vsel vm3, $0x3F800000, v3  }
0x598: {  	(xrf0) =	vmin.scan.msk.f32 $0xffff, v10;
	_ =	sdelay $0x1  }
0x599: {  	vm15 =	vlt.s32 v9, $0x80000  }
0x59a: {  	s17 =	simm.s32 $0x10880;
	s19 =	simm.s32 $0x40;
	v7 =	vsel vm15, v11, v9;
	v11, _, _ =	vpop (xrf0)  }
0x59b: {  	s30 =	simm.s32 $0x80;
	s3 =	sand.u32 $0x3FE0, s19;
	v8 =	vld [tilespmem:s17+$0xFFFFFFF0];
	(v2sf) =	vpush v11, $0xF  }
0x59c: {  	s29 =	simm.s32 $0x14880;
	s19 =	simm.s32 $0x10880;
	s18 =	simm.s32 $0x60;
	v9 =	vld [tilespmem:s3+$0x4210];
	[tilespmem:s9+$0x0] =	vst v7  }
.LBB2_71:
0x59d: {  	p0 =	sne.s32 s30, $0x3FE0;
	v10 =	vld [tilespmem:s29+$0xFFFFFFF0];
	s16 =	sadd.s32 $0x20, s16;
	v11, _, _ =	vpop (xrf0);
	s3 =	spop (v2sf)  }
0x59e: {  	v12 =	vld [tilespmem:s16+$0x0];
	(v2sf) =	vpush v11, $0xF;
	p1 =	sgt.f32 s3, $0.0e+00  }
0x59f: {  	s3 =	spop (v2sf)  }
0x5a0: {  	p2 =	sgt.f32 s3, $0.0e+00;
	s4 =	simm.s32 @!p1 $0x0  }
0x5a1: {  	vm3 =	vlt.s32 v8, $0x80000;
	vm4 =	veq.s32 v6, v9  }
0x5a2: {  	v6 =	vsel vm3, v10, v8;
	v8 =	vsel vm4, $0x3F800000, v3;
	s4 =	simm.s32 @!p2 $0x0  }
0x5a3: {  	[tilespmem:s17+$0xFFFFFFF0] =	vst v6;
	v9 =	vld [tilespmem:s17+$0x0];
	vm3 =	veq.s32 v7, v12;
	(xrf0) =	vmin.scan.msk.f32 $0xffff, v8  }
0x5a4: {  	v7 =	vld [tilespmem:s29+$0x0];
	v8 =	vsel vm3, $0x3F800000, v3  }
0x5a5: {  	(xrf0) =	vmin.scan.msk.f32 $0xffff, v8  }
.Ltmp40:
0x5a6: {  	(pc) =	sbr.rel @p0 .LBB2_71-.Ltmp40, $4  }
0x5a7: {  	_ = 	snop  }
0x5a8: {  	s17 =	sadd.s32 $0x20, s17;
	vm3 =	vlt.s32 v9, $0x80000  }
0x5a9: {  	s3 =	sand.u32 $0x3FE0, s18;
	s18 =	smov.u32 s30;
	v8 =	vld [tilespmem:s17+$0xFFFFFFF0];
	v7 =	vsel vm3, v7, v9;
	v10, _, _ =	vpop (xrf0)  }
0x5aa: {  	s30 =	sadd.s32 $0x20, s30;
	s29 =	sadd.s32 $0x20, s29;
	v9 =	vld [tilespmem:s3+$0x4210];
	[tilespmem:s19+$0x0] =	vst v7;
	(v2sf) =	vpush v10, $0xF;
	s19 =	smov.u32 s17  }
0x5ab: {  	v10 =	vld [tilespmem:s29+$0xFFFFFFF0];
	_ =	sdelay $0x3  }
0x5ac: {  	vm3 =	vlt.s32 v8, $0x80000  }
0x5ad: {  	s3 =	sadd.s32 $0x20, s16;
	v52 =	vld [tilespmem:s17+$0x0];
	v8 =	vsel vm3, v10, v8  }
0x5ae: {  	v11 =	vld [tilespmem:s3+$0x0];
	[tilespmem:s17+$0xFFFFFFF0] =	vst v8  }
0x5af: {  	v12 =	vld [tilespmem:s29+$0x0];
	_ =	sdelay $0x3  }
0x5b0: {  	vm3 =	vlt.s32 v52, $0x80000  }
0x5b1: {  	s9 =	sand.u32 $0x3FE0, s18;
	v10 =	vsel vm3, v12, v52  }
0x5b2: {  	s3 =	sadd.s32 $0x20, s3;
	v53 =	vld [tilespmem:s9+$0x4210];
	[tilespmem:s19+$0x0] =	vst v10  }
0x5b3: {  	vm3 =	veq.s32 v6, v9;
	v6 =	vld [tilespmem:s3+$0x0];
	_ =	sdelay $0x2  }
0x5b4: {  	v9 =	vsel vm3, $0x3F800000, v3;
	vm3 =	veq.s32 v7, v11  }
0x5b5: {  	(xrf0) =	vmin.scan.msk.f32 $0xffff, v9;
	v7 =	vsel vm3, $0x3F800000, v3;
	vm3 =	veq.s32 v8, v53  }
0x5b6: {  	(xrf0) =	vmin.scan.msk.f32 $0xffff, v7;
	v7 =	vsel vm3, $0x3F800000, v3;
	vm3 =	veq.s32 v10, v6  }
0x5b7: {  	v6, _, _ =	vpop (xrf0);
	(xrf0) =	vmin.scan.msk.f32 $0xffff, v7;
	v7 =	vsel vm3, $0x3F800000, v3  }
0x5b8: {  	(xrf0) =	vmin.scan.msk.f32 $0xffff, v7;
	_ =	sdelay $0x2  }
0x5b9: {  	(v2sf) =	vpush v6, $0xF;
	v6, _, _ =	vpop (xrf0)  }
0x5ba: {  	(v2sf) =	vpush v6, $0xF;
	v6, _, _ =	vpop (xrf0)  }
0x5bb: {  	(v2sf) =	vpush v6, $0xF;
	v6, _, _ =	vpop (xrf0)  }
0x5bc: {  	(v2sf) =	vpush v6, $0xF;
	v6, _, _ =	vpop (xrf0)  }
0x5bd: {  	(v2sf) =	vpush v6, $0xF;
	_ =	sdelay $0x6  }
0x5be: {  	s19 =	spop (v2sf)  }
0x5bf: {  	s29 =	spop (v2sf);
	p0 =	sgt.f32 s19, $0.0e+00  }
0x5c0: {  	[spmem:s8] =	stream.linear.scatter [tilespmem:s20], [sflag:$0x2], $0x4000, $0x38;
	[tilespmem:$0x1C990] =	vst v63  }
0x5c1: {  	s30 =	spop (v2sf);
	p1 =	sgt.f32 s29, $0.0e+00  }
0x5c2: {  	s4 =	simm.s32 @!p0 $0x0;
	p0 =	sgt.f32 s30, $0.0e+00;
	s17 =	spop (v2sf)  }
0x5c3: {  	s4 =	simm.s32 @!p1 $0x0;
	s18 =	spop (v2sf);
	p1 =	sgt.f32 s17, $0.0e+00  }
0x5c4: {  	s4 =	simm.s32 @!p0 $0x0;
	p0 =	sgt.f32 s18, $0.0e+00;
	s19 =	spop (v2sf)  }
0x5c5: {  	s4 =	simm.s32 @!p1 $0x0;
	p1 =	sgt.f32 s19, $0.0e+00;
	s29 =	spop (v2sf)  }
0x5c6: {  	s4 =	simm.s32 @!p0 $0x0;
	p0 =	sgt.f32 s29, $0.0e+00;
	s30 =	spop (v2sf)  }
0x5c7: {  	s4 =	simm.s32 @!p1 $0x0;
	p1 =	sgt.f32 s30, $0.0e+00  }
0x5c8: {  	s4 =	simm.s32 @!p0 $0x0;
	_ =	swait.ge [sflag:s21], $0x4000  }
0x5c9: {  	[sflag:s21] =	ssyncset.done $0x0;
	s4 =	simm.s32 @!p1 $0x0  }
0x5ca: {  	[sflag:s21] =	ssyncadd.s32 $0xFFFFC000;
	v6 =	vmov s4  }
0x5cb: {  	[tilespmem:$0x1C810] =	vst v6  }
0x5cc: {  	[spmem:s12] =	stream.linear.scatter [tilespmem:s24], [sflag:$0x2], $0x10, $0x38;
	[tilespmem:$0x1C990] =	vst v63  }
0x5cd: {  	_ =	swait.ge [sflag:s21], $0x10  }
0x5ce: {  	[sflag:s21] =	ssyncset.done $0x0  }
0x5cf: {  	[sflag:s21] =	ssyncadd.s32 $0xFFFFFFF0  }
0x5d0: {  	[bflag:$0x0] =	sbarrier.arrive $0xFFFF  }
0x5d1: {  	[tilespmem:s25], [sflag:$0x2] =	stream.linear.gather [spmem:s2], $0x100, $0x38;
	[tilespmem:$0x1C990] =	vst v63  }
0x5d2: {  	_ =	swait.ge [sflag:s21], $0x100  }
0x5d3: {  	[sflag:s21] =	ssyncset.done $0x0  }
0x5d4: {  	[sflag:s21] =	ssyncadd.s32 $0xFFFFFF00  }
0x5d5: {  	v6 =	vld [tilespmem:$0x1C890]  }
0x5d6: {  	v7 =	vld [tilespmem:$0x1C8A0];
	_ =	sdelay $0x1  }
0x5d7: {  	v54 =	vld [tilespmem:$0x1C8B0];
	_ =	sdelay $0x1  }
0x5d8: {  	v55 =	vld [tilespmem:$0x1C8C0]  }
0x5d9: {  	vm3 =	vlt.s32 v6, v7  }
0x5da: {  	v6 =	vsel vm3, v6, v7;
	v7 =	vld [tilespmem:$0x1C8D0]  }
0x5db: {  	vm3 =	vlt.s32 v6, v54  }
0x5dc: {  	v56 =	vld [tilespmem:$0x1C8E0];
	v6 =	vsel vm3, v6, v54  }
0x5dd: {  	vm3 =	vlt.s32 v6, v55  }
0x5de: {  	v57 =	vld [tilespmem:$0x1C8F0];
	v6 =	vsel vm3, v6, v55  }
0x5df: {  	vm3 =	vlt.s32 v6, v7  }
0x5e0: {  	v6 =	vsel vm3, v6, v7;
	v7 =	vld [tilespmem:$0x1C900]  }
0x5e1: {  	vm3 =	vlt.s32 v6, v56  }
0x5e2: {  	v58 =	vld [tilespmem:$0x1C910];
	v6 =	vsel vm3, v6, v56  }
0x5e3: {  	vm3 =	vlt.s32 v6, v57  }
0x5e4: {  	v59 =	vld [tilespmem:$0x1C920];
	v6 =	vsel vm3, v6, v57  }
0x5e5: {  	vm3 =	vlt.s32 v6, v7  }
0x5e6: {  	v6 =	vsel vm3, v6, v7;
	v7 =	vld [tilespmem:$0x1C930]  }
0x5e7: {  	vm3 =	vlt.s32 v6, v58  }
0x5e8: {  	v60 =	vld [tilespmem:$0x1C940];
	v6 =	vsel vm3, v6, v58  }
0x5e9: {  	vm3 =	vlt.s32 v6, v59  }
0x5ea: {  	v61 =	vld [tilespmem:$0x1C950];
	v6 =	vsel vm3, v6, v59  }
0x5eb: {  	vm3 =	vlt.s32 v6, v7  }
0x5ec: {  	v6 =	vsel vm3, v6, v7;
	v7 =	vld [tilespmem:$0x1C960]  }
0x5ed: {  	vm3 =	vlt.s32 v6, v60  }
0x5ee: {  	v62 =	vld [tilespmem:$0x1C970];
	v6 =	vsel vm3, v6, v60  }
0x5ef: {  	vm3 =	vlt.s32 v6, v61  }
0x5f0: {  	v63 =	vld [tilespmem:$0x1C980];
	v6 =	vsel vm3, v6, v61  }
0x5f1: {  	vm3 =	vlt.s32 v6, v7  }
0x5f2: {  	v6 =	vsel vm3, v6, v7  }
0x5f3: {  	vm3 =	vlt.s32 v6, v62  }
0x5f4: {  	v6 =	vsel vm3, v6, v62  }
0x5f5: {  	vm3 =	vlt.s32 v6, v63  }
0x5f6: {  	v6 =	vsel vm3, v6, v63  }
0x5f7: {  	[bflag:$0x0] =	sbarrier.arrive $0xFFFF;
	v6 =	vxor.u32 $0x80000000, v6  }
0x5f8: {  	(xrf0) =	vmin.scan.msk.u32 $0xffff, v6;
	_ =	sdelay $0x5  }
0x5f9: {  	v6, _, _ =	vpop (xrf0)  }
0x5fa: {  	(v2sf) =	vpush v6, $0xF;
	_ =	sdelay $0xe  }
0x5fb: {  	p0 =	sgt.u32 s0, $0xD;
	s3 =	spop (v2sf)  }
0x5fc: {  	p1 =	seq.s32 @!p0 s3, $0x80000000  }
0x5fd: {  	p0 =	por p0, !p1  }
.Ltmp41:
0x5fe: {  	_ = 	snop;
	(pc) =	sbr.rel @!p0 .LBB2_48-.Ltmp41, $2  }
0x5ff: {  	_ =	sdelay $0x2  }
0x600: {  	s0 =	sadd.s32 $0x1, s0  }
0x601: {  	s0 =	simm.s32 $0x0  }
0x602: {  	[bflag:$0x0] =	sbarrier.arrive $0xFFFF;
	s0 =	sand.u32 $0x70, s0  }
0x603: {  	s3 =	rddreg [dreg:$0xc];
	s0 =	sadd.s32 s0, s15  }
0x604: {  	s30 =	rddreg [dreg:$0xd];
	s0 =	sadd.s32 s3, s0  }
0x605: {  	[hbm:s0@s22], [sflag:s28] =	dma.strided [spmem:s30@s26], $0x40, s23, $0x10   }
0x606: {  	_ =	swait.ge [sflag:s21], $0x40  }
0x607: {  	s31 =	rddreg [dreg:$0x9]  }
0x608: {  	s16 =	sadd.s32 $0x200, s8;
	s0 =	simm.s32 $0x10;
	s4 =	sadd.s32 $0x40, s31  }
.LBB2_74:
0x609: {  	s3 =	sand.u32 $0x70, s0;
	s9 =	sshrl.u32 s16, $0x3  }
0x60a: {  	[sflag:s21] =	ssyncset.done $0x0;
	s17 =	sand.u32 $0x7E00, s4;
	p0 =	sne.s32 s0, $0x1F0  }
.Ltmp42:
0x60b: {  	s3 =	sadd.s32 s3, s15;
	[sflag:s21] =	ssyncadd.s32 $0xFFFFFFC0;
	(pc) =	sbr.rel @p0 .LBB2_74-.Ltmp42, $4  }
0x60c: {  	s0 =	sadd.s32 $0x10, s0;
	s3 =	sadd.s32 s17, s3  }
0x60d: {  	[hbm:s3@s22], [sflag:s28] =	dma.strided [spmem:s9@s26], $0x40, s23, $0x10   }
0x60e: {  	_ = 	snop  }
0x60f: {  	s4 =	sadd.s32 $0x40, s4;
	s16 =	sadd.s32 $0x200, s16;
	_ =	swait.ge [sflag:s21], $0x40  }
0x610: {  	s18 =	rddreg [dreg:$0x6]  }
0x611: {  	s0 =	rddreg [dreg:$0x8];
	s18 =	sadd.s32 $0x1, s18  }
0x612: {  	p0 =	sne.s32 s18, s0  }
.Ltmp43:
0x613: {  	_ = 	snop;
	(pc) =	sbr.rel @p0 .LBB2_1-.Ltmp43, $4  }
0x614: {  	[sflag:s21] =	ssyncset.done $0x0  }
0x615: {  	[sflag:s21] =	ssyncadd.s32 $0xFFFFFFC0  }
0x616: {  	[bflag:$0x0] =	sbarrier.arrive $0xFFFF  }
0x617: {  	s9 =	rddreg [dreg:$0x7]  }
0x618: {  	_ =	sfence.sel $0x180000  }
0x619: {  	[bflag:$0x0] =	sbarrier.arrive $0xFFFF  }
0x61a: {  	_ =	strace $0x90000047  }
0x61b: {  	s0 =	stileid.u32;
	[bflag:$0x2] =	sbarrier.arrive $0xFFFF  }
0x61c: {  	p0 =	sne.s32 s0, $0x0;
	s0 =	rddreg [dreg:$0x5]  }
0x61d: {  	s0 =	sadd.s32 @!p0 $0x100000, s0  }
0x61e: {  	[sflag:s0] =	ssyncadd.tile.s32 @!p0 $0x1;
	_ =	shalt  }
.Lfunc_end2:
_tile_overlayer_lowered:
.L_overlay_start_2:
0x61f: {  	(tag) =	ssettag $0x2  }
0x620: {  	s0 =	rddreg [dreg:$0x0];
	s2 =	stileid.u32  }
0x621: {  	s1 =	rddreg [dreg:$0x1];
	p0 =	sne.s32 s2, $0x0  }
0x622: {  	s3 =	rddreg [dreg:$0x2];
	[bflag:$0x3] =	sbarrier.arrive $0xFFFF;
	s2 =	simm.s32 @!p0 $0x1C02  }
0x623: {  	[timem:s3], [sflag:s2] =	dma.local @!p0 [hbm:s0], s1  }
0x624: {  	s0 =	simm.s32 @!p0 $0x2  }
0x625: {  	_ =	swait.ge @!p0 [sflag:s0], s1  }
0x626: {  	s1 =	ssub.s32 @!p0 $0x0, s1;
	[sflag:s0] =	ssyncset.done @!p0 $0x0  }
0x627: {  	[sflag:s0] =	ssyncadd.s32 @!p0 s1  }
0x628: {  	[bflag:$0x3] =	sbarrier.arrive $0xFFFF  }
0x629: {  	_ =	shalt  }

</sc_bundles>
